<compile_context>
chip_gen: v7x
topology: tpu7x:2x2x1
jax: 0.10.2.dev20260603
libtpu: 0.0.44.dev20260713+nightly
codegen_flags: <defaults>
</compile_context>

<pallas_src>
import jax
import jax.numpy as jnp
from jax import lax
from jax.experimental import pallas as pl
from jax.experimental.pallas import tpu as pltpu
from jax.experimental.pallas import tpu_sc as plsc

NC, NS, L = 2, 16, 16
NW = NC * NS

E1, R1, W1C = 320000, 5120, 96
RPT1 = R1 // NS
E2, R2, W2C = 32000, 1024, 48
C2 = E2 // 128
RPT2 = R2 // NS

def _dense1_body(x_ref, w_ref, as_ref, ad_ref, z_ref, h_ref, asr_ref, ado_ref, c_ref):
    h = jnp.dot(x_ref[...], w_ref[...], preferred_element_type=jnp.float32)
    asr = jnp.dot(h, as_ref[...], preferred_element_type=jnp.float32)
    ado = jnp.dot(h, ad_ref[...], preferred_element_type=jnp.float32)
    w1s = jnp.sum(w_ref[...], axis=0, keepdims=True)
    corr = jnp.dot(w1s, ad_ref[...], preferred_element_type=jnp.float32)
    ado = ado + z_ref[...][:, 0:1] * corr
    c8 = jnp.maximum(jnp.max(asr, 0, keepdims=True) + jnp.max(ado, 0, keepdims=True), 0.0)
    h_ref[...] = h
    asr_ref[...] = asr
    ado_ref[...] = ado
    c_ref[...] = jnp.concatenate([c8, c8], axis=1)


def _dense2_body(msg_ref, den_ref, b1_ref, w2_ref, as_ref, ad_ref, z_ref,
                 e41_ref, e42_ref, tab_ref, adv_ref, c_ref):
    msg = msg_ref[0] + msg_ref[1]
    den = den_ref[0] + den_ref[1]
    o1 = msg / (den + 1e-16) + b1_ref[...]
    hm = jnp.where(o1 > 0, o1, jnp.exp(o1) - 1.0)
    h2 = jnp.dot(hm, w2_ref[...], preferred_element_type=jnp.float32)
    asv = jnp.dot(h2, as_ref[...], preferred_element_type=jnp.float32)
    adv = jnp.dot(h2, ad_ref[...], preferred_element_type=jnp.float32)
    w2s = jnp.sum(w2_ref[...], axis=0, keepdims=True)
    corr = jnp.dot(w2s, ad_ref[...], preferred_element_type=jnp.float32)
    adv = adv + z_ref[...][:, 0:1] * corr
    c2 = jnp.maximum(jnp.max(asv[:, 0:1]) + jnp.max(adv[:, 0:1]), 0.0)
    tab_ref[...] = h2 + e41_ref[...] + asv[:, 0:1] * e42_ref[...]
    adv_ref[...] = adv
    c_ref[...] = jnp.full((1, 16), c2, jnp.float32)


def _final_body(acc_ref, b2_ref, out_ref):
    p = acc_ref[0] + acc_ref[1]
    out = p[:, :41] / (p[:, 41:42] + 1e-16) + b2_ref[...][:, :41]
    out_ref[...] = out - jax.scipy.special.logsumexp(out, axis=-1, keepdims=True)


def _edges1_body(tab, adst, c16, esrc, edst, out,
                 acc, adstv, cv, srcb0, dstb0,
                 hbuf0, msgb0, rawsrc, rawdst, gsem0):
    cid = lax.axis_index("c")
    sid = lax.axis_index("s")
    wid = cid * NS + sid
    iota = lax.iota(jnp.int32, 16)
    lane8 = lax.rem(iota, 8)
    step8 = (iota >= 8).astype(jnp.int32)
    asrc_idx = lane8 * 12 + 9
    zeros16 = (iota * 0).astype(jnp.float32)

    pltpu.sync_copy(adst, adstv)
    pltpu.sync_copy(c16, cv)
    c16v = cv[...]

    @pl.loop(0, 128)
    def _zrow(r):
        rv = iota * 0 + r
        for j in range(6):
            plsc.store_scatter(msgb0, [rv, iota + j * 16], zeros16)

    base = RPT1 * sid
    pltpu.sync_copy(msgb0.at[pl.ds(0, 128)], acc.at[pl.ds(base, 128)])
    pltpu.sync_copy(msgb0.at[pl.ds(0, 128)], acc.at[pl.ds(base + 128, 128)])
    pltpu.sync_copy(msgb0.at[pl.ds(0, RPT1 - 256)], acc.at[pl.ds(base + 256, RPT1 - 256)])

    EPT = E1 // NW
    pltpu.sync_copy(esrc.at[pl.ds(wid * EPT, EPT)], rawsrc.at[pl.ds(0, EPT)])
    pltpu.sync_copy(edst.at[pl.ds(wid * EPT, EPT)], rawdst.at[pl.ds(0, EPT)])

    def _group(gi, off):
        srcv = rawsrc[pl.ds(gi * 16, 16)]
        dstv = rawdst[pl.ds(gi * 16, 16)]
        mask = dstv < R2
        popc = jnp.max(plsc.all_reduce_population_count(mask))
        plsc.store_compressed(rawsrc.at[pl.ds(off, 16)], srcv, mask=mask)
        plsc.store_compressed(rawdst.at[pl.ds(off, 16)], dstv, mask=mask)
        return off + popc

    off = lax.fori_loop(0, EPT // 16, _group, jnp.int32(0))

    target = lax.div(off + 127, 128) * 128
    @pl.loop(0, lax.div(target - off + 15, 16))
    def _pad(i):
        plsc.store_scatter(rawdst, [off + i * 16 + iota], iota * 0 + (R1 - 8))
        plsc.store_scatter(rawsrc, [off + i * 16 + iota], iota * 0)

    plsc.subcore_barrier()

    hidx_c = [[lax.div(iota + j * 16, 12) + 8 * half for j in range(6)]
              for half in range(2)]

    @pl.loop(0, lax.div(target, 128))
    def _chunk(i):
        kb = i * 128
        for j in range(8):
            srcb0[pl.ds(j * 16, 16)] = rawsrc[pl.ds(kb + j * 16, 16)]
            dstb0[pl.ds(j * 16, 16)] = rawdst[pl.ds(kb + j * 16, 16)]
        pltpu.async_copy(tab.at[srcb0], hbuf0, gsem0).wait()

        @pl.loop(0, 64, unroll=4)
        def _pair(p):
            e = 2 * p
            ev = iota * 0 + e + step8
            dstpair = plsc.load_gather(dstb0, [ev])
            a_d = plsc.load_gather(adstv, [jnp.minimum(dstpair, R2 - 1) * 8 + lane8])
            a_s = plsc.load_gather(hbuf0, [ev, asrc_idx])
            al = a_s + a_d
            al = jnp.maximum(al, 0.2 * al) - c16v
            ex2 = jnp.exp(al)
            for half in range(2):
                e2 = e + half
                for j in range(6):
                    exf = ex2.at[hidx_c[half][j]].get(mode="promise_in_bounds")
                    hv = hbuf0[e2, pl.ds(j * 16, 16)]
                    msgb0[e2, pl.ds(j * 16, 16)] = hv * exf

        pltpu.sync_copy(msgb0, acc.at[dstb0], add=True)

    plsc.subcore_barrier()
    pltpu.sync_copy(acc.at[pl.ds(base, 128)], out.at[cid, pl.ds(base, 128)])
    pltpu.sync_copy(acc.at[pl.ds(base + 128, 128)], out.at[cid, pl.ds(base + 128, 128)])
    pltpu.sync_copy(acc.at[pl.ds(base + 256, RPT1 - 256)],
                    out.at[cid, pl.ds(base + 256, RPT1 - 256)])


def _edges2_body(tab, adst, c16, esrc, edst, out,
                 acc, adstv, cv, srcb, dstb, hbuf, msgb, sem):
    cid = lax.axis_index("c")
    sid = lax.axis_index("s")
    wid = cid * NS + sid
    iota = lax.iota(jnp.int32, 16)
    c42 = iota * 0 + 42
    zeros16 = (iota * 0).astype(jnp.float32)

    pltpu.sync_copy(adst, adstv)
    pltpu.sync_copy(c16, cv)
    cval = cv[...]

    @pl.loop(0, 128)
    def _zrow(r):
        rv = iota * 0 + r
        for j in range(3):
            plsc.store_scatter(msgb, [rv, iota + j * 16], zeros16)

    base = RPT2 * sid
    pltpu.sync_copy(msgb.at[pl.ds(0, RPT2)], acc.at[pl.ds(base, RPT2)])
    plsc.subcore_barrier()

    nch = jnp.where(wid < (C2 % NW), C2 // NW + 1, C2 // NW)

    @pl.loop(0, nch)
    def _chunk(i):
        eb = (wid + NW * i) * 128
        pltpu.sync_copy(esrc.at[pl.ds(eb, 128)], srcb)
        pltpu.sync_copy(edst.at[pl.ds(eb, 128)], dstb)
        pltpu.async_copy(tab.at[srcb], hbuf, sem).wait()

        @pl.loop(0, 8)
        def _grp(g):
            gb = g * 16
            ev16 = iota + gb
            dstv = plsc.load_gather(dstb, [ev16])
            a_s = plsc.load_gather(hbuf, [ev16, c42])
            a_d = plsc.load_gather(adstv, [dstv])
            al = a_s + a_d
            al = jnp.maximum(al, 0.2 * al) - cval
            ex16 = jnp.exp(al)
            for l in range(16):
                exf = ex16.at[iota * 0 + l].get(mode="promise_in_bounds")
                e2 = gb + l
                for j in range(3):
                    hv = hbuf[e2, pl.ds(j * 16, 16)]
                    msgb[e2, pl.ds(j * 16, 16)] = hv * exf

        pltpu.sync_copy(msgb, acc.at[dstb], add=True)

    plsc.subcore_barrier()
    pltpu.sync_copy(acc.at[pl.ds(base, RPT2)], out.at[cid, pl.ds(base, RPT2)])


_mesh = plsc.VectorSubcoreMesh(core_axis_name="c", subcore_axis_name="s",
                               num_cores=NC, num_subcores=NS)

_edges1 = pl.kernel(
    _edges1_body,
    out_type=jax.ShapeDtypeStruct((NC, R1, W1C), jnp.float32),
    mesh=_mesh,
    compiler_params=pltpu.CompilerParams(
        use_tc_tiling_on_sc=False, needs_layout_passes=False),
    scratch_types=[
        pltpu.VMEM_SHARED((R1, W1C), jnp.float32),
        pltpu.VMEM((R2 * 8,), jnp.float32),
        pltpu.VMEM((16,), jnp.float32),
        pltpu.VMEM((128,), jnp.int32),
        pltpu.VMEM((128,), jnp.int32),
        pltpu.VMEM((128, W1C), jnp.float32),
        pltpu.VMEM((128, W1C), jnp.float32),
        pltpu.VMEM((10240,), jnp.int32),
        pltpu.VMEM((10240,), jnp.int32),
        pltpu.SemaphoreType.DMA,
    ],
)

_edges2 = pl.kernel(
    _edges2_body,
    out_type=jax.ShapeDtypeStruct((NC, R2, W2C), jnp.float32),
    mesh=_mesh,
    compiler_params=pltpu.CompilerParams(
        use_tc_tiling_on_sc=False, needs_layout_passes=False),
    scratch_types=[
        pltpu.VMEM_SHARED((R2, W2C), jnp.float32),
        pltpu.VMEM((R2,), jnp.float32),
        pltpu.VMEM((16,), jnp.float32),
        pltpu.VMEM((128,), jnp.int32),
        pltpu.VMEM((128,), jnp.int32),
        pltpu.VMEM((128, W2C), jnp.float32),
        pltpu.VMEM((128, W2C), jnp.float32),
        pltpu.SemaphoreType.DMA,
    ],
)


def kernel(x, edge_index1, edge_index2, size1, size2, W1, att_src1, att_dst1, bias1, W2, att_src2, att_dst2, bias2):
    f32 = jnp.float32
    zero1 = (jnp.asarray(size1, jnp.int32) - 5000).astype(f32).reshape(1, 1)
    zero2 = (jnp.asarray(size2, jnp.int32) - 1000).astype(f32).reshape(1, 1)
    x5 = x[:R1]

    Asrc = jnp.zeros((64, 8), f32).at[
        jnp.arange(64), jnp.arange(64) // 8].set(att_src1.reshape(64))
    Adst = jnp.zeros((64, 8), f32).at[
        jnp.arange(64), jnp.arange(64) // 8].set(att_dst1.reshape(64))

    h1, asr, ado, c16_1 = pl.pallas_call(
        _dense1_body,
        out_shape=[
            jax.ShapeDtypeStruct((R1, 64), f32),
            jax.ShapeDtypeStruct((R1, 8), f32),
            jax.ShapeDtypeStruct((R1, 8), f32),
            jax.ShapeDtypeStruct((1, 16), f32),
        ],
    )(x5, W1, Asrc, Adst, zero1)

    h3 = h1.reshape(R1, 8, 8)
    ones = jnp.ones((R1, 8, 1), f32)
    zz = jnp.zeros((R1, 8, 2), f32)
    tab1 = jnp.concatenate([h3, ones, asr[:, :, None], zz], axis=-1).reshape(R1, W1C)

    acc1 = _edges1(tab1, ado[:R2].reshape(-1), c16_1.reshape(16), edge_index1[0], edge_index1[1])

    a = acc1[:, :R2].reshape(NC, R2, 8, 12)
    msgp = a[..., :8].reshape(NC, R2, 64)
    denp = jnp.broadcast_to(a[..., 8:9], (NC, R2, 8, 8)).reshape(NC, R2, 64)

    W2p = jnp.concatenate([W2, jnp.zeros((64, 7), f32)], axis=1)
    As2 = jnp.zeros((48, 8), f32).at[:41, 0].set(att_src2[0])
    Ad2 = jnp.zeros((48, 8), f32).at[:41, 0].set(att_dst2[0])
    e41 = jnp.zeros((1, W2C), f32).at[0, 41].set(1.0)
    e42 = jnp.zeros((1, W2C), f32).at[0, 42].set(1.0)

    tab2, adv2, c16_2 = pl.pallas_call(
        _dense2_body,
        out_shape=[
            jax.ShapeDtypeStruct((R2, W2C), f32),
            jax.ShapeDtypeStruct((R2, 8), f32),
            jax.ShapeDtypeStruct((1, 16), f32),
        ],
    )(msgp, denp, bias1.reshape(1, 64), W2p, As2, Ad2, zero2, e41, e42)

    acc2 = _edges2(tab2, adv2[:, 0], c16_2.reshape(16), edge_index2[0], edge_index2[1])

    out = pl.pallas_call(
        _final_body,
        out_shape=jax.ShapeDtypeStruct((1000, 41), f32),
    )(acc2[:, :1000], jnp.pad(bias2, (0, 7)).reshape(1, W2C))
    return out

# --- scband reference (transcript-rebuilt; emitter-appended) ---
"""Pipeline reference for scband-gat-reddit-74062416052498 (READ-ONLY COPY).

The authoritative reference and input builder live on the scoring server;
editing this copy changes nothing except your own understanding.
"""

import jax, jax.numpy as jnp
import numpy as np


def gat_layer(x_src, x_dst, edge_index, W, att_src, att_dst, bias, num_dst, heads, out_ch):
    h_src = (x_src @ W).reshape(-1, heads, out_ch)
    h_dst = (x_dst @ W).reshape(-1, heads, out_ch)
    a_src = (h_src * att_src).sum(-1)
    a_dst = (h_dst * att_dst).sum(-1)
    src = edge_index[0]
    dst = edge_index[1]
    alpha = a_src[src] + a_dst[dst]
    alpha = jax.nn.leaky_relu(alpha, negative_slope=0.2)
    amax = jax.ops.segment_max(alpha, dst, num_segments=num_dst)
    amax = jax.lax.stop_gradient(jnp.where(jnp.isfinite(amax), amax, 0.0))
    ex = jnp.exp(alpha - amax[dst])
    denom = jax.ops.segment_sum(ex, dst, num_segments=num_dst)
    coef = ex / (denom[dst] + 1e-16)
    msg = h_src[src] * coef[:, :, None]
    out = jax.ops.segment_sum(msg, dst, num_segments=num_dst)
    return out.reshape(num_dst, heads * out_ch) + bias


def setup_inputs(seed: int = 0):
    key = jax.random.key(seed)
    ks = jax.random.split(key, 8)
    rng = np.random.default_rng(0)
    x = jax.random.normal(ks[0], (10000, 128), dtype=jnp.float32)
    edge_index1 = jnp.asarray(rng.integers(0, 5000, size=(2, 320000)), dtype=jnp.int32)
    edge_index2 = jnp.asarray(rng.integers(0, 1000, size=(2, 32000)), dtype=jnp.int32)
    W1 = jax.random.normal(ks[1], (128, 64), dtype=jnp.float32) * 0.1
    att_src1 = jax.random.normal(ks[2], (8, 8), dtype=jnp.float32) * 0.1
    att_dst1 = jax.random.normal(ks[3], (8, 8), dtype=jnp.float32) * 0.1
    bias1 = jnp.zeros((64,), dtype=jnp.float32)
    W2 = jax.random.normal(ks[4], (64, 41), dtype=jnp.float32) * 0.1
    att_src2 = jax.random.normal(ks[5], (1, 41), dtype=jnp.float32) * 0.1
    att_dst2 = jax.random.normal(ks[6], (1, 41), dtype=jnp.float32) * 0.1
    bias2 = jnp.zeros((41,), dtype=jnp.float32)
    return {"x": x, "edge_index1": edge_index1, "edge_index2": edge_index2, "size1": 5000, "size2": 1000, "W1": W1, "att_src1": att_src1, "att_dst1": att_dst1, "bias1": bias1, "W2": W2, "att_src2": att_src2, "att_dst2": att_dst2, "bias2": bias2}


def reference(x, edge_index1, edge_index2, size1, size2, W1, att_src1, att_dst1, bias1, W2, att_src2, att_dst2, bias2):
    SIZE1 = 5000
    SIZE2 = 1000
    zero1 = (jnp.asarray(size1, dtype=jnp.int32) - SIZE1).astype(x.dtype)
    zero2 = (jnp.asarray(size2, dtype=jnp.int32) - SIZE2).astype(x.dtype)
    h = gat_layer(x, x[:SIZE1] + zero1, edge_index1, W1, att_src1, att_dst1, bias1, SIZE1, 8, 8)
    h = jax.nn.elu(h)
    out = gat_layer(h, h[:SIZE2] + zero2, edge_index2, W2, att_src2, att_dst2, bias2, SIZE2, 1, 41)
    return jax.nn.log_softmax(out, axis=-1)

if __name__ == "__main__":
    import jax
    _d = setup_inputs()
    print(jax.jit(kernel)(*tuple(_d.values())))

</pallas_src>

<mosaic_0001>
#map = affine_map<(d0, d1) -> (0, 0)>
#map1 = affine_map<(d0, d1) -> (0)>
#map2 = affine_map<(d0, d1) -> (0, 0, 0)>
module attributes {stable_mosaic.version = 14 : i64} {
  func.func @_edges2_body(%arg0: i32, %arg1: i32, %arg2: memref<1024x48xf32, #tpu.memory_space<hbm>>, %arg3: memref<1024xf32, #tpu.memory_space<hbm>>, %arg4: memref<16xf32, #tpu.memory_space<hbm>>, %arg5: memref<32000xi32, #tpu.memory_space<hbm>>, %arg6: memref<32000xi32, #tpu.memory_space<hbm>>, %arg7: memref<2x1024x48xf32, #tpu.memory_space<hbm>>, %arg8: memref<1024x48xf32, #tpu.memory_space<vmem_shared>>, %arg9: memref<1024xf32, #tpu.memory_space<vmem>>, %arg10: memref<16xf32, #tpu.memory_space<vmem>>, %arg11: memref<128xi32, #tpu.memory_space<vmem>>, %arg12: memref<128xi32, #tpu.memory_space<vmem>>, %arg13: memref<128x48xf32, #tpu.memory_space<vmem>>, %arg14: memref<128x48xf32, #tpu.memory_space<vmem>>, %arg15: memref<!tpu.dma_semaphore, #tpu.memory_space<semaphore_mem>>) attributes {dimension_semantics = [#tpu.dimension_semantics<core_parallel>, #tpu.dimension_semantics<subcore_parallel>], iteration_bounds = array<i64: 2, 16>, scalar_prefetch = 0 : i64, scratch_operands = 8 : i64, tpu.core_type = #tpu.core_type<sc_vector_subcore>, window_params = [{transform_indices = #map}, {transform_indices = #map1}, {transform_indices = #map1}, {transform_indices = #map1}, {transform_indices = #map1}, {transform_indices = #map2}]} {
    %mul3A = arith.constant 16 : i32
    %mul3A_0 = arith.muli %arg0, %mul3A : i32
    %add3A = arith.addi %mul3A_0, %arg1 : i32
    %iota3A = tpu.iota {dimensions = array<i32: 0>} : vector<16xi32>
    %mul3A_1 = arith.constant 0 : i32
    %mul3A_2 = vector.broadcast %mul3A_1 : i32 to vector<16xi32>
    %mul3A_3 = arith.muli %iota3A, %mul3A_2 : vector<16xi32>
    %add3A_4 = arith.constant 42 : i32
    %add3A_5 = vector.broadcast %add3A_4 : i32 to vector<16xi32>
    %add3A_6 = arith.addi %mul3A_3, %add3A_5 : vector<16xi32>
    %mul3A_7 = arith.constant 0 : i32
    %mul3A_8 = vector.broadcast %mul3A_7 : i32 to vector<16xi32>
    %mul3A_9 = arith.muli %iota3A, %mul3A_8 : vector<16xi32>
    %convert_element_type3A = arith.sitofp %mul3A_9 : vector<16xi32> to vector<16xf32>
    "tpu.region"() ({
      %run_scoped3A = tpu.sem_alloc : memref<!tpu.dma_semaphore, #tpu.memory_space<semaphore_mem>>
      tpu.enqueue_dma source(%arg3 : memref<1024xf32, #tpu.memory_space<hbm>>) target(%arg9 : memref<1024xf32, #tpu.memory_space<vmem>>) target_semaphore(%run_scoped3A : memref<!tpu.dma_semaphore, #tpu.memory_space<semaphore_mem>>)
      tpu.wait_dma2 semaphore(%run_scoped3A : memref<!tpu.dma_semaphore, #tpu.memory_space<semaphore_mem>>) src(%arg3 : memref<1024xf32, #tpu.memory_space<hbm>>) dst(%arg9 : memref<1024xf32, #tpu.memory_space<vmem>>)
      tpu.yield
    }) : () -> ()
    "tpu.region"() ({
      %run_scoped3A = tpu.sem_alloc : memref<!tpu.dma_semaphore, #tpu.memory_space<semaphore_mem>>
      tpu.enqueue_dma source(%arg4 : memref<16xf32, #tpu.memory_space<hbm>>) target(%arg10 : memref<16xf32, #tpu.memory_space<vmem>>) target_semaphore(%run_scoped3A : memref<!tpu.dma_semaphore, #tpu.memory_space<semaphore_mem>>)
      tpu.wait_dma2 semaphore(%run_scoped3A : memref<!tpu.dma_semaphore, #tpu.memory_space<semaphore_mem>>) src(%arg4 : memref<16xf32, #tpu.memory_space<hbm>>) dst(%arg10 : memref<16xf32, #tpu.memory_space<vmem>>)
      tpu.yield
    }) : () -> ()
    %get3A = arith.constant 0 : index
    %get3A_10 = tpu.vector_load %arg10[%get3A] {strides = array<i32>} : memref<16xf32, #tpu.memory_space<vmem>>, vector<16xf32>,
    %scan3A = arith.constant 0 : i32
    %scan3A_11 = arith.constant 128 : i32
    %scan3A_12 = arith.addi %scan3A, %scan3A_11 : i32
    %scan3A_13 = arith.constant 1 : i32
    scf.for %scan3A_36 = %scan3A to %scan3A_12 step %scan3A_13  : i32 {
      %mul3A_37 = arith.constant 1 : i32
      %mul3A_38 = arith.muli %scan3A_36, %mul3A_37 : i32
      %add3A_39 = arith.constant 0 : i32
      %add3A_40 = arith.addi %add3A_39, %mul3A_38 : i32
      %mul3A_41 = arith.constant 0 : i32
      %mul3A_42 = vector.broadcast %mul3A_41 : i32 to vector<16xi32>
      %mul3A_43 = arith.muli %iota3A, %mul3A_42 : vector<16xi32>
      %add3A_44 = vector.broadcast %add3A_40 : i32 to vector<16xi32>
      %add3A_45 = arith.addi %mul3A_43, %add3A_44 : vector<16xi32>
      %add3A_46 = arith.constant 0 : i32
      %add3A_47 = vector.broadcast %add3A_46 : i32 to vector<16xi32>
      %add3A_48 = arith.addi %iota3A, %add3A_47 : vector<16xi32>
      tpu.vector_store_idx %arg14[%add3A_45, %add3A_48], %convert_element_type3A : memref<128x48xf32, #tpu.memory_space<vmem>>[vector<16xi32>, vector<16xi32>], vector<16xf32>,
      %add3A_49 = arith.constant 16 : i32
      %add3A_50 = vector.broadcast %add3A_49 : i32 to vector<16xi32>
      %add3A_51 = arith.addi %iota3A, %add3A_50 : vector<16xi32>
      tpu.vector_store_idx %arg14[%add3A_45, %add3A_51], %convert_element_type3A : memref<128x48xf32, #tpu.memory_space<vmem>>[vector<16xi32>, vector<16xi32>], vector<16xf32>,
      %add3A_52 = arith.constant 32 : i32
      %add3A_53 = vector.broadcast %add3A_52 : i32 to vector<16xi32>
      %add3A_54 = arith.addi %iota3A, %add3A_53 : vector<16xi32>
      tpu.vector_store_idx %arg14[%add3A_45, %add3A_54], %convert_element_type3A : memref<128x48xf32, #tpu.memory_space<vmem>>[vector<16xi32>, vector<16xi32>], vector<16xf32>,
    }
    %scan3A_14 = arith.constant 128 : i32
    %mul3A_15 = arith.constant 64 : i32
    %mul3A_16 = arith.muli %mul3A_15, %arg1 : i32
    "tpu.region"() ({
      %run_scoped3A = tpu.sem_alloc : memref<!tpu.dma_semaphore, #tpu.memory_space<semaphore_mem>>
      %dma_start3A = arith.constant 0 : i32
      %dma_start3A_36 = arith.constant 0 : i32
      %dma_start3A_37 = tpu.memref_slice %arg14[%dma_start3A, %dma_start3A_36] : memref<128x48xf32, #tpu.memory_space<vmem>> -> memref<64x48xf32, #tpu.memory_space<vmem>>
      %dma_start3A_38 = arith.constant 0 : i32
      %dma_start3A_39 = tpu.memref_slice %arg8[%mul3A_16, %dma_start3A_38] : memref<1024x48xf32, #tpu.memory_space<vmem_shared>> -> memref<64x48xf32, #tpu.memory_space<vmem_shared>>
      %dma_start3A_40 = arith.constant 0 : i32
      %dma_start3A_41 = tpu.memref_slice %arg8[%mul3A_16, %dma_start3A_40] : memref<1024x48xf32, #tpu.memory_space<vmem_shared>> -> memref<64x48xf32, #tpu.memory_space<vmem_shared>>
      %dma_start3A_42 = arith.constant 0 : i32
      %dma_start3A_43 = arith.constant 0 : i32
      %dma_start3A_44 = tpu.memref_slice %arg14[%dma_start3A_42, %dma_start3A_43] : memref<128x48xf32, #tpu.memory_space<vmem>> -> memref<64x48xf32, #tpu.memory_space<vmem>>
      tpu.enqueue_dma source(%dma_start3A_44 : memref<64x48xf32, #tpu.memory_space<vmem>>) target(%dma_start3A_41 : memref<64x48xf32, #tpu.memory_space<vmem_shared>>) target_semaphore(%run_scoped3A : memref<!tpu.dma_semaphore, #tpu.memory_space<semaphore_mem>>)
      %dma_wait3A = arith.constant 0 : i32
      %dma_wait3A_45 = arith.constant 0 : i32
      %dma_wait3A_46 = tpu.memref_slice %arg14[%dma_wait3A, %dma_wait3A_45] : memref<128x48xf32, #tpu.memory_space<vmem>> -> memref<64x48xf32, #tpu.memory_space<vmem>>
      %dma_wait3A_47 = arith.constant 0 : i32
      %dma_wait3A_48 = tpu.memref_slice %arg8[%mul3A_16, %dma_wait3A_47] : memref<1024x48xf32, #tpu.memory_space<vmem_shared>> -> memref<64x48xf32, #tpu.memory_space<vmem_shared>>
      %dma_wait3A_49 = arith.constant 0 : i32
      %dma_wait3A_50 = tpu.memref_slice %arg8[%mul3A_16, %dma_wait3A_49] : memref<1024x48xf32, #tpu.memory_space<vmem_shared>> -> memref<64x48xf32, #tpu.memory_space<vmem_shared>>
      %dma_wait3A_51 = arith.constant 0 : i32
      %dma_wait3A_52 = arith.constant 0 : i32
      %dma_wait3A_53 = tpu.memref_slice %arg14[%dma_wait3A_51, %dma_wait3A_52] : memref<128x48xf32, #tpu.memory_space<vmem>> -> memref<64x48xf32, #tpu.memory_space<vmem>>
      tpu.wait_dma2 semaphore(%run_scoped3A : memref<!tpu.dma_semaphore, #tpu.memory_space<semaphore_mem>>) src(%dma_wait3A_53 : memref<64x48xf32, #tpu.memory_space<vmem>>) dst(%dma_wait3A_50 : memref<64x48xf32, #tpu.memory_space<vmem_shared>>)
      tpu.yield
    }) : () -> ()
    %barrier3A = arith.constant 0 : index
    tpu.barrier barrier_id(%barrier3A)
    %lt3A = arith.constant 26 : i32
    %lt3A_17 = arith.cmpi slt, %add3A, %lt3A : i32
    %jit3A = arith.constant 8 : i32
    %jit3A_18 = arith.constant 7 : i32
    %select_n3A = arith.select %lt3A_17, %jit3A, %jit3A_18 : i32
    %sub3A = arith.constant 0 : i32
    %sub3A_19 = arith.subi %select_n3A, %sub3A : i32
    %sub3A_20 = arith.constant 1 : i32
    %sub3A_21 = arith.constant 1 : i32
    %sub3A_22 = arith.subi %sub3A_20, %sub3A_21 : i32
    %add3A_23 = arith.addi %sub3A_19, %sub3A_22 : i32
    %div3A = arith.constant 1 : i32
    %div3A_24 = arith.divsi %add3A_23, %div3A : i32
    %while3A = arith.constant 1 : i32
    %while3A_25 = arith.constant 0 : i32
    %while3A_26 = arith.constant 0 : i32
    %while3A_27 = arith.subi %div3A_24, %while3A_26 : i32
    %while3A_28 = arith.addi %while3A_26, %while3A_27 : i32
    %while3A_29 = arith.constant 1 : i32
    %while3A_30 = arith.divsi %while3A_27, %while3A_29 : i32
    %while3A_31 = arith.muli %while3A_30, %while3A_29 : i32
    %while3A_32 = arith.addi %while3A_26, %while3A_31 : i32
    %while3A_33 = arith.constant 1 : i32
    scf.for %while3A_36 = %while3A_26 to %while3A_32 step %while3A_33  : i32 {
      %mul3A_37 = arith.muli %while3A_36, %while3A : i32
      %add3A_38 = arith.addi %while3A_25, %mul3A_37 : i32
      %mul3A_39 = arith.constant 32 : i32
      %mul3A_40 = arith.muli %mul3A_39, %add3A_38 : i32
      %add3A_41 = arith.addi %add3A, %mul3A_40 : i32
      %mul3A_42 = arith.constant 128 : i32
      %mul3A_43 = arith.muli %add3A_41, %mul3A_42 : i32
      "tpu.region"() ({
        %run_scoped3A = tpu.sem_alloc : memref<!tpu.dma_semaphore, #tpu.memory_space<semaphore_mem>>
        %dma_start3A_53 = tpu.memref_slice %arg5[%mul3A_43] : memref<32000xi32, #tpu.memory_space<hbm>> -> memref<128xi32, #tpu.memory_space<hbm>>
        %dma_start3A_54 = tpu.memref_slice %arg5[%mul3A_43] : memref<32000xi32, #tpu.memory_space<hbm>> -> memref<128xi32, #tpu.memory_space<hbm>>
        tpu.enqueue_dma source(%dma_start3A_54 : memref<128xi32, #tpu.memory_space<hbm>>) target(%arg11 : memref<128xi32, #tpu.memory_space<vmem>>) target_semaphore(%run_scoped3A : memref<!tpu.dma_semaphore, #tpu.memory_space<semaphore_mem>>)
        %dma_wait3A_55 = tpu.memref_slice %arg5[%mul3A_43] : memref<32000xi32, #tpu.memory_space<hbm>> -> memref<128xi32, #tpu.memory_space<hbm>>
        %dma_wait3A_56 = tpu.memref_slice %arg5[%mul3A_43] : memref<32000xi32, #tpu.memory_space<hbm>> -> memref<128xi32, #tpu.memory_space<hbm>>
        tpu.wait_dma2 semaphore(%run_scoped3A : memref<!tpu.dma_semaphore, #tpu.memory_space<semaphore_mem>>) src(%dma_wait3A_56 : memref<128xi32, #tpu.memory_space<hbm>>) dst(%arg11 : memref<128xi32, #tpu.memory_space<vmem>>)
        tpu.yield
      }) : () -> ()
      "tpu.region"() ({
        %run_scoped3A = tpu.sem_alloc : memref<!tpu.dma_semaphore, #tpu.memory_space<semaphore_mem>>
        %dma_start3A_53 = tpu.memref_slice %arg6[%mul3A_43] : memref<32000xi32, #tpu.memory_space<hbm>> -> memref<128xi32, #tpu.memory_space<hbm>>
        %dma_start3A_54 = tpu.memref_slice %arg6[%mul3A_43] : memref<32000xi32, #tpu.memory_space<hbm>> -> memref<128xi32, #tpu.memory_space<hbm>>
        tpu.enqueue_dma source(%dma_start3A_54 : memref<128xi32, #tpu.memory_space<hbm>>) target(%arg12 : memref<128xi32, #tpu.memory_space<vmem>>) target_semaphore(%run_scoped3A : memref<!tpu.dma_semaphore, #tpu.memory_space<semaphore_mem>>)
        %dma_wait3A_55 = tpu.memref_slice %arg6[%mul3A_43] : memref<32000xi32, #tpu.memory_space<hbm>> -> memref<128xi32, #tpu.memory_space<hbm>>
        %dma_wait3A_56 = tpu.memref_slice %arg6[%mul3A_43] : memref<32000xi32, #tpu.memory_space<hbm>> -> memref<128xi32, #tpu.memory_space<hbm>>
        tpu.wait_dma2 semaphore(%run_scoped3A : memref<!tpu.dma_semaphore, #tpu.memory_space<semaphore_mem>>) src(%dma_wait3A_56 : memref<128xi32, #tpu.memory_space<hbm>>) dst(%arg12 : memref<128xi32, #tpu.memory_space<vmem>>)
        tpu.yield
      }) : () -> ()
      %dma_start3A = arith.constant 0 : i32
      %dma_start3A_44 = arith.constant 0 : i32
      %dma_start3A_45 = tpu.memref_slice %arg2[%dma_start3A, %dma_start3A_44] : memref<1024x48xf32, #tpu.memory_space<hbm>> -> memref<1024x48xf32, #tpu.memory_space<hbm>>
      tpu.enqueue_indirect_dma source(%dma_start3A_45 : memref<1024x48xf32, #tpu.memory_space<hbm>>) target(%arg13 : memref<128x48xf32, #tpu.memory_space<vmem>>) offsets(%arg11 : memref<128xi32, #tpu.memory_space<vmem>>) semaphore(%arg15 : memref<!tpu.dma_semaphore, #tpu.memory_space<semaphore_mem>>)
      %dma_wait3A = arith.constant 0 : i32
      %dma_wait3A_46 = arith.constant 0 : i32
      %dma_wait3A_47 = tpu.memref_slice %arg2[%dma_wait3A, %dma_wait3A_46] : memref<1024x48xf32, #tpu.memory_space<hbm>> -> memref<1024x48xf32, #tpu.memory_space<hbm>>
      tpu.wait_indirect_dma semaphore(%arg15 : memref<!tpu.dma_semaphore, #tpu.memory_space<semaphore_mem>>) src(%dma_wait3A_47 : memref<1024x48xf32, #tpu.memory_space<hbm>>) dst(%arg13 : memref<128x48xf32, #tpu.memory_space<vmem>>)
      %scan3A_48 = arith.constant 0 : i32
      %scan3A_49 = arith.constant 8 : i32
      %scan3A_50 = arith.addi %scan3A_48, %scan3A_49 : i32
      %scan3A_51 = arith.constant 1 : i32
      scf.for %scan3A_53 = %scan3A_48 to %scan3A_50 step %scan3A_51  : i32 {
        %mul3A_54 = arith.constant 1 : i32
        %mul3A_55 = arith.muli %scan3A_53, %mul3A_54 : i32
        %add3A_56 = arith.constant 0 : i32
        %add3A_57 = arith.addi %add3A_56, %mul3A_55 : i32
        %mul3A_58 = arith.constant 16 : i32
        %mul3A_59 = arith.muli %add3A_57, %mul3A_58 : i32
        %add3A_60 = vector.broadcast %mul3A_59 : i32 to vector<16xi32>
        %add3A_61 = arith.addi %iota3A, %add3A_60 : vector<16xi32>
        %gather3A = tpu.vector_load_idx %arg12[%add3A_61] : memref<128xi32, #tpu.memory_space<vmem>>[vector<16xi32>], vector<16xi32>,
        %gather3A_62 = tpu.vector_load_idx %arg13[%add3A_61, %add3A_6] : memref<128x48xf32, #tpu.memory_space<vmem>>[vector<16xi32>, vector<16xi32>], vector<16xf32>,
        %gather3A_63 = tpu.vector_load_idx %arg9[%gather3A] : memref<1024xf32, #tpu.memory_space<vmem>>[vector<16xi32>], vector<16xf32>,
        %add3A_64 = arith.addf %gather3A_62, %gather3A_63 : vector<16xf32>
        %mul3A_65 = arith.constant 2.000000e-01 : f32
        %mul3A_66 = vector.broadcast %mul3A_65 : f32 to vector<16xf32>
        %mul3A_67 = arith.mulf %mul3A_66, %add3A_64 : vector<16xf32>
        %max3A = arith.maximumf %add3A_64, %mul3A_67 : vector<16xf32>
        %sub3A_68 = arith.subf %max3A, %get3A_10 : vector<16xf32>
        %exp3A = math.exp %sub3A_68 : vector<16xf32>
        %mul3A_69 = arith.constant 0 : i32
        %mul3A_70 = vector.broadcast %mul3A_69 : i32 to vector<16xi32>
        %mul3A_71 = arith.muli %iota3A, %mul3A_70 : vector<16xi32>
        %add3A_72 = arith.constant 0 : i32
        %add3A_73 = vector.broadcast %add3A_72 : i32 to vector<16xi32>
        %add3A_74 = arith.addi %mul3A_71, %add3A_73 : vector<16xi32>
        %lt3A_75 = arith.constant 0 : i32
        %lt3A_76 = vector.broadcast %lt3A_75 : i32 to vector<16xi32>
        %lt3A_77 = arith.cmpi slt, %add3A_74, %lt3A_76 : vector<16xi32>
        %add3A_78 = arith.constant 16 : i32
        %add3A_79 = vector.broadcast %add3A_78 : i32 to vector<16xi32>
        %add3A_80 = arith.addi %add3A_74, %add3A_79 : vector<16xi32>
        %select_n3A_81 = arith.select %lt3A_77, %add3A_80, %add3A_74 : vector<16xi1>, vector<16xi32>
        %broadcast_in_dim3A = vector.shape_cast %select_n3A_81 : vector<16xi32> to vector<16x1xi32>
        %gather3A_82 = vector.shape_cast %broadcast_in_dim3A : vector<16x1xi32> to vector<16xi32>
        %gather3A_83 = tpu.dynamic_gather %exp3A[%gather3A_82] in [0] : vector<16xf32>, vector<16xi32> -> vector<16xf32>
        %add3A_84 = arith.constant 0 : i32
        %add3A_85 = arith.addi %mul3A_59, %add3A_84 : i32
        %get3A_86 = arith.index_cast %add3A_85 : i32 to index
        %get3A_87 = arith.constant 0 : index
        %get3A_88 = tpu.vector_load %arg13[%get3A_86, %get3A_87] {strides = array<i32>} : memref<128x48xf32, #tpu.memory_space<vmem>>, vector<16xf32>,
        %mul3A_89 = arith.mulf %get3A_88, %gather3A_83 : vector<16xf32>
        %swap3A = arith.index_cast %add3A_85 : i32 to index
        %swap3A_90 = arith.constant 0 : index
        %swap3A_91 = tpu.vector_load %arg14[%swap3A, %swap3A_90] {strides = array<i32>} : memref<128x48xf32, #tpu.memory_space<vmem>>, vector<16xf32>,
        tpu.vector_store %arg14[%swap3A, %swap3A_90], %mul3A_89 {strides = array<i32>} : memref<128x48xf32, #tpu.memory_space<vmem>>, vector<16xf32>,
        %get3A_92 = arith.index_cast %add3A_85 : i32 to index
        %get3A_93 = arith.constant 16 : index
        %get3A_94 = tpu.vector_load %arg13[%get3A_92, %get3A_93] {strides = array<i32>} : memref<128x48xf32, #tpu.memory_space<vmem>>, vector<16xf32>,
        %mul3A_95 = arith.mulf %get3A_94, %gather3A_83 : vector<16xf32>
        %swap3A_96 = arith.index_cast %add3A_85 : i32 to index
        %swap3A_97 = arith.constant 16 : index
        %swap3A_98 = tpu.vector_load %arg14[%swap3A_96, %swap3A_97] {strides = array<i32>} : memref<128x48xf32, #tpu.memory_space<vmem>>, vector<16xf32>,
        tpu.vector_store %arg14[%swap3A_96, %swap3A_97], %mul3A_95 {strides = array<i32>} : memref<128x48xf32, #tpu.memory_space<vmem>>, vector<16xf32>,
        %get3A_99 = arith.index_cast %add3A_85 : i32 to index
        %get3A_100 = arith.constant 32 : index
        %get3A_101 = tpu.vector_load %arg13[%get3A_99, %get3A_100] {strides = array<i32>} : memref<128x48xf32, #tpu.memory_space<vmem>>, vector<16xf32>,
        %mul3A_102 = arith.mulf %get3A_101, %gather3A_83 : vector<16xf32>
        %swap3A_103 = arith.index_cast %add3A_85 : i32 to index
        %swap3A_104 = arith.constant 32 : index
        %swap3A_105 = tpu.vector_load %arg14[%swap3A_103, %swap3A_104] {strides = array<i32>} : memref<128x48xf32, #tpu.memory_space<vmem>>, vector<16xf32>,
        tpu.vector_store %arg14[%swap3A_103, %swap3A_104], %mul3A_102 {strides = array<i32>} : memref<128x48xf32, #tpu.memory_space<vmem>>, vector<16xf32>,
        %mul3A_106 = arith.constant 0 : i32
        %mul3A_107 = vector.broadcast %mul3A_106 : i32 to vector<16xi32>
        %mul3A_108 = arith.muli %iota3A, %mul3A_107 : vector<16xi32>
        %add3A_109 = arith.constant 1 : i32
        %add3A_110 = vector.broadcast %add3A_109 : i32 to vector<16xi32>
        %add3A_111 = arith.addi %mul3A_108, %add3A_110 : vector<16xi32>
        %lt3A_112 = arith.constant 0 : i32
        %lt3A_113 = vector.broadcast %lt3A_112 : i32 to vector<16xi32>
        %lt3A_114 = arith.cmpi slt, %add3A_111, %lt3A_113 : vector<16xi32>
        %add3A_115 = arith.constant 16 : i32
        %add3A_116 = vector.broadcast %add3A_115 : i32 to vector<16xi32>
        %add3A_117 = arith.addi %add3A_111, %add3A_116 : vector<16xi32>
        %select_n3A_118 = arith.select %lt3A_114, %add3A_117, %add3A_111 : vector<16xi1>, vector<16xi32>
        %broadcast_in_dim3A_119 = vector.shape_cast %select_n3A_118 : vector<16xi32> to vector<16x1xi32>
        %gather3A_120 = vector.shape_cast %broadcast_in_dim3A_119 : vector<16x1xi32> to vector<16xi32>
        %gather3A_121 = tpu.dynamic_gather %exp3A[%gather3A_120] in [0] : vector<16xf32>, vector<16xi32> -> vector<16xf32>
        %add3A_122 = arith.constant 1 : i32
        %add3A_123 = arith.addi %mul3A_59, %add3A_122 : i32
        %get3A_124 = arith.index_cast %add3A_123 : i32 to index
        %get3A_125 = arith.constant 0 : index
        %get3A_126 = tpu.vector_load %arg13[%get3A_124, %get3A_125] {strides = array<i32>} : memref<128x48xf32, #tpu.memory_space<vmem>>, vector<16xf32>,
        %mul3A_127 = arith.mulf %get3A_126, %gather3A_121 : vector<16xf32>
        %swap3A_128 = arith.index_cast %add3A_123 : i32 to index
        %swap3A_129 = arith.constant 0 : index
        %swap3A_130 = tpu.vector_load %arg14[%swap3A_128, %swap3A_129] {strides = array<i32>} : memref<128x48xf32, #tpu.memory_space<vmem>>, vector<16xf32>,
        tpu.vector_store %arg14[%swap3A_128, %swap3A_129], %mul3A_127 {strides = array<i32>} : memref<128x48xf32, #tpu.memory_space<vmem>>, vector<16xf32>,
        %get3A_131 = arith.index_cast %add3A_123 : i32 to index
        %get3A_132 = arith.constant 16 : index
        %get3A_133 = tpu.vector_load %arg13[%get3A_131, %get3A_132] {strides = array<i32>} : memref<128x48xf32, #tpu.memory_space<vmem>>, vector<16xf32>,
        %mul3A_134 = arith.mulf %get3A_133, %gather3A_121 : vector<16xf32>
        %swap3A_135 = arith.index_cast %add3A_123 : i32 to index
        %swap3A_136 = arith.constant 16 : index
        %swap3A_137 = tpu.vector_load %arg14[%swap3A_135, %swap3A_136] {strides = array<i32>} : memref<128x48xf32, #tpu.memory_space<vmem>>, vector<16xf32>,
        tpu.vector_store %arg14[%swap3A_135, %swap3A_136], %mul3A_134 {strides = array<i32>} : memref<128x48xf32, #tpu.memory_space<vmem>>, vector<16xf32>,
        %get3A_138 = arith.index_cast %add3A_123 : i32 to index
        %get3A_139 = arith.constant 32 : index
        %get3A_140 = tpu.vector_load %arg13[%get3A_138, %get3A_139] {strides = array<i32>} : memref<128x48xf32, #tpu.memory_space<vmem>>, vector<16xf32>,
        %mul3A_141 = arith.mulf %get3A_140, %gather3A_121 : vector<16xf32>
        %swap3A_142 = arith.index_cast %add3A_123 : i32 to index
        %swap3A_143 = arith.constant 32 : index
        %swap3A_144 = tpu.vector_load %arg14[%swap3A_142, %swap3A_143] {strides = array<i32>} : memref<128x48xf32, #tpu.memory_space<vmem>>, vector<16xf32>,
        tpu.vector_store %arg14[%swap3A_142, %swap3A_143], %mul3A_141 {strides = array<i32>} : memref<128x48xf32, #tpu.memory_space<vmem>>, vector<16xf32>,
        %mul3A_145 = arith.constant 0 : i32
        %mul3A_146 = vector.broadcast %mul3A_145 : i32 to vector<16xi32>
        %mul3A_147 = arith.muli %iota3A, %mul3A_146 : vector<16xi32>
        %add3A_148 = arith.constant 2 : i32
        %add3A_149 = vector.broadcast %add3A_148 : i32 to vector<16xi32>
        %add3A_150 = arith.addi %mul3A_147, %add3A_149 : vector<16xi32>
        %lt3A_151 = arith.constant 0 : i32
        %lt3A_152 = vector.broadcast %lt3A_151 : i32 to vector<16xi32>
        %lt3A_153 = arith.cmpi slt, %add3A_150, %lt3A_152 : vector<16xi32>
        %add3A_154 = arith.constant 16 : i32
        %add3A_155 = vector.broadcast %add3A_154 : i32 to vector<16xi32>
        %add3A_156 = arith.addi %add3A_150, %add3A_155 : vector<16xi32>
        %select_n3A_157 = arith.select %lt3A_153, %add3A_156, %add3A_150 : vector<16xi1>, vector<16xi32>
        %broadcast_in_dim3A_158 = vector.shape_cast %select_n3A_157 : vector<16xi32> to vector<16x1xi32>
        %gather3A_159 = vector.shape_cast %broadcast_in_dim3A_158 : vector<16x1xi32> to vector<16xi32>
        %gather3A_160 = tpu.dynamic_gather %exp3A[%gather3A_159] in [0] : vector<16xf32>, vector<16xi32> -> vector<16xf32>
        %add3A_161 = arith.constant 2 : i32
        %add3A_162 = arith.addi %mul3A_59, %add3A_161 : i32
        %get3A_163 = arith.index_cast %add3A_162 : i32 to index
        %get3A_164 = arith.constant 0 : index
        %get3A_165 = tpu.vector_load %arg13[%get3A_163, %get3A_164] {strides = array<i32>} : memref<128x48xf32, #tpu.memory_space<vmem>>, vector<16xf32>,
        %mul3A_166 = arith.mulf %get3A_165, %gather3A_160 : vector<16xf32>
        %swap3A_167 = arith.index_cast %add3A_162 : i32 to index
        %swap3A_168 = arith.constant 0 : index
        %swap3A_169 = tpu.vector_load %arg14[%swap3A_167, %swap3A_168] {strides = array<i32>} : memref<128x48xf32, #tpu.memory_space<vmem>>, vector<16xf32>,
        tpu.vector_store %arg14[%swap3A_167, %swap3A_168], %mul3A_166 {strides = array<i32>} : memref<128x48xf32, #tpu.memory_space<vmem>>, vector<16xf32>,
        %get3A_170 = arith.index_cast %add3A_162 : i32 to index
        %get3A_171 = arith.constant 16 : index
        %get3A_172 = tpu.vector_load %arg13[%get3A_170, %get3A_171] {strides = array<i32>} : memref<128x48xf32, #tpu.memory_space<vmem>>, vector<16xf32>,
        %mul3A_173 = arith.mulf %get3A_172, %gather3A_160 : vector<16xf32>
        %swap3A_174 = arith.index_cast %add3A_162 : i32 to index
        %swap3A_175 = arith.constant 16 : index
        %swap3A_176 = tpu.vector_load %arg14[%swap3A_174, %swap3A_175] {strides = array<i32>} : memref<128x48xf32, #tpu.memory_space<vmem>>, vector<16xf32>,
        tpu.vector_store %arg14[%swap3A_174, %swap3A_175], %mul3A_173 {strides = array<i32>} : memref<128x48xf32, #tpu.memory_space<vmem>>, vector<16xf32>,
        %get3A_177 = arith.index_cast %add3A_162 : i32 to index
        %get3A_178 = arith.constant 32 : index
        %get3A_179 = tpu.vector_load %arg13[%get3A_177, %get3A_178] {strides = array<i32>} : memref<128x48xf32, #tpu.memory_space<vmem>>, vector<16xf32>,
        %mul3A_180 = arith.mulf %get3A_179, %gather3A_160 : vector<16xf32>
        %swap3A_181 = arith.index_cast %add3A_162 : i32 to index
        %swap3A_182 = arith.constant 32 : index
        %swap3A_183 = tpu.vector_load %arg14[%swap3A_181, %swap3A_182] {strides = array<i32>} : memref<128x48xf32, #tpu.memory_space<vmem>>, vector<16xf32>,
        tpu.vector_store %arg14[%swap3A_181, %swap3A_182], %mul3A_180 {strides = array<i32>} : memref<128x48xf32, #tpu.memory_space<vmem>>, vector<16xf32>,
        %mul3A_184 = arith.constant 0 : i32
        %mul3A_185 = vector.broadcast %mul3A_184 : i32 to vector<16xi32>
        %mul3A_186 = arith.muli %iota3A, %mul3A_185 : vector<16xi32>
        %add3A_187 = arith.constant 3 : i32
        %add3A_188 = vector.broadcast %add3A_187 : i32 to vector<16xi32>
        %add3A_189 = arith.addi %mul3A_186, %add3A_188 : vector<16xi32>
        %lt3A_190 = arith.constant 0 : i32
        %lt3A_191 = vector.broadcast %lt3A_190 : i32 to vector<16xi32>
        %lt3A_192 = arith.cmpi slt, %add3A_189, %lt3A_191 : vector<16xi32>
        %add3A_193 = arith.constant 16 : i32
        %add3A_194 = vector.broadcast %add3A_193 : i32 to vector<16xi32>
        %add3A_195 = arith.addi %add3A_189, %add3A_194 : vector<16xi32>
        %select_n3A_196 = arith.select %lt3A_192, %add3A_195, %add3A_189 : vector<16xi1>, vector<16xi32>
        %broadcast_in_dim3A_197 = vector.shape_cast %select_n3A_196 : vector<16xi32> to vector<16x1xi32>
        %gather3A_198 = vector.shape_cast %broadcast_in_dim3A_197 : vector<16x1xi32> to vector<16xi32>
        %gather3A_199 = tpu.dynamic_gather %exp3A[%gather3A_198] in [0] : vector<16xf32>, vector<16xi32> -> vector<16xf32>
        %add3A_200 = arith.constant 3 : i32
        %add3A_201 = arith.addi %mul3A_59, %add3A_200 : i32
        %get3A_202 = arith.index_cast %add3A_201 : i32 to index
        %get3A_203 = arith.constant 0 : index
        %get3A_204 = tpu.vector_load %arg13[%get3A_202, %get3A_203] {strides = array<i32>} : memref<128x48xf32, #tpu.memory_space<vmem>>, vector<16xf32>,
        %mul3A_205 = arith.mulf %get3A_204, %gather3A_199 : vector<16xf32>
        %swap3A_206 = arith.index_cast %add3A_201 : i32 to index
        %swap3A_207 = arith.constant 0 : index
        %swap3A_208 = tpu.vector_load %arg14[%swap3A_206, %swap3A_207] {strides = array<i32>} : memref<128x48xf32, #tpu.memory_space<vmem>>, vector<16xf32>,
        tpu.vector_store %arg14[%swap3A_206, %swap3A_207], %mul3A_205 {strides = array<i32>} : memref<128x48xf32, #tpu.memory_space<vmem>>, vector<16xf32>,
        %get3A_209 = arith.index_cast %add3A_201 : i32 to index
        %get3A_210 = arith.constant 16 : index
        %get3A_211 = tpu.vector_load %arg13[%get3A_209, %get3A_210] {strides = array<i32>} : memref<128x48xf32, #tpu.memory_space<vmem>>, vector<16xf32>,
        %mul3A_212 = arith.mulf %get3A_211, %gather3A_199 : vector<16xf32>
        %swap3A_213 = arith.index_cast %add3A_201 : i32 to index
        %swap3A_214 = arith.constant 16 : index
        %swap3A_215 = tpu.vector_load %arg14[%swap3A_213, %swap3A_214] {strides = array<i32>} : memref<128x48xf32, #tpu.memory_space<vmem>>, vector<16xf32>,
        tpu.vector_store %arg14[%swap3A_213, %swap3A_214], %mul3A_212 {strides = array<i32>} : memref<128x48xf32, #tpu.memory_space<vmem>>, vector<16xf32>,
        %get3A_216 = arith.index_cast %add3A_201 : i32 to index
        %get3A_217 = arith.constant 32 : index
        %get3A_218 = tpu.vector_load %arg13[%get3A_216, %get3A_217] {strides = array<i32>} : memref<128x48xf32, #tpu.memory_space<vmem>>, vector<16xf32>,
        %mul3A_219 = arith.mulf %get3A_218, %gather3A_199 : vector<16xf32>
        %swap3A_220 = arith.index_cast %add3A_201 : i32 to index
        %swap3A_221 = arith.constant 32 : index
        %swap3A_222 = tpu.vector_load %arg14[%swap3A_220, %swap3A_221] {strides = array<i32>} : memref<128x48xf32, #tpu.memory_space<vmem>>, vector<16xf32>,
        tpu.vector_store %arg14[%swap3A_220, %swap3A_221], %mul3A_219 {strides = array<i32>} : memref<128x48xf32, #tpu.memory_space<vmem>>, vector<16xf32>,
        %mul3A_223 = arith.constant 0 : i32
        %mul3A_224 = vector.broadcast %mul3A_223 : i32 to vector<16xi32>
        %mul3A_225 = arith.muli %iota3A, %mul3A_224 : vector<16xi32>
        %add3A_226 = arith.constant 4 : i32
        %add3A_227 = vector.broadcast %add3A_226 : i32 to vector<16xi32>
        %add3A_228 = arith.addi %mul3A_225, %add3A_227 : vector<16xi32>
        %lt3A_229 = arith.constant 0 : i32
        %lt3A_230 = vector.broadcast %lt3A_229 : i32 to vector<16xi32>
        %lt3A_231 = arith.cmpi slt, %add3A_228, %lt3A_230 : vector<16xi32>
        %add3A_232 = arith.constant 16 : i32
        %add3A_233 = vector.broadcast %add3A_232 : i32 to vector<16xi32>
        %add3A_234 = arith.addi %add3A_228, %add3A_233 : vector<16xi32>
        %select_n3A_235 = arith.select %lt3A_231, %add3A_234, %add3A_228 : vector<16xi1>, vector<16xi32>
        %broadcast_in_dim3A_236 = vector.shape_cast %select_n3A_235 : vector<16xi32> to vector<16x1xi32>
        %gather3A_237 = vector.shape_cast %broadcast_in_dim3A_236 : vector<16x1xi32> to vector<16xi32>
        %gather3A_238 = tpu.dynamic_gather %exp3A[%gather3A_237] in [0] : vector<16xf32>, vector<16xi32> -> vector<16xf32>
        %add3A_239 = arith.constant 4 : i32
        %add3A_240 = arith.addi %mul3A_59, %add3A_239 : i32
        %get3A_241 = arith.index_cast %add3A_240 : i32 to index
        %get3A_242 = arith.constant 0 : index
        %get3A_243 = tpu.vector_load %arg13[%get3A_241, %get3A_242] {strides = array<i32>} : memref<128x48xf32, #tpu.memory_space<vmem>>, vector<16xf32>,
        %mul3A_244 = arith.mulf %get3A_243, %gather3A_238 : vector<16xf32>
        %swap3A_245 = arith.index_cast %add3A_240 : i32 to index
        %swap3A_246 = arith.constant 0 : index
        %swap3A_247 = tpu.vector_load %arg14[%swap3A_245, %swap3A_246] {strides = array<i32>} : memref<128x48xf32, #tpu.memory_space<vmem>>, vector<16xf32>,
        tpu.vector_store %arg14[%swap3A_245, %swap3A_246], %mul3A_244 {strides = array<i32>} : memref<128x48xf32, #tpu.memory_space<vmem>>, vector<16xf32>,
        %get3A_248 = arith.index_cast %add3A_240 : i32 to index
        %get3A_249 = arith.constant 16 : index
        %get3A_250 = tpu.vector_load %arg13[%get3A_248, %get3A_249] {strides = array<i32>} : memref<128x48xf32, #tpu.memory_space<vmem>>, vector<16xf32>,
        %mul3A_251 = arith.mulf %get3A_250, %gather3A_238 : vector<16xf32>
        %swap3A_252 = arith.index_cast %add3A_240 : i32 to index
        %swap3A_253 = arith.constant 16 : index
        %swap3A_254 = tpu.vector_load %arg14[%swap3A_252, %swap3A_253] {strides = array<i32>} : memref<128x48xf32, #tpu.memory_space<vmem>>, vector<16xf32>,
        tpu.vector_store %arg14[%swap3A_252, %swap3A_253], %mul3A_251 {strides = array<i32>} : memref<128x48xf32, #tpu.memory_space<vmem>>, vector<16xf32>,
        %get3A_255 = arith.index_cast %add3A_240 : i32 to index
        %get3A_256 = arith.constant 32 : index
        %get3A_257 = tpu.vector_load %arg13[%get3A_255, %get3A_256] {strides = array<i32>} : memref<128x48xf32, #tpu.memory_space<vmem>>, vector<16xf32>,
        %mul3A_258 = arith.mulf %get3A_257, %gather3A_238 : vector<16xf32>
        %swap3A_259 = arith.index_cast %add3A_240 : i32 to index
        %swap3A_260 = arith.constant 32 : index
        %swap3A_261 = tpu.vector_load %arg14[%swap3A_259, %swap3A_260] {strides = array<i32>} : memref<128x48xf32, #tpu.memory_space<vmem>>, vector<16xf32>,
        tpu.vector_store %arg14[%swap3A_259, %swap3A_260], %mul3A_258 {strides = array<i32>} : memref<128x48xf32, #tpu.memory_space<vmem>>, vector<16xf32>,
        %mul3A_262 = arith.constant 0 : i32
        %mul3A_263 = vector.broadcast %mul3A_262 : i32 to vector<16xi32>
        %mul3A_264 = arith.muli %iota3A, %mul3A_263 : vector<16xi32>
        %add3A_265 = arith.constant 5 : i32
        %add3A_266 = vector.broadcast %add3A_265 : i32 to vector<16xi32>
        %add3A_267 = arith.addi %mul3A_264, %add3A_266 : vector<16xi32>
        %lt3A_268 = arith.constant 0 : i32
        %lt3A_269 = vector.broadcast %lt3A_268 : i32 to vector<16xi32>
        %lt3A_270 = arith.cmpi slt, %add3A_267, %lt3A_269 : vector<16xi32>
        %add3A_271 = arith.constant 16 : i32
        %add3A_272 = vector.broadcast %add3A_271 : i32 to vector<16xi32>
        %add3A_273 = arith.addi %add3A_267, %add3A_272 : vector<16xi32>
        %select_n3A_274 = arith.select %lt3A_270, %add3A_273, %add3A_267 : vector<16xi1>, vector<16xi32>
        %broadcast_in_dim3A_275 = vector.shape_cast %select_n3A_274 : vector<16xi32> to vector<16x1xi32>
        %gather3A_276 = vector.shape_cast %broadcast_in_dim3A_275 : vector<16x1xi32> to vector<16xi32>
        %gather3A_277 = tpu.dynamic_gather %exp3A[%gather3A_276] in [0] : vector<16xf32>, vector<16xi32> -> vector<16xf32>
        %add3A_278 = arith.constant 5 : i32
        %add3A_279 = arith.addi %mul3A_59, %add3A_278 : i32
        %get3A_280 = arith.index_cast %add3A_279 : i32 to index
        %get3A_281 = arith.constant 0 : index
        %get3A_282 = tpu.vector_load %arg13[%get3A_280, %get3A_281] {strides = array<i32>} : memref<128x48xf32, #tpu.memory_space<vmem>>, vector<16xf32>,
        %mul3A_283 = arith.mulf %get3A_282, %gather3A_277 : vector<16xf32>
        %swap3A_284 = arith.index_cast %add3A_279 : i32 to index
        %swap3A_285 = arith.constant 0 : index
        %swap3A_286 = tpu.vector_load %arg14[%swap3A_284, %swap3A_285] {strides = array<i32>} : memref<128x48xf32, #tpu.memory_space<vmem>>, vector<16xf32>,
        tpu.vector_store %arg14[%swap3A_284, %swap3A_285], %mul3A_283 {strides = array<i32>} : memref<128x48xf32, #tpu.memory_space<vmem>>, vector<16xf32>,
        %get3A_287 = arith.index_cast %add3A_279 : i32 to index
        %get3A_288 = arith.constant 16 : index
        %get3A_289 = tpu.vector_load %arg13[%get3A_287, %get3A_288] {strides = array<i32>} : memref<128x48xf32, #tpu.memory_space<vmem>>, vector<16xf32>,
        %mul3A_290 = arith.mulf %get3A_289, %gather3A_277 : vector<16xf32>
        %swap3A_291 = arith.index_cast %add3A_279 : i32 to index
        %swap3A_292 = arith.constant 16 : index
        %swap3A_293 = tpu.vector_load %arg14[%swap3A_291, %swap3A_292] {strides = array<i32>} : memref<128x48xf32, #tpu.memory_space<vmem>>, vector<16xf32>,
        tpu.vector_store %arg14[%swap3A_291, %swap3A_292], %mul3A_290 {strides = array<i32>} : memref<128x48xf32, #tpu.memory_space<vmem>>, vector<16xf32>,
        %get3A_294 = arith.index_cast %add3A_279 : i32 to index
        %get3A_295 = arith.constant 32 : index
        %get3A_296 = tpu.vector_load %arg13[%get3A_294, %get3A_295] {strides = array<i32>} : memref<128x48xf32, #tpu.memory_space<vmem>>, vector<16xf32>,
        %mul3A_297 = arith.mulf %get3A_296, %gather3A_277 : vector<16xf32>
        %swap3A_298 = arith.index_cast %add3A_279 : i32 to index
        %swap3A_299 = arith.constant 32 : index
        %swap3A_300 = tpu.vector_load %arg14[%swap3A_298, %swap3A_299] {strides = array<i32>} : memref<128x48xf32, #tpu.memory_space<vmem>>, vector<16xf32>,
        tpu.vector_store %arg14[%swap3A_298, %swap3A_299], %mul3A_297 {strides = array<i32>} : memref<128x48xf32, #tpu.memory_space<vmem>>, vector<16xf32>,
        %mul3A_301 = arith.constant 0 : i32
        %mul3A_302 = vector.broadcast %mul3A_301 : i32 to vector<16xi32>
        %mul3A_303 = arith.muli %iota3A, %mul3A_302 : vector<16xi32>
        %add3A_304 = arith.constant 6 : i32
        %add3A_305 = vector.broadcast %add3A_304 : i32 to vector<16xi32>
        %add3A_306 = arith.addi %mul3A_303, %add3A_305 : vector<16xi32>
        %lt3A_307 = arith.constant 0 : i32
        %lt3A_308 = vector.broadcast %lt3A_307 : i32 to vector<16xi32>
        %lt3A_309 = arith.cmpi slt, %add3A_306, %lt3A_308 : vector<16xi32>
        %add3A_310 = arith.constant 16 : i32
        %add3A_311 = vector.broadcast %add3A_310 : i32 to vector<16xi32>
        %add3A_312 = arith.addi %add3A_306, %add3A_311 : vector<16xi32>
        %select_n3A_313 = arith.select %lt3A_309, %add3A_312, %add3A_306 : vector<16xi1>, vector<16xi32>
        %broadcast_in_dim3A_314 = vector.shape_cast %select_n3A_313 : vector<16xi32> to vector<16x1xi32>
        %gather3A_315 = vector.shape_cast %broadcast_in_dim3A_314 : vector<16x1xi32> to vector<16xi32>
        %gather3A_316 = tpu.dynamic_gather %exp3A[%gather3A_315] in [0] : vector<16xf32>, vector<16xi32> -> vector<16xf32>
        %add3A_317 = arith.constant 6 : i32
        %add3A_318 = arith.addi %mul3A_59, %add3A_317 : i32
        %get3A_319 = arith.index_cast %add3A_318 : i32 to index
        %get3A_320 = arith.constant 0 : index
        %get3A_321 = tpu.vector_load %arg13[%get3A_319, %get3A_320] {strides = array<i32>} : memref<128x48xf32, #tpu.memory_space<vmem>>, vector<16xf32>,
        %mul3A_322 = arith.mulf %get3A_321, %gather3A_316 : vector<16xf32>
        %swap3A_323 = arith.index_cast %add3A_318 : i32 to index
        %swap3A_324 = arith.constant 0 : index
        %swap3A_325 = tpu.vector_load %arg14[%swap3A_323, %swap3A_324] {strides = array<i32>} : memref<128x48xf32, #tpu.memory_space<vmem>>, vector<16xf32>,
        tpu.vector_store %arg14[%swap3A_323, %swap3A_324], %mul3A_322 {strides = array<i32>} : memref<128x48xf32, #tpu.memory_space<vmem>>, vector<16xf32>,
        %get3A_326 = arith.index_cast %add3A_318 : i32 to index
        %get3A_327 = arith.constant 16 : index
        %get3A_328 = tpu.vector_load %arg13[%get3A_326, %get3A_327] {strides = array<i32>} : memref<128x48xf32, #tpu.memory_space<vmem>>, vector<16xf32>,
        %mul3A_329 = arith.mulf %get3A_328, %gather3A_316 : vector<16xf32>
        %swap3A_330 = arith.index_cast %add3A_318 : i32 to index
        %swap3A_331 = arith.constant 16 : index
        %swap3A_332 = tpu.vector_load %arg14[%swap3A_330, %swap3A_331] {strides = array<i32>} : memref<128x48xf32, #tpu.memory_space<vmem>>, vector<16xf32>,
        tpu.vector_store %arg14[%swap3A_330, %swap3A_331], %mul3A_329 {strides = array<i32>} : memref<128x48xf32, #tpu.memory_space<vmem>>, vector<16xf32>,
        %get3A_333 = arith.index_cast %add3A_318 : i32 to index
        %get3A_334 = arith.constant 32 : index
        %get3A_335 = tpu.vector_load %arg13[%get3A_333, %get3A_334] {strides = array<i32>} : memref<128x48xf32, #tpu.memory_space<vmem>>, vector<16xf32>,
        %mul3A_336 = arith.mulf %get3A_335, %gather3A_316 : vector<16xf32>
        %swap3A_337 = arith.index_cast %add3A_318 : i32 to index
        %swap3A_338 = arith.constant 32 : index
        %swap3A_339 = tpu.vector_load %arg14[%swap3A_337, %swap3A_338] {strides = array<i32>} : memref<128x48xf32, #tpu.memory_space<vmem>>, vector<16xf32>,
        tpu.vector_store %arg14[%swap3A_337, %swap3A_338], %mul3A_336 {strides = array<i32>} : memref<128x48xf32, #tpu.memory_space<vmem>>, vector<16xf32>,
        %mul3A_340 = arith.constant 0 : i32
        %mul3A_341 = vector.broadcast %mul3A_340 : i32 to vector<16xi32>
        %mul3A_342 = arith.muli %iota3A, %mul3A_341 : vector<16xi32>
        %add3A_343 = arith.constant 7 : i32
        %add3A_344 = vector.broadcast %add3A_343 : i32 to vector<16xi32>
        %add3A_345 = arith.addi %mul3A_342, %add3A_344 : vector<16xi32>
        %lt3A_346 = arith.constant 0 : i32
        %lt3A_347 = vector.broadcast %lt3A_346 : i32 to vector<16xi32>
        %lt3A_348 = arith.cmpi slt, %add3A_345, %lt3A_347 : vector<16xi32>
        %add3A_349 = arith.constant 16 : i32
        %add3A_350 = vector.broadcast %add3A_349 : i32 to vector<16xi32>
        %add3A_351 = arith.addi %add3A_345, %add3A_350 : vector<16xi32>
        %select_n3A_352 = arith.select %lt3A_348, %add3A_351, %add3A_345 : vector<16xi1>, vector<16xi32>
        %broadcast_in_dim3A_353 = vector.shape_cast %select_n3A_352 : vector<16xi32> to vector<16x1xi32>
        %gather3A_354 = vector.shape_cast %broadcast_in_dim3A_353 : vector<16x1xi32> to vector<16xi32>
        %gather3A_355 = tpu.dynamic_gather %exp3A[%gather3A_354] in [0] : vector<16xf32>, vector<16xi32> -> vector<16xf32>
        %add3A_356 = arith.constant 7 : i32
        %add3A_357 = arith.addi %mul3A_59, %add3A_356 : i32
        %get3A_358 = arith.index_cast %add3A_357 : i32 to index
        %get3A_359 = arith.constant 0 : index
        %get3A_360 = tpu.vector_load %arg13[%get3A_358, %get3A_359] {strides = array<i32>} : memref<128x48xf32, #tpu.memory_space<vmem>>, vector<16xf32>,
        %mul3A_361 = arith.mulf %get3A_360, %gather3A_355 : vector<16xf32>
        %swap3A_362 = arith.index_cast %add3A_357 : i32 to index
        %swap3A_363 = arith.constant 0 : index
        %swap3A_364 = tpu.vector_load %arg14[%swap3A_362, %swap3A_363] {strides = array<i32>} : memref<128x48xf32, #tpu.memory_space<vmem>>, vector<16xf32>,
        tpu.vector_store %arg14[%swap3A_362, %swap3A_363], %mul3A_361 {strides = array<i32>} : memref<128x48xf32, #tpu.memory_space<vmem>>, vector<16xf32>,
        %get3A_365 = arith.index_cast %add3A_357 : i32 to index
        %get3A_366 = arith.constant 16 : index
        %get3A_367 = tpu.vector_load %arg13[%get3A_365, %get3A_366] {strides = array<i32>} : memref<128x48xf32, #tpu.memory_space<vmem>>, vector<16xf32>,
        %mul3A_368 = arith.mulf %get3A_367, %gather3A_355 : vector<16xf32>
        %swap3A_369 = arith.index_cast %add3A_357 : i32 to index
        %swap3A_370 = arith.constant 16 : index
        %swap3A_371 = tpu.vector_load %arg14[%swap3A_369, %swap3A_370] {strides = array<i32>} : memref<128x48xf32, #tpu.memory_space<vmem>>, vector<16xf32>,
        tpu.vector_store %arg14[%swap3A_369, %swap3A_370], %mul3A_368 {strides = array<i32>} : memref<128x48xf32, #tpu.memory_space<vmem>>, vector<16xf32>,
        %get3A_372 = arith.index_cast %add3A_357 : i32 to index
        %get3A_373 = arith.constant 32 : index
        %get3A_374 = tpu.vector_load %arg13[%get3A_372, %get3A_373] {strides = array<i32>} : memref<128x48xf32, #tpu.memory_space<vmem>>, vector<16xf32>,
        %mul3A_375 = arith.mulf %get3A_374, %gather3A_355 : vector<16xf32>
        %swap3A_376 = arith.index_cast %add3A_357 : i32 to index
        %swap3A_377 = arith.constant 32 : index
        %swap3A_378 = tpu.vector_load %arg14[%swap3A_376, %swap3A_377] {strides = array<i32>} : memref<128x48xf32, #tpu.memory_space<vmem>>, vector<16xf32>,
        tpu.vector_store %arg14[%swap3A_376, %swap3A_377], %mul3A_375 {strides = array<i32>} : memref<128x48xf32, #tpu.memory_space<vmem>>, vector<16xf32>,
        %mul3A_379 = arith.constant 0 : i32
        %mul3A_380 = vector.broadcast %mul3A_379 : i32 to vector<16xi32>
        %mul3A_381 = arith.muli %iota3A, %mul3A_380 : vector<16xi32>
        %add3A_382 = arith.constant 8 : i32
        %add3A_383 = vector.broadcast %add3A_382 : i32 to vector<16xi32>
        %add3A_384 = arith.addi %mul3A_381, %add3A_383 : vector<16xi32>
        %lt3A_385 = arith.constant 0 : i32
        %lt3A_386 = vector.broadcast %lt3A_385 : i32 to vector<16xi32>
        %lt3A_387 = arith.cmpi slt, %add3A_384, %lt3A_386 : vector<16xi32>
        %add3A_388 = arith.constant 16 : i32
        %add3A_389 = vector.broadcast %add3A_388 : i32 to vector<16xi32>
        %add3A_390 = arith.addi %add3A_384, %add3A_389 : vector<16xi32>
        %select_n3A_391 = arith.select %lt3A_387, %add3A_390, %add3A_384 : vector<16xi1>, vector<16xi32>
        %broadcast_in_dim3A_392 = vector.shape_cast %select_n3A_391 : vector<16xi32> to vector<16x1xi32>
        %gather3A_393 = vector.shape_cast %broadcast_in_dim3A_392 : vector<16x1xi32> to vector<16xi32>
        %gather3A_394 = tpu.dynamic_gather %exp3A[%gather3A_393] in [0] : vector<16xf32>, vector<16xi32> -> vector<16xf32>
        %add3A_395 = arith.constant 8 : i32
        %add3A_396 = arith.addi %mul3A_59, %add3A_395 : i32
        %get3A_397 = arith.index_cast %add3A_396 : i32 to index
        %get3A_398 = arith.constant 0 : index
        %get3A_399 = tpu.vector_load %arg13[%get3A_397, %get3A_398] {strides = array<i32>} : memref<128x48xf32, #tpu.memory_space<vmem>>, vector<16xf32>,
        %mul3A_400 = arith.mulf %get3A_399, %gather3A_394 : vector<16xf32>
        %swap3A_401 = arith.index_cast %add3A_396 : i32 to index
        %swap3A_402 = arith.constant 0 : index
        %swap3A_403 = tpu.vector_load %arg14[%swap3A_401, %swap3A_402] {strides = array<i32>} : memref<128x48xf32, #tpu.memory_space<vmem>>, vector<16xf32>,
        tpu.vector_store %arg14[%swap3A_401, %swap3A_402], %mul3A_400 {strides = array<i32>} : memref<128x48xf32, #tpu.memory_space<vmem>>, vector<16xf32>,
        %get3A_404 = arith.index_cast %add3A_396 : i32 to index
        %get3A_405 = arith.constant 16 : index
        %get3A_406 = tpu.vector_load %arg13[%get3A_404, %get3A_405] {strides = array<i32>} : memref<128x48xf32, #tpu.memory_space<vmem>>, vector<16xf32>,
        %mul3A_407 = arith.mulf %get3A_406, %gather3A_394 : vector<16xf32>
        %swap3A_408 = arith.index_cast %add3A_396 : i32 to index
        %swap3A_409 = arith.constant 16 : index
        %swap3A_410 = tpu.vector_load %arg14[%swap3A_408, %swap3A_409] {strides = array<i32>} : memref<128x48xf32, #tpu.memory_space<vmem>>, vector<16xf32>,
        tpu.vector_store %arg14[%swap3A_408, %swap3A_409], %mul3A_407 {strides = array<i32>} : memref<128x48xf32, #tpu.memory_space<vmem>>, vector<16xf32>,
        %get3A_411 = arith.index_cast %add3A_396 : i32 to index
        %get3A_412 = arith.constant 32 : index
        %get3A_413 = tpu.vector_load %arg13[%get3A_411, %get3A_412] {strides = array<i32>} : memref<128x48xf32, #tpu.memory_space<vmem>>, vector<16xf32>,
        %mul3A_414 = arith.mulf %get3A_413, %gather3A_394 : vector<16xf32>
        %swap3A_415 = arith.index_cast %add3A_396 : i32 to index
        %swap3A_416 = arith.constant 32 : index
        %swap3A_417 = tpu.vector_load %arg14[%swap3A_415, %swap3A_416] {strides = array<i32>} : memref<128x48xf32, #tpu.memory_space<vmem>>, vector<16xf32>,
        tpu.vector_store %arg14[%swap3A_415, %swap3A_416], %mul3A_414 {strides = array<i32>} : memref<128x48xf32, #tpu.memory_space<vmem>>, vector<16xf32>,
        %mul3A_418 = arith.constant 0 : i32
        %mul3A_419 = vector.broadcast %mul3A_418 : i32 to vector<16xi32>
        %mul3A_420 = arith.muli %iota3A, %mul3A_419 : vector<16xi32>
        %add3A_421 = arith.constant 9 : i32
        %add3A_422 = vector.broadcast %add3A_421 : i32 to vector<16xi32>
        %add3A_423 = arith.addi %mul3A_420, %add3A_422 : vector<16xi32>
        %lt3A_424 = arith.constant 0 : i32
        %lt3A_425 = vector.broadcast %lt3A_424 : i32 to vector<16xi32>
        %lt3A_426 = arith.cmpi slt, %add3A_423, %lt3A_425 : vector<16xi32>
        %add3A_427 = arith.constant 16 : i32
        %add3A_428 = vector.broadcast %add3A_427 : i32 to vector<16xi32>
        %add3A_429 = arith.addi %add3A_423, %add3A_428 : vector<16xi32>
        %select_n3A_430 = arith.select %lt3A_426, %add3A_429, %add3A_423 : vector<16xi1>, vector<16xi32>
        %broadcast_in_dim3A_431 = vector.shape_cast %select_n3A_430 : vector<16xi32> to vector<16x1xi32>
        %gather3A_432 = vector.shape_cast %broadcast_in_dim3A_431 : vector<16x1xi32> to vector<16xi32>
        %gather3A_433 = tpu.dynamic_gather %exp3A[%gather3A_432] in [0] : vector<16xf32>, vector<16xi32> -> vector<16xf32>
        %add3A_434 = arith.constant 9 : i32
        %add3A_435 = arith.addi %mul3A_59, %add3A_434 : i32
        %get3A_436 = arith.index_cast %add3A_435 : i32 to index
        %get3A_437 = arith.constant 0 : index
        %get3A_438 = tpu.vector_load %arg13[%get3A_436, %get3A_437] {strides = array<i32>} : memref<128x48xf32, #tpu.memory_space<vmem>>, vector<16xf32>,
        %mul3A_439 = arith.mulf %get3A_438, %gather3A_433 : vector<16xf32>
        %swap3A_440 = arith.index_cast %add3A_435 : i32 to index
        %swap3A_441 = arith.constant 0 : index
        %swap3A_442 = tpu.vector_load %arg14[%swap3A_440, %swap3A_441] {strides = array<i32>} : memref<128x48xf32, #tpu.memory_space<vmem>>, vector<16xf32>,
        tpu.vector_store %arg14[%swap3A_440, %swap3A_441], %mul3A_439 {strides = array<i32>} : memref<128x48xf32, #tpu.memory_space<vmem>>, vector<16xf32>,
        %get3A_443 = arith.index_cast %add3A_435 : i32 to index
        %get3A_444 = arith.constant 16 : index
        %get3A_445 = tpu.vector_load %arg13[%get3A_443, %get3A_444] {strides = array<i32>} : memref<128x48xf32, #tpu.memory_space<vmem>>, vector<16xf32>,
        %mul3A_446 = arith.mulf %get3A_445, %gather3A_433 : vector<16xf32>
        %swap3A_447 = arith.index_cast %add3A_435 : i32 to index
        %swap3A_448 = arith.constant 16 : index
        %swap3A_449 = tpu.vector_load %arg14[%swap3A_447, %swap3A_448] {strides = array<i32>} : memref<128x48xf32, #tpu.memory_space<vmem>>, vector<16xf32>,
        tpu.vector_store %arg14[%swap3A_447, %swap3A_448], %mul3A_446 {strides = array<i32>} : memref<128x48xf32, #tpu.memory_space<vmem>>, vector<16xf32>,
        %get3A_450 = arith.index_cast %add3A_435 : i32 to index
        %get3A_451 = arith.constant 32 : index
        %get3A_452 = tpu.vector_load %arg13[%get3A_450, %get3A_451] {strides = array<i32>} : memref<128x48xf32, #tpu.memory_space<vmem>>, vector<16xf32>,
        %mul3A_453 = arith.mulf %get3A_452, %gather3A_433 : vector<16xf32>
        %swap3A_454 = arith.index_cast %add3A_435 : i32 to index
        %swap3A_455 = arith.constant 32 : index
        %swap3A_456 = tpu.vector_load %arg14[%swap3A_454, %swap3A_455] {strides = array<i32>} : memref<128x48xf32, #tpu.memory_space<vmem>>, vector<16xf32>,
        tpu.vector_store %arg14[%swap3A_454, %swap3A_455], %mul3A_453 {strides = array<i32>} : memref<128x48xf32, #tpu.memory_space<vmem>>, vector<16xf32>,
        %mul3A_457 = arith.constant 0 : i32
        %mul3A_458 = vector.broadcast %mul3A_457 : i32 to vector<16xi32>
        %mul3A_459 = arith.muli %iota3A, %mul3A_458 : vector<16xi32>
        %add3A_460 = arith.constant 10 : i32
        %add3A_461 = vector.broadcast %add3A_460 : i32 to vector<16xi32>
        %add3A_462 = arith.addi %mul3A_459, %add3A_461 : vector<16xi32>
        %lt3A_463 = arith.constant 0 : i32
        %lt3A_464 = vector.broadcast %lt3A_463 : i32 to vector<16xi32>
        %lt3A_465 = arith.cmpi slt, %add3A_462, %lt3A_464 : vector<16xi32>
        %add3A_466 = arith.constant 16 : i32
        %add3A_467 = vector.broadcast %add3A_466 : i32 to vector<16xi32>
        %add3A_468 = arith.addi %add3A_462, %add3A_467 : vector<16xi32>
        %select_n3A_469 = arith.select %lt3A_465, %add3A_468, %add3A_462 : vector<16xi1>, vector<16xi32>
        %broadcast_in_dim3A_470 = vector.shape_cast %select_n3A_469 : vector<16xi32> to vector<16x1xi32>
        %gather3A_471 = vector.shape_cast %broadcast_in_dim3A_470 : vector<16x1xi32> to vector<16xi32>
        %gather3A_472 = tpu.dynamic_gather %exp3A[%gather3A_471] in [0] : vector<16xf32>, vector<16xi32> -> vector<16xf32>
        %add3A_473 = arith.constant 10 : i32
        %add3A_474 = arith.addi %mul3A_59, %add3A_473 : i32
        %get3A_475 = arith.index_cast %add3A_474 : i32 to index
        %get3A_476 = arith.constant 0 : index
        %get3A_477 = tpu.vector_load %arg13[%get3A_475, %get3A_476] {strides = array<i32>} : memref<128x48xf32, #tpu.memory_space<vmem>>, vector<16xf32>,
        %mul3A_478 = arith.mulf %get3A_477, %gather3A_472 : vector<16xf32>
        %swap3A_479 = arith.index_cast %add3A_474 : i32 to index
        %swap3A_480 = arith.constant 0 : index
        %swap3A_481 = tpu.vector_load %arg14[%swap3A_479, %swap3A_480] {strides = array<i32>} : memref<128x48xf32, #tpu.memory_space<vmem>>, vector<16xf32>,
        tpu.vector_store %arg14[%swap3A_479, %swap3A_480], %mul3A_478 {strides = array<i32>} : memref<128x48xf32, #tpu.memory_space<vmem>>, vector<16xf32>,
        %get3A_482 = arith.index_cast %add3A_474 : i32 to index
        %get3A_483 = arith.constant 16 : index
        %get3A_484 = tpu.vector_load %arg13[%get3A_482, %get3A_483] {strides = array<i32>} : memref<128x48xf32, #tpu.memory_space<vmem>>, vector<16xf32>,
        %mul3A_485 = arith.mulf %get3A_484, %gather3A_472 : vector<16xf32>
        %swap3A_486 = arith.index_cast %add3A_474 : i32 to index
        %swap3A_487 = arith.constant 16 : index
        %swap3A_488 = tpu.vector_load %arg14[%swap3A_486, %swap3A_487] {strides = array<i32>} : memref<128x48xf32, #tpu.memory_space<vmem>>, vector<16xf32>,
        tpu.vector_store %arg14[%swap3A_486, %swap3A_487], %mul3A_485 {strides = array<i32>} : memref<128x48xf32, #tpu.memory_space<vmem>>, vector<16xf32>,
        %get3A_489 = arith.index_cast %add3A_474 : i32 to index
        %get3A_490 = arith.constant 32 : index
        %get3A_491 = tpu.vector_load %arg13[%get3A_489, %get3A_490] {strides = array<i32>} : memref<128x48xf32, #tpu.memory_space<vmem>>, vector<16xf32>,
        %mul3A_492 = arith.mulf %get3A_491, %gather3A_472 : vector<16xf32>
        %swap3A_493 = arith.index_cast %add3A_474 : i32 to index
        %swap3A_494 = arith.constant 32 : index
        %swap3A_495 = tpu.vector_load %arg14[%swap3A_493, %swap3A_494] {strides = array<i32>} : memref<128x48xf32, #tpu.memory_space<vmem>>, vector<16xf32>,
        tpu.vector_store %arg14[%swap3A_493, %swap3A_494], %mul3A_492 {strides = array<i32>} : memref<128x48xf32, #tpu.memory_space<vmem>>, vector<16xf32>,
        %mul3A_496 = arith.constant 0 : i32
        %mul3A_497 = vector.broadcast %mul3A_496 : i32 to vector<16xi32>
        %mul3A_498 = arith.muli %iota3A, %mul3A_497 : vector<16xi32>
        %add3A_499 = arith.constant 11 : i32
        %add3A_500 = vector.broadcast %add3A_499 : i32 to vector<16xi32>
        %add3A_501 = arith.addi %mul3A_498, %add3A_500 : vector<16xi32>
        %lt3A_502 = arith.constant 0 : i32
        %lt3A_503 = vector.broadcast %lt3A_502 : i32 to vector<16xi32>
        %lt3A_504 = arith.cmpi slt, %add3A_501, %lt3A_503 : vector<16xi32>
        %add3A_505 = arith.constant 16 : i32
        %add3A_506 = vector.broadcast %add3A_505 : i32 to vector<16xi32>
        %add3A_507 = arith.addi %add3A_501, %add3A_506 : vector<16xi32>
        %select_n3A_508 = arith.select %lt3A_504, %add3A_507, %add3A_501 : vector<16xi1>, vector<16xi32>
        %broadcast_in_dim3A_509 = vector.shape_cast %select_n3A_508 : vector<16xi32> to vector<16x1xi32>
        %gather3A_510 = vector.shape_cast %broadcast_in_dim3A_509 : vector<16x1xi32> to vector<16xi32>
        %gather3A_511 = tpu.dynamic_gather %exp3A[%gather3A_510] in [0] : vector<16xf32>, vector<16xi32> -> vector<16xf32>
        %add3A_512 = arith.constant 11 : i32
        %add3A_513 = arith.addi %mul3A_59, %add3A_512 : i32
        %get3A_514 = arith.index_cast %add3A_513 : i32 to index
        %get3A_515 = arith.constant 0 : index
        %get3A_516 = tpu.vector_load %arg13[%get3A_514, %get3A_515] {strides = array<i32>} : memref<128x48xf32, #tpu.memory_space<vmem>>, vector<16xf32>,
        %mul3A_517 = arith.mulf %get3A_516, %gather3A_511 : vector<16xf32>
        %swap3A_518 = arith.index_cast %add3A_513 : i32 to index
        %swap3A_519 = arith.constant 0 : index
        %swap3A_520 = tpu.vector_load %arg14[%swap3A_518, %swap3A_519] {strides = array<i32>} : memref<128x48xf32, #tpu.memory_space<vmem>>, vector<16xf32>,
        tpu.vector_store %arg14[%swap3A_518, %swap3A_519], %mul3A_517 {strides = array<i32>} : memref<128x48xf32, #tpu.memory_space<vmem>>, vector<16xf32>,
        %get3A_521 = arith.index_cast %add3A_513 : i32 to index
        %get3A_522 = arith.constant 16 : index
        %get3A_523 = tpu.vector_load %arg13[%get3A_521, %get3A_522] {strides = array<i32>} : memref<128x48xf32, #tpu.memory_space<vmem>>, vector<16xf32>,
        %mul3A_524 = arith.mulf %get3A_523, %gather3A_511 : vector<16xf32>
        %swap3A_525 = arith.index_cast %add3A_513 : i32 to index
        %swap3A_526 = arith.constant 16 : index
        %swap3A_527 = tpu.vector_load %arg14[%swap3A_525, %swap3A_526] {strides = array<i32>} : memref<128x48xf32, #tpu.memory_space<vmem>>, vector<16xf32>,
        tpu.vector_store %arg14[%swap3A_525, %swap3A_526], %mul3A_524 {strides = array<i32>} : memref<128x48xf32, #tpu.memory_space<vmem>>, vector<16xf32>,
        %get3A_528 = arith.index_cast %add3A_513 : i32 to index
        %get3A_529 = arith.constant 32 : index
        %get3A_530 = tpu.vector_load %arg13[%get3A_528, %get3A_529] {strides = array<i32>} : memref<128x48xf32, #tpu.memory_space<vmem>>, vector<16xf32>,
        %mul3A_531 = arith.mulf %get3A_530, %gather3A_511 : vector<16xf32>
        %swap3A_532 = arith.index_cast %add3A_513 : i32 to index
        %swap3A_533 = arith.constant 32 : index
        %swap3A_534 = tpu.vector_load %arg14[%swap3A_532, %swap3A_533] {strides = array<i32>} : memref<128x48xf32, #tpu.memory_space<vmem>>, vector<16xf32>,
        tpu.vector_store %arg14[%swap3A_532, %swap3A_533], %mul3A_531 {strides = array<i32>} : memref<128x48xf32, #tpu.memory_space<vmem>>, vector<16xf32>,
        %mul3A_535 = arith.constant 0 : i32
        %mul3A_536 = vector.broadcast %mul3A_535 : i32 to vector<16xi32>
        %mul3A_537 = arith.muli %iota3A, %mul3A_536 : vector<16xi32>
        %add3A_538 = arith.constant 12 : i32
        %add3A_539 = vector.broadcast %add3A_538 : i32 to vector<16xi32>
        %add3A_540 = arith.addi %mul3A_537, %add3A_539 : vector<16xi32>
        %lt3A_541 = arith.constant 0 : i32
        %lt3A_542 = vector.broadcast %lt3A_541 : i32 to vector<16xi32>
        %lt3A_543 = arith.cmpi slt, %add3A_540, %lt3A_542 : vector<16xi32>
        %add3A_544 = arith.constant 16 : i32
        %add3A_545 = vector.broadcast %add3A_544 : i32 to vector<16xi32>
        %add3A_546 = arith.addi %add3A_540, %add3A_545 : vector<16xi32>
        %select_n3A_547 = arith.select %lt3A_543, %add3A_546, %add3A_540 : vector<16xi1>, vector<16xi32>
        %broadcast_in_dim3A_548 = vector.shape_cast %select_n3A_547 : vector<16xi32> to vector<16x1xi32>
        %gather3A_549 = vector.shape_cast %broadcast_in_dim3A_548 : vector<16x1xi32> to vector<16xi32>
        %gather3A_550 = tpu.dynamic_gather %exp3A[%gather3A_549] in [0] : vector<16xf32>, vector<16xi32> -> vector<16xf32>
        %add3A_551 = arith.constant 12 : i32
        %add3A_552 = arith.addi %mul3A_59, %add3A_551 : i32
        %get3A_553 = arith.index_cast %add3A_552 : i32 to index
        %get3A_554 = arith.constant 0 : index
        %get3A_555 = tpu.vector_load %arg13[%get3A_553, %get3A_554] {strides = array<i32>} : memref<128x48xf32, #tpu.memory_space<vmem>>, vector<16xf32>,
        %mul3A_556 = arith.mulf %get3A_555, %gather3A_550 : vector<16xf32>
        %swap3A_557 = arith.index_cast %add3A_552 : i32 to index
        %swap3A_558 = arith.constant 0 : index
        %swap3A_559 = tpu.vector_load %arg14[%swap3A_557, %swap3A_558] {strides = array<i32>} : memref<128x48xf32, #tpu.memory_space<vmem>>, vector<16xf32>,
        tpu.vector_store %arg14[%swap3A_557, %swap3A_558], %mul3A_556 {strides = array<i32>} : memref<128x48xf32, #tpu.memory_space<vmem>>, vector<16xf32>,
        %get3A_560 = arith.index_cast %add3A_552 : i32 to index
        %get3A_561 = arith.constant 16 : index
        %get3A_562 = tpu.vector_load %arg13[%get3A_560, %get3A_561] {strides = array<i32>} : memref<128x48xf32, #tpu.memory_space<vmem>>, vector<16xf32>,
        %mul3A_563 = arith.mulf %get3A_562, %gather3A_550 : vector<16xf32>
        %swap3A_564 = arith.index_cast %add3A_552 : i32 to index
        %swap3A_565 = arith.constant 16 : index
        %swap3A_566 = tpu.vector_load %arg14[%swap3A_564, %swap3A_565] {strides = array<i32>} : memref<128x48xf32, #tpu.memory_space<vmem>>, vector<16xf32>,
        tpu.vector_store %arg14[%swap3A_564, %swap3A_565], %mul3A_563 {strides = array<i32>} : memref<128x48xf32, #tpu.memory_space<vmem>>, vector<16xf32>,
        %get3A_567 = arith.index_cast %add3A_552 : i32 to index
        %get3A_568 = arith.constant 32 : index
        %get3A_569 = tpu.vector_load %arg13[%get3A_567, %get3A_568] {strides = array<i32>} : memref<128x48xf32, #tpu.memory_space<vmem>>, vector<16xf32>,
        %mul3A_570 = arith.mulf %get3A_569, %gather3A_550 : vector<16xf32>
        %swap3A_571 = arith.index_cast %add3A_552 : i32 to index
        %swap3A_572 = arith.constant 32 : index
        %swap3A_573 = tpu.vector_load %arg14[%swap3A_571, %swap3A_572] {strides = array<i32>} : memref<128x48xf32, #tpu.memory_space<vmem>>, vector<16xf32>,
        tpu.vector_store %arg14[%swap3A_571, %swap3A_572], %mul3A_570 {strides = array<i32>} : memref<128x48xf32, #tpu.memory_space<vmem>>, vector<16xf32>,
        %mul3A_574 = arith.constant 0 : i32
        %mul3A_575 = vector.broadcast %mul3A_574 : i32 to vector<16xi32>
        %mul3A_576 = arith.muli %iota3A, %mul3A_575 : vector<16xi32>
        %add3A_577 = arith.constant 13 : i32
        %add3A_578 = vector.broadcast %add3A_577 : i32 to vector<16xi32>
        %add3A_579 = arith.addi %mul3A_576, %add3A_578 : vector<16xi32>
        %lt3A_580 = arith.constant 0 : i32
        %lt3A_581 = vector.broadcast %lt3A_580 : i32 to vector<16xi32>
        %lt3A_582 = arith.cmpi slt, %add3A_579, %lt3A_581 : vector<16xi32>
        %add3A_583 = arith.constant 16 : i32
        %add3A_584 = vector.broadcast %add3A_583 : i32 to vector<16xi32>
        %add3A_585 = arith.addi %add3A_579, %add3A_584 : vector<16xi32>
        %select_n3A_586 = arith.select %lt3A_582, %add3A_585, %add3A_579 : vector<16xi1>, vector<16xi32>
        %broadcast_in_dim3A_587 = vector.shape_cast %select_n3A_586 : vector<16xi32> to vector<16x1xi32>
        %gather3A_588 = vector.shape_cast %broadcast_in_dim3A_587 : vector<16x1xi32> to vector<16xi32>
        %gather3A_589 = tpu.dynamic_gather %exp3A[%gather3A_588] in [0] : vector<16xf32>, vector<16xi32> -> vector<16xf32>
        %add3A_590 = arith.constant 13 : i32
        %add3A_591 = arith.addi %mul3A_59, %add3A_590 : i32
        %get3A_592 = arith.index_cast %add3A_591 : i32 to index
        %get3A_593 = arith.constant 0 : index
        %get3A_594 = tpu.vector_load %arg13[%get3A_592, %get3A_593] {strides = array<i32>} : memref<128x48xf32, #tpu.memory_space<vmem>>, vector<16xf32>,
        %mul3A_595 = arith.mulf %get3A_594, %gather3A_589 : vector<16xf32>
        %swap3A_596 = arith.index_cast %add3A_591 : i32 to index
        %swap3A_597 = arith.constant 0 : index
        %swap3A_598 = tpu.vector_load %arg14[%swap3A_596, %swap3A_597] {strides = array<i32>} : memref<128x48xf32, #tpu.memory_space<vmem>>, vector<16xf32>,
        tpu.vector_store %arg14[%swap3A_596, %swap3A_597], %mul3A_595 {strides = array<i32>} : memref<128x48xf32, #tpu.memory_space<vmem>>, vector<16xf32>,
        %get3A_599 = arith.index_cast %add3A_591 : i32 to index
        %get3A_600 = arith.constant 16 : index
        %get3A_601 = tpu.vector_load %arg13[%get3A_599, %get3A_600] {strides = array<i32>} : memref<128x48xf32, #tpu.memory_space<vmem>>, vector<16xf32>,
        %mul3A_602 = arith.mulf %get3A_601, %gather3A_589 : vector<16xf32>
        %swap3A_603 = arith.index_cast %add3A_591 : i32 to index
        %swap3A_604 = arith.constant 16 : index
        %swap3A_605 = tpu.vector_load %arg14[%swap3A_603, %swap3A_604] {strides = array<i32>} : memref<128x48xf32, #tpu.memory_space<vmem>>, vector<16xf32>,
        tpu.vector_store %arg14[%swap3A_603, %swap3A_604], %mul3A_602 {strides = array<i32>} : memref<128x48xf32, #tpu.memory_space<vmem>>, vector<16xf32>,
        %get3A_606 = arith.index_cast %add3A_591 : i32 to index
        %get3A_607 = arith.constant 32 : index
        %get3A_608 = tpu.vector_load %arg13[%get3A_606, %get3A_607] {strides = array<i32>} : memref<128x48xf32, #tpu.memory_space<vmem>>, vector<16xf32>,
        %mul3A_609 = arith.mulf %get3A_608, %gather3A_589 : vector<16xf32>
        %swap3A_610 = arith.index_cast %add3A_591 : i32 to index
        %swap3A_611 = arith.constant 32 : index
        %swap3A_612 = tpu.vector_load %arg14[%swap3A_610, %swap3A_611] {strides = array<i32>} : memref<128x48xf32, #tpu.memory_space<vmem>>, vector<16xf32>,
        tpu.vector_store %arg14[%swap3A_610, %swap3A_611], %mul3A_609 {strides = array<i32>} : memref<128x48xf32, #tpu.memory_space<vmem>>, vector<16xf32>,
        %mul3A_613 = arith.constant 0 : i32
        %mul3A_614 = vector.broadcast %mul3A_613 : i32 to vector<16xi32>
        %mul3A_615 = arith.muli %iota3A, %mul3A_614 : vector<16xi32>
        %add3A_616 = arith.constant 14 : i32
        %add3A_617 = vector.broadcast %add3A_616 : i32 to vector<16xi32>
        %add3A_618 = arith.addi %mul3A_615, %add3A_617 : vector<16xi32>
        %lt3A_619 = arith.constant 0 : i32
        %lt3A_620 = vector.broadcast %lt3A_619 : i32 to vector<16xi32>
        %lt3A_621 = arith.cmpi slt, %add3A_618, %lt3A_620 : vector<16xi32>
        %add3A_622 = arith.constant 16 : i32
        %add3A_623 = vector.broadcast %add3A_622 : i32 to vector<16xi32>
        %add3A_624 = arith.addi %add3A_618, %add3A_623 : vector<16xi32>
        %select_n3A_625 = arith.select %lt3A_621, %add3A_624, %add3A_618 : vector<16xi1>, vector<16xi32>
        %broadcast_in_dim3A_626 = vector.shape_cast %select_n3A_625 : vector<16xi32> to vector<16x1xi32>
        %gather3A_627 = vector.shape_cast %broadcast_in_dim3A_626 : vector<16x1xi32> to vector<16xi32>
        %gather3A_628 = tpu.dynamic_gather %exp3A[%gather3A_627] in [0] : vector<16xf32>, vector<16xi32> -> vector<16xf32>
        %add3A_629 = arith.constant 14 : i32
        %add3A_630 = arith.addi %mul3A_59, %add3A_629 : i32
        %get3A_631 = arith.index_cast %add3A_630 : i32 to index
        %get3A_632 = arith.constant 0 : index
        %get3A_633 = tpu.vector_load %arg13[%get3A_631, %get3A_632] {strides = array<i32>} : memref<128x48xf32, #tpu.memory_space<vmem>>, vector<16xf32>,
        %mul3A_634 = arith.mulf %get3A_633, %gather3A_628 : vector<16xf32>
        %swap3A_635 = arith.index_cast %add3A_630 : i32 to index
        %swap3A_636 = arith.constant 0 : index
        %swap3A_637 = tpu.vector_load %arg14[%swap3A_635, %swap3A_636] {strides = array<i32>} : memref<128x48xf32, #tpu.memory_space<vmem>>, vector<16xf32>,
        tpu.vector_store %arg14[%swap3A_635, %swap3A_636], %mul3A_634 {strides = array<i32>} : memref<128x48xf32, #tpu.memory_space<vmem>>, vector<16xf32>,
        %get3A_638 = arith.index_cast %add3A_630 : i32 to index
        %get3A_639 = arith.constant 16 : index
        %get3A_640 = tpu.vector_load %arg13[%get3A_638, %get3A_639] {strides = array<i32>} : memref<128x48xf32, #tpu.memory_space<vmem>>, vector<16xf32>,
        %mul3A_641 = arith.mulf %get3A_640, %gather3A_628 : vector<16xf32>
        %swap3A_642 = arith.index_cast %add3A_630 : i32 to index
        %swap3A_643 = arith.constant 16 : index
        %swap3A_644 = tpu.vector_load %arg14[%swap3A_642, %swap3A_643] {strides = array<i32>} : memref<128x48xf32, #tpu.memory_space<vmem>>, vector<16xf32>,
        tpu.vector_store %arg14[%swap3A_642, %swap3A_643], %mul3A_641 {strides = array<i32>} : memref<128x48xf32, #tpu.memory_space<vmem>>, vector<16xf32>,
        %get3A_645 = arith.index_cast %add3A_630 : i32 to index
        %get3A_646 = arith.constant 32 : index
        %get3A_647 = tpu.vector_load %arg13[%get3A_645, %get3A_646] {strides = array<i32>} : memref<128x48xf32, #tpu.memory_space<vmem>>, vector<16xf32>,
        %mul3A_648 = arith.mulf %get3A_647, %gather3A_628 : vector<16xf32>
        %swap3A_649 = arith.index_cast %add3A_630 : i32 to index
        %swap3A_650 = arith.constant 32 : index
        %swap3A_651 = tpu.vector_load %arg14[%swap3A_649, %swap3A_650] {strides = array<i32>} : memref<128x48xf32, #tpu.memory_space<vmem>>, vector<16xf32>,
        tpu.vector_store %arg14[%swap3A_649, %swap3A_650], %mul3A_648 {strides = array<i32>} : memref<128x48xf32, #tpu.memory_space<vmem>>, vector<16xf32>,
        %mul3A_652 = arith.constant 0 : i32
        %mul3A_653 = vector.broadcast %mul3A_652 : i32 to vector<16xi32>
        %mul3A_654 = arith.muli %iota3A, %mul3A_653 : vector<16xi32>
        %add3A_655 = arith.constant 15 : i32
        %add3A_656 = vector.broadcast %add3A_655 : i32 to vector<16xi32>
        %add3A_657 = arith.addi %mul3A_654, %add3A_656 : vector<16xi32>
        %lt3A_658 = arith.constant 0 : i32
        %lt3A_659 = vector.broadcast %lt3A_658 : i32 to vector<16xi32>
        %lt3A_660 = arith.cmpi slt, %add3A_657, %lt3A_659 : vector<16xi32>
        %add3A_661 = arith.constant 16 : i32
        %add3A_662 = vector.broadcast %add3A_661 : i32 to vector<16xi32>
        %add3A_663 = arith.addi %add3A_657, %add3A_662 : vector<16xi32>
        %select_n3A_664 = arith.select %lt3A_660, %add3A_663, %add3A_657 : vector<16xi1>, vector<16xi32>
        %broadcast_in_dim3A_665 = vector.shape_cast %select_n3A_664 : vector<16xi32> to vector<16x1xi32>
        %gather3A_666 = vector.shape_cast %broadcast_in_dim3A_665 : vector<16x1xi32> to vector<16xi32>
        %gather3A_667 = tpu.dynamic_gather %exp3A[%gather3A_666] in [0] : vector<16xf32>, vector<16xi32> -> vector<16xf32>
        %add3A_668 = arith.constant 15 : i32
        %add3A_669 = arith.addi %mul3A_59, %add3A_668 : i32
        %get3A_670 = arith.index_cast %add3A_669 : i32 to index
        %get3A_671 = arith.constant 0 : index
        %get3A_672 = tpu.vector_load %arg13[%get3A_670, %get3A_671] {strides = array<i32>} : memref<128x48xf32, #tpu.memory_space<vmem>>, vector<16xf32>,
        %mul3A_673 = arith.mulf %get3A_672, %gather3A_667 : vector<16xf32>
        %swap3A_674 = arith.index_cast %add3A_669 : i32 to index
        %swap3A_675 = arith.constant 0 : index
        %swap3A_676 = tpu.vector_load %arg14[%swap3A_674, %swap3A_675] {strides = array<i32>} : memref<128x48xf32, #tpu.memory_space<vmem>>, vector<16xf32>,
        tpu.vector_store %arg14[%swap3A_674, %swap3A_675], %mul3A_673 {strides = array<i32>} : memref<128x48xf32, #tpu.memory_space<vmem>>, vector<16xf32>,
        %get3A_677 = arith.index_cast %add3A_669 : i32 to index
        %get3A_678 = arith.constant 16 : index
        %get3A_679 = tpu.vector_load %arg13[%get3A_677, %get3A_678] {strides = array<i32>} : memref<128x48xf32, #tpu.memory_space<vmem>>, vector<16xf32>,
        %mul3A_680 = arith.mulf %get3A_679, %gather3A_667 : vector<16xf32>
        %swap3A_681 = arith.index_cast %add3A_669 : i32 to index
        %swap3A_682 = arith.constant 16 : index
        %swap3A_683 = tpu.vector_load %arg14[%swap3A_681, %swap3A_682] {strides = array<i32>} : memref<128x48xf32, #tpu.memory_space<vmem>>, vector<16xf32>,
        tpu.vector_store %arg14[%swap3A_681, %swap3A_682], %mul3A_680 {strides = array<i32>} : memref<128x48xf32, #tpu.memory_space<vmem>>, vector<16xf32>,
        %get3A_684 = arith.index_cast %add3A_669 : i32 to index
        %get3A_685 = arith.constant 32 : index
        %get3A_686 = tpu.vector_load %arg13[%get3A_684, %get3A_685] {strides = array<i32>} : memref<128x48xf32, #tpu.memory_space<vmem>>, vector<16xf32>,
        %mul3A_687 = arith.mulf %get3A_686, %gather3A_667 : vector<16xf32>
        %swap3A_688 = arith.index_cast %add3A_669 : i32 to index
        %swap3A_689 = arith.constant 32 : index
        %swap3A_690 = tpu.vector_load %arg14[%swap3A_688, %swap3A_689] {strides = array<i32>} : memref<128x48xf32, #tpu.memory_space<vmem>>, vector<16xf32>,
        tpu.vector_store %arg14[%swap3A_688, %swap3A_689], %mul3A_687 {strides = array<i32>} : memref<128x48xf32, #tpu.memory_space<vmem>>, vector<16xf32>,
      }
      %scan3A_52 = arith.constant 8 : i32
      "tpu.region"() ({
        %run_scoped3A = tpu.sem_alloc : memref<!tpu.dma_semaphore, #tpu.memory_space<semaphore_mem>>
        %dma_start3A_53 = arith.constant 0 : i32
        %dma_start3A_54 = arith.constant 0 : i32
        %dma_start3A_55 = tpu.memref_slice %arg8[%dma_start3A_53, %dma_start3A_54] : memref<1024x48xf32, #tpu.memory_space<vmem_shared>> -> memref<1024x48xf32, #tpu.memory_space<vmem_shared>>
        tpu.enqueue_indirect_dma source(%arg14 : memref<128x48xf32, #tpu.memory_space<vmem>>) target(%dma_start3A_55 : memref<1024x48xf32, #tpu.memory_space<vmem_shared>>) offsets(%arg12 : memref<128xi32, #tpu.memory_space<vmem>>) semaphore(%run_scoped3A : memref<!tpu.dma_semaphore, #tpu.memory_space<semaphore_mem>>) {add = true}
        %dma_wait3A_56 = arith.constant 0 : i32
        %dma_wait3A_57 = arith.constant 0 : i32
        %dma_wait3A_58 = tpu.memref_slice %arg8[%dma_wait3A_56, %dma_wait3A_57] : memref<1024x48xf32, #tpu.memory_space<vmem_shared>> -> memref<1024x48xf32, #tpu.memory_space<vmem_shared>>
        tpu.wait_indirect_dma semaphore(%run_scoped3A : memref<!tpu.dma_semaphore, #tpu.memory_space<semaphore_mem>>) src(%arg14 : memref<128x48xf32, #tpu.memory_space<vmem>>) dst(%dma_wait3A_58 : memref<1024x48xf32, #tpu.memory_space<vmem_shared>>)
        tpu.yield
      }) : () -> ()
    }
    %while3A_34 = arith.constant 1 : i32
    scf.for %while3A_36 = %while3A_32 to %while3A_28 step %while3A_34  : i32 {
      %mul3A_37 = arith.muli %while3A_36, %while3A : i32
      %add3A_38 = arith.addi %while3A_25, %mul3A_37 : i32
      %mul3A_39 = arith.constant 32 : i32
      %mul3A_40 = arith.muli %mul3A_39, %add3A_38 : i32
      %add3A_41 = arith.addi %add3A, %mul3A_40 : i32
      %mul3A_42 = arith.constant 128 : i32
      %mul3A_43 = arith.muli %add3A_41, %mul3A_42 : i32
      "tpu.region"() ({
        %run_scoped3A = tpu.sem_alloc : memref<!tpu.dma_semaphore, #tpu.memory_space<semaphore_mem>>
        %dma_start3A_53 = tpu.memref_slice %arg5[%mul3A_43] : memref<32000xi32, #tpu.memory_space<hbm>> -> memref<128xi32, #tpu.memory_space<hbm>>
        %dma_start3A_54 = tpu.memref_slice %arg5[%mul3A_43] : memref<32000xi32, #tpu.memory_space<hbm>> -> memref<128xi32, #tpu.memory_space<hbm>>
        tpu.enqueue_dma source(%dma_start3A_54 : memref<128xi32, #tpu.memory_space<hbm>>) target(%arg11 : memref<128xi32, #tpu.memory_space<vmem>>) target_semaphore(%run_scoped3A : memref<!tpu.dma_semaphore, #tpu.memory_space<semaphore_mem>>)
        %dma_wait3A_55 = tpu.memref_slice %arg5[%mul3A_43] : memref<32000xi32, #tpu.memory_space<hbm>> -> memref<128xi32, #tpu.memory_space<hbm>>
        %dma_wait3A_56 = tpu.memref_slice %arg5[%mul3A_43] : memref<32000xi32, #tpu.memory_space<hbm>> -> memref<128xi32, #tpu.memory_space<hbm>>
        tpu.wait_dma2 semaphore(%run_scoped3A : memref<!tpu.dma_semaphore, #tpu.memory_space<semaphore_mem>>) src(%dma_wait3A_56 : memref<128xi32, #tpu.memory_space<hbm>>) dst(%arg11 : memref<128xi32, #tpu.memory_space<vmem>>)
        tpu.yield
      }) : () -> ()
      "tpu.region"() ({
        %run_scoped3A = tpu.sem_alloc : memref<!tpu.dma_semaphore, #tpu.memory_space<semaphore_mem>>
        %dma_start3A_53 = tpu.memref_slice %arg6[%mul3A_43] : memref<32000xi32, #tpu.memory_space<hbm>> -> memref<128xi32, #tpu.memory_space<hbm>>
        %dma_start3A_54 = tpu.memref_slice %arg6[%mul3A_43] : memref<32000xi32, #tpu.memory_space<hbm>> -> memref<128xi32, #tpu.memory_space<hbm>>
        tpu.enqueue_dma source(%dma_start3A_54 : memref<128xi32, #tpu.memory_space<hbm>>) target(%arg12 : memref<128xi32, #tpu.memory_space<vmem>>) target_semaphore(%run_scoped3A : memref<!tpu.dma_semaphore, #tpu.memory_space<semaphore_mem>>)
        %dma_wait3A_55 = tpu.memref_slice %arg6[%mul3A_43] : memref<32000xi32, #tpu.memory_space<hbm>> -> memref<128xi32, #tpu.memory_space<hbm>>
        %dma_wait3A_56 = tpu.memref_slice %arg6[%mul3A_43] : memref<32000xi32, #tpu.memory_space<hbm>> -> memref<128xi32, #tpu.memory_space<hbm>>
        tpu.wait_dma2 semaphore(%run_scoped3A : memref<!tpu.dma_semaphore, #tpu.memory_space<semaphore_mem>>) src(%dma_wait3A_56 : memref<128xi32, #tpu.memory_space<hbm>>) dst(%arg12 : memref<128xi32, #tpu.memory_space<vmem>>)
        tpu.yield
      }) : () -> ()
      %dma_start3A = arith.constant 0 : i32
      %dma_start3A_44 = arith.constant 0 : i32
      %dma_start3A_45 = tpu.memref_slice %arg2[%dma_start3A, %dma_start3A_44] : memref<1024x48xf32, #tpu.memory_space<hbm>> -> memref<1024x48xf32, #tpu.memory_space<hbm>>
      tpu.enqueue_indirect_dma source(%dma_start3A_45 : memref<1024x48xf32, #tpu.memory_space<hbm>>) target(%arg13 : memref<128x48xf32, #tpu.memory_space<vmem>>) offsets(%arg11 : memref<128xi32, #tpu.memory_space<vmem>>) semaphore(%arg15 : memref<!tpu.dma_semaphore, #tpu.memory_space<semaphore_mem>>)
      %dma_wait3A = arith.constant 0 : i32
      %dma_wait3A_46 = arith.constant 0 : i32
      %dma_wait3A_47 = tpu.memref_slice %arg2[%dma_wait3A, %dma_wait3A_46] : memref<1024x48xf32, #tpu.memory_space<hbm>> -> memref<1024x48xf32, #tpu.memory_space<hbm>>
      tpu.wait_indirect_dma semaphore(%arg15 : memref<!tpu.dma_semaphore, #tpu.memory_space<semaphore_mem>>) src(%dma_wait3A_47 : memref<1024x48xf32, #tpu.memory_space<hbm>>) dst(%arg13 : memref<128x48xf32, #tpu.memory_space<vmem>>)
      %scan3A_48 = arith.constant 0 : i32
      %scan3A_49 = arith.constant 8 : i32
      %scan3A_50 = arith.addi %scan3A_48, %scan3A_49 : i32
      %scan3A_51 = arith.constant 1 : i32
      scf.for %scan3A_53 = %scan3A_48 to %scan3A_50 step %scan3A_51  : i32 {
        %mul3A_54 = arith.constant 1 : i32
        %mul3A_55 = arith.muli %scan3A_53, %mul3A_54 : i32
        %add3A_56 = arith.constant 0 : i32
        %add3A_57 = arith.addi %add3A_56, %mul3A_55 : i32
        %mul3A_58 = arith.constant 16 : i32
        %mul3A_59 = arith.muli %add3A_57, %mul3A_58 : i32
        %add3A_60 = vector.broadcast %mul3A_59 : i32 to vector<16xi32>
        %add3A_61 = arith.addi %iota3A, %add3A_60 : vector<16xi32>
        %gather3A = tpu.vector_load_idx %arg12[%add3A_61] : memref<128xi32, #tpu.memory_space<vmem>>[vector<16xi32>], vector<16xi32>,
        %gather3A_62 = tpu.vector_load_idx %arg13[%add3A_61, %add3A_6] : memref<128x48xf32, #tpu.memory_space<vmem>>[vector<16xi32>, vector<16xi32>], vector<16xf32>,
        %gather3A_63 = tpu.vector_load_idx %arg9[%gather3A] : memref<1024xf32, #tpu.memory_space<vmem>>[vector<16xi32>], vector<16xf32>,
        %add3A_64 = arith.addf %gather3A_62, %gather3A_63 : vector<16xf32>
        %mul3A_65 = arith.constant 2.000000e-01 : f32
        %mul3A_66 = vector.broadcast %mul3A_65 : f32 to vector<16xf32>
        %mul3A_67 = arith.mulf %mul3A_66, %add3A_64 : vector<16xf32>
        %max3A = arith.maximumf %add3A_64, %mul3A_67 : vector<16xf32>
        %sub3A_68 = arith.subf %max3A, %get3A_10 : vector<16xf32>
        %exp3A = math.exp %sub3A_68 : vector<16xf32>
        %mul3A_69 = arith.constant 0 : i32
        %mul3A_70 = vector.broadcast %mul3A_69 : i32 to vector<16xi32>
        %mul3A_71 = arith.muli %iota3A, %mul3A_70 : vector<16xi32>
        %add3A_72 = arith.constant 0 : i32
        %add3A_73 = vector.broadcast %add3A_72 : i32 to vector<16xi32>
        %add3A_74 = arith.addi %mul3A_71, %add3A_73 : vector<16xi32>
        %lt3A_75 = arith.constant 0 : i32
        %lt3A_76 = vector.broadcast %lt3A_75 : i32 to vector<16xi32>
        %lt3A_77 = arith.cmpi slt, %add3A_74, %lt3A_76 : vector<16xi32>
        %add3A_78 = arith.constant 16 : i32
        %add3A_79 = vector.broadcast %add3A_78 : i32 to vector<16xi32>
        %add3A_80 = arith.addi %add3A_74, %add3A_79 : vector<16xi32>
        %select_n3A_81 = arith.select %lt3A_77, %add3A_80, %add3A_74 : vector<16xi1>, vector<16xi32>
        %broadcast_in_dim3A = vector.shape_cast %select_n3A_81 : vector<16xi32> to vector<16x1xi32>
        %gather3A_82 = vector.shape_cast %broadcast_in_dim3A : vector<16x1xi32> to vector<16xi32>
        %gather3A_83 = tpu.dynamic_gather %exp3A[%gather3A_82] in [0] : vector<16xf32>, vector<16xi32> -> vector<16xf32>
        %add3A_84 = arith.constant 0 : i32
        %add3A_85 = arith.addi %mul3A_59, %add3A_84 : i32
        %get3A_86 = arith.index_cast %add3A_85 : i32 to index
        %get3A_87 = arith.constant 0 : index
        %get3A_88 = tpu.vector_load %arg13[%get3A_86, %get3A_87] {strides = array<i32>} : memref<128x48xf32, #tpu.memory_space<vmem>>, vector<16xf32>,
        %mul3A_89 = arith.mulf %get3A_88, %gather3A_83 : vector<16xf32>
        %swap3A = arith.index_cast %add3A_85 : i32 to index
        %swap3A_90 = arith.constant 0 : index
        %swap3A_91 = tpu.vector_load %arg14[%swap3A, %swap3A_90] {strides = array<i32>} : memref<128x48xf32, #tpu.memory_space<vmem>>, vector<16xf32>,
        tpu.vector_store %arg14[%swap3A, %swap3A_90], %mul3A_89 {strides = array<i32>} : memref<128x48xf32, #tpu.memory_space<vmem>>, vector<16xf32>,
        %get3A_92 = arith.index_cast %add3A_85 : i32 to index
        %get3A_93 = arith.constant 16 : index
        %get3A_94 = tpu.vector_load %arg13[%get3A_92, %get3A_93] {strides = array<i32>} : memref<128x48xf32, #tpu.memory_space<vmem>>, vector<16xf32>,
        %mul3A_95 = arith.mulf %get3A_94, %gather3A_83 : vector<16xf32>
        %swap3A_96 = arith.index_cast %add3A_85 : i32 to index
        %swap3A_97 = arith.constant 16 : index
        %swap3A_98 = tpu.vector_load %arg14[%swap3A_96, %swap3A_97] {strides = array<i32>} : memref<128x48xf32, #tpu.memory_space<vmem>>, vector<16xf32>,
        tpu.vector_store %arg14[%swap3A_96, %swap3A_97], %mul3A_95 {strides = array<i32>} : memref<128x48xf32, #tpu.memory_space<vmem>>, vector<16xf32>,
        %get3A_99 = arith.index_cast %add3A_85 : i32 to index
        %get3A_100 = arith.constant 32 : index
        %get3A_101 = tpu.vector_load %arg13[%get3A_99, %get3A_100] {strides = array<i32>} : memref<128x48xf32, #tpu.memory_space<vmem>>, vector<16xf32>,
        %mul3A_102 = arith.mulf %get3A_101, %gather3A_83 : vector<16xf32>
        %swap3A_103 = arith.index_cast %add3A_85 : i32 to index
        %swap3A_104 = arith.constant 32 : index
        %swap3A_105 = tpu.vector_load %arg14[%swap3A_103, %swap3A_104] {strides = array<i32>} : memref<128x48xf32, #tpu.memory_space<vmem>>, vector<16xf32>,
        tpu.vector_store %arg14[%swap3A_103, %swap3A_104], %mul3A_102 {strides = array<i32>} : memref<128x48xf32, #tpu.memory_space<vmem>>, vector<16xf32>,
        %mul3A_106 = arith.constant 0 : i32
        %mul3A_107 = vector.broadcast %mul3A_106 : i32 to vector<16xi32>
        %mul3A_108 = arith.muli %iota3A, %mul3A_107 : vector<16xi32>
        %add3A_109 = arith.constant 1 : i32
        %add3A_110 = vector.broadcast %add3A_109 : i32 to vector<16xi32>
        %add3A_111 = arith.addi %mul3A_108, %add3A_110 : vector<16xi32>
        %lt3A_112 = arith.constant 0 : i32
        %lt3A_113 = vector.broadcast %lt3A_112 : i32 to vector<16xi32>
        %lt3A_114 = arith.cmpi slt, %add3A_111, %lt3A_113 : vector<16xi32>
        %add3A_115 = arith.constant 16 : i32
        %add3A_116 = vector.broadcast %add3A_115 : i32 to vector<16xi32>
        %add3A_117 = arith.addi %add3A_111, %add3A_116 : vector<16xi32>
        %select_n3A_118 = arith.select %lt3A_114, %add3A_117, %add3A_111 : vector<16xi1>, vector<16xi32>
        %broadcast_in_dim3A_119 = vector.shape_cast %select_n3A_118 : vector<16xi32> to vector<16x1xi32>
        %gather3A_120 = vector.shape_cast %broadcast_in_dim3A_119 : vector<16x1xi32> to vector<16xi32>
        %gather3A_121 = tpu.dynamic_gather %exp3A[%gather3A_120] in [0] : vector<16xf32>, vector<16xi32> -> vector<16xf32>
        %add3A_122 = arith.constant 1 : i32
        %add3A_123 = arith.addi %mul3A_59, %add3A_122 : i32
        %get3A_124 = arith.index_cast %add3A_123 : i32 to index
        %get3A_125 = arith.constant 0 : index
        %get3A_126 = tpu.vector_load %arg13[%get3A_124, %get3A_125] {strides = array<i32>} : memref<128x48xf32, #tpu.memory_space<vmem>>, vector<16xf32>,
        %mul3A_127 = arith.mulf %get3A_126, %gather3A_121 : vector<16xf32>
        %swap3A_128 = arith.index_cast %add3A_123 : i32 to index
        %swap3A_129 = arith.constant 0 : index
        %swap3A_130 = tpu.vector_load %arg14[%swap3A_128, %swap3A_129] {strides = array<i32>} : memref<128x48xf32, #tpu.memory_space<vmem>>, vector<16xf32>,
        tpu.vector_store %arg14[%swap3A_128, %swap3A_129], %mul3A_127 {strides = array<i32>} : memref<128x48xf32, #tpu.memory_space<vmem>>, vector<16xf32>,
        %get3A_131 = arith.index_cast %add3A_123 : i32 to index
        %get3A_132 = arith.constant 16 : index
        %get3A_133 = tpu.vector_load %arg13[%get3A_131, %get3A_132] {strides = array<i32>} : memref<128x48xf32, #tpu.memory_space<vmem>>, vector<16xf32>,
        %mul3A_134 = arith.mulf %get3A_133, %gather3A_121 : vector<16xf32>
        %swap3A_135 = arith.index_cast %add3A_123 : i32 to index
        %swap3A_136 = arith.constant 16 : index
        %swap3A_137 = tpu.vector_load %arg14[%swap3A_135, %swap3A_136] {strides = array<i32>} : memref<128x48xf32, #tpu.memory_space<vmem>>, vector<16xf32>,
        tpu.vector_store %arg14[%swap3A_135, %swap3A_136], %mul3A_134 {strides = array<i32>} : memref<128x48xf32, #tpu.memory_space<vmem>>, vector<16xf32>,
        %get3A_138 = arith.index_cast %add3A_123 : i32 to index
        %get3A_139 = arith.constant 32 : index
        %get3A_140 = tpu.vector_load %arg13[%get3A_138, %get3A_139] {strides = array<i32>} : memref<128x48xf32, #tpu.memory_space<vmem>>, vector<16xf32>,
        %mul3A_141 = arith.mulf %get3A_140, %gather3A_121 : vector<16xf32>
        %swap3A_142 = arith.index_cast %add3A_123 : i32 to index
        %swap3A_143 = arith.constant 32 : index
        %swap3A_144 = tpu.vector_load %arg14[%swap3A_142, %swap3A_143] {strides = array<i32>} : memref<128x48xf32, #tpu.memory_space<vmem>>, vector<16xf32>,
        tpu.vector_store %arg14[%swap3A_142, %swap3A_143], %mul3A_141 {strides = array<i32>} : memref<128x48xf32, #tpu.memory_space<vmem>>, vector<16xf32>,
        %mul3A_145 = arith.constant 0 : i32
        %mul3A_146 = vector.broadcast %mul3A_145 : i32 to vector<16xi32>
        %mul3A_147 = arith.muli %iota3A, %mul3A_146 : vector<16xi32>
        %add3A_148 = arith.constant 2 : i32
        %add3A_149 = vector.broadcast %add3A_148 : i32 to vector<16xi32>
        %add3A_150 = arith.addi %mul3A_147, %add3A_149 : vector<16xi32>
        %lt3A_151 = arith.constant 0 : i32
        %lt3A_152 = vector.broadcast %lt3A_151 : i32 to vector<16xi32>
        %lt3A_153 = arith.cmpi slt, %add3A_150, %lt3A_152 : vector<16xi32>
        %add3A_154 = arith.constant 16 : i32
        %add3A_155 = vector.broadcast %add3A_154 : i32 to vector<16xi32>
        %add3A_156 = arith.addi %add3A_150, %add3A_155 : vector<16xi32>
        %select_n3A_157 = arith.select %lt3A_153, %add3A_156, %add3A_150 : vector<16xi1>, vector<16xi32>
        %broadcast_in_dim3A_158 = vector.shape_cast %select_n3A_157 : vector<16xi32> to vector<16x1xi32>
        %gather3A_159 = vector.shape_cast %broadcast_in_dim3A_158 : vector<16x1xi32> to vector<16xi32>
        %gather3A_160 = tpu.dynamic_gather %exp3A[%gather3A_159] in [0] : vector<16xf32>, vector<16xi32> -> vector<16xf32>
        %add3A_161 = arith.constant 2 : i32
        %add3A_162 = arith.addi %mul3A_59, %add3A_161 : i32
        %get3A_163 = arith.index_cast %add3A_162 : i32 to index
        %get3A_164 = arith.constant 0 : index
        %get3A_165 = tpu.vector_load %arg13[%get3A_163, %get3A_164] {strides = array<i32>} : memref<128x48xf32, #tpu.memory_space<vmem>>, vector<16xf32>,
        %mul3A_166 = arith.mulf %get3A_165, %gather3A_160 : vector<16xf32>
        %swap3A_167 = arith.index_cast %add3A_162 : i32 to index
        %swap3A_168 = arith.constant 0 : index
        %swap3A_169 = tpu.vector_load %arg14[%swap3A_167, %swap3A_168] {strides = array<i32>} : memref<128x48xf32, #tpu.memory_space<vmem>>, vector<16xf32>,
        tpu.vector_store %arg14[%swap3A_167, %swap3A_168], %mul3A_166 {strides = array<i32>} : memref<128x48xf32, #tpu.memory_space<vmem>>, vector<16xf32>,
        %get3A_170 = arith.index_cast %add3A_162 : i32 to index
        %get3A_171 = arith.constant 16 : index
        %get3A_172 = tpu.vector_load %arg13[%get3A_170, %get3A_171] {strides = array<i32>} : memref<128x48xf32, #tpu.memory_space<vmem>>, vector<16xf32>,
        %mul3A_173 = arith.mulf %get3A_172, %gather3A_160 : vector<16xf32>
        %swap3A_174 = arith.index_cast %add3A_162 : i32 to index
        %swap3A_175 = arith.constant 16 : index
        %swap3A_176 = tpu.vector_load %arg14[%swap3A_174, %swap3A_175] {strides = array<i32>} : memref<128x48xf32, #tpu.memory_space<vmem>>, vector<16xf32>,
        tpu.vector_store %arg14[%swap3A_174, %swap3A_175], %mul3A_173 {strides = array<i32>} : memref<128x48xf32, #tpu.memory_space<vmem>>, vector<16xf32>,
        %get3A_177 = arith.index_cast %add3A_162 : i32 to index
        %get3A_178 = arith.constant 32 : index
        %get3A_179 = tpu.vector_load %arg13[%get3A_177, %get3A_178] {strides = array<i32>} : memref<128x48xf32, #tpu.memory_space<vmem>>, vector<16xf32>,
        %mul3A_180 = arith.mulf %get3A_179, %gather3A_160 : vector<16xf32>
        %swap3A_181 = arith.index_cast %add3A_162 : i32 to index
        %swap3A_182 = arith.constant 32 : index
        %swap3A_183 = tpu.vector_load %arg14[%swap3A_181, %swap3A_182] {strides = array<i32>} : memref<128x48xf32, #tpu.memory_space<vmem>>, vector<16xf32>,
        tpu.vector_store %arg14[%swap3A_181, %swap3A_182], %mul3A_180 {strides = array<i32>} : memref<128x48xf32, #tpu.memory_space<vmem>>, vector<16xf32>,
        %mul3A_184 = arith.constant 0 : i32
        %mul3A_185 = vector.broadcast %mul3A_184 : i32 to vector<16xi32>
        %mul3A_186 = arith.muli %iota3A, %mul3A_185 : vector<16xi32>
        %add3A_187 = arith.constant 3 : i32
        %add3A_188 = vector.broadcast %add3A_187 : i32 to vector<16xi32>
        %add3A_189 = arith.addi %mul3A_186, %add3A_188 : vector<16xi32>
        %lt3A_190 = arith.constant 0 : i32
        %lt3A_191 = vector.broadcast %lt3A_190 : i32 to vector<16xi32>
        %lt3A_192 = arith.cmpi slt, %add3A_189, %lt3A_191 : vector<16xi32>
        %add3A_193 = arith.constant 16 : i32
        %add3A_194 = vector.broadcast %add3A_193 : i32 to vector<16xi32>
        %add3A_195 = arith.addi %add3A_189, %add3A_194 : vector<16xi32>
        %select_n3A_196 = arith.select %lt3A_192, %add3A_195, %add3A_189 : vector<16xi1>, vector<16xi32>
        %broadcast_in_dim3A_197 = vector.shape_cast %select_n3A_196 : vector<16xi32> to vector<16x1xi32>
        %gather3A_198 = vector.shape_cast %broadcast_in_dim3A_197 : vector<16x1xi32> to vector<16xi32>
        %gather3A_199 = tpu.dynamic_gather %exp3A[%gather3A_198] in [0] : vector<16xf32>, vector<16xi32> -> vector<16xf32>
        %add3A_200 = arith.constant 3 : i32
        %add3A_201 = arith.addi %mul3A_59, %add3A_200 : i32
        %get3A_202 = arith.index_cast %add3A_201 : i32 to index
        %get3A_203 = arith.constant 0 : index
        %get3A_204 = tpu.vector_load %arg13[%get3A_202, %get3A_203] {strides = array<i32>} : memref<128x48xf32, #tpu.memory_space<vmem>>, vector<16xf32>,
        %mul3A_205 = arith.mulf %get3A_204, %gather3A_199 : vector<16xf32>
        %swap3A_206 = arith.index_cast %add3A_201 : i32 to index
        %swap3A_207 = arith.constant 0 : index
        %swap3A_208 = tpu.vector_load %arg14[%swap3A_206, %swap3A_207] {strides = array<i32>} : memref<128x48xf32, #tpu.memory_space<vmem>>, vector<16xf32>,
        tpu.vector_store %arg14[%swap3A_206, %swap3A_207], %mul3A_205 {strides = array<i32>} : memref<128x48xf32, #tpu.memory_space<vmem>>, vector<16xf32>,
        %get3A_209 = arith.index_cast %add3A_201 : i32 to index
        %get3A_210 = arith.constant 16 : index
        %get3A_211 = tpu.vector_load %arg13[%get3A_209, %get3A_210] {strides = array<i32>} : memref<128x48xf32, #tpu.memory_space<vmem>>, vector<16xf32>,
        %mul3A_212 = arith.mulf %get3A_211, %gather3A_199 : vector<16xf32>
        %swap3A_213 = arith.index_cast %add3A_201 : i32 to index
        %swap3A_214 = arith.constant 16 : index
        %swap3A_215 = tpu.vector_load %arg14[%swap3A_213, %swap3A_214] {strides = array<i32>} : memref<128x48xf32, #tpu.memory_space<vmem>>, vector<16xf32>,
        tpu.vector_store %arg14[%swap3A_213, %swap3A_214], %mul3A_212 {strides = array<i32>} : memref<128x48xf32, #tpu.memory_space<vmem>>, vector<16xf32>,
        %get3A_216 = arith.index_cast %add3A_201 : i32 to index
        %get3A_217 = arith.constant 32 : index
        %get3A_218 = tpu.vector_load %arg13[%get3A_216, %get3A_217] {strides = array<i32>} : memref<128x48xf32, #tpu.memory_space<vmem>>, vector<16xf32>,
        %mul3A_219 = arith.mulf %get3A_218, %gather3A_199 : vector<16xf32>
        %swap3A_220 = arith.index_cast %add3A_201 : i32 to index
        %swap3A_221 = arith.constant 32 : index
        %swap3A_222 = tpu.vector_load %arg14[%swap3A_220, %swap3A_221] {strides = array<i32>} : memref<128x48xf32, #tpu.memory_space<vmem>>, vector<16xf32>,
        tpu.vector_store %arg14[%swap3A_220, %swap3A_221], %mul3A_219 {strides = array<i32>} : memref<128x48xf32, #tpu.memory_space<vmem>>, vector<16xf32>,
        %mul3A_223 = arith.constant 0 : i32
        %mul3A_224 = vector.broadcast %mul3A_223 : i32 to vector<16xi32>
        %mul3A_225 = arith.muli %iota3A, %mul3A_224 : vector<16xi32>
        %add3A_226 = arith.constant 4 : i32
        %add3A_227 = vector.broadcast %add3A_226 : i32 to vector<16xi32>
        %add3A_228 = arith.addi %mul3A_225, %add3A_227 : vector<16xi32>
        %lt3A_229 = arith.constant 0 : i32
        %lt3A_230 = vector.broadcast %lt3A_229 : i32 to vector<16xi32>
        %lt3A_231 = arith.cmpi slt, %add3A_228, %lt3A_230 : vector<16xi32>
        %add3A_232 = arith.constant 16 : i32
        %add3A_233 = vector.broadcast %add3A_232 : i32 to vector<16xi32>
        %add3A_234 = arith.addi %add3A_228, %add3A_233 : vector<16xi32>
        %select_n3A_235 = arith.select %lt3A_231, %add3A_234, %add3A_228 : vector<16xi1>, vector<16xi32>
        %broadcast_in_dim3A_236 = vector.shape_cast %select_n3A_235 : vector<16xi32> to vector<16x1xi32>
        %gather3A_237 = vector.shape_cast %broadcast_in_dim3A_236 : vector<16x1xi32> to vector<16xi32>
        %gather3A_238 = tpu.dynamic_gather %exp3A[%gather3A_237] in [0] : vector<16xf32>, vector<16xi32> -> vector<16xf32>
        %add3A_239 = arith.constant 4 : i32
        %add3A_240 = arith.addi %mul3A_59, %add3A_239 : i32
        %get3A_241 = arith.index_cast %add3A_240 : i32 to index
        %get3A_242 = arith.constant 0 : index
        %get3A_243 = tpu.vector_load %arg13[%get3A_241, %get3A_242] {strides = array<i32>} : memref<128x48xf32, #tpu.memory_space<vmem>>, vector<16xf32>,
        %mul3A_244 = arith.mulf %get3A_243, %gather3A_238 : vector<16xf32>
        %swap3A_245 = arith.index_cast %add3A_240 : i32 to index
        %swap3A_246 = arith.constant 0 : index
        %swap3A_247 = tpu.vector_load %arg14[%swap3A_245, %swap3A_246] {strides = array<i32>} : memref<128x48xf32, #tpu.memory_space<vmem>>, vector<16xf32>,
        tpu.vector_store %arg14[%swap3A_245, %swap3A_246], %mul3A_244 {strides = array<i32>} : memref<128x48xf32, #tpu.memory_space<vmem>>, vector<16xf32>,
        %get3A_248 = arith.index_cast %add3A_240 : i32 to index
        %get3A_249 = arith.constant 16 : index
        %get3A_250 = tpu.vector_load %arg13[%get3A_248, %get3A_249] {strides = array<i32>} : memref<128x48xf32, #tpu.memory_space<vmem>>, vector<16xf32>,
        %mul3A_251 = arith.mulf %get3A_250, %gather3A_238 : vector<16xf32>
        %swap3A_252 = arith.index_cast %add3A_240 : i32 to index
        %swap3A_253 = arith.constant 16 : index
        %swap3A_254 = tpu.vector_load %arg14[%swap3A_252, %swap3A_253] {strides = array<i32>} : memref<128x48xf32, #tpu.memory_space<vmem>>, vector<16xf32>,
        tpu.vector_store %arg14[%swap3A_252, %swap3A_253], %mul3A_251 {strides = array<i32>} : memref<128x48xf32, #tpu.memory_space<vmem>>, vector<16xf32>,
        %get3A_255 = arith.index_cast %add3A_240 : i32 to index
        %get3A_256 = arith.constant 32 : index
        %get3A_257 = tpu.vector_load %arg13[%get3A_255, %get3A_256] {strides = array<i32>} : memref<128x48xf32, #tpu.memory_space<vmem>>, vector<16xf32>,
        %mul3A_258 = arith.mulf %get3A_257, %gather3A_238 : vector<16xf32>
        %swap3A_259 = arith.index_cast %add3A_240 : i32 to index
        %swap3A_260 = arith.constant 32 : index
        %swap3A_261 = tpu.vector_load %arg14[%swap3A_259, %swap3A_260] {strides = array<i32>} : memref<128x48xf32, #tpu.memory_space<vmem>>, vector<16xf32>,
        tpu.vector_store %arg14[%swap3A_259, %swap3A_260], %mul3A_258 {strides = array<i32>} : memref<128x48xf32, #tpu.memory_space<vmem>>, vector<16xf32>,
        %mul3A_262 = arith.constant 0 : i32
        %mul3A_263 = vector.broadcast %mul3A_262 : i32 to vector<16xi32>
        %mul3A_264 = arith.muli %iota3A, %mul3A_263 : vector<16xi32>
        %add3A_265 = arith.constant 5 : i32
        %add3A_266 = vector.broadcast %add3A_265 : i32 to vector<16xi32>
        %add3A_267 = arith.addi %mul3A_264, %add3A_266 : vector<16xi32>
        %lt3A_268 = arith.constant 0 : i32
        %lt3A_269 = vector.broadcast %lt3A_268 : i32 to vector<16xi32>
        %lt3A_270 = arith.cmpi slt, %add3A_267, %lt3A_269 : vector<16xi32>
        %add3A_271 = arith.constant 16 : i32
        %add3A_272 = vector.broadcast %add3A_271 : i32 to vector<16xi32>
        %add3A_273 = arith.addi %add3A_267, %add3A_272 : vector<16xi32>
        %select_n3A_274 = arith.select %lt3A_270, %add3A_273, %add3A_267 : vector<16xi1>, vector<16xi32>
        %broadcast_in_dim3A_275 = vector.shape_cast %select_n3A_274 : vector<16xi32> to vector<16x1xi32>
        %gather3A_276 = vector.shape_cast %broadcast_in_dim3A_275 : vector<16x1xi32> to vector<16xi32>
        %gather3A_277 = tpu.dynamic_gather %exp3A[%gather3A_276] in [0] : vector<16xf32>, vector<16xi32> -> vector<16xf32>
        %add3A_278 = arith.constant 5 : i32
        %add3A_279 = arith.addi %mul3A_59, %add3A_278 : i32
        %get3A_280 = arith.index_cast %add3A_279 : i32 to index
        %get3A_281 = arith.constant 0 : index
        %get3A_282 = tpu.vector_load %arg13[%get3A_280, %get3A_281] {strides = array<i32>} : memref<128x48xf32, #tpu.memory_space<vmem>>, vector<16xf32>,
        %mul3A_283 = arith.mulf %get3A_282, %gather3A_277 : vector<16xf32>
        %swap3A_284 = arith.index_cast %add3A_279 : i32 to index
        %swap3A_285 = arith.constant 0 : index
        %swap3A_286 = tpu.vector_load %arg14[%swap3A_284, %swap3A_285] {strides = array<i32>} : memref<128x48xf32, #tpu.memory_space<vmem>>, vector<16xf32>,
        tpu.vector_store %arg14[%swap3A_284, %swap3A_285], %mul3A_283 {strides = array<i32>} : memref<128x48xf32, #tpu.memory_space<vmem>>, vector<16xf32>,
        %get3A_287 = arith.index_cast %add3A_279 : i32 to index
        %get3A_288 = arith.constant 16 : index
        %get3A_289 = tpu.vector_load %arg13[%get3A_287, %get3A_288] {strides = array<i32>} : memref<128x48xf32, #tpu.memory_space<vmem>>, vector<16xf32>,
        %mul3A_290 = arith.mulf %get3A_289, %gather3A_277 : vector<16xf32>
        %swap3A_291 = arith.index_cast %add3A_279 : i32 to index
        %swap3A_292 = arith.constant 16 : index
        %swap3A_293 = tpu.vector_load %arg14[%swap3A_291, %swap3A_292] {strides = array<i32>} : memref<128x48xf32, #tpu.memory_space<vmem>>, vector<16xf32>,
        tpu.vector_store %arg14[%swap3A_291, %swap3A_292], %mul3A_290 {strides = array<i32>} : memref<128x48xf32, #tpu.memory_space<vmem>>, vector<16xf32>,
        %get3A_294 = arith.index_cast %add3A_279 : i32 to index
        %get3A_295 = arith.constant 32 : index
        %get3A_296 = tpu.vector_load %arg13[%get3A_294, %get3A_295] {strides = array<i32>} : memref<128x48xf32, #tpu.memory_space<vmem>>, vector<16xf32>,
        %mul3A_297 = arith.mulf %get3A_296, %gather3A_277 : vector<16xf32>
        %swap3A_298 = arith.index_cast %add3A_279 : i32 to index
        %swap3A_299 = arith.constant 32 : index
        %swap3A_300 = tpu.vector_load %arg14[%swap3A_298, %swap3A_299] {strides = array<i32>} : memref<128x48xf32, #tpu.memory_space<vmem>>, vector<16xf32>,
        tpu.vector_store %arg14[%swap3A_298, %swap3A_299], %mul3A_297 {strides = array<i32>} : memref<128x48xf32, #tpu.memory_space<vmem>>, vector<16xf32>,
        %mul3A_301 = arith.constant 0 : i32
        %mul3A_302 = vector.broadcast %mul3A_301 : i32 to vector<16xi32>
        %mul3A_303 = arith.muli %iota3A, %mul3A_302 : vector<16xi32>
        %add3A_304 = arith.constant 6 : i32
        %add3A_305 = vector.broadcast %add3A_304 : i32 to vector<16xi32>
        %add3A_306 = arith.addi %mul3A_303, %add3A_305 : vector<16xi32>
        %lt3A_307 = arith.constant 0 : i32
        %lt3A_308 = vector.broadcast %lt3A_307 : i32 to vector<16xi32>
        %lt3A_309 = arith.cmpi slt, %add3A_306, %lt3A_308 : vector<16xi32>
        %add3A_310 = arith.constant 16 : i32
        %add3A_311 = vector.broadcast %add3A_310 : i32 to vector<16xi32>
        %add3A_312 = arith.addi %add3A_306, %add3A_311 : vector<16xi32>
        %select_n3A_313 = arith.select %lt3A_309, %add3A_312, %add3A_306 : vector<16xi1>, vector<16xi32>
        %broadcast_in_dim3A_314 = vector.shape_cast %select_n3A_313 : vector<16xi32> to vector<16x1xi32>
        %gather3A_315 = vector.shape_cast %broadcast_in_dim3A_314 : vector<16x1xi32> to vector<16xi32>
        %gather3A_316 = tpu.dynamic_gather %exp3A[%gather3A_315] in [0] : vector<16xf32>, vector<16xi32> -> vector<16xf32>
        %add3A_317 = arith.constant 6 : i32
        %add3A_318 = arith.addi %mul3A_59, %add3A_317 : i32
        %get3A_319 = arith.index_cast %add3A_318 : i32 to index
        %get3A_320 = arith.constant 0 : index
        %get3A_321 = tpu.vector_load %arg13[%get3A_319, %get3A_320] {strides = array<i32>} : memref<128x48xf32, #tpu.memory_space<vmem>>, vector<16xf32>,
        %mul3A_322 = arith.mulf %get3A_321, %gather3A_316 : vector<16xf32>
        %swap3A_323 = arith.index_cast %add3A_318 : i32 to index
        %swap3A_324 = arith.constant 0 : index
        %swap3A_325 = tpu.vector_load %arg14[%swap3A_323, %swap3A_324] {strides = array<i32>} : memref<128x48xf32, #tpu.memory_space<vmem>>, vector<16xf32>,
        tpu.vector_store %arg14[%swap3A_323, %swap3A_324], %mul3A_322 {strides = array<i32>} : memref<128x48xf32, #tpu.memory_space<vmem>>, vector<16xf32>,
        %get3A_326 = arith.index_cast %add3A_318 : i32 to index
        %get3A_327 = arith.constant 16 : index
        %get3A_328 = tpu.vector_load %arg13[%get3A_326, %get3A_327] {strides = array<i32>} : memref<128x48xf32, #tpu.memory_space<vmem>>, vector<16xf32>,
        %mul3A_329 = arith.mulf %get3A_328, %gather3A_316 : vector<16xf32>
        %swap3A_330 = arith.index_cast %add3A_318 : i32 to index
        %swap3A_331 = arith.constant 16 : index
        %swap3A_332 = tpu.vector_load %arg14[%swap3A_330, %swap3A_331] {strides = array<i32>} : memref<128x48xf32, #tpu.memory_space<vmem>>, vector<16xf32>,
        tpu.vector_store %arg14[%swap3A_330, %swap3A_331], %mul3A_329 {strides = array<i32>} : memref<128x48xf32, #tpu.memory_space<vmem>>, vector<16xf32>,
        %get3A_333 = arith.index_cast %add3A_318 : i32 to index
        %get3A_334 = arith.constant 32 : index
        %get3A_335 = tpu.vector_load %arg13[%get3A_333, %get3A_334] {strides = array<i32>} : memref<128x48xf32, #tpu.memory_space<vmem>>, vector<16xf32>,
        %mul3A_336 = arith.mulf %get3A_335, %gather3A_316 : vector<16xf32>
        %swap3A_337 = arith.index_cast %add3A_318 : i32 to index
        %swap3A_338 = arith.constant 32 : index
        %swap3A_339 = tpu.vector_load %arg14[%swap3A_337, %swap3A_338] {strides = array<i32>} : memref<128x48xf32, #tpu.memory_space<vmem>>, vector<16xf32>,
        tpu.vector_store %arg14[%swap3A_337, %swap3A_338], %mul3A_336 {strides = array<i32>} : memref<128x48xf32, #tpu.memory_space<vmem>>, vector<16xf32>,
        %mul3A_340 = arith.constant 0 : i32
        %mul3A_341 = vector.broadcast %mul3A_340 : i32 to vector<16xi32>
        %mul3A_342 = arith.muli %iota3A, %mul3A_341 : vector<16xi32>
        %add3A_343 = arith.constant 7 : i32
        %add3A_344 = vector.broadcast %add3A_343 : i32 to vector<16xi32>
        %add3A_345 = arith.addi %mul3A_342, %add3A_344 : vector<16xi32>
        %lt3A_346 = arith.constant 0 : i32
        %lt3A_347 = vector.broadcast %lt3A_346 : i32 to vector<16xi32>
        %lt3A_348 = arith.cmpi slt, %add3A_345, %lt3A_347 : vector<16xi32>
        %add3A_349 = arith.constant 16 : i32
        %add3A_350 = vector.broadcast %add3A_349 : i32 to vector<16xi32>
        %add3A_351 = arith.addi %add3A_345, %add3A_350 : vector<16xi32>
        %select_n3A_352 = arith.select %lt3A_348, %add3A_351, %add3A_345 : vector<16xi1>, vector<16xi32>
        %broadcast_in_dim3A_353 = vector.shape_cast %select_n3A_352 : vector<16xi32> to vector<16x1xi32>
        %gather3A_354 = vector.shape_cast %broadcast_in_dim3A_353 : vector<16x1xi32> to vector<16xi32>
        %gather3A_355 = tpu.dynamic_gather %exp3A[%gather3A_354] in [0] : vector<16xf32>, vector<16xi32> -> vector<16xf32>
        %add3A_356 = arith.constant 7 : i32
        %add3A_357 = arith.addi %mul3A_59, %add3A_356 : i32
        %get3A_358 = arith.index_cast %add3A_357 : i32 to index
        %get3A_359 = arith.constant 0 : index
        %get3A_360 = tpu.vector_load %arg13[%get3A_358, %get3A_359] {strides = array<i32>} : memref<128x48xf32, #tpu.memory_space<vmem>>, vector<16xf32>,
        %mul3A_361 = arith.mulf %get3A_360, %gather3A_355 : vector<16xf32>
        %swap3A_362 = arith.index_cast %add3A_357 : i32 to index
        %swap3A_363 = arith.constant 0 : index
        %swap3A_364 = tpu.vector_load %arg14[%swap3A_362, %swap3A_363] {strides = array<i32>} : memref<128x48xf32, #tpu.memory_space<vmem>>, vector<16xf32>,
        tpu.vector_store %arg14[%swap3A_362, %swap3A_363], %mul3A_361 {strides = array<i32>} : memref<128x48xf32, #tpu.memory_space<vmem>>, vector<16xf32>,
        %get3A_365 = arith.index_cast %add3A_357 : i32 to index
        %get3A_366 = arith.constant 16 : index
        %get3A_367 = tpu.vector_load %arg13[%get3A_365, %get3A_366] {strides = array<i32>} : memref<128x48xf32, #tpu.memory_space<vmem>>, vector<16xf32>,
        %mul3A_368 = arith.mulf %get3A_367, %gather3A_355 : vector<16xf32>
        %swap3A_369 = arith.index_cast %add3A_357 : i32 to index
        %swap3A_370 = arith.constant 16 : index
        %swap3A_371 = tpu.vector_load %arg14[%swap3A_369, %swap3A_370] {strides = array<i32>} : memref<128x48xf32, #tpu.memory_space<vmem>>, vector<16xf32>,
        tpu.vector_store %arg14[%swap3A_369, %swap3A_370], %mul3A_368 {strides = array<i32>} : memref<128x48xf32, #tpu.memory_space<vmem>>, vector<16xf32>,
        %get3A_372 = arith.index_cast %add3A_357 : i32 to index
        %get3A_373 = arith.constant 32 : index
        %get3A_374 = tpu.vector_load %arg13[%get3A_372, %get3A_373] {strides = array<i32>} : memref<128x48xf32, #tpu.memory_space<vmem>>, vector<16xf32>,
        %mul3A_375 = arith.mulf %get3A_374, %gather3A_355 : vector<16xf32>
        %swap3A_376 = arith.index_cast %add3A_357 : i32 to index
        %swap3A_377 = arith.constant 32 : index
        %swap3A_378 = tpu.vector_load %arg14[%swap3A_376, %swap3A_377] {strides = array<i32>} : memref<128x48xf32, #tpu.memory_space<vmem>>, vector<16xf32>,
        tpu.vector_store %arg14[%swap3A_376, %swap3A_377], %mul3A_375 {strides = array<i32>} : memref<128x48xf32, #tpu.memory_space<vmem>>, vector<16xf32>,
        %mul3A_379 = arith.constant 0 : i32
        %mul3A_380 = vector.broadcast %mul3A_379 : i32 to vector<16xi32>
        %mul3A_381 = arith.muli %iota3A, %mul3A_380 : vector<16xi32>
        %add3A_382 = arith.constant 8 : i32
        %add3A_383 = vector.broadcast %add3A_382 : i32 to vector<16xi32>
        %add3A_384 = arith.addi %mul3A_381, %add3A_383 : vector<16xi32>
        %lt3A_385 = arith.constant 0 : i32
        %lt3A_386 = vector.broadcast %lt3A_385 : i32 to vector<16xi32>
        %lt3A_387 = arith.cmpi slt, %add3A_384, %lt3A_386 : vector<16xi32>
        %add3A_388 = arith.constant 16 : i32
        %add3A_389 = vector.broadcast %add3A_388 : i32 to vector<16xi32>
        %add3A_390 = arith.addi %add3A_384, %add3A_389 : vector<16xi32>
        %select_n3A_391 = arith.select %lt3A_387, %add3A_390, %add3A_384 : vector<16xi1>, vector<16xi32>
        %broadcast_in_dim3A_392 = vector.shape_cast %select_n3A_391 : vector<16xi32> to vector<16x1xi32>
        %gather3A_393 = vector.shape_cast %broadcast_in_dim3A_392 : vector<16x1xi32> to vector<16xi32>
        %gather3A_394 = tpu.dynamic_gather %exp3A[%gather3A_393] in [0] : vector<16xf32>, vector<16xi32> -> vector<16xf32>
        %add3A_395 = arith.constant 8 : i32
        %add3A_396 = arith.addi %mul3A_59, %add3A_395 : i32
        %get3A_397 = arith.index_cast %add3A_396 : i32 to index
        %get3A_398 = arith.constant 0 : index
        %get3A_399 = tpu.vector_load %arg13[%get3A_397, %get3A_398] {strides = array<i32>} : memref<128x48xf32, #tpu.memory_space<vmem>>, vector<16xf32>,
        %mul3A_400 = arith.mulf %get3A_399, %gather3A_394 : vector<16xf32>
        %swap3A_401 = arith.index_cast %add3A_396 : i32 to index
        %swap3A_402 = arith.constant 0 : index
        %swap3A_403 = tpu.vector_load %arg14[%swap3A_401, %swap3A_402] {strides = array<i32>} : memref<128x48xf32, #tpu.memory_space<vmem>>, vector<16xf32>,
        tpu.vector_store %arg14[%swap3A_401, %swap3A_402], %mul3A_400 {strides = array<i32>} : memref<128x48xf32, #tpu.memory_space<vmem>>, vector<16xf32>,
        %get3A_404 = arith.index_cast %add3A_396 : i32 to index
        %get3A_405 = arith.constant 16 : index
        %get3A_406 = tpu.vector_load %arg13[%get3A_404, %get3A_405] {strides = array<i32>} : memref<128x48xf32, #tpu.memory_space<vmem>>, vector<16xf32>,
        %mul3A_407 = arith.mulf %get3A_406, %gather3A_394 : vector<16xf32>
        %swap3A_408 = arith.index_cast %add3A_396 : i32 to index
        %swap3A_409 = arith.constant 16 : index
        %swap3A_410 = tpu.vector_load %arg14[%swap3A_408, %swap3A_409] {strides = array<i32>} : memref<128x48xf32, #tpu.memory_space<vmem>>, vector<16xf32>,
        tpu.vector_store %arg14[%swap3A_408, %swap3A_409], %mul3A_407 {strides = array<i32>} : memref<128x48xf32, #tpu.memory_space<vmem>>, vector<16xf32>,
        %get3A_411 = arith.index_cast %add3A_396 : i32 to index
        %get3A_412 = arith.constant 32 : index
        %get3A_413 = tpu.vector_load %arg13[%get3A_411, %get3A_412] {strides = array<i32>} : memref<128x48xf32, #tpu.memory_space<vmem>>, vector<16xf32>,
        %mul3A_414 = arith.mulf %get3A_413, %gather3A_394 : vector<16xf32>
        %swap3A_415 = arith.index_cast %add3A_396 : i32 to index
        %swap3A_416 = arith.constant 32 : index
        %swap3A_417 = tpu.vector_load %arg14[%swap3A_415, %swap3A_416] {strides = array<i32>} : memref<128x48xf32, #tpu.memory_space<vmem>>, vector<16xf32>,
        tpu.vector_store %arg14[%swap3A_415, %swap3A_416], %mul3A_414 {strides = array<i32>} : memref<128x48xf32, #tpu.memory_space<vmem>>, vector<16xf32>,
        %mul3A_418 = arith.constant 0 : i32
        %mul3A_419 = vector.broadcast %mul3A_418 : i32 to vector<16xi32>
        %mul3A_420 = arith.muli %iota3A, %mul3A_419 : vector<16xi32>
        %add3A_421 = arith.constant 9 : i32
        %add3A_422 = vector.broadcast %add3A_421 : i32 to vector<16xi32>
        %add3A_423 = arith.addi %mul3A_420, %add3A_422 : vector<16xi32>
        %lt3A_424 = arith.constant 0 : i32
        %lt3A_425 = vector.broadcast %lt3A_424 : i32 to vector<16xi32>
        %lt3A_426 = arith.cmpi slt, %add3A_423, %lt3A_425 : vector<16xi32>
        %add3A_427 = arith.constant 16 : i32
        %add3A_428 = vector.broadcast %add3A_427 : i32 to vector<16xi32>
        %add3A_429 = arith.addi %add3A_423, %add3A_428 : vector<16xi32>
        %select_n3A_430 = arith.select %lt3A_426, %add3A_429, %add3A_423 : vector<16xi1>, vector<16xi32>
        %broadcast_in_dim3A_431 = vector.shape_cast %select_n3A_430 : vector<16xi32> to vector<16x1xi32>
        %gather3A_432 = vector.shape_cast %broadcast_in_dim3A_431 : vector<16x1xi32> to vector<16xi32>
        %gather3A_433 = tpu.dynamic_gather %exp3A[%gather3A_432] in [0] : vector<16xf32>, vector<16xi32> -> vector<16xf32>
        %add3A_434 = arith.constant 9 : i32
        %add3A_435 = arith.addi %mul3A_59, %add3A_434 : i32
        %get3A_436 = arith.index_cast %add3A_435 : i32 to index
        %get3A_437 = arith.constant 0 : index
        %get3A_438 = tpu.vector_load %arg13[%get3A_436, %get3A_437] {strides = array<i32>} : memref<128x48xf32, #tpu.memory_space<vmem>>, vector<16xf32>,
        %mul3A_439 = arith.mulf %get3A_438, %gather3A_433 : vector<16xf32>
        %swap3A_440 = arith.index_cast %add3A_435 : i32 to index
        %swap3A_441 = arith.constant 0 : index
        %swap3A_442 = tpu.vector_load %arg14[%swap3A_440, %swap3A_441] {strides = array<i32>} : memref<128x48xf32, #tpu.memory_space<vmem>>, vector<16xf32>,
        tpu.vector_store %arg14[%swap3A_440, %swap3A_441], %mul3A_439 {strides = array<i32>} : memref<128x48xf32, #tpu.memory_space<vmem>>, vector<16xf32>,
        %get3A_443 = arith.index_cast %add3A_435 : i32 to index
        %get3A_444 = arith.constant 16 : index
        %get3A_445 = tpu.vector_load %arg13[%get3A_443, %get3A_444] {strides = array<i32>} : memref<128x48xf32, #tpu.memory_space<vmem>>, vector<16xf32>,
        %mul3A_446 = arith.mulf %get3A_445, %gather3A_433 : vector<16xf32>
        %swap3A_447 = arith.index_cast %add3A_435 : i32 to index
        %swap3A_448 = arith.constant 16 : index
        %swap3A_449 = tpu.vector_load %arg14[%swap3A_447, %swap3A_448] {strides = array<i32>} : memref<128x48xf32, #tpu.memory_space<vmem>>, vector<16xf32>,
        tpu.vector_store %arg14[%swap3A_447, %swap3A_448], %mul3A_446 {strides = array<i32>} : memref<128x48xf32, #tpu.memory_space<vmem>>, vector<16xf32>,
        %get3A_450 = arith.index_cast %add3A_435 : i32 to index
        %get3A_451 = arith.constant 32 : index
        %get3A_452 = tpu.vector_load %arg13[%get3A_450, %get3A_451] {strides = array<i32>} : memref<128x48xf32, #tpu.memory_space<vmem>>, vector<16xf32>,
        %mul3A_453 = arith.mulf %get3A_452, %gather3A_433 : vector<16xf32>
        %swap3A_454 = arith.index_cast %add3A_435 : i32 to index
        %swap3A_455 = arith.constant 32 : index
        %swap3A_456 = tpu.vector_load %arg14[%swap3A_454, %swap3A_455] {strides = array<i32>} : memref<128x48xf32, #tpu.memory_space<vmem>>, vector<16xf32>,
        tpu.vector_store %arg14[%swap3A_454, %swap3A_455], %mul3A_453 {strides = array<i32>} : memref<128x48xf32, #tpu.memory_space<vmem>>, vector<16xf32>,
        %mul3A_457 = arith.constant 0 : i32
        %mul3A_458 = vector.broadcast %mul3A_457 : i32 to vector<16xi32>
        %mul3A_459 = arith.muli %iota3A, %mul3A_458 : vector<16xi32>
        %add3A_460 = arith.constant 10 : i32
        %add3A_461 = vector.broadcast %add3A_460 : i32 to vector<16xi32>
        %add3A_462 = arith.addi %mul3A_459, %add3A_461 : vector<16xi32>
        %lt3A_463 = arith.constant 0 : i32
        %lt3A_464 = vector.broadcast %lt3A_463 : i32 to vector<16xi32>
        %lt3A_465 = arith.cmpi slt, %add3A_462, %lt3A_464 : vector<16xi32>
        %add3A_466 = arith.constant 16 : i32
        %add3A_467 = vector.broadcast %add3A_466 : i32 to vector<16xi32>
        %add3A_468 = arith.addi %add3A_462, %add3A_467 : vector<16xi32>
        %select_n3A_469 = arith.select %lt3A_465, %add3A_468, %add3A_462 : vector<16xi1>, vector<16xi32>
        %broadcast_in_dim3A_470 = vector.shape_cast %select_n3A_469 : vector<16xi32> to vector<16x1xi32>
        %gather3A_471 = vector.shape_cast %broadcast_in_dim3A_470 : vector<16x1xi32> to vector<16xi32>
        %gather3A_472 = tpu.dynamic_gather %exp3A[%gather3A_471] in [0] : vector<16xf32>, vector<16xi32> -> vector<16xf32>
        %add3A_473 = arith.constant 10 : i32
        %add3A_474 = arith.addi %mul3A_59, %add3A_473 : i32
        %get3A_475 = arith.index_cast %add3A_474 : i32 to index
        %get3A_476 = arith.constant 0 : index
        %get3A_477 = tpu.vector_load %arg13[%get3A_475, %get3A_476] {strides = array<i32>} : memref<128x48xf32, #tpu.memory_space<vmem>>, vector<16xf32>,
        %mul3A_478 = arith.mulf %get3A_477, %gather3A_472 : vector<16xf32>
        %swap3A_479 = arith.index_cast %add3A_474 : i32 to index
        %swap3A_480 = arith.constant 0 : index
        %swap3A_481 = tpu.vector_load %arg14[%swap3A_479, %swap3A_480] {strides = array<i32>} : memref<128x48xf32, #tpu.memory_space<vmem>>, vector<16xf32>,
        tpu.vector_store %arg14[%swap3A_479, %swap3A_480], %mul3A_478 {strides = array<i32>} : memref<128x48xf32, #tpu.memory_space<vmem>>, vector<16xf32>,
        %get3A_482 = arith.index_cast %add3A_474 : i32 to index
        %get3A_483 = arith.constant 16 : index
        %get3A_484 = tpu.vector_load %arg13[%get3A_482, %get3A_483] {strides = array<i32>} : memref<128x48xf32, #tpu.memory_space<vmem>>, vector<16xf32>,
        %mul3A_485 = arith.mulf %get3A_484, %gather3A_472 : vector<16xf32>
        %swap3A_486 = arith.index_cast %add3A_474 : i32 to index
        %swap3A_487 = arith.constant 16 : index
        %swap3A_488 = tpu.vector_load %arg14[%swap3A_486, %swap3A_487] {strides = array<i32>} : memref<128x48xf32, #tpu.memory_space<vmem>>, vector<16xf32>,
        tpu.vector_store %arg14[%swap3A_486, %swap3A_487], %mul3A_485 {strides = array<i32>} : memref<128x48xf32, #tpu.memory_space<vmem>>, vector<16xf32>,
        %get3A_489 = arith.index_cast %add3A_474 : i32 to index
        %get3A_490 = arith.constant 32 : index
        %get3A_491 = tpu.vector_load %arg13[%get3A_489, %get3A_490] {strides = array<i32>} : memref<128x48xf32, #tpu.memory_space<vmem>>, vector<16xf32>,
        %mul3A_492 = arith.mulf %get3A_491, %gather3A_472 : vector<16xf32>
        %swap3A_493 = arith.index_cast %add3A_474 : i32 to index
        %swap3A_494 = arith.constant 32 : index
        %swap3A_495 = tpu.vector_load %arg14[%swap3A_493, %swap3A_494] {strides = array<i32>} : memref<128x48xf32, #tpu.memory_space<vmem>>, vector<16xf32>,
        tpu.vector_store %arg14[%swap3A_493, %swap3A_494], %mul3A_492 {strides = array<i32>} : memref<128x48xf32, #tpu.memory_space<vmem>>, vector<16xf32>,
        %mul3A_496 = arith.constant 0 : i32
        %mul3A_497 = vector.broadcast %mul3A_496 : i32 to vector<16xi32>
        %mul3A_498 = arith.muli %iota3A, %mul3A_497 : vector<16xi32>
        %add3A_499 = arith.constant 11 : i32
        %add3A_500 = vector.broadcast %add3A_499 : i32 to vector<16xi32>
        %add3A_501 = arith.addi %mul3A_498, %add3A_500 : vector<16xi32>
        %lt3A_502 = arith.constant 0 : i32
        %lt3A_503 = vector.broadcast %lt3A_502 : i32 to vector<16xi32>
        %lt3A_504 = arith.cmpi slt, %add3A_501, %lt3A_503 : vector<16xi32>
        %add3A_505 = arith.constant 16 : i32
        %add3A_506 = vector.broadcast %add3A_505 : i32 to vector<16xi32>
        %add3A_507 = arith.addi %add3A_501, %add3A_506 : vector<16xi32>
        %select_n3A_508 = arith.select %lt3A_504, %add3A_507, %add3A_501 : vector<16xi1>, vector<16xi32>
        %broadcast_in_dim3A_509 = vector.shape_cast %select_n3A_508 : vector<16xi32> to vector<16x1xi32>
        %gather3A_510 = vector.shape_cast %broadcast_in_dim3A_509 : vector<16x1xi32> to vector<16xi32>
        %gather3A_511 = tpu.dynamic_gather %exp3A[%gather3A_510] in [0] : vector<16xf32>, vector<16xi32> -> vector<16xf32>
        %add3A_512 = arith.constant 11 : i32
        %add3A_513 = arith.addi %mul3A_59, %add3A_512 : i32
        %get3A_514 = arith.index_cast %add3A_513 : i32 to index
        %get3A_515 = arith.constant 0 : index
        %get3A_516 = tpu.vector_load %arg13[%get3A_514, %get3A_515] {strides = array<i32>} : memref<128x48xf32, #tpu.memory_space<vmem>>, vector<16xf32>,
        %mul3A_517 = arith.mulf %get3A_516, %gather3A_511 : vector<16xf32>
        %swap3A_518 = arith.index_cast %add3A_513 : i32 to index
        %swap3A_519 = arith.constant 0 : index
        %swap3A_520 = tpu.vector_load %arg14[%swap3A_518, %swap3A_519] {strides = array<i32>} : memref<128x48xf32, #tpu.memory_space<vmem>>, vector<16xf32>,
        tpu.vector_store %arg14[%swap3A_518, %swap3A_519], %mul3A_517 {strides = array<i32>} : memref<128x48xf32, #tpu.memory_space<vmem>>, vector<16xf32>,
        %get3A_521 = arith.index_cast %add3A_513 : i32 to index
        %get3A_522 = arith.constant 16 : index
        %get3A_523 = tpu.vector_load %arg13[%get3A_521, %get3A_522] {strides = array<i32>} : memref<128x48xf32, #tpu.memory_space<vmem>>, vector<16xf32>,
        %mul3A_524 = arith.mulf %get3A_523, %gather3A_511 : vector<16xf32>
        %swap3A_525 = arith.index_cast %add3A_513 : i32 to index
        %swap3A_526 = arith.constant 16 : index
        %swap3A_527 = tpu.vector_load %arg14[%swap3A_525, %swap3A_526] {strides = array<i32>} : memref<128x48xf32, #tpu.memory_space<vmem>>, vector<16xf32>,
        tpu.vector_store %arg14[%swap3A_525, %swap3A_526], %mul3A_524 {strides = array<i32>} : memref<128x48xf32, #tpu.memory_space<vmem>>, vector<16xf32>,
        %get3A_528 = arith.index_cast %add3A_513 : i32 to index
        %get3A_529 = arith.constant 32 : index
        %get3A_530 = tpu.vector_load %arg13[%get3A_528, %get3A_529] {strides = array<i32>} : memref<128x48xf32, #tpu.memory_space<vmem>>, vector<16xf32>,
        %mul3A_531 = arith.mulf %get3A_530, %gather3A_511 : vector<16xf32>
        %swap3A_532 = arith.index_cast %add3A_513 : i32 to index
        %swap3A_533 = arith.constant 32 : index
        %swap3A_534 = tpu.vector_load %arg14[%swap3A_532, %swap3A_533] {strides = array<i32>} : memref<128x48xf32, #tpu.memory_space<vmem>>, vector<16xf32>,
        tpu.vector_store %arg14[%swap3A_532, %swap3A_533], %mul3A_531 {strides = array<i32>} : memref<128x48xf32, #tpu.memory_space<vmem>>, vector<16xf32>,
        %mul3A_535 = arith.constant 0 : i32
        %mul3A_536 = vector.broadcast %mul3A_535 : i32 to vector<16xi32>
        %mul3A_537 = arith.muli %iota3A, %mul3A_536 : vector<16xi32>
        %add3A_538 = arith.constant 12 : i32
        %add3A_539 = vector.broadcast %add3A_538 : i32 to vector<16xi32>
        %add3A_540 = arith.addi %mul3A_537, %add3A_539 : vector<16xi32>
        %lt3A_541 = arith.constant 0 : i32
        %lt3A_542 = vector.broadcast %lt3A_541 : i32 to vector<16xi32>
        %lt3A_543 = arith.cmpi slt, %add3A_540, %lt3A_542 : vector<16xi32>
        %add3A_544 = arith.constant 16 : i32
        %add3A_545 = vector.broadcast %add3A_544 : i32 to vector<16xi32>
        %add3A_546 = arith.addi %add3A_540, %add3A_545 : vector<16xi32>
        %select_n3A_547 = arith.select %lt3A_543, %add3A_546, %add3A_540 : vector<16xi1>, vector<16xi32>
        %broadcast_in_dim3A_548 = vector.shape_cast %select_n3A_547 : vector<16xi32> to vector<16x1xi32>
        %gather3A_549 = vector.shape_cast %broadcast_in_dim3A_548 : vector<16x1xi32> to vector<16xi32>
        %gather3A_550 = tpu.dynamic_gather %exp3A[%gather3A_549] in [0] : vector<16xf32>, vector<16xi32> -> vector<16xf32>
        %add3A_551 = arith.constant 12 : i32
        %add3A_552 = arith.addi %mul3A_59, %add3A_551 : i32
        %get3A_553 = arith.index_cast %add3A_552 : i32 to index
        %get3A_554 = arith.constant 0 : index
        %get3A_555 = tpu.vector_load %arg13[%get3A_553, %get3A_554] {strides = array<i32>} : memref<128x48xf32, #tpu.memory_space<vmem>>, vector<16xf32>,
        %mul3A_556 = arith.mulf %get3A_555, %gather3A_550 : vector<16xf32>
        %swap3A_557 = arith.index_cast %add3A_552 : i32 to index
        %swap3A_558 = arith.constant 0 : index
        %swap3A_559 = tpu.vector_load %arg14[%swap3A_557, %swap3A_558] {strides = array<i32>} : memref<128x48xf32, #tpu.memory_space<vmem>>, vector<16xf32>,
        tpu.vector_store %arg14[%swap3A_557, %swap3A_558], %mul3A_556 {strides = array<i32>} : memref<128x48xf32, #tpu.memory_space<vmem>>, vector<16xf32>,
        %get3A_560 = arith.index_cast %add3A_552 : i32 to index
        %get3A_561 = arith.constant 16 : index
        %get3A_562 = tpu.vector_load %arg13[%get3A_560, %get3A_561] {strides = array<i32>} : memref<128x48xf32, #tpu.memory_space<vmem>>, vector<16xf32>,
        %mul3A_563 = arith.mulf %get3A_562, %gather3A_550 : vector<16xf32>
        %swap3A_564 = arith.index_cast %add3A_552 : i32 to index
        %swap3A_565 = arith.constant 16 : index
        %swap3A_566 = tpu.vector_load %arg14[%swap3A_564, %swap3A_565] {strides = array<i32>} : memref<128x48xf32, #tpu.memory_space<vmem>>, vector<16xf32>,
        tpu.vector_store %arg14[%swap3A_564, %swap3A_565], %mul3A_563 {strides = array<i32>} : memref<128x48xf32, #tpu.memory_space<vmem>>, vector<16xf32>,
        %get3A_567 = arith.index_cast %add3A_552 : i32 to index
        %get3A_568 = arith.constant 32 : index
        %get3A_569 = tpu.vector_load %arg13[%get3A_567, %get3A_568] {strides = array<i32>} : memref<128x48xf32, #tpu.memory_space<vmem>>, vector<16xf32>,
        %mul3A_570 = arith.mulf %get3A_569, %gather3A_550 : vector<16xf32>
        %swap3A_571 = arith.index_cast %add3A_552 : i32 to index
        %swap3A_572 = arith.constant 32 : index
        %swap3A_573 = tpu.vector_load %arg14[%swap3A_571, %swap3A_572] {strides = array<i32>} : memref<128x48xf32, #tpu.memory_space<vmem>>, vector<16xf32>,
        tpu.vector_store %arg14[%swap3A_571, %swap3A_572], %mul3A_570 {strides = array<i32>} : memref<128x48xf32, #tpu.memory_space<vmem>>, vector<16xf32>,
        %mul3A_574 = arith.constant 0 : i32
        %mul3A_575 = vector.broadcast %mul3A_574 : i32 to vector<16xi32>
        %mul3A_576 = arith.muli %iota3A, %mul3A_575 : vector<16xi32>
        %add3A_577 = arith.constant 13 : i32
        %add3A_578 = vector.broadcast %add3A_577 : i32 to vector<16xi32>
        %add3A_579 = arith.addi %mul3A_576, %add3A_578 : vector<16xi32>
        %lt3A_580 = arith.constant 0 : i32
        %lt3A_581 = vector.broadcast %lt3A_580 : i32 to vector<16xi32>
        %lt3A_582 = arith.cmpi slt, %add3A_579, %lt3A_581 : vector<16xi32>
        %add3A_583 = arith.constant 16 : i32
        %add3A_584 = vector.broadcast %add3A_583 : i32 to vector<16xi32>
        %add3A_585 = arith.addi %add3A_579, %add3A_584 : vector<16xi32>
        %select_n3A_586 = arith.select %lt3A_582, %add3A_585, %add3A_579 : vector<16xi1>, vector<16xi32>
        %broadcast_in_dim3A_587 = vector.shape_cast %select_n3A_586 : vector<16xi32> to vector<16x1xi32>
        %gather3A_588 = vector.shape_cast %broadcast_in_dim3A_587 : vector<16x1xi32> to vector<16xi32>
        %gather3A_589 = tpu.dynamic_gather %exp3A[%gather3A_588] in [0] : vector<16xf32>, vector<16xi32> -> vector<16xf32>
        %add3A_590 = arith.constant 13 : i32
        %add3A_591 = arith.addi %mul3A_59, %add3A_590 : i32
        %get3A_592 = arith.index_cast %add3A_591 : i32 to index
        %get3A_593 = arith.constant 0 : index
        %get3A_594 = tpu.vector_load %arg13[%get3A_592, %get3A_593] {strides = array<i32>} : memref<128x48xf32, #tpu.memory_space<vmem>>, vector<16xf32>,
        %mul3A_595 = arith.mulf %get3A_594, %gather3A_589 : vector<16xf32>
        %swap3A_596 = arith.index_cast %add3A_591 : i32 to index
        %swap3A_597 = arith.constant 0 : index
        %swap3A_598 = tpu.vector_load %arg14[%swap3A_596, %swap3A_597] {strides = array<i32>} : memref<128x48xf32, #tpu.memory_space<vmem>>, vector<16xf32>,
        tpu.vector_store %arg14[%swap3A_596, %swap3A_597], %mul3A_595 {strides = array<i32>} : memref<128x48xf32, #tpu.memory_space<vmem>>, vector<16xf32>,
        %get3A_599 = arith.index_cast %add3A_591 : i32 to index
        %get3A_600 = arith.constant 16 : index
        %get3A_601 = tpu.vector_load %arg13[%get3A_599, %get3A_600] {strides = array<i32>} : memref<128x48xf32, #tpu.memory_space<vmem>>, vector<16xf32>,
        %mul3A_602 = arith.mulf %get3A_601, %gather3A_589 : vector<16xf32>
        %swap3A_603 = arith.index_cast %add3A_591 : i32 to index
        %swap3A_604 = arith.constant 16 : index
        %swap3A_605 = tpu.vector_load %arg14[%swap3A_603, %swap3A_604] {strides = array<i32>} : memref<128x48xf32, #tpu.memory_space<vmem>>, vector<16xf32>,
        tpu.vector_store %arg14[%swap3A_603, %swap3A_604], %mul3A_602 {strides = array<i32>} : memref<128x48xf32, #tpu.memory_space<vmem>>, vector<16xf32>,
        %get3A_606 = arith.index_cast %add3A_591 : i32 to index
        %get3A_607 = arith.constant 32 : index
        %get3A_608 = tpu.vector_load %arg13[%get3A_606, %get3A_607] {strides = array<i32>} : memref<128x48xf32, #tpu.memory_space<vmem>>, vector<16xf32>,
        %mul3A_609 = arith.mulf %get3A_608, %gather3A_589 : vector<16xf32>
        %swap3A_610 = arith.index_cast %add3A_591 : i32 to index
        %swap3A_611 = arith.constant 32 : index
        %swap3A_612 = tpu.vector_load %arg14[%swap3A_610, %swap3A_611] {strides = array<i32>} : memref<128x48xf32, #tpu.memory_space<vmem>>, vector<16xf32>,
        tpu.vector_store %arg14[%swap3A_610, %swap3A_611], %mul3A_609 {strides = array<i32>} : memref<128x48xf32, #tpu.memory_space<vmem>>, vector<16xf32>,
        %mul3A_613 = arith.constant 0 : i32
        %mul3A_614 = vector.broadcast %mul3A_613 : i32 to vector<16xi32>
        %mul3A_615 = arith.muli %iota3A, %mul3A_614 : vector<16xi32>
        %add3A_616 = arith.constant 14 : i32
        %add3A_617 = vector.broadcast %add3A_616 : i32 to vector<16xi32>
        %add3A_618 = arith.addi %mul3A_615, %add3A_617 : vector<16xi32>
        %lt3A_619 = arith.constant 0 : i32
        %lt3A_620 = vector.broadcast %lt3A_619 : i32 to vector<16xi32>
        %lt3A_621 = arith.cmpi slt, %add3A_618, %lt3A_620 : vector<16xi32>
        %add3A_622 = arith.constant 16 : i32
        %add3A_623 = vector.broadcast %add3A_622 : i32 to vector<16xi32>
        %add3A_624 = arith.addi %add3A_618, %add3A_623 : vector<16xi32>
        %select_n3A_625 = arith.select %lt3A_621, %add3A_624, %add3A_618 : vector<16xi1>, vector<16xi32>
        %broadcast_in_dim3A_626 = vector.shape_cast %select_n3A_625 : vector<16xi32> to vector<16x1xi32>
        %gather3A_627 = vector.shape_cast %broadcast_in_dim3A_626 : vector<16x1xi32> to vector<16xi32>
        %gather3A_628 = tpu.dynamic_gather %exp3A[%gather3A_627] in [0] : vector<16xf32>, vector<16xi32> -> vector<16xf32>
        %add3A_629 = arith.constant 14 : i32
        %add3A_630 = arith.addi %mul3A_59, %add3A_629 : i32
        %get3A_631 = arith.index_cast %add3A_630 : i32 to index
        %get3A_632 = arith.constant 0 : index
        %get3A_633 = tpu.vector_load %arg13[%get3A_631, %get3A_632] {strides = array<i32>} : memref<128x48xf32, #tpu.memory_space<vmem>>, vector<16xf32>,
        %mul3A_634 = arith.mulf %get3A_633, %gather3A_628 : vector<16xf32>
        %swap3A_635 = arith.index_cast %add3A_630 : i32 to index
        %swap3A_636 = arith.constant 0 : index
        %swap3A_637 = tpu.vector_load %arg14[%swap3A_635, %swap3A_636] {strides = array<i32>} : memref<128x48xf32, #tpu.memory_space<vmem>>, vector<16xf32>,
        tpu.vector_store %arg14[%swap3A_635, %swap3A_636], %mul3A_634 {strides = array<i32>} : memref<128x48xf32, #tpu.memory_space<vmem>>, vector<16xf32>,
        %get3A_638 = arith.index_cast %add3A_630 : i32 to index
        %get3A_639 = arith.constant 16 : index
        %get3A_640 = tpu.vector_load %arg13[%get3A_638, %get3A_639] {strides = array<i32>} : memref<128x48xf32, #tpu.memory_space<vmem>>, vector<16xf32>,
        %mul3A_641 = arith.mulf %get3A_640, %gather3A_628 : vector<16xf32>
        %swap3A_642 = arith.index_cast %add3A_630 : i32 to index
        %swap3A_643 = arith.constant 16 : index
        %swap3A_644 = tpu.vector_load %arg14[%swap3A_642, %swap3A_643] {strides = array<i32>} : memref<128x48xf32, #tpu.memory_space<vmem>>, vector<16xf32>,
        tpu.vector_store %arg14[%swap3A_642, %swap3A_643], %mul3A_641 {strides = array<i32>} : memref<128x48xf32, #tpu.memory_space<vmem>>, vector<16xf32>,
        %get3A_645 = arith.index_cast %add3A_630 : i32 to index
        %get3A_646 = arith.constant 32 : index
        %get3A_647 = tpu.vector_load %arg13[%get3A_645, %get3A_646] {strides = array<i32>} : memref<128x48xf32, #tpu.memory_space<vmem>>, vector<16xf32>,
        %mul3A_648 = arith.mulf %get3A_647, %gather3A_628 : vector<16xf32>
        %swap3A_649 = arith.index_cast %add3A_630 : i32 to index
        %swap3A_650 = arith.constant 32 : index
        %swap3A_651 = tpu.vector_load %arg14[%swap3A_649, %swap3A_650] {strides = array<i32>} : memref<128x48xf32, #tpu.memory_space<vmem>>, vector<16xf32>,
        tpu.vector_store %arg14[%swap3A_649, %swap3A_650], %mul3A_648 {strides = array<i32>} : memref<128x48xf32, #tpu.memory_space<vmem>>, vector<16xf32>,
        %mul3A_652 = arith.constant 0 : i32
        %mul3A_653 = vector.broadcast %mul3A_652 : i32 to vector<16xi32>
        %mul3A_654 = arith.muli %iota3A, %mul3A_653 : vector<16xi32>
        %add3A_655 = arith.constant 15 : i32
        %add3A_656 = vector.broadcast %add3A_655 : i32 to vector<16xi32>
        %add3A_657 = arith.addi %mul3A_654, %add3A_656 : vector<16xi32>
        %lt3A_658 = arith.constant 0 : i32
        %lt3A_659 = vector.broadcast %lt3A_658 : i32 to vector<16xi32>
        %lt3A_660 = arith.cmpi slt, %add3A_657, %lt3A_659 : vector<16xi32>
        %add3A_661 = arith.constant 16 : i32
        %add3A_662 = vector.broadcast %add3A_661 : i32 to vector<16xi32>
        %add3A_663 = arith.addi %add3A_657, %add3A_662 : vector<16xi32>
        %select_n3A_664 = arith.select %lt3A_660, %add3A_663, %add3A_657 : vector<16xi1>, vector<16xi32>
        %broadcast_in_dim3A_665 = vector.shape_cast %select_n3A_664 : vector<16xi32> to vector<16x1xi32>
        %gather3A_666 = vector.shape_cast %broadcast_in_dim3A_665 : vector<16x1xi32> to vector<16xi32>
        %gather3A_667 = tpu.dynamic_gather %exp3A[%gather3A_666] in [0] : vector<16xf32>, vector<16xi32> -> vector<16xf32>
        %add3A_668 = arith.constant 15 : i32
        %add3A_669 = arith.addi %mul3A_59, %add3A_668 : i32
        %get3A_670 = arith.index_cast %add3A_669 : i32 to index
        %get3A_671 = arith.constant 0 : index
        %get3A_672 = tpu.vector_load %arg13[%get3A_670, %get3A_671] {strides = array<i32>} : memref<128x48xf32, #tpu.memory_space<vmem>>, vector<16xf32>,
        %mul3A_673 = arith.mulf %get3A_672, %gather3A_667 : vector<16xf32>
        %swap3A_674 = arith.index_cast %add3A_669 : i32 to index
        %swap3A_675 = arith.constant 0 : index
        %swap3A_676 = tpu.vector_load %arg14[%swap3A_674, %swap3A_675] {strides = array<i32>} : memref<128x48xf32, #tpu.memory_space<vmem>>, vector<16xf32>,
        tpu.vector_store %arg14[%swap3A_674, %swap3A_675], %mul3A_673 {strides = array<i32>} : memref<128x48xf32, #tpu.memory_space<vmem>>, vector<16xf32>,
        %get3A_677 = arith.index_cast %add3A_669 : i32 to index
        %get3A_678 = arith.constant 16 : index
        %get3A_679 = tpu.vector_load %arg13[%get3A_677, %get3A_678] {strides = array<i32>} : memref<128x48xf32, #tpu.memory_space<vmem>>, vector<16xf32>,
        %mul3A_680 = arith.mulf %get3A_679, %gather3A_667 : vector<16xf32>
        %swap3A_681 = arith.index_cast %add3A_669 : i32 to index
        %swap3A_682 = arith.constant 16 : index
        %swap3A_683 = tpu.vector_load %arg14[%swap3A_681, %swap3A_682] {strides = array<i32>} : memref<128x48xf32, #tpu.memory_space<vmem>>, vector<16xf32>,
        tpu.vector_store %arg14[%swap3A_681, %swap3A_682], %mul3A_680 {strides = array<i32>} : memref<128x48xf32, #tpu.memory_space<vmem>>, vector<16xf32>,
        %get3A_684 = arith.index_cast %add3A_669 : i32 to index
        %get3A_685 = arith.constant 32 : index
        %get3A_686 = tpu.vector_load %arg13[%get3A_684, %get3A_685] {strides = array<i32>} : memref<128x48xf32, #tpu.memory_space<vmem>>, vector<16xf32>,
        %mul3A_687 = arith.mulf %get3A_686, %gather3A_667 : vector<16xf32>
        %swap3A_688 = arith.index_cast %add3A_669 : i32 to index
        %swap3A_689 = arith.constant 32 : index
        %swap3A_690 = tpu.vector_load %arg14[%swap3A_688, %swap3A_689] {strides = array<i32>} : memref<128x48xf32, #tpu.memory_space<vmem>>, vector<16xf32>,
        tpu.vector_store %arg14[%swap3A_688, %swap3A_689], %mul3A_687 {strides = array<i32>} : memref<128x48xf32, #tpu.memory_space<vmem>>, vector<16xf32>,
      }
      %scan3A_52 = arith.constant 8 : i32
      "tpu.region"() ({
        %run_scoped3A = tpu.sem_alloc : memref<!tpu.dma_semaphore, #tpu.memory_space<semaphore_mem>>
        %dma_start3A_53 = arith.constant 0 : i32
        %dma_start3A_54 = arith.constant 0 : i32
        %dma_start3A_55 = tpu.memref_slice %arg8[%dma_start3A_53, %dma_start3A_54] : memref<1024x48xf32, #tpu.memory_space<vmem_shared>> -> memref<1024x48xf32, #tpu.memory_space<vmem_shared>>
        tpu.enqueue_indirect_dma source(%arg14 : memref<128x48xf32, #tpu.memory_space<vmem>>) target(%dma_start3A_55 : memref<1024x48xf32, #tpu.memory_space<vmem_shared>>) offsets(%arg12 : memref<128xi32, #tpu.memory_space<vmem>>) semaphore(%run_scoped3A : memref<!tpu.dma_semaphore, #tpu.memory_space<semaphore_mem>>) {add = true}
        %dma_wait3A_56 = arith.constant 0 : i32
        %dma_wait3A_57 = arith.constant 0 : i32
        %dma_wait3A_58 = tpu.memref_slice %arg8[%dma_wait3A_56, %dma_wait3A_57] : memref<1024x48xf32, #tpu.memory_space<vmem_shared>> -> memref<1024x48xf32, #tpu.memory_space<vmem_shared>>
        tpu.wait_indirect_dma semaphore(%run_scoped3A : memref<!tpu.dma_semaphore, #tpu.memory_space<semaphore_mem>>) src(%arg14 : memref<128x48xf32, #tpu.memory_space<vmem>>) dst(%dma_wait3A_58 : memref<1024x48xf32, #tpu.memory_space<vmem_shared>>)
        tpu.yield
      }) : () -> ()
    }
    %barrier3A_35 = arith.constant 0 : index
    tpu.barrier barrier_id(%barrier3A_35)
    "tpu.region"() ({
      %run_scoped3A = tpu.sem_alloc : memref<!tpu.dma_semaphore, #tpu.memory_space<semaphore_mem>>
      %dma_start3A = arith.constant 0 : i32
      %dma_start3A_36 = tpu.memref_slice %arg7[%arg0, %mul3A_16, %dma_start3A] : memref<2x1024x48xf32, #tpu.memory_space<hbm>> -> memref<1x64x48xf32, #tpu.memory_space<hbm>>
      %dma_start3A_37 = tpu.memref_squeeze %dma_start3A_36 : memref<1x64x48xf32, #tpu.memory_space<hbm>> -> memref<64x48xf32, #tpu.memory_space<hbm>>
      %dma_start3A_38 = arith.constant 0 : i32
      %dma_start3A_39 = tpu.memref_slice %arg8[%mul3A_16, %dma_start3A_38] : memref<1024x48xf32, #tpu.memory_space<vmem_shared>> -> memref<64x48xf32, #tpu.memory_space<vmem_shared>>
      tpu.enqueue_dma source(%dma_start3A_39 : memref<64x48xf32, #tpu.memory_space<vmem_shared>>) target(%dma_start3A_37 : memref<64x48xf32, #tpu.memory_space<hbm>>) target_semaphore(%run_scoped3A : memref<!tpu.dma_semaphore, #tpu.memory_space<semaphore_mem>>)
      %dma_wait3A = arith.constant 0 : i32
      %dma_wait3A_40 = tpu.memref_slice %arg7[%arg0, %mul3A_16, %dma_wait3A] : memref<2x1024x48xf32, #tpu.memory_space<hbm>> -> memref<1x64x48xf32, #tpu.memory_space<hbm>>
      %dma_wait3A_41 = tpu.memref_squeeze %dma_wait3A_40 : memref<1x64x48xf32, #tpu.memory_space<hbm>> -> memref<64x48xf32, #tpu.memory_space<hbm>>
      %dma_wait3A_42 = arith.constant 0 : i32
      %dma_wait3A_43 = tpu.memref_slice %arg8[%mul3A_16, %dma_wait3A_42] : memref<1024x48xf32, #tpu.memory_space<vmem_shared>> -> memref<64x48xf32, #tpu.memory_space<vmem_shared>>
      tpu.wait_dma2 semaphore(%run_scoped3A : memref<!tpu.dma_semaphore, #tpu.memory_space<semaphore_mem>>) src(%dma_wait3A_43 : memref<64x48xf32, #tpu.memory_space<vmem_shared>>) dst(%dma_wait3A_41 : memref<64x48xf32, #tpu.memory_space<hbm>>)
      tpu.yield
    }) : () -> ()
    return
  }
}

#map = affine_map<(d0, d1) -> (0, 0)>
#map1 = affine_map<(d0, d1) -> (0)>
#map2 = affine_map<(d0, d1) -> (0, 0, 0)>
module attributes {stable_mosaic.version = 14 : i64} {
  func.func @_edges1_body(%arg0: i32, %arg1: i32, %arg2: memref<5120x96xf32, #tpu.memory_space<hbm>>, %arg3: memref<8192xf32, #tpu.memory_space<hbm>>, %arg4: memref<16xf32, #tpu.memory_space<hbm>>, %arg5: memref<320000xi32, #tpu.memory_space<hbm>>, %arg6: memref<320000xi32, #tpu.memory_space<hbm>>, %arg7: memref<2x5120x96xf32, #tpu.memory_space<hbm>>, %arg8: memref<5120x96xf32, #tpu.memory_space<vmem_shared>>, %arg9: memref<8192xf32, #tpu.memory_space<vmem>>, %arg10: memref<16xf32, #tpu.memory_space<vmem>>, %arg11: memref<128xi32, #tpu.memory_space<vmem>>, %arg12: memref<128xi32, #tpu.memory_space<vmem>>, %arg13: memref<128x96xf32, #tpu.memory_space<vmem>>, %arg14: memref<128x96xf32, #tpu.memory_space<vmem>>, %arg15: memref<10240xi32, #tpu.memory_space<vmem>>, %arg16: memref<10240xi32, #tpu.memory_space<vmem>>, %arg17: memref<!tpu.dma_semaphore, #tpu.memory_space<semaphore_mem>>) attributes {dimension_semantics = [#tpu.dimension_semantics<core_parallel>, #tpu.dimension_semantics<subcore_parallel>], iteration_bounds = array<i64: 2, 16>, scalar_prefetch = 0 : i64, scratch_operands = 10 : i64, tpu.core_type = #tpu.core_type<sc_vector_subcore>, window_params = [{transform_indices = #map}, {transform_indices = #map1}, {transform_indices = #map1}, {transform_indices = #map1}, {transform_indices = #map1}, {transform_indices = #map2}]} {
    %mul3A = arith.constant 16 : i32
    %mul3A_0 = arith.muli %arg0, %mul3A : i32
    %add3A = arith.addi %mul3A_0, %arg1 : i32
    %iota3A = tpu.iota {dimensions = array<i32: 0>} : vector<16xi32>
    %rem3A = arith.constant 8 : i32
    %rem3A_1 = vector.broadcast %rem3A : i32 to vector<16xi32>
    %rem3A_2 = arith.remsi %iota3A, %rem3A_1 : vector<16xi32>
    %ge3A = arith.constant 8 : i32
    %ge3A_3 = vector.broadcast %ge3A : i32 to vector<16xi32>
    %ge3A_4 = arith.cmpi sge, %iota3A, %ge3A_3 : vector<16xi32>
    %convert_element_type3A = arith.extui %ge3A_4 : vector<16xi1> to vector<16xi32>
    %mul3A_5 = arith.constant 12 : i32
    %mul3A_6 = vector.broadcast %mul3A_5 : i32 to vector<16xi32>
    %mul3A_7 = arith.muli %rem3A_2, %mul3A_6 : vector<16xi32>
    %add3A_8 = arith.constant 9 : i32
    %add3A_9 = vector.broadcast %add3A_8 : i32 to vector<16xi32>
    %add3A_10 = arith.addi %mul3A_7, %add3A_9 : vector<16xi32>
    %mul3A_11 = arith.constant 0 : i32
    %mul3A_12 = vector.broadcast %mul3A_11 : i32 to vector<16xi32>
    %mul3A_13 = arith.muli %iota3A, %mul3A_12 : vector<16xi32>
    %convert_element_type3A_14 = arith.sitofp %mul3A_13 : vector<16xi32> to vector<16xf32>
    "tpu.region"() ({
      %run_scoped3A = tpu.sem_alloc : memref<!tpu.dma_semaphore, #tpu.memory_space<semaphore_mem>>
      tpu.enqueue_dma source(%arg3 : memref<8192xf32, #tpu.memory_space<hbm>>) target(%arg9 : memref<8192xf32, #tpu.memory_space<vmem>>) target_semaphore(%run_scoped3A : memref<!tpu.dma_semaphore, #tpu.memory_space<semaphore_mem>>)
      tpu.wait_dma2 semaphore(%run_scoped3A : memref<!tpu.dma_semaphore, #tpu.memory_space<semaphore_mem>>) src(%arg3 : memref<8192xf32, #tpu.memory_space<hbm>>) dst(%arg9 : memref<8192xf32, #tpu.memory_space<vmem>>)
      tpu.yield
    }) : () -> ()
    "tpu.region"() ({
      %run_scoped3A = tpu.sem_alloc : memref<!tpu.dma_semaphore, #tpu.memory_space<semaphore_mem>>
      tpu.enqueue_dma source(%arg4 : memref<16xf32, #tpu.memory_space<hbm>>) target(%arg10 : memref<16xf32, #tpu.memory_space<vmem>>) target_semaphore(%run_scoped3A : memref<!tpu.dma_semaphore, #tpu.memory_space<semaphore_mem>>)
      tpu.wait_dma2 semaphore(%run_scoped3A : memref<!tpu.dma_semaphore, #tpu.memory_space<semaphore_mem>>) src(%arg4 : memref<16xf32, #tpu.memory_space<hbm>>) dst(%arg10 : memref<16xf32, #tpu.memory_space<vmem>>)
      tpu.yield
    }) : () -> ()
    %get3A = arith.constant 0 : index
    %get3A_15 = tpu.vector_load %arg10[%get3A] {strides = array<i32>} : memref<16xf32, #tpu.memory_space<vmem>>, vector<16xf32>,
    %scan3A = arith.constant 0 : i32
    %scan3A_16 = arith.constant 128 : i32
    %scan3A_17 = arith.addi %scan3A, %scan3A_16 : i32
    %scan3A_18 = arith.constant 1 : i32
    scf.for %scan3A_202 = %scan3A to %scan3A_17 step %scan3A_18  : i32 {
      %mul3A_203 = arith.constant 1 : i32
      %mul3A_204 = arith.muli %scan3A_202, %mul3A_203 : i32
      %add3A_205 = arith.constant 0 : i32
      %add3A_206 = arith.addi %add3A_205, %mul3A_204 : i32
      %mul3A_207 = arith.constant 0 : i32
      %mul3A_208 = vector.broadcast %mul3A_207 : i32 to vector<16xi32>
      %mul3A_209 = arith.muli %iota3A, %mul3A_208 : vector<16xi32>
      %add3A_210 = vector.broadcast %add3A_206 : i32 to vector<16xi32>
      %add3A_211 = arith.addi %mul3A_209, %add3A_210 : vector<16xi32>
      %add3A_212 = arith.constant 0 : i32
      %add3A_213 = vector.broadcast %add3A_212 : i32 to vector<16xi32>
      %add3A_214 = arith.addi %iota3A, %add3A_213 : vector<16xi32>
      tpu.vector_store_idx %arg14[%add3A_211, %add3A_214], %convert_element_type3A_14 : memref<128x96xf32, #tpu.memory_space<vmem>>[vector<16xi32>, vector<16xi32>], vector<16xf32>,
      %add3A_215 = arith.constant 16 : i32
      %add3A_216 = vector.broadcast %add3A_215 : i32 to vector<16xi32>
      %add3A_217 = arith.addi %iota3A, %add3A_216 : vector<16xi32>
      tpu.vector_store_idx %arg14[%add3A_211, %add3A_217], %convert_element_type3A_14 : memref<128x96xf32, #tpu.memory_space<vmem>>[vector<16xi32>, vector<16xi32>], vector<16xf32>,
      %add3A_218 = arith.constant 32 : i32
      %add3A_219 = vector.broadcast %add3A_218 : i32 to vector<16xi32>
      %add3A_220 = arith.addi %iota3A, %add3A_219 : vector<16xi32>
      tpu.vector_store_idx %arg14[%add3A_211, %add3A_220], %convert_element_type3A_14 : memref<128x96xf32, #tpu.memory_space<vmem>>[vector<16xi32>, vector<16xi32>], vector<16xf32>,
      %add3A_221 = arith.constant 48 : i32
      %add3A_222 = vector.broadcast %add3A_221 : i32 to vector<16xi32>
      %add3A_223 = arith.addi %iota3A, %add3A_222 : vector<16xi32>
      tpu.vector_store_idx %arg14[%add3A_211, %add3A_223], %convert_element_type3A_14 : memref<128x96xf32, #tpu.memory_space<vmem>>[vector<16xi32>, vector<16xi32>], vector<16xf32>,
      %add3A_224 = arith.constant 64 : i32
      %add3A_225 = vector.broadcast %add3A_224 : i32 to vector<16xi32>
      %add3A_226 = arith.addi %iota3A, %add3A_225 : vector<16xi32>
      tpu.vector_store_idx %arg14[%add3A_211, %add3A_226], %convert_element_type3A_14 : memref<128x96xf32, #tpu.memory_space<vmem>>[vector<16xi32>, vector<16xi32>], vector<16xf32>,
      %add3A_227 = arith.constant 80 : i32
      %add3A_228 = vector.broadcast %add3A_227 : i32 to vector<16xi32>
      %add3A_229 = arith.addi %iota3A, %add3A_228 : vector<16xi32>
      tpu.vector_store_idx %arg14[%add3A_211, %add3A_229], %convert_element_type3A_14 : memref<128x96xf32, #tpu.memory_space<vmem>>[vector<16xi32>, vector<16xi32>], vector<16xf32>,
    }
    %scan3A_19 = arith.constant 128 : i32
    %mul3A_20 = arith.constant 320 : i32
    %mul3A_21 = arith.muli %mul3A_20, %arg1 : i32
    "tpu.region"() ({
      %run_scoped3A = tpu.sem_alloc : memref<!tpu.dma_semaphore, #tpu.memory_space<semaphore_mem>>
      %dma_start3A = arith.constant 0 : i32
      %dma_start3A_202 = arith.constant 0 : i32
      %dma_start3A_203 = tpu.memref_slice %arg14[%dma_start3A, %dma_start3A_202] : memref<128x96xf32, #tpu.memory_space<vmem>> -> memref<128x96xf32, #tpu.memory_space<vmem>>
      %dma_start3A_204 = arith.constant 0 : i32
      %dma_start3A_205 = tpu.memref_slice %arg8[%mul3A_21, %dma_start3A_204] : memref<5120x96xf32, #tpu.memory_space<vmem_shared>> -> memref<128x96xf32, #tpu.memory_space<vmem_shared>>
      %dma_start3A_206 = arith.constant 0 : i32
      %dma_start3A_207 = tpu.memref_slice %arg8[%mul3A_21, %dma_start3A_206] : memref<5120x96xf32, #tpu.memory_space<vmem_shared>> -> memref<128x96xf32, #tpu.memory_space<vmem_shared>>
      %dma_start3A_208 = arith.constant 0 : i32
      %dma_start3A_209 = arith.constant 0 : i32
      %dma_start3A_210 = tpu.memref_slice %arg14[%dma_start3A_208, %dma_start3A_209] : memref<128x96xf32, #tpu.memory_space<vmem>> -> memref<128x96xf32, #tpu.memory_space<vmem>>
      tpu.enqueue_dma source(%dma_start3A_210 : memref<128x96xf32, #tpu.memory_space<vmem>>) target(%dma_start3A_207 : memref<128x96xf32, #tpu.memory_space<vmem_shared>>) target_semaphore(%run_scoped3A : memref<!tpu.dma_semaphore, #tpu.memory_space<semaphore_mem>>)
      %dma_wait3A = arith.constant 0 : i32
      %dma_wait3A_211 = arith.constant 0 : i32
      %dma_wait3A_212 = tpu.memref_slice %arg14[%dma_wait3A, %dma_wait3A_211] : memref<128x96xf32, #tpu.memory_space<vmem>> -> memref<128x96xf32, #tpu.memory_space<vmem>>
      %dma_wait3A_213 = arith.constant 0 : i32
      %dma_wait3A_214 = tpu.memref_slice %arg8[%mul3A_21, %dma_wait3A_213] : memref<5120x96xf32, #tpu.memory_space<vmem_shared>> -> memref<128x96xf32, #tpu.memory_space<vmem_shared>>
      %dma_wait3A_215 = arith.constant 0 : i32
      %dma_wait3A_216 = tpu.memref_slice %arg8[%mul3A_21, %dma_wait3A_215] : memref<5120x96xf32, #tpu.memory_space<vmem_shared>> -> memref<128x96xf32, #tpu.memory_space<vmem_shared>>
      %dma_wait3A_217 = arith.constant 0 : i32
      %dma_wait3A_218 = arith.constant 0 : i32
      %dma_wait3A_219 = tpu.memref_slice %arg14[%dma_wait3A_217, %dma_wait3A_218] : memref<128x96xf32, #tpu.memory_space<vmem>> -> memref<128x96xf32, #tpu.memory_space<vmem>>
      tpu.wait_dma2 semaphore(%run_scoped3A : memref<!tpu.dma_semaphore, #tpu.memory_space<semaphore_mem>>) src(%dma_wait3A_219 : memref<128x96xf32, #tpu.memory_space<vmem>>) dst(%dma_wait3A_216 : memref<128x96xf32, #tpu.memory_space<vmem_shared>>)
      tpu.yield
    }) : () -> ()
    %add3A_22 = arith.constant 128 : i32
    %add3A_23 = arith.addi %mul3A_21, %add3A_22 : i32
    "tpu.region"() ({
      %run_scoped3A = tpu.sem_alloc : memref<!tpu.dma_semaphore, #tpu.memory_space<semaphore_mem>>
      %dma_start3A = arith.constant 0 : i32
      %dma_start3A_202 = arith.constant 0 : i32
      %dma_start3A_203 = tpu.memref_slice %arg14[%dma_start3A, %dma_start3A_202] : memref<128x96xf32, #tpu.memory_space<vmem>> -> memref<128x96xf32, #tpu.memory_space<vmem>>
      %dma_start3A_204 = arith.constant 0 : i32
      %dma_start3A_205 = tpu.memref_slice %arg8[%add3A_23, %dma_start3A_204] : memref<5120x96xf32, #tpu.memory_space<vmem_shared>> -> memref<128x96xf32, #tpu.memory_space<vmem_shared>>
      %dma_start3A_206 = arith.constant 0 : i32
      %dma_start3A_207 = tpu.memref_slice %arg8[%add3A_23, %dma_start3A_206] : memref<5120x96xf32, #tpu.memory_space<vmem_shared>> -> memref<128x96xf32, #tpu.memory_space<vmem_shared>>
      %dma_start3A_208 = arith.constant 0 : i32
      %dma_start3A_209 = arith.constant 0 : i32
      %dma_start3A_210 = tpu.memref_slice %arg14[%dma_start3A_208, %dma_start3A_209] : memref<128x96xf32, #tpu.memory_space<vmem>> -> memref<128x96xf32, #tpu.memory_space<vmem>>
      tpu.enqueue_dma source(%dma_start3A_210 : memref<128x96xf32, #tpu.memory_space<vmem>>) target(%dma_start3A_207 : memref<128x96xf32, #tpu.memory_space<vmem_shared>>) target_semaphore(%run_scoped3A : memref<!tpu.dma_semaphore, #tpu.memory_space<semaphore_mem>>)
      %dma_wait3A = arith.constant 0 : i32
      %dma_wait3A_211 = arith.constant 0 : i32
      %dma_wait3A_212 = tpu.memref_slice %arg14[%dma_wait3A, %dma_wait3A_211] : memref<128x96xf32, #tpu.memory_space<vmem>> -> memref<128x96xf32, #tpu.memory_space<vmem>>
      %dma_wait3A_213 = arith.constant 0 : i32
      %dma_wait3A_214 = tpu.memref_slice %arg8[%add3A_23, %dma_wait3A_213] : memref<5120x96xf32, #tpu.memory_space<vmem_shared>> -> memref<128x96xf32, #tpu.memory_space<vmem_shared>>
      %dma_wait3A_215 = arith.constant 0 : i32
      %dma_wait3A_216 = tpu.memref_slice %arg8[%add3A_23, %dma_wait3A_215] : memref<5120x96xf32, #tpu.memory_space<vmem_shared>> -> memref<128x96xf32, #tpu.memory_space<vmem_shared>>
      %dma_wait3A_217 = arith.constant 0 : i32
      %dma_wait3A_218 = arith.constant 0 : i32
      %dma_wait3A_219 = tpu.memref_slice %arg14[%dma_wait3A_217, %dma_wait3A_218] : memref<128x96xf32, #tpu.memory_space<vmem>> -> memref<128x96xf32, #tpu.memory_space<vmem>>
      tpu.wait_dma2 semaphore(%run_scoped3A : memref<!tpu.dma_semaphore, #tpu.memory_space<semaphore_mem>>) src(%dma_wait3A_219 : memref<128x96xf32, #tpu.memory_space<vmem>>) dst(%dma_wait3A_216 : memref<128x96xf32, #tpu.memory_space<vmem_shared>>)
      tpu.yield
    }) : () -> ()
    %add3A_24 = arith.constant 256 : i32
    %add3A_25 = arith.addi %mul3A_21, %add3A_24 : i32
    "tpu.region"() ({
      %run_scoped3A = tpu.sem_alloc : memref<!tpu.dma_semaphore, #tpu.memory_space<semaphore_mem>>
      %dma_start3A = arith.constant 0 : i32
      %dma_start3A_202 = arith.constant 0 : i32
      %dma_start3A_203 = tpu.memref_slice %arg14[%dma_start3A, %dma_start3A_202] : memref<128x96xf32, #tpu.memory_space<vmem>> -> memref<64x96xf32, #tpu.memory_space<vmem>>
      %dma_start3A_204 = arith.constant 0 : i32
      %dma_start3A_205 = tpu.memref_slice %arg8[%add3A_25, %dma_start3A_204] : memref<5120x96xf32, #tpu.memory_space<vmem_shared>> -> memref<64x96xf32, #tpu.memory_space<vmem_shared>>
      %dma_start3A_206 = arith.constant 0 : i32
      %dma_start3A_207 = tpu.memref_slice %arg8[%add3A_25, %dma_start3A_206] : memref<5120x96xf32, #tpu.memory_space<vmem_shared>> -> memref<64x96xf32, #tpu.memory_space<vmem_shared>>
      %dma_start3A_208 = arith.constant 0 : i32
      %dma_start3A_209 = arith.constant 0 : i32
      %dma_start3A_210 = tpu.memref_slice %arg14[%dma_start3A_208, %dma_start3A_209] : memref<128x96xf32, #tpu.memory_space<vmem>> -> memref<64x96xf32, #tpu.memory_space<vmem>>
      tpu.enqueue_dma source(%dma_start3A_210 : memref<64x96xf32, #tpu.memory_space<vmem>>) target(%dma_start3A_207 : memref<64x96xf32, #tpu.memory_space<vmem_shared>>) target_semaphore(%run_scoped3A : memref<!tpu.dma_semaphore, #tpu.memory_space<semaphore_mem>>)
      %dma_wait3A = arith.constant 0 : i32
      %dma_wait3A_211 = arith.constant 0 : i32
      %dma_wait3A_212 = tpu.memref_slice %arg14[%dma_wait3A, %dma_wait3A_211] : memref<128x96xf32, #tpu.memory_space<vmem>> -> memref<64x96xf32, #tpu.memory_space<vmem>>
      %dma_wait3A_213 = arith.constant 0 : i32
      %dma_wait3A_214 = tpu.memref_slice %arg8[%add3A_25, %dma_wait3A_213] : memref<5120x96xf32, #tpu.memory_space<vmem_shared>> -> memref<64x96xf32, #tpu.memory_space<vmem_shared>>
      %dma_wait3A_215 = arith.constant 0 : i32
      %dma_wait3A_216 = tpu.memref_slice %arg8[%add3A_25, %dma_wait3A_215] : memref<5120x96xf32, #tpu.memory_space<vmem_shared>> -> memref<64x96xf32, #tpu.memory_space<vmem_shared>>
      %dma_wait3A_217 = arith.constant 0 : i32
      %dma_wait3A_218 = arith.constant 0 : i32
      %dma_wait3A_219 = tpu.memref_slice %arg14[%dma_wait3A_217, %dma_wait3A_218] : memref<128x96xf32, #tpu.memory_space<vmem>> -> memref<64x96xf32, #tpu.memory_space<vmem>>
      tpu.wait_dma2 semaphore(%run_scoped3A : memref<!tpu.dma_semaphore, #tpu.memory_space<semaphore_mem>>) src(%dma_wait3A_219 : memref<64x96xf32, #tpu.memory_space<vmem>>) dst(%dma_wait3A_216 : memref<64x96xf32, #tpu.memory_space<vmem_shared>>)
      tpu.yield
    }) : () -> ()
    %mul3A_26 = arith.constant 10000 : i32
    %mul3A_27 = arith.muli %add3A, %mul3A_26 : i32
    "tpu.region"() ({
      %run_scoped3A = tpu.sem_alloc : memref<!tpu.dma_semaphore, #tpu.memory_space<semaphore_mem>>
      %dma_start3A = arith.constant 0 : i32
      %dma_start3A_202 = tpu.memref_slice %arg15[%dma_start3A] : memref<10240xi32, #tpu.memory_space<vmem>> -> memref<10000xi32, #tpu.memory_space<vmem>>
      %dma_start3A_203 = tpu.memref_slice %arg5[%mul3A_27] : memref<320000xi32, #tpu.memory_space<hbm>> -> memref<10000xi32, #tpu.memory_space<hbm>>
      %dma_start3A_204 = arith.constant 0 : i32
      %dma_start3A_205 = tpu.memref_slice %arg15[%dma_start3A_204] : memref<10240xi32, #tpu.memory_space<vmem>> -> memref<10000xi32, #tpu.memory_space<vmem>>
      %dma_start3A_206 = tpu.memref_slice %arg5[%mul3A_27] : memref<320000xi32, #tpu.memory_space<hbm>> -> memref<10000xi32, #tpu.memory_space<hbm>>
      tpu.enqueue_dma source(%dma_start3A_206 : memref<10000xi32, #tpu.memory_space<hbm>>) target(%dma_start3A_205 : memref<10000xi32, #tpu.memory_space<vmem>>) target_semaphore(%run_scoped3A : memref<!tpu.dma_semaphore, #tpu.memory_space<semaphore_mem>>)
      %dma_wait3A = arith.constant 0 : i32
      %dma_wait3A_207 = tpu.memref_slice %arg15[%dma_wait3A] : memref<10240xi32, #tpu.memory_space<vmem>> -> memref<10000xi32, #tpu.memory_space<vmem>>
      %dma_wait3A_208 = tpu.memref_slice %arg5[%mul3A_27] : memref<320000xi32, #tpu.memory_space<hbm>> -> memref<10000xi32, #tpu.memory_space<hbm>>
      %dma_wait3A_209 = arith.constant 0 : i32
      %dma_wait3A_210 = tpu.memref_slice %arg15[%dma_wait3A_209] : memref<10240xi32, #tpu.memory_space<vmem>> -> memref<10000xi32, #tpu.memory_space<vmem>>
      %dma_wait3A_211 = tpu.memref_slice %arg5[%mul3A_27] : memref<320000xi32, #tpu.memory_space<hbm>> -> memref<10000xi32, #tpu.memory_space<hbm>>
      tpu.wait_dma2 semaphore(%run_scoped3A : memref<!tpu.dma_semaphore, #tpu.memory_space<semaphore_mem>>) src(%dma_wait3A_211 : memref<10000xi32, #tpu.memory_space<hbm>>) dst(%dma_wait3A_210 : memref<10000xi32, #tpu.memory_space<vmem>>)
      tpu.yield
    }) : () -> ()
    %mul3A_28 = arith.constant 10000 : i32
    %mul3A_29 = arith.muli %add3A, %mul3A_28 : i32
    "tpu.region"() ({
      %run_scoped3A = tpu.sem_alloc : memref<!tpu.dma_semaphore, #tpu.memory_space<semaphore_mem>>
      %dma_start3A = arith.constant 0 : i32
      %dma_start3A_202 = tpu.memref_slice %arg16[%dma_start3A] : memref<10240xi32, #tpu.memory_space<vmem>> -> memref<10000xi32, #tpu.memory_space<vmem>>
      %dma_start3A_203 = tpu.memref_slice %arg6[%mul3A_29] : memref<320000xi32, #tpu.memory_space<hbm>> -> memref<10000xi32, #tpu.memory_space<hbm>>
      %dma_start3A_204 = arith.constant 0 : i32
      %dma_start3A_205 = tpu.memref_slice %arg16[%dma_start3A_204] : memref<10240xi32, #tpu.memory_space<vmem>> -> memref<10000xi32, #tpu.memory_space<vmem>>
      %dma_start3A_206 = tpu.memref_slice %arg6[%mul3A_29] : memref<320000xi32, #tpu.memory_space<hbm>> -> memref<10000xi32, #tpu.memory_space<hbm>>
      tpu.enqueue_dma source(%dma_start3A_206 : memref<10000xi32, #tpu.memory_space<hbm>>) target(%dma_start3A_205 : memref<10000xi32, #tpu.memory_space<vmem>>) target_semaphore(%run_scoped3A : memref<!tpu.dma_semaphore, #tpu.memory_space<semaphore_mem>>)
      %dma_wait3A = arith.constant 0 : i32
      %dma_wait3A_207 = tpu.memref_slice %arg16[%dma_wait3A] : memref<10240xi32, #tpu.memory_space<vmem>> -> memref<10000xi32, #tpu.memory_space<vmem>>
      %dma_wait3A_208 = tpu.memref_slice %arg6[%mul3A_29] : memref<320000xi32, #tpu.memory_space<hbm>> -> memref<10000xi32, #tpu.memory_space<hbm>>
      %dma_wait3A_209 = arith.constant 0 : i32
      %dma_wait3A_210 = tpu.memref_slice %arg16[%dma_wait3A_209] : memref<10240xi32, #tpu.memory_space<vmem>> -> memref<10000xi32, #tpu.memory_space<vmem>>
      %dma_wait3A_211 = tpu.memref_slice %arg6[%mul3A_29] : memref<320000xi32, #tpu.memory_space<hbm>> -> memref<10000xi32, #tpu.memory_space<hbm>>
      tpu.wait_dma2 semaphore(%run_scoped3A : memref<!tpu.dma_semaphore, #tpu.memory_space<semaphore_mem>>) src(%dma_wait3A_211 : memref<10000xi32, #tpu.memory_space<hbm>>) dst(%dma_wait3A_210 : memref<10000xi32, #tpu.memory_space<vmem>>)
      tpu.yield
    }) : () -> ()
    %scan3A_30 = arith.constant 0 : i32
    %scan3A_31 = arith.constant 0 : i32
    %scan3A_32 = arith.constant 625 : i32
    %scan3A_33 = arith.addi %scan3A_31, %scan3A_32 : i32
    %scan3A_34 = arith.constant 1 : i32
    %scan3A_35 = scf.for %scan3A_202 = %scan3A_31 to %scan3A_33 step %scan3A_34 iter_args(%scan3A_203 = %scan3A_30) -> (i32)  : i32 {
      %mul3A_204 = arith.constant 16 : i32
      %mul3A_205 = arith.muli %scan3A_202, %mul3A_204 : i32
      %get3A_206 = arith.index_cast %mul3A_205 : i32 to index
      %get3A_207 = tpu.vector_load %arg15[%get3A_206] {strides = array<i32>} : memref<10240xi32, #tpu.memory_space<vmem>>, vector<16xi32>,
      %mul3A_208 = arith.constant 16 : i32
      %mul3A_209 = arith.muli %scan3A_202, %mul3A_208 : i32
      %get3A_210 = arith.index_cast %mul3A_209 : i32 to index
      %get3A_211 = tpu.vector_load %arg16[%get3A_210] {strides = array<i32>} : memref<10240xi32, #tpu.memory_space<vmem>>, vector<16xi32>,
      %lt3A = arith.constant 1024 : i32
      %lt3A_212 = vector.broadcast %lt3A : i32 to vector<16xi32>
      %lt3A_213 = arith.cmpi slt, %get3A_211, %lt3A_212 : vector<16xi32>
      %all_reduce_population_count3A = tpu.all_reduce %lt3A_213 {dim = 0 : i64, kind = #tpu.reduction_kind<sum>} : vector<16xi1> -> vector<16xi32>
      %reduce_max3A = arith.constant true
      %reduce_max3A_214 = vector.broadcast %reduce_max3A : i1 to vector<16xi1>
      %reduce_max3A_215 = arith.constant -2147483648 : i32
      %reduce_max3A_216 = vector.broadcast %reduce_max3A_215 : i32 to vector<16xi32>
      %reduce_max3A_217 = arith.xori %all_reduce_population_count3A, %reduce_max3A_216 : vector<16xi32>
      %reduce_max3A_218 = tpu.scan <max>, %reduce_max3A_217 masked %reduce_max3A_214 : vector<16xi32>, vector<16xi1> -> vector<16xi32>
      %reduce_max3A_219 = arith.xori %reduce_max3A_218, %reduce_max3A_216 : vector<16xi32>
      %reduce_max3A_220 = vector.extract %reduce_max3A_219[15] : i32 from vector<16xi32>
      %swap3A = arith.index_cast %scan3A_203 : i32 to index
      %swap3A_221 = tpu.vector_load %arg15[%swap3A] masked %lt3A_213 {strides = array<i32>} : memref<10240xi32, #tpu.memory_space<vmem>>, vector<16xi32>, vector<16xi1>
      tpu.vector_store %arg15[%swap3A], %get3A_207 masked %lt3A_213 {strides = array<i32>} : memref<10240xi32, #tpu.memory_space<vmem>>, vector<16xi32>, vector<16xi1>
      %swap3A_222 = arith.index_cast %scan3A_203 : i32 to index
      %swap3A_223 = tpu.vector_load %arg16[%swap3A_222] masked %lt3A_213 {strides = array<i32>} : memref<10240xi32, #tpu.memory_space<vmem>>, vector<16xi32>, vector<16xi1>
      tpu.vector_store %arg16[%swap3A_222], %get3A_211 masked %lt3A_213 {strides = array<i32>} : memref<10240xi32, #tpu.memory_space<vmem>>, vector<16xi32>, vector<16xi1>
      %add3A_224 = arith.addi %scan3A_203, %reduce_max3A_220 : i32
      scf.yield %add3A_224 : i32
    }
    %scan3A_36 = arith.constant 625 : i32
    %add3A_37 = arith.constant 127 : i32
    %add3A_38 = arith.addi %scan3A_35, %add3A_37 : i32
    %div3A = arith.constant 128 : i32
    %div3A_39 = arith.divsi %add3A_38, %div3A : i32
    %mul3A_40 = arith.constant 128 : i32
    %mul3A_41 = arith.muli %div3A_39, %mul3A_40 : i32
    %sub3A = arith.subi %mul3A_41, %scan3A_35 : i32
    %add3A_42 = arith.constant 15 : i32
    %add3A_43 = arith.addi %sub3A, %add3A_42 : i32
    %div3A_44 = arith.constant 16 : i32
    %div3A_45 = arith.divsi %add3A_43, %div3A_44 : i32
    %sub3A_46 = arith.constant 0 : i32
    %sub3A_47 = arith.subi %div3A_45, %sub3A_46 : i32
    %sub3A_48 = arith.constant 1 : i32
    %sub3A_49 = arith.constant 1 : i32
    %sub3A_50 = arith.subi %sub3A_48, %sub3A_49 : i32
    %add3A_51 = arith.addi %sub3A_47, %sub3A_50 : i32
    %div3A_52 = arith.constant 1 : i32
    %div3A_53 = arith.divsi %add3A_51, %div3A_52 : i32
    %while3A = arith.constant 1 : i32
    %while3A_54 = arith.constant 0 : i32
    %while3A_55 = arith.constant 0 : i32
    %while3A_56 = arith.subi %div3A_53, %while3A_55 : i32
    %while3A_57 = arith.addi %while3A_55, %while3A_56 : i32
    %while3A_58 = arith.constant 1 : i32
    %while3A_59 = arith.divsi %while3A_56, %while3A_58 : i32
    %while3A_60 = arith.muli %while3A_59, %while3A_58 : i32
    %while3A_61 = arith.addi %while3A_55, %while3A_60 : i32
    %while3A_62 = arith.constant 1 : i32
    scf.for %while3A_202 = %while3A_55 to %while3A_61 step %while3A_62  : i32 {
      %mul3A_203 = arith.muli %while3A_202, %while3A : i32
      %add3A_204 = arith.addi %while3A_54, %mul3A_203 : i32
      %mul3A_205 = arith.constant 16 : i32
      %mul3A_206 = arith.muli %add3A_204, %mul3A_205 : i32
      %add3A_207 = arith.addi %scan3A_35, %mul3A_206 : i32
      %add3A_208 = vector.broadcast %add3A_207 : i32 to vector<16xi32>
      %add3A_209 = arith.addi %add3A_208, %iota3A : vector<16xi32>
      %mul3A_210 = arith.constant 0 : i32
      %mul3A_211 = vector.broadcast %mul3A_210 : i32 to vector<16xi32>
      %mul3A_212 = arith.muli %iota3A, %mul3A_211 : vector<16xi32>
      %add3A_213 = arith.constant 5112 : i32
      %add3A_214 = vector.broadcast %add3A_213 : i32 to vector<16xi32>
      %add3A_215 = arith.addi %mul3A_212, %add3A_214 : vector<16xi32>
      tpu.vector_store_idx %arg16[%add3A_209], %add3A_215 : memref<10240xi32, #tpu.memory_space<vmem>>[vector<16xi32>], vector<16xi32>,
      %mul3A_216 = arith.constant 16 : i32
      %mul3A_217 = arith.muli %add3A_204, %mul3A_216 : i32
      %add3A_218 = arith.addi %scan3A_35, %mul3A_217 : i32
      %add3A_219 = vector.broadcast %add3A_218 : i32 to vector<16xi32>
      %add3A_220 = arith.addi %add3A_219, %iota3A : vector<16xi32>
      %mul3A_221 = arith.constant 0 : i32
      %mul3A_222 = vector.broadcast %mul3A_221 : i32 to vector<16xi32>
      %mul3A_223 = arith.muli %iota3A, %mul3A_222 : vector<16xi32>
      tpu.vector_store_idx %arg15[%add3A_220], %mul3A_223 : memref<10240xi32, #tpu.memory_space<vmem>>[vector<16xi32>], vector<16xi32>,
    }
    %while3A_63 = arith.constant 1 : i32
    scf.for %while3A_202 = %while3A_61 to %while3A_57 step %while3A_63  : i32 {
      %mul3A_203 = arith.muli %while3A_202, %while3A : i32
      %add3A_204 = arith.addi %while3A_54, %mul3A_203 : i32
      %mul3A_205 = arith.constant 16 : i32
      %mul3A_206 = arith.muli %add3A_204, %mul3A_205 : i32
      %add3A_207 = arith.addi %scan3A_35, %mul3A_206 : i32
      %add3A_208 = vector.broadcast %add3A_207 : i32 to vector<16xi32>
      %add3A_209 = arith.addi %add3A_208, %iota3A : vector<16xi32>
      %mul3A_210 = arith.constant 0 : i32
      %mul3A_211 = vector.broadcast %mul3A_210 : i32 to vector<16xi32>
      %mul3A_212 = arith.muli %iota3A, %mul3A_211 : vector<16xi32>
      %add3A_213 = arith.constant 5112 : i32
      %add3A_214 = vector.broadcast %add3A_213 : i32 to vector<16xi32>
      %add3A_215 = arith.addi %mul3A_212, %add3A_214 : vector<16xi32>
      tpu.vector_store_idx %arg16[%add3A_209], %add3A_215 : memref<10240xi32, #tpu.memory_space<vmem>>[vector<16xi32>], vector<16xi32>,
      %mul3A_216 = arith.constant 16 : i32
      %mul3A_217 = arith.muli %add3A_204, %mul3A_216 : i32
      %add3A_218 = arith.addi %scan3A_35, %mul3A_217 : i32
      %add3A_219 = vector.broadcast %add3A_218 : i32 to vector<16xi32>
      %add3A_220 = arith.addi %add3A_219, %iota3A : vector<16xi32>
      %mul3A_221 = arith.constant 0 : i32
      %mul3A_222 = vector.broadcast %mul3A_221 : i32 to vector<16xi32>
      %mul3A_223 = arith.muli %iota3A, %mul3A_222 : vector<16xi32>
      tpu.vector_store_idx %arg15[%add3A_220], %mul3A_223 : memref<10240xi32, #tpu.memory_space<vmem>>[vector<16xi32>], vector<16xi32>,
    }
    %barrier3A = arith.constant 0 : index
    tpu.barrier barrier_id(%barrier3A)
    %add3A_64 = arith.constant 0 : i32
    %add3A_65 = vector.broadcast %add3A_64 : i32 to vector<16xi32>
    %add3A_66 = arith.addi %iota3A, %add3A_65 : vector<16xi32>
    %div3A_67 = arith.constant 12 : i32
    %div3A_68 = vector.broadcast %div3A_67 : i32 to vector<16xi32>
    %div3A_69 = arith.divsi %add3A_66, %div3A_68 : vector<16xi32>
    %add3A_70 = arith.constant 0 : i32
    %add3A_71 = vector.broadcast %add3A_70 : i32 to vector<16xi32>
    %add3A_72 = arith.addi %div3A_69, %add3A_71 : vector<16xi32>
    %add3A_73 = arith.constant 16 : i32
    %add3A_74 = vector.broadcast %add3A_73 : i32 to vector<16xi32>
    %add3A_75 = arith.addi %iota3A, %add3A_74 : vector<16xi32>
    %div3A_76 = arith.constant 12 : i32
    %div3A_77 = vector.broadcast %div3A_76 : i32 to vector<16xi32>
    %div3A_78 = arith.divsi %add3A_75, %div3A_77 : vector<16xi32>
    %add3A_79 = arith.constant 0 : i32
    %add3A_80 = vector.broadcast %add3A_79 : i32 to vector<16xi32>
    %add3A_81 = arith.addi %div3A_78, %add3A_80 : vector<16xi32>
    %add3A_82 = arith.constant 32 : i32
    %add3A_83 = vector.broadcast %add3A_82 : i32 to vector<16xi32>
    %add3A_84 = arith.addi %iota3A, %add3A_83 : vector<16xi32>
    %div3A_85 = arith.constant 12 : i32
    %div3A_86 = vector.broadcast %div3A_85 : i32 to vector<16xi32>
    %div3A_87 = arith.divsi %add3A_84, %div3A_86 : vector<16xi32>
    %add3A_88 = arith.constant 0 : i32
    %add3A_89 = vector.broadcast %add3A_88 : i32 to vector<16xi32>
    %add3A_90 = arith.addi %div3A_87, %add3A_89 : vector<16xi32>
    %add3A_91 = arith.constant 48 : i32
    %add3A_92 = vector.broadcast %add3A_91 : i32 to vector<16xi32>
    %add3A_93 = arith.addi %iota3A, %add3A_92 : vector<16xi32>
    %div3A_94 = arith.constant 12 : i32
    %div3A_95 = vector.broadcast %div3A_94 : i32 to vector<16xi32>
    %div3A_96 = arith.divsi %add3A_93, %div3A_95 : vector<16xi32>
    %add3A_97 = arith.constant 0 : i32
    %add3A_98 = vector.broadcast %add3A_97 : i32 to vector<16xi32>
    %add3A_99 = arith.addi %div3A_96, %add3A_98 : vector<16xi32>
    %add3A_100 = arith.constant 64 : i32
    %add3A_101 = vector.broadcast %add3A_100 : i32 to vector<16xi32>
    %add3A_102 = arith.addi %iota3A, %add3A_101 : vector<16xi32>
    %div3A_103 = arith.constant 12 : i32
    %div3A_104 = vector.broadcast %div3A_103 : i32 to vector<16xi32>
    %div3A_105 = arith.divsi %add3A_102, %div3A_104 : vector<16xi32>
    %add3A_106 = arith.constant 0 : i32
    %add3A_107 = vector.broadcast %add3A_106 : i32 to vector<16xi32>
    %add3A_108 = arith.addi %div3A_105, %add3A_107 : vector<16xi32>
    %add3A_109 = arith.constant 80 : i32
    %add3A_110 = vector.broadcast %add3A_109 : i32 to vector<16xi32>
    %add3A_111 = arith.addi %iota3A, %add3A_110 : vector<16xi32>
    %div3A_112 = arith.constant 12 : i32
    %div3A_113 = vector.broadcast %div3A_112 : i32 to vector<16xi32>
    %div3A_114 = arith.divsi %add3A_111, %div3A_113 : vector<16xi32>
    %add3A_115 = arith.constant 0 : i32
    %add3A_116 = vector.broadcast %add3A_115 : i32 to vector<16xi32>
    %add3A_117 = arith.addi %div3A_114, %add3A_116 : vector<16xi32>
    %add3A_118 = arith.constant 0 : i32
    %add3A_119 = vector.broadcast %add3A_118 : i32 to vector<16xi32>
    %add3A_120 = arith.addi %iota3A, %add3A_119 : vector<16xi32>
    %div3A_121 = arith.constant 12 : i32
    %div3A_122 = vector.broadcast %div3A_121 : i32 to vector<16xi32>
    %div3A_123 = arith.divsi %add3A_120, %div3A_122 : vector<16xi32>
    %add3A_124 = arith.constant 8 : i32
    %add3A_125 = vector.broadcast %add3A_124 : i32 to vector<16xi32>
    %add3A_126 = arith.addi %div3A_123, %add3A_125 : vector<16xi32>
    %add3A_127 = arith.constant 16 : i32
    %add3A_128 = vector.broadcast %add3A_127 : i32 to vector<16xi32>
    %add3A_129 = arith.addi %iota3A, %add3A_128 : vector<16xi32>
    %div3A_130 = arith.constant 12 : i32
    %div3A_131 = vector.broadcast %div3A_130 : i32 to vector<16xi32>
    %div3A_132 = arith.divsi %add3A_129, %div3A_131 : vector<16xi32>
    %add3A_133 = arith.constant 8 : i32
    %add3A_134 = vector.broadcast %add3A_133 : i32 to vector<16xi32>
    %add3A_135 = arith.addi %div3A_132, %add3A_134 : vector<16xi32>
    %add3A_136 = arith.constant 32 : i32
    %add3A_137 = vector.broadcast %add3A_136 : i32 to vector<16xi32>
    %add3A_138 = arith.addi %iota3A, %add3A_137 : vector<16xi32>
    %div3A_139 = arith.constant 12 : i32
    %div3A_140 = vector.broadcast %div3A_139 : i32 to vector<16xi32>
    %div3A_141 = arith.divsi %add3A_138, %div3A_140 : vector<16xi32>
    %add3A_142 = arith.constant 8 : i32
    %add3A_143 = vector.broadcast %add3A_142 : i32 to vector<16xi32>
    %add3A_144 = arith.addi %div3A_141, %add3A_143 : vector<16xi32>
    %add3A_145 = arith.constant 48 : i32
    %add3A_146 = vector.broadcast %add3A_145 : i32 to vector<16xi32>
    %add3A_147 = arith.addi %iota3A, %add3A_146 : vector<16xi32>
    %div3A_148 = arith.constant 12 : i32
    %div3A_149 = vector.broadcast %div3A_148 : i32 to vector<16xi32>
    %div3A_150 = arith.divsi %add3A_147, %div3A_149 : vector<16xi32>
    %add3A_151 = arith.constant 8 : i32
    %add3A_152 = vector.broadcast %add3A_151 : i32 to vector<16xi32>
    %add3A_153 = arith.addi %div3A_150, %add3A_152 : vector<16xi32>
    %add3A_154 = arith.constant 64 : i32
    %add3A_155 = vector.broadcast %add3A_154 : i32 to vector<16xi32>
    %add3A_156 = arith.addi %iota3A, %add3A_155 : vector<16xi32>
    %div3A_157 = arith.constant 12 : i32
    %div3A_158 = vector.broadcast %div3A_157 : i32 to vector<16xi32>
    %div3A_159 = arith.divsi %add3A_156, %div3A_158 : vector<16xi32>
    %add3A_160 = arith.constant 8 : i32
    %add3A_161 = vector.broadcast %add3A_160 : i32 to vector<16xi32>
    %add3A_162 = arith.addi %div3A_159, %add3A_161 : vector<16xi32>
    %add3A_163 = arith.constant 80 : i32
    %add3A_164 = vector.broadcast %add3A_163 : i32 to vector<16xi32>
    %add3A_165 = arith.addi %iota3A, %add3A_164 : vector<16xi32>
    %div3A_166 = arith.constant 12 : i32
    %div3A_167 = vector.broadcast %div3A_166 : i32 to vector<16xi32>
    %div3A_168 = arith.divsi %add3A_165, %div3A_167 : vector<16xi32>
    %add3A_169 = arith.constant 8 : i32
    %add3A_170 = vector.broadcast %add3A_169 : i32 to vector<16xi32>
    %add3A_171 = arith.addi %div3A_168, %add3A_170 : vector<16xi32>
    %div3A_172 = arith.constant 128 : i32
    %div3A_173 = arith.divsi %mul3A_41, %div3A_172 : i32
    %sub3A_174 = arith.constant 0 : i32
    %sub3A_175 = arith.subi %div3A_173, %sub3A_174 : i32
    %sub3A_176 = arith.constant 1 : i32
    %sub3A_177 = arith.constant 1 : i32
    %sub3A_178 = arith.subi %sub3A_176, %sub3A_177 : i32
    %add3A_179 = arith.addi %sub3A_175, %sub3A_178 : i32
    %div3A_180 = arith.constant 1 : i32
    %div3A_181 = arith.divsi %add3A_179, %div3A_180 : i32
    %while3A_182 = arith.constant 1 : i32
    %while3A_183 = arith.constant 0 : i32
    %while3A_184 = arith.constant 0 : i32
    %while3A_185 = arith.subi %div3A_181, %while3A_184 : i32
    %while3A_186 = arith.addi %while3A_184, %while3A_185 : i32
    %while3A_187 = arith.constant 1 : i32
    %while3A_188 = arith.divsi %while3A_185, %while3A_187 : i32
    %while3A_189 = arith.muli %while3A_188, %while3A_187 : i32
    %while3A_190 = arith.addi %while3A_184, %while3A_189 : i32
    %while3A_191 = arith.constant 1 : i32
    scf.for %while3A_202 = %while3A_184 to %while3A_190 step %while3A_191  : i32 {
      %mul3A_203 = arith.muli %while3A_202, %while3A_182 : i32
      %add3A_204 = arith.addi %while3A_183, %mul3A_203 : i32
      %mul3A_205 = arith.constant 128 : i32
      %mul3A_206 = arith.muli %add3A_204, %mul3A_205 : i32
      %add3A_207 = arith.constant 0 : i32
      %add3A_208 = arith.addi %mul3A_206, %add3A_207 : i32
      %get3A_209 = arith.index_cast %add3A_208 : i32 to index
      %get3A_210 = tpu.vector_load %arg15[%get3A_209] {strides = array<i32>} : memref<10240xi32, #tpu.memory_space<vmem>>, vector<16xi32>,
      %swap3A = arith.constant 0 : index
      %swap3A_211 = tpu.vector_load %arg11[%swap3A] {strides = array<i32>} : memref<128xi32, #tpu.memory_space<vmem>>, vector<16xi32>,
      tpu.vector_store %arg11[%swap3A], %get3A_210 {strides = array<i32>} : memref<128xi32, #tpu.memory_space<vmem>>, vector<16xi32>,
      %add3A_212 = arith.constant 0 : i32
      %add3A_213 = arith.addi %mul3A_206, %add3A_212 : i32
      %get3A_214 = arith.index_cast %add3A_213 : i32 to index
      %get3A_215 = tpu.vector_load %arg16[%get3A_214] {strides = array<i32>} : memref<10240xi32, #tpu.memory_space<vmem>>, vector<16xi32>,
      %swap3A_216 = arith.constant 0 : index
      %swap3A_217 = tpu.vector_load %arg12[%swap3A_216] {strides = array<i32>} : memref<128xi32, #tpu.memory_space<vmem>>, vector<16xi32>,
      tpu.vector_store %arg12[%swap3A_216], %get3A_215 {strides = array<i32>} : memref<128xi32, #tpu.memory_space<vmem>>, vector<16xi32>,
      %add3A_218 = arith.constant 16 : i32
      %add3A_219 = arith.addi %mul3A_206, %add3A_218 : i32
      %get3A_220 = arith.index_cast %add3A_219 : i32 to index
      %get3A_221 = tpu.vector_load %arg15[%get3A_220] {strides = array<i32>} : memref<10240xi32, #tpu.memory_space<vmem>>, vector<16xi32>,
      %swap3A_222 = arith.constant 16 : index
      %swap3A_223 = tpu.vector_load %arg11[%swap3A_222] {strides = array<i32>} : memref<128xi32, #tpu.memory_space<vmem>>, vector<16xi32>,
      tpu.vector_store %arg11[%swap3A_222], %get3A_221 {strides = array<i32>} : memref<128xi32, #tpu.memory_space<vmem>>, vector<16xi32>,
      %add3A_224 = arith.constant 16 : i32
      %add3A_225 = arith.addi %mul3A_206, %add3A_224 : i32
      %get3A_226 = arith.index_cast %add3A_225 : i32 to index
      %get3A_227 = tpu.vector_load %arg16[%get3A_226] {strides = array<i32>} : memref<10240xi32, #tpu.memory_space<vmem>>, vector<16xi32>,
      %swap3A_228 = arith.constant 16 : index
      %swap3A_229 = tpu.vector_load %arg12[%swap3A_228] {strides = array<i32>} : memref<128xi32, #tpu.memory_space<vmem>>, vector<16xi32>,
      tpu.vector_store %arg12[%swap3A_228], %get3A_227 {strides = array<i32>} : memref<128xi32, #tpu.memory_space<vmem>>, vector<16xi32>,
      %add3A_230 = arith.constant 32 : i32
      %add3A_231 = arith.addi %mul3A_206, %add3A_230 : i32
      %get3A_232 = arith.index_cast %add3A_231 : i32 to index
      %get3A_233 = tpu.vector_load %arg15[%get3A_232] {strides = array<i32>} : memref<10240xi32, #tpu.memory_space<vmem>>, vector<16xi32>,
      %swap3A_234 = arith.constant 32 : index
      %swap3A_235 = tpu.vector_load %arg11[%swap3A_234] {strides = array<i32>} : memref<128xi32, #tpu.memory_space<vmem>>, vector<16xi32>,
      tpu.vector_store %arg11[%swap3A_234], %get3A_233 {strides = array<i32>} : memref<128xi32, #tpu.memory_space<vmem>>, vector<16xi32>,
      %add3A_236 = arith.constant 32 : i32
      %add3A_237 = arith.addi %mul3A_206, %add3A_236 : i32
      %get3A_238 = arith.index_cast %add3A_237 : i32 to index
      %get3A_239 = tpu.vector_load %arg16[%get3A_238] {strides = array<i32>} : memref<10240xi32, #tpu.memory_space<vmem>>, vector<16xi32>,
      %swap3A_240 = arith.constant 32 : index
      %swap3A_241 = tpu.vector_load %arg12[%swap3A_240] {strides = array<i32>} : memref<128xi32, #tpu.memory_space<vmem>>, vector<16xi32>,
      tpu.vector_store %arg12[%swap3A_240], %get3A_239 {strides = array<i32>} : memref<128xi32, #tpu.memory_space<vmem>>, vector<16xi32>,
      %add3A_242 = arith.constant 48 : i32
      %add3A_243 = arith.addi %mul3A_206, %add3A_242 : i32
      %get3A_244 = arith.index_cast %add3A_243 : i32 to index
      %get3A_245 = tpu.vector_load %arg15[%get3A_244] {strides = array<i32>} : memref<10240xi32, #tpu.memory_space<vmem>>, vector<16xi32>,
      %swap3A_246 = arith.constant 48 : index
      %swap3A_247 = tpu.vector_load %arg11[%swap3A_246] {strides = array<i32>} : memref<128xi32, #tpu.memory_space<vmem>>, vector<16xi32>,
      tpu.vector_store %arg11[%swap3A_246], %get3A_245 {strides = array<i32>} : memref<128xi32, #tpu.memory_space<vmem>>, vector<16xi32>,
      %add3A_248 = arith.constant 48 : i32
      %add3A_249 = arith.addi %mul3A_206, %add3A_248 : i32
      %get3A_250 = arith.index_cast %add3A_249 : i32 to index
      %get3A_251 = tpu.vector_load %arg16[%get3A_250] {strides = array<i32>} : memref<10240xi32, #tpu.memory_space<vmem>>, vector<16xi32>,
      %swap3A_252 = arith.constant 48 : index
      %swap3A_253 = tpu.vector_load %arg12[%swap3A_252] {strides = array<i32>} : memref<128xi32, #tpu.memory_space<vmem>>, vector<16xi32>,
      tpu.vector_store %arg12[%swap3A_252], %get3A_251 {strides = array<i32>} : memref<128xi32, #tpu.memory_space<vmem>>, vector<16xi32>,
      %add3A_254 = arith.constant 64 : i32
      %add3A_255 = arith.addi %mul3A_206, %add3A_254 : i32
      %get3A_256 = arith.index_cast %add3A_255 : i32 to index
      %get3A_257 = tpu.vector_load %arg15[%get3A_256] {strides = array<i32>} : memref<10240xi32, #tpu.memory_space<vmem>>, vector<16xi32>,
      %swap3A_258 = arith.constant 64 : index
      %swap3A_259 = tpu.vector_load %arg11[%swap3A_258] {strides = array<i32>} : memref<128xi32, #tpu.memory_space<vmem>>, vector<16xi32>,
      tpu.vector_store %arg11[%swap3A_258], %get3A_257 {strides = array<i32>} : memref<128xi32, #tpu.memory_space<vmem>>, vector<16xi32>,
      %add3A_260 = arith.constant 64 : i32
      %add3A_261 = arith.addi %mul3A_206, %add3A_260 : i32
      %get3A_262 = arith.index_cast %add3A_261 : i32 to index
      %get3A_263 = tpu.vector_load %arg16[%get3A_262] {strides = array<i32>} : memref<10240xi32, #tpu.memory_space<vmem>>, vector<16xi32>,
      %swap3A_264 = arith.constant 64 : index
      %swap3A_265 = tpu.vector_load %arg12[%swap3A_264] {strides = array<i32>} : memref<128xi32, #tpu.memory_space<vmem>>, vector<16xi32>,
      tpu.vector_store %arg12[%swap3A_264], %get3A_263 {strides = array<i32>} : memref<128xi32, #tpu.memory_space<vmem>>, vector<16xi32>,
      %add3A_266 = arith.constant 80 : i32
      %add3A_267 = arith.addi %mul3A_206, %add3A_266 : i32
      %get3A_268 = arith.index_cast %add3A_267 : i32 to index
      %get3A_269 = tpu.vector_load %arg15[%get3A_268] {strides = array<i32>} : memref<10240xi32, #tpu.memory_space<vmem>>, vector<16xi32>,
      %swap3A_270 = arith.constant 80 : index
      %swap3A_271 = tpu.vector_load %arg11[%swap3A_270] {strides = array<i32>} : memref<128xi32, #tpu.memory_space<vmem>>, vector<16xi32>,
      tpu.vector_store %arg11[%swap3A_270], %get3A_269 {strides = array<i32>} : memref<128xi32, #tpu.memory_space<vmem>>, vector<16xi32>,
      %add3A_272 = arith.constant 80 : i32
      %add3A_273 = arith.addi %mul3A_206, %add3A_272 : i32
      %get3A_274 = arith.index_cast %add3A_273 : i32 to index
      %get3A_275 = tpu.vector_load %arg16[%get3A_274] {strides = array<i32>} : memref<10240xi32, #tpu.memory_space<vmem>>, vector<16xi32>,
      %swap3A_276 = arith.constant 80 : index
      %swap3A_277 = tpu.vector_load %arg12[%swap3A_276] {strides = array<i32>} : memref<128xi32, #tpu.memory_space<vmem>>, vector<16xi32>,
      tpu.vector_store %arg12[%swap3A_276], %get3A_275 {strides = array<i32>} : memref<128xi32, #tpu.memory_space<vmem>>, vector<16xi32>,
      %add3A_278 = arith.constant 96 : i32
      %add3A_279 = arith.addi %mul3A_206, %add3A_278 : i32
      %get3A_280 = arith.index_cast %add3A_279 : i32 to index
      %get3A_281 = tpu.vector_load %arg15[%get3A_280] {strides = array<i32>} : memref<10240xi32, #tpu.memory_space<vmem>>, vector<16xi32>,
      %swap3A_282 = arith.constant 96 : index
      %swap3A_283 = tpu.vector_load %arg11[%swap3A_282] {strides = array<i32>} : memref<128xi32, #tpu.memory_space<vmem>>, vector<16xi32>,
      tpu.vector_store %arg11[%swap3A_282], %get3A_281 {strides = array<i32>} : memref<128xi32, #tpu.memory_space<vmem>>, vector<16xi32>,
      %add3A_284 = arith.constant 96 : i32
      %add3A_285 = arith.addi %mul3A_206, %add3A_284 : i32
      %get3A_286 = arith.index_cast %add3A_285 : i32 to index
      %get3A_287 = tpu.vector_load %arg16[%get3A_286] {strides = array<i32>} : memref<10240xi32, #tpu.memory_space<vmem>>, vector<16xi32>,
      %swap3A_288 = arith.constant 96 : index
      %swap3A_289 = tpu.vector_load %arg12[%swap3A_288] {strides = array<i32>} : memref<128xi32, #tpu.memory_space<vmem>>, vector<16xi32>,
      tpu.vector_store %arg12[%swap3A_288], %get3A_287 {strides = array<i32>} : memref<128xi32, #tpu.memory_space<vmem>>, vector<16xi32>,
      %add3A_290 = arith.constant 112 : i32
      %add3A_291 = arith.addi %mul3A_206, %add3A_290 : i32
      %get3A_292 = arith.index_cast %add3A_291 : i32 to index
      %get3A_293 = tpu.vector_load %arg15[%get3A_292] {strides = array<i32>} : memref<10240xi32, #tpu.memory_space<vmem>>, vector<16xi32>,
      %swap3A_294 = arith.constant 112 : index
      %swap3A_295 = tpu.vector_load %arg11[%swap3A_294] {strides = array<i32>} : memref<128xi32, #tpu.memory_space<vmem>>, vector<16xi32>,
      tpu.vector_store %arg11[%swap3A_294], %get3A_293 {strides = array<i32>} : memref<128xi32, #tpu.memory_space<vmem>>, vector<16xi32>,
      %add3A_296 = arith.constant 112 : i32
      %add3A_297 = arith.addi %mul3A_206, %add3A_296 : i32
      %get3A_298 = arith.index_cast %add3A_297 : i32 to index
      %get3A_299 = tpu.vector_load %arg16[%get3A_298] {strides = array<i32>} : memref<10240xi32, #tpu.memory_space<vmem>>, vector<16xi32>,
      %swap3A_300 = arith.constant 112 : index
      %swap3A_301 = tpu.vector_load %arg12[%swap3A_300] {strides = array<i32>} : memref<128xi32, #tpu.memory_space<vmem>>, vector<16xi32>,
      tpu.vector_store %arg12[%swap3A_300], %get3A_299 {strides = array<i32>} : memref<128xi32, #tpu.memory_space<vmem>>, vector<16xi32>,
      %dma_start3A = arith.constant 0 : i32
      %dma_start3A_302 = arith.constant 0 : i32
      %dma_start3A_303 = tpu.memref_slice %arg2[%dma_start3A, %dma_start3A_302] : memref<5120x96xf32, #tpu.memory_space<hbm>> -> memref<5120x96xf32, #tpu.memory_space<hbm>>
      tpu.enqueue_indirect_dma source(%dma_start3A_303 : memref<5120x96xf32, #tpu.memory_space<hbm>>) target(%arg13 : memref<128x96xf32, #tpu.memory_space<vmem>>) offsets(%arg11 : memref<128xi32, #tpu.memory_space<vmem>>) semaphore(%arg17 : memref<!tpu.dma_semaphore, #tpu.memory_space<semaphore_mem>>)
      %dma_wait3A = arith.constant 0 : i32
      %dma_wait3A_304 = arith.constant 0 : i32
      %dma_wait3A_305 = tpu.memref_slice %arg2[%dma_wait3A, %dma_wait3A_304] : memref<5120x96xf32, #tpu.memory_space<hbm>> -> memref<5120x96xf32, #tpu.memory_space<hbm>>
      tpu.wait_indirect_dma semaphore(%arg17 : memref<!tpu.dma_semaphore, #tpu.memory_space<semaphore_mem>>) src(%dma_wait3A_305 : memref<5120x96xf32, #tpu.memory_space<hbm>>) dst(%arg13 : memref<128x96xf32, #tpu.memory_space<vmem>>)
      %scan3A_306 = arith.constant 0 : i32
      %scan3A_307 = arith.constant 64 : i32
      %scan3A_308 = arith.addi %scan3A_306, %scan3A_307 : i32
      %scan3A_309 = arith.constant 4 : i32
      scf.for %scan3A_311 = %scan3A_306 to %scan3A_308 step %scan3A_309  : i32 {
        %mul3A_312 = arith.constant 1 : i32
        %mul3A_313 = arith.muli %scan3A_311, %mul3A_312 : i32
        %add3A_314 = arith.constant 0 : i32
        %add3A_315 = arith.addi %add3A_314, %mul3A_313 : i32
        %mul3A_316 = arith.constant 2 : i32
        %mul3A_317 = arith.muli %mul3A_316, %add3A_315 : i32
        %mul3A_318 = arith.constant 0 : i32
        %mul3A_319 = vector.broadcast %mul3A_318 : i32 to vector<16xi32>
        %mul3A_320 = arith.muli %iota3A, %mul3A_319 : vector<16xi32>
        %add3A_321 = vector.broadcast %mul3A_317 : i32 to vector<16xi32>
        %add3A_322 = arith.addi %mul3A_320, %add3A_321 : vector<16xi32>
        %add3A_323 = arith.addi %add3A_322, %convert_element_type3A : vector<16xi32>
        %gather3A = tpu.vector_load_idx %arg12[%add3A_323] : memref<128xi32, #tpu.memory_space<vmem>>[vector<16xi32>], vector<16xi32>,
        %min3A = arith.constant 1023 : i32
        %min3A_324 = vector.broadcast %min3A : i32 to vector<16xi32>
        %min3A_325 = arith.minsi %gather3A, %min3A_324 : vector<16xi32>
        %mul3A_326 = arith.constant 8 : i32
        %mul3A_327 = vector.broadcast %mul3A_326 : i32 to vector<16xi32>
        %mul3A_328 = arith.muli %min3A_325, %mul3A_327 : vector<16xi32>
        %add3A_329 = arith.addi %mul3A_328, %rem3A_2 : vector<16xi32>
        %gather3A_330 = tpu.vector_load_idx %arg9[%add3A_329] : memref<8192xf32, #tpu.memory_space<vmem>>[vector<16xi32>], vector<16xf32>,
        %gather3A_331 = tpu.vector_load_idx %arg13[%add3A_323, %add3A_10] : memref<128x96xf32, #tpu.memory_space<vmem>>[vector<16xi32>, vector<16xi32>], vector<16xf32>,
        %add3A_332 = arith.addf %gather3A_331, %gather3A_330 : vector<16xf32>
        %mul3A_333 = arith.constant 2.000000e-01 : f32
        %mul3A_334 = vector.broadcast %mul3A_333 : f32 to vector<16xf32>
        %mul3A_335 = arith.mulf %mul3A_334, %add3A_332 : vector<16xf32>
        %max3A = arith.maximumf %add3A_332, %mul3A_335 : vector<16xf32>
        %sub3A_336 = arith.subf %max3A, %get3A_15 : vector<16xf32>
        %exp3A = math.exp %sub3A_336 : vector<16xf32>
        %add3A_337 = arith.constant 0 : i32
        %add3A_338 = arith.addi %mul3A_317, %add3A_337 : i32
        %lt3A = arith.constant 0 : i32
        %lt3A_339 = vector.broadcast %lt3A : i32 to vector<16xi32>
        %lt3A_340 = arith.cmpi slt, %add3A_72, %lt3A_339 : vector<16xi32>
        %add3A_341 = arith.constant 16 : i32
        %add3A_342 = vector.broadcast %add3A_341 : i32 to vector<16xi32>
        %add3A_343 = arith.addi %add3A_72, %add3A_342 : vector<16xi32>
        %select_n3A = arith.select %lt3A_340, %add3A_343, %add3A_72 : vector<16xi1>, vector<16xi32>
        %broadcast_in_dim3A = vector.shape_cast %select_n3A : vector<16xi32> to vector<16x1xi32>
        %gather3A_344 = vector.shape_cast %broadcast_in_dim3A : vector<16x1xi32> to vector<16xi32>
        %gather3A_345 = tpu.dynamic_gather %exp3A[%gather3A_344] in [0] : vector<16xf32>, vector<16xi32> -> vector<16xf32>
        %get3A_346 = arith.index_cast %add3A_338 : i32 to index
        %get3A_347 = arith.constant 0 : index
        %get3A_348 = tpu.vector_load %arg13[%get3A_346, %get3A_347] {strides = array<i32>} : memref<128x96xf32, #tpu.memory_space<vmem>>, vector<16xf32>,
        %mul3A_349 = arith.mulf %get3A_348, %gather3A_345 : vector<16xf32>
        %swap3A_350 = arith.index_cast %add3A_338 : i32 to index
        %swap3A_351 = arith.constant 0 : index
        %swap3A_352 = tpu.vector_load %arg14[%swap3A_350, %swap3A_351] {strides = array<i32>} : memref<128x96xf32, #tpu.memory_space<vmem>>, vector<16xf32>,
        tpu.vector_store %arg14[%swap3A_350, %swap3A_351], %mul3A_349 {strides = array<i32>} : memref<128x96xf32, #tpu.memory_space<vmem>>, vector<16xf32>,
        %lt3A_353 = arith.constant 0 : i32
        %lt3A_354 = vector.broadcast %lt3A_353 : i32 to vector<16xi32>
        %lt3A_355 = arith.cmpi slt, %add3A_81, %lt3A_354 : vector<16xi32>
        %add3A_356 = arith.constant 16 : i32
        %add3A_357 = vector.broadcast %add3A_356 : i32 to vector<16xi32>
        %add3A_358 = arith.addi %add3A_81, %add3A_357 : vector<16xi32>
        %select_n3A_359 = arith.select %lt3A_355, %add3A_358, %add3A_81 : vector<16xi1>, vector<16xi32>
        %broadcast_in_dim3A_360 = vector.shape_cast %select_n3A_359 : vector<16xi32> to vector<16x1xi32>
        %gather3A_361 = vector.shape_cast %broadcast_in_dim3A_360 : vector<16x1xi32> to vector<16xi32>
        %gather3A_362 = tpu.dynamic_gather %exp3A[%gather3A_361] in [0] : vector<16xf32>, vector<16xi32> -> vector<16xf32>
        %get3A_363 = arith.index_cast %add3A_338 : i32 to index
        %get3A_364 = arith.constant 16 : index
        %get3A_365 = tpu.vector_load %arg13[%get3A_363, %get3A_364] {strides = array<i32>} : memref<128x96xf32, #tpu.memory_space<vmem>>, vector<16xf32>,
        %mul3A_366 = arith.mulf %get3A_365, %gather3A_362 : vector<16xf32>
        %swap3A_367 = arith.index_cast %add3A_338 : i32 to index
        %swap3A_368 = arith.constant 16 : index
        %swap3A_369 = tpu.vector_load %arg14[%swap3A_367, %swap3A_368] {strides = array<i32>} : memref<128x96xf32, #tpu.memory_space<vmem>>, vector<16xf32>,
        tpu.vector_store %arg14[%swap3A_367, %swap3A_368], %mul3A_366 {strides = array<i32>} : memref<128x96xf32, #tpu.memory_space<vmem>>, vector<16xf32>,
        %lt3A_370 = arith.constant 0 : i32
        %lt3A_371 = vector.broadcast %lt3A_370 : i32 to vector<16xi32>
        %lt3A_372 = arith.cmpi slt, %add3A_90, %lt3A_371 : vector<16xi32>
        %add3A_373 = arith.constant 16 : i32
        %add3A_374 = vector.broadcast %add3A_373 : i32 to vector<16xi32>
        %add3A_375 = arith.addi %add3A_90, %add3A_374 : vector<16xi32>
        %select_n3A_376 = arith.select %lt3A_372, %add3A_375, %add3A_90 : vector<16xi1>, vector<16xi32>
        %broadcast_in_dim3A_377 = vector.shape_cast %select_n3A_376 : vector<16xi32> to vector<16x1xi32>
        %gather3A_378 = vector.shape_cast %broadcast_in_dim3A_377 : vector<16x1xi32> to vector<16xi32>
        %gather3A_379 = tpu.dynamic_gather %exp3A[%gather3A_378] in [0] : vector<16xf32>, vector<16xi32> -> vector<16xf32>
        %get3A_380 = arith.index_cast %add3A_338 : i32 to index
        %get3A_381 = arith.constant 32 : index
        %get3A_382 = tpu.vector_load %arg13[%get3A_380, %get3A_381] {strides = array<i32>} : memref<128x96xf32, #tpu.memory_space<vmem>>, vector<16xf32>,
        %mul3A_383 = arith.mulf %get3A_382, %gather3A_379 : vector<16xf32>
        %swap3A_384 = arith.index_cast %add3A_338 : i32 to index
        %swap3A_385 = arith.constant 32 : index
        %swap3A_386 = tpu.vector_load %arg14[%swap3A_384, %swap3A_385] {strides = array<i32>} : memref<128x96xf32, #tpu.memory_space<vmem>>, vector<16xf32>,
        tpu.vector_store %arg14[%swap3A_384, %swap3A_385], %mul3A_383 {strides = array<i32>} : memref<128x96xf32, #tpu.memory_space<vmem>>, vector<16xf32>,
        %lt3A_387 = arith.constant 0 : i32
        %lt3A_388 = vector.broadcast %lt3A_387 : i32 to vector<16xi32>
        %lt3A_389 = arith.cmpi slt, %add3A_99, %lt3A_388 : vector<16xi32>
        %add3A_390 = arith.constant 16 : i32
        %add3A_391 = vector.broadcast %add3A_390 : i32 to vector<16xi32>
        %add3A_392 = arith.addi %add3A_99, %add3A_391 : vector<16xi32>
        %select_n3A_393 = arith.select %lt3A_389, %add3A_392, %add3A_99 : vector<16xi1>, vector<16xi32>
        %broadcast_in_dim3A_394 = vector.shape_cast %select_n3A_393 : vector<16xi32> to vector<16x1xi32>
        %gather3A_395 = vector.shape_cast %broadcast_in_dim3A_394 : vector<16x1xi32> to vector<16xi32>
        %gather3A_396 = tpu.dynamic_gather %exp3A[%gather3A_395] in [0] : vector<16xf32>, vector<16xi32> -> vector<16xf32>
        %get3A_397 = arith.index_cast %add3A_338 : i32 to index
        %get3A_398 = arith.constant 48 : index
        %get3A_399 = tpu.vector_load %arg13[%get3A_397, %get3A_398] {strides = array<i32>} : memref<128x96xf32, #tpu.memory_space<vmem>>, vector<16xf32>,
        %mul3A_400 = arith.mulf %get3A_399, %gather3A_396 : vector<16xf32>
        %swap3A_401 = arith.index_cast %add3A_338 : i32 to index
        %swap3A_402 = arith.constant 48 : index
        %swap3A_403 = tpu.vector_load %arg14[%swap3A_401, %swap3A_402] {strides = array<i32>} : memref<128x96xf32, #tpu.memory_space<vmem>>, vector<16xf32>,
        tpu.vector_store %arg14[%swap3A_401, %swap3A_402], %mul3A_400 {strides = array<i32>} : memref<128x96xf32, #tpu.memory_space<vmem>>, vector<16xf32>,
        %lt3A_404 = arith.constant 0 : i32
        %lt3A_405 = vector.broadcast %lt3A_404 : i32 to vector<16xi32>
        %lt3A_406 = arith.cmpi slt, %add3A_108, %lt3A_405 : vector<16xi32>
        %add3A_407 = arith.constant 16 : i32
        %add3A_408 = vector.broadcast %add3A_407 : i32 to vector<16xi32>
        %add3A_409 = arith.addi %add3A_108, %add3A_408 : vector<16xi32>
        %select_n3A_410 = arith.select %lt3A_406, %add3A_409, %add3A_108 : vector<16xi1>, vector<16xi32>
        %broadcast_in_dim3A_411 = vector.shape_cast %select_n3A_410 : vector<16xi32> to vector<16x1xi32>
        %gather3A_412 = vector.shape_cast %broadcast_in_dim3A_411 : vector<16x1xi32> to vector<16xi32>
        %gather3A_413 = tpu.dynamic_gather %exp3A[%gather3A_412] in [0] : vector<16xf32>, vector<16xi32> -> vector<16xf32>
        %get3A_414 = arith.index_cast %add3A_338 : i32 to index
        %get3A_415 = arith.constant 64 : index
        %get3A_416 = tpu.vector_load %arg13[%get3A_414, %get3A_415] {strides = array<i32>} : memref<128x96xf32, #tpu.memory_space<vmem>>, vector<16xf32>,
        %mul3A_417 = arith.mulf %get3A_416, %gather3A_413 : vector<16xf32>
        %swap3A_418 = arith.index_cast %add3A_338 : i32 to index
        %swap3A_419 = arith.constant 64 : index
        %swap3A_420 = tpu.vector_load %arg14[%swap3A_418, %swap3A_419] {strides = array<i32>} : memref<128x96xf32, #tpu.memory_space<vmem>>, vector<16xf32>,
        tpu.vector_store %arg14[%swap3A_418, %swap3A_419], %mul3A_417 {strides = array<i32>} : memref<128x96xf32, #tpu.memory_space<vmem>>, vector<16xf32>,
        %lt3A_421 = arith.constant 0 : i32
        %lt3A_422 = vector.broadcast %lt3A_421 : i32 to vector<16xi32>
        %lt3A_423 = arith.cmpi slt, %add3A_117, %lt3A_422 : vector<16xi32>
        %add3A_424 = arith.constant 16 : i32
        %add3A_425 = vector.broadcast %add3A_424 : i32 to vector<16xi32>
        %add3A_426 = arith.addi %add3A_117, %add3A_425 : vector<16xi32>
        %select_n3A_427 = arith.select %lt3A_423, %add3A_426, %add3A_117 : vector<16xi1>, vector<16xi32>
        %broadcast_in_dim3A_428 = vector.shape_cast %select_n3A_427 : vector<16xi32> to vector<16x1xi32>
        %gather3A_429 = vector.shape_cast %broadcast_in_dim3A_428 : vector<16x1xi32> to vector<16xi32>
        %gather3A_430 = tpu.dynamic_gather %exp3A[%gather3A_429] in [0] : vector<16xf32>, vector<16xi32> -> vector<16xf32>
        %get3A_431 = arith.index_cast %add3A_338 : i32 to index
        %get3A_432 = arith.constant 80 : index
        %get3A_433 = tpu.vector_load %arg13[%get3A_431, %get3A_432] {strides = array<i32>} : memref<128x96xf32, #tpu.memory_space<vmem>>, vector<16xf32>,
        %mul3A_434 = arith.mulf %get3A_433, %gather3A_430 : vector<16xf32>
        %swap3A_435 = arith.index_cast %add3A_338 : i32 to index
        %swap3A_436 = arith.constant 80 : index
        %swap3A_437 = tpu.vector_load %arg14[%swap3A_435, %swap3A_436] {strides = array<i32>} : memref<128x96xf32, #tpu.memory_space<vmem>>, vector<16xf32>,
        tpu.vector_store %arg14[%swap3A_435, %swap3A_436], %mul3A_434 {strides = array<i32>} : memref<128x96xf32, #tpu.memory_space<vmem>>, vector<16xf32>,
        %add3A_438 = arith.constant 1 : i32
        %add3A_439 = arith.addi %mul3A_317, %add3A_438 : i32
        %lt3A_440 = arith.constant 0 : i32
        %lt3A_441 = vector.broadcast %lt3A_440 : i32 to vector<16xi32>
        %lt3A_442 = arith.cmpi slt, %add3A_126, %lt3A_441 : vector<16xi32>
        %add3A_443 = arith.constant 16 : i32
        %add3A_444 = vector.broadcast %add3A_443 : i32 to vector<16xi32>
        %add3A_445 = arith.addi %add3A_126, %add3A_444 : vector<16xi32>
        %select_n3A_446 = arith.select %lt3A_442, %add3A_445, %add3A_126 : vector<16xi1>, vector<16xi32>
        %broadcast_in_dim3A_447 = vector.shape_cast %select_n3A_446 : vector<16xi32> to vector<16x1xi32>
        %gather3A_448 = vector.shape_cast %broadcast_in_dim3A_447 : vector<16x1xi32> to vector<16xi32>
        %gather3A_449 = tpu.dynamic_gather %exp3A[%gather3A_448] in [0] : vector<16xf32>, vector<16xi32> -> vector<16xf32>
        %get3A_450 = arith.index_cast %add3A_439 : i32 to index
        %get3A_451 = arith.constant 0 : index
        %get3A_452 = tpu.vector_load %arg13[%get3A_450, %get3A_451] {strides = array<i32>} : memref<128x96xf32, #tpu.memory_space<vmem>>, vector<16xf32>,
        %mul3A_453 = arith.mulf %get3A_452, %gather3A_449 : vector<16xf32>
        %swap3A_454 = arith.index_cast %add3A_439 : i32 to index
        %swap3A_455 = arith.constant 0 : index
        %swap3A_456 = tpu.vector_load %arg14[%swap3A_454, %swap3A_455] {strides = array<i32>} : memref<128x96xf32, #tpu.memory_space<vmem>>, vector<16xf32>,
        tpu.vector_store %arg14[%swap3A_454, %swap3A_455], %mul3A_453 {strides = array<i32>} : memref<128x96xf32, #tpu.memory_space<vmem>>, vector<16xf32>,
        %lt3A_457 = arith.constant 0 : i32
        %lt3A_458 = vector.broadcast %lt3A_457 : i32 to vector<16xi32>
        %lt3A_459 = arith.cmpi slt, %add3A_135, %lt3A_458 : vector<16xi32>
        %add3A_460 = arith.constant 16 : i32
        %add3A_461 = vector.broadcast %add3A_460 : i32 to vector<16xi32>
        %add3A_462 = arith.addi %add3A_135, %add3A_461 : vector<16xi32>
        %select_n3A_463 = arith.select %lt3A_459, %add3A_462, %add3A_135 : vector<16xi1>, vector<16xi32>
        %broadcast_in_dim3A_464 = vector.shape_cast %select_n3A_463 : vector<16xi32> to vector<16x1xi32>
        %gather3A_465 = vector.shape_cast %broadcast_in_dim3A_464 : vector<16x1xi32> to vector<16xi32>
        %gather3A_466 = tpu.dynamic_gather %exp3A[%gather3A_465] in [0] : vector<16xf32>, vector<16xi32> -> vector<16xf32>
        %get3A_467 = arith.index_cast %add3A_439 : i32 to index
        %get3A_468 = arith.constant 16 : index
        %get3A_469 = tpu.vector_load %arg13[%get3A_467, %get3A_468] {strides = array<i32>} : memref<128x96xf32, #tpu.memory_space<vmem>>, vector<16xf32>,
        %mul3A_470 = arith.mulf %get3A_469, %gather3A_466 : vector<16xf32>
        %swap3A_471 = arith.index_cast %add3A_439 : i32 to index
        %swap3A_472 = arith.constant 16 : index
        %swap3A_473 = tpu.vector_load %arg14[%swap3A_471, %swap3A_472] {strides = array<i32>} : memref<128x96xf32, #tpu.memory_space<vmem>>, vector<16xf32>,
        tpu.vector_store %arg14[%swap3A_471, %swap3A_472], %mul3A_470 {strides = array<i32>} : memref<128x96xf32, #tpu.memory_space<vmem>>, vector<16xf32>,
        %lt3A_474 = arith.constant 0 : i32
        %lt3A_475 = vector.broadcast %lt3A_474 : i32 to vector<16xi32>
        %lt3A_476 = arith.cmpi slt, %add3A_144, %lt3A_475 : vector<16xi32>
        %add3A_477 = arith.constant 16 : i32
        %add3A_478 = vector.broadcast %add3A_477 : i32 to vector<16xi32>
        %add3A_479 = arith.addi %add3A_144, %add3A_478 : vector<16xi32>
        %select_n3A_480 = arith.select %lt3A_476, %add3A_479, %add3A_144 : vector<16xi1>, vector<16xi32>
        %broadcast_in_dim3A_481 = vector.shape_cast %select_n3A_480 : vector<16xi32> to vector<16x1xi32>
        %gather3A_482 = vector.shape_cast %broadcast_in_dim3A_481 : vector<16x1xi32> to vector<16xi32>
        %gather3A_483 = tpu.dynamic_gather %exp3A[%gather3A_482] in [0] : vector<16xf32>, vector<16xi32> -> vector<16xf32>
        %get3A_484 = arith.index_cast %add3A_439 : i32 to index
        %get3A_485 = arith.constant 32 : index
        %get3A_486 = tpu.vector_load %arg13[%get3A_484, %get3A_485] {strides = array<i32>} : memref<128x96xf32, #tpu.memory_space<vmem>>, vector<16xf32>,
        %mul3A_487 = arith.mulf %get3A_486, %gather3A_483 : vector<16xf32>
        %swap3A_488 = arith.index_cast %add3A_439 : i32 to index
        %swap3A_489 = arith.constant 32 : index
        %swap3A_490 = tpu.vector_load %arg14[%swap3A_488, %swap3A_489] {strides = array<i32>} : memref<128x96xf32, #tpu.memory_space<vmem>>, vector<16xf32>,
        tpu.vector_store %arg14[%swap3A_488, %swap3A_489], %mul3A_487 {strides = array<i32>} : memref<128x96xf32, #tpu.memory_space<vmem>>, vector<16xf32>,
        %lt3A_491 = arith.constant 0 : i32
        %lt3A_492 = vector.broadcast %lt3A_491 : i32 to vector<16xi32>
        %lt3A_493 = arith.cmpi slt, %add3A_153, %lt3A_492 : vector<16xi32>
        %add3A_494 = arith.constant 16 : i32
        %add3A_495 = vector.broadcast %add3A_494 : i32 to vector<16xi32>
        %add3A_496 = arith.addi %add3A_153, %add3A_495 : vector<16xi32>
        %select_n3A_497 = arith.select %lt3A_493, %add3A_496, %add3A_153 : vector<16xi1>, vector<16xi32>
        %broadcast_in_dim3A_498 = vector.shape_cast %select_n3A_497 : vector<16xi32> to vector<16x1xi32>
        %gather3A_499 = vector.shape_cast %broadcast_in_dim3A_498 : vector<16x1xi32> to vector<16xi32>
        %gather3A_500 = tpu.dynamic_gather %exp3A[%gather3A_499] in [0] : vector<16xf32>, vector<16xi32> -> vector<16xf32>
        %get3A_501 = arith.index_cast %add3A_439 : i32 to index
        %get3A_502 = arith.constant 48 : index
        %get3A_503 = tpu.vector_load %arg13[%get3A_501, %get3A_502] {strides = array<i32>} : memref<128x96xf32, #tpu.memory_space<vmem>>, vector<16xf32>,
        %mul3A_504 = arith.mulf %get3A_503, %gather3A_500 : vector<16xf32>
        %swap3A_505 = arith.index_cast %add3A_439 : i32 to index
        %swap3A_506 = arith.constant 48 : index
        %swap3A_507 = tpu.vector_load %arg14[%swap3A_505, %swap3A_506] {strides = array<i32>} : memref<128x96xf32, #tpu.memory_space<vmem>>, vector<16xf32>,
        tpu.vector_store %arg14[%swap3A_505, %swap3A_506], %mul3A_504 {strides = array<i32>} : memref<128x96xf32, #tpu.memory_space<vmem>>, vector<16xf32>,
        %lt3A_508 = arith.constant 0 : i32
        %lt3A_509 = vector.broadcast %lt3A_508 : i32 to vector<16xi32>
        %lt3A_510 = arith.cmpi slt, %add3A_162, %lt3A_509 : vector<16xi32>
        %add3A_511 = arith.constant 16 : i32
        %add3A_512 = vector.broadcast %add3A_511 : i32 to vector<16xi32>
        %add3A_513 = arith.addi %add3A_162, %add3A_512 : vector<16xi32>
        %select_n3A_514 = arith.select %lt3A_510, %add3A_513, %add3A_162 : vector<16xi1>, vector<16xi32>
        %broadcast_in_dim3A_515 = vector.shape_cast %select_n3A_514 : vector<16xi32> to vector<16x1xi32>
        %gather3A_516 = vector.shape_cast %broadcast_in_dim3A_515 : vector<16x1xi32> to vector<16xi32>
        %gather3A_517 = tpu.dynamic_gather %exp3A[%gather3A_516] in [0] : vector<16xf32>, vector<16xi32> -> vector<16xf32>
        %get3A_518 = arith.index_cast %add3A_439 : i32 to index
        %get3A_519 = arith.constant 64 : index
        %get3A_520 = tpu.vector_load %arg13[%get3A_518, %get3A_519] {strides = array<i32>} : memref<128x96xf32, #tpu.memory_space<vmem>>, vector<16xf32>,
        %mul3A_521 = arith.mulf %get3A_520, %gather3A_517 : vector<16xf32>
        %swap3A_522 = arith.index_cast %add3A_439 : i32 to index
        %swap3A_523 = arith.constant 64 : index
        %swap3A_524 = tpu.vector_load %arg14[%swap3A_522, %swap3A_523] {strides = array<i32>} : memref<128x96xf32, #tpu.memory_space<vmem>>, vector<16xf32>,
        tpu.vector_store %arg14[%swap3A_522, %swap3A_523], %mul3A_521 {strides = array<i32>} : memref<128x96xf32, #tpu.memory_space<vmem>>, vector<16xf32>,
        %lt3A_525 = arith.constant 0 : i32
        %lt3A_526 = vector.broadcast %lt3A_525 : i32 to vector<16xi32>
        %lt3A_527 = arith.cmpi slt, %add3A_171, %lt3A_526 : vector<16xi32>
        %add3A_528 = arith.constant 16 : i32
        %add3A_529 = vector.broadcast %add3A_528 : i32 to vector<16xi32>
        %add3A_530 = arith.addi %add3A_171, %add3A_529 : vector<16xi32>
        %select_n3A_531 = arith.select %lt3A_527, %add3A_530, %add3A_171 : vector<16xi1>, vector<16xi32>
        %broadcast_in_dim3A_532 = vector.shape_cast %select_n3A_531 : vector<16xi32> to vector<16x1xi32>
        %gather3A_533 = vector.shape_cast %broadcast_in_dim3A_532 : vector<16x1xi32> to vector<16xi32>
        %gather3A_534 = tpu.dynamic_gather %exp3A[%gather3A_533] in [0] : vector<16xf32>, vector<16xi32> -> vector<16xf32>
        %get3A_535 = arith.index_cast %add3A_439 : i32 to index
        %get3A_536 = arith.constant 80 : index
        %get3A_537 = tpu.vector_load %arg13[%get3A_535, %get3A_536] {strides = array<i32>} : memref<128x96xf32, #tpu.memory_space<vmem>>, vector<16xf32>,
        %mul3A_538 = arith.mulf %get3A_537, %gather3A_534 : vector<16xf32>
        %swap3A_539 = arith.index_cast %add3A_439 : i32 to index
        %swap3A_540 = arith.constant 80 : index
        %swap3A_541 = tpu.vector_load %arg14[%swap3A_539, %swap3A_540] {strides = array<i32>} : memref<128x96xf32, #tpu.memory_space<vmem>>, vector<16xf32>,
        tpu.vector_store %arg14[%swap3A_539, %swap3A_540], %mul3A_538 {strides = array<i32>} : memref<128x96xf32, #tpu.memory_space<vmem>>, vector<16xf32>,
        %scan3A_542 = arith.constant 1 : i32
        %scan3A_543 = arith.addi %scan3A_311, %scan3A_542 : i32
        %mul3A_544 = arith.constant 1 : i32
        %mul3A_545 = arith.muli %scan3A_543, %mul3A_544 : i32
        %add3A_546 = arith.constant 0 : i32
        %add3A_547 = arith.addi %add3A_546, %mul3A_545 : i32
        %mul3A_548 = arith.constant 2 : i32
        %mul3A_549 = arith.muli %mul3A_548, %add3A_547 : i32
        %mul3A_550 = arith.constant 0 : i32
        %mul3A_551 = vector.broadcast %mul3A_550 : i32 to vector<16xi32>
        %mul3A_552 = arith.muli %iota3A, %mul3A_551 : vector<16xi32>
        %add3A_553 = vector.broadcast %mul3A_549 : i32 to vector<16xi32>
        %add3A_554 = arith.addi %mul3A_552, %add3A_553 : vector<16xi32>
        %add3A_555 = arith.addi %add3A_554, %convert_element_type3A : vector<16xi32>
        %gather3A_556 = tpu.vector_load_idx %arg12[%add3A_555] : memref<128xi32, #tpu.memory_space<vmem>>[vector<16xi32>], vector<16xi32>,
        %min3A_557 = arith.constant 1023 : i32
        %min3A_558 = vector.broadcast %min3A_557 : i32 to vector<16xi32>
        %min3A_559 = arith.minsi %gather3A_556, %min3A_558 : vector<16xi32>
        %mul3A_560 = arith.constant 8 : i32
        %mul3A_561 = vector.broadcast %mul3A_560 : i32 to vector<16xi32>
        %mul3A_562 = arith.muli %min3A_559, %mul3A_561 : vector<16xi32>
        %add3A_563 = arith.addi %mul3A_562, %rem3A_2 : vector<16xi32>
        %gather3A_564 = tpu.vector_load_idx %arg9[%add3A_563] : memref<8192xf32, #tpu.memory_space<vmem>>[vector<16xi32>], vector<16xf32>,
        %gather3A_565 = tpu.vector_load_idx %arg13[%add3A_555, %add3A_10] : memref<128x96xf32, #tpu.memory_space<vmem>>[vector<16xi32>, vector<16xi32>], vector<16xf32>,
        %add3A_566 = arith.addf %gather3A_565, %gather3A_564 : vector<16xf32>
        %mul3A_567 = arith.constant 2.000000e-01 : f32
        %mul3A_568 = vector.broadcast %mul3A_567 : f32 to vector<16xf32>
        %mul3A_569 = arith.mulf %mul3A_568, %add3A_566 : vector<16xf32>
        %max3A_570 = arith.maximumf %add3A_566, %mul3A_569 : vector<16xf32>
        %sub3A_571 = arith.subf %max3A_570, %get3A_15 : vector<16xf32>
        %exp3A_572 = math.exp %sub3A_571 : vector<16xf32>
        %add3A_573 = arith.constant 0 : i32
        %add3A_574 = arith.addi %mul3A_549, %add3A_573 : i32
        %lt3A_575 = arith.constant 0 : i32
        %lt3A_576 = vector.broadcast %lt3A_575 : i32 to vector<16xi32>
        %lt3A_577 = arith.cmpi slt, %add3A_72, %lt3A_576 : vector<16xi32>
        %add3A_578 = arith.constant 16 : i32
        %add3A_579 = vector.broadcast %add3A_578 : i32 to vector<16xi32>
        %add3A_580 = arith.addi %add3A_72, %add3A_579 : vector<16xi32>
        %select_n3A_581 = arith.select %lt3A_577, %add3A_580, %add3A_72 : vector<16xi1>, vector<16xi32>
        %broadcast_in_dim3A_582 = vector.shape_cast %select_n3A_581 : vector<16xi32> to vector<16x1xi32>
        %gather3A_583 = vector.shape_cast %broadcast_in_dim3A_582 : vector<16x1xi32> to vector<16xi32>
        %gather3A_584 = tpu.dynamic_gather %exp3A_572[%gather3A_583] in [0] : vector<16xf32>, vector<16xi32> -> vector<16xf32>
        %get3A_585 = arith.index_cast %add3A_574 : i32 to index
        %get3A_586 = arith.constant 0 : index
        %get3A_587 = tpu.vector_load %arg13[%get3A_585, %get3A_586] {strides = array<i32>} : memref<128x96xf32, #tpu.memory_space<vmem>>, vector<16xf32>,
        %mul3A_588 = arith.mulf %get3A_587, %gather3A_584 : vector<16xf32>
        %swap3A_589 = arith.index_cast %add3A_574 : i32 to index
        %swap3A_590 = arith.constant 0 : index
        %swap3A_591 = tpu.vector_load %arg14[%swap3A_589, %swap3A_590] {strides = array<i32>} : memref<128x96xf32, #tpu.memory_space<vmem>>, vector<16xf32>,
        tpu.vector_store %arg14[%swap3A_589, %swap3A_590], %mul3A_588 {strides = array<i32>} : memref<128x96xf32, #tpu.memory_space<vmem>>, vector<16xf32>,
        %lt3A_592 = arith.constant 0 : i32
        %lt3A_593 = vector.broadcast %lt3A_592 : i32 to vector<16xi32>
        %lt3A_594 = arith.cmpi slt, %add3A_81, %lt3A_593 : vector<16xi32>
        %add3A_595 = arith.constant 16 : i32
        %add3A_596 = vector.broadcast %add3A_595 : i32 to vector<16xi32>
        %add3A_597 = arith.addi %add3A_81, %add3A_596 : vector<16xi32>
        %select_n3A_598 = arith.select %lt3A_594, %add3A_597, %add3A_81 : vector<16xi1>, vector<16xi32>
        %broadcast_in_dim3A_599 = vector.shape_cast %select_n3A_598 : vector<16xi32> to vector<16x1xi32>
        %gather3A_600 = vector.shape_cast %broadcast_in_dim3A_599 : vector<16x1xi32> to vector<16xi32>
        %gather3A_601 = tpu.dynamic_gather %exp3A_572[%gather3A_600] in [0] : vector<16xf32>, vector<16xi32> -> vector<16xf32>
        %get3A_602 = arith.index_cast %add3A_574 : i32 to index
        %get3A_603 = arith.constant 16 : index
        %get3A_604 = tpu.vector_load %arg13[%get3A_602, %get3A_603] {strides = array<i32>} : memref<128x96xf32, #tpu.memory_space<vmem>>, vector<16xf32>,
        %mul3A_605 = arith.mulf %get3A_604, %gather3A_601 : vector<16xf32>
        %swap3A_606 = arith.index_cast %add3A_574 : i32 to index
        %swap3A_607 = arith.constant 16 : index
        %swap3A_608 = tpu.vector_load %arg14[%swap3A_606, %swap3A_607] {strides = array<i32>} : memref<128x96xf32, #tpu.memory_space<vmem>>, vector<16xf32>,
        tpu.vector_store %arg14[%swap3A_606, %swap3A_607], %mul3A_605 {strides = array<i32>} : memref<128x96xf32, #tpu.memory_space<vmem>>, vector<16xf32>,
        %lt3A_609 = arith.constant 0 : i32
        %lt3A_610 = vector.broadcast %lt3A_609 : i32 to vector<16xi32>
        %lt3A_611 = arith.cmpi slt, %add3A_90, %lt3A_610 : vector<16xi32>
        %add3A_612 = arith.constant 16 : i32
        %add3A_613 = vector.broadcast %add3A_612 : i32 to vector<16xi32>
        %add3A_614 = arith.addi %add3A_90, %add3A_613 : vector<16xi32>
        %select_n3A_615 = arith.select %lt3A_611, %add3A_614, %add3A_90 : vector<16xi1>, vector<16xi32>
        %broadcast_in_dim3A_616 = vector.shape_cast %select_n3A_615 : vector<16xi32> to vector<16x1xi32>
        %gather3A_617 = vector.shape_cast %broadcast_in_dim3A_616 : vector<16x1xi32> to vector<16xi32>
        %gather3A_618 = tpu.dynamic_gather %exp3A_572[%gather3A_617] in [0] : vector<16xf32>, vector<16xi32> -> vector<16xf32>
        %get3A_619 = arith.index_cast %add3A_574 : i32 to index
        %get3A_620 = arith.constant 32 : index
        %get3A_621 = tpu.vector_load %arg13[%get3A_619, %get3A_620] {strides = array<i32>} : memref<128x96xf32, #tpu.memory_space<vmem>>, vector<16xf32>,
        %mul3A_622 = arith.mulf %get3A_621, %gather3A_618 : vector<16xf32>
        %swap3A_623 = arith.index_cast %add3A_574 : i32 to index
        %swap3A_624 = arith.constant 32 : index
        %swap3A_625 = tpu.vector_load %arg14[%swap3A_623, %swap3A_624] {strides = array<i32>} : memref<128x96xf32, #tpu.memory_space<vmem>>, vector<16xf32>,
        tpu.vector_store %arg14[%swap3A_623, %swap3A_624], %mul3A_622 {strides = array<i32>} : memref<128x96xf32, #tpu.memory_space<vmem>>, vector<16xf32>,
        %lt3A_626 = arith.constant 0 : i32
        %lt3A_627 = vector.broadcast %lt3A_626 : i32 to vector<16xi32>
        %lt3A_628 = arith.cmpi slt, %add3A_99, %lt3A_627 : vector<16xi32>
        %add3A_629 = arith.constant 16 : i32
        %add3A_630 = vector.broadcast %add3A_629 : i32 to vector<16xi32>
        %add3A_631 = arith.addi %add3A_99, %add3A_630 : vector<16xi32>
        %select_n3A_632 = arith.select %lt3A_628, %add3A_631, %add3A_99 : vector<16xi1>, vector<16xi32>
        %broadcast_in_dim3A_633 = vector.shape_cast %select_n3A_632 : vector<16xi32> to vector<16x1xi32>
        %gather3A_634 = vector.shape_cast %broadcast_in_dim3A_633 : vector<16x1xi32> to vector<16xi32>
        %gather3A_635 = tpu.dynamic_gather %exp3A_572[%gather3A_634] in [0] : vector<16xf32>, vector<16xi32> -> vector<16xf32>
        %get3A_636 = arith.index_cast %add3A_574 : i32 to index
        %get3A_637 = arith.constant 48 : index
        %get3A_638 = tpu.vector_load %arg13[%get3A_636, %get3A_637] {strides = array<i32>} : memref<128x96xf32, #tpu.memory_space<vmem>>, vector<16xf32>,
        %mul3A_639 = arith.mulf %get3A_638, %gather3A_635 : vector<16xf32>
        %swap3A_640 = arith.index_cast %add3A_574 : i32 to index
        %swap3A_641 = arith.constant 48 : index
        %swap3A_642 = tpu.vector_load %arg14[%swap3A_640, %swap3A_641] {strides = array<i32>} : memref<128x96xf32, #tpu.memory_space<vmem>>, vector<16xf32>,
        tpu.vector_store %arg14[%swap3A_640, %swap3A_641], %mul3A_639 {strides = array<i32>} : memref<128x96xf32, #tpu.memory_space<vmem>>, vector<16xf32>,
        %lt3A_643 = arith.constant 0 : i32
        %lt3A_644 = vector.broadcast %lt3A_643 : i32 to vector<16xi32>
        %lt3A_645 = arith.cmpi slt, %add3A_108, %lt3A_644 : vector<16xi32>
        %add3A_646 = arith.constant 16 : i32
        %add3A_647 = vector.broadcast %add3A_646 : i32 to vector<16xi32>
        %add3A_648 = arith.addi %add3A_108, %add3A_647 : vector<16xi32>
        %select_n3A_649 = arith.select %lt3A_645, %add3A_648, %add3A_108 : vector<16xi1>, vector<16xi32>
        %broadcast_in_dim3A_650 = vector.shape_cast %select_n3A_649 : vector<16xi32> to vector<16x1xi32>
        %gather3A_651 = vector.shape_cast %broadcast_in_dim3A_650 : vector<16x1xi32> to vector<16xi32>
        %gather3A_652 = tpu.dynamic_gather %exp3A_572[%gather3A_651] in [0] : vector<16xf32>, vector<16xi32> -> vector<16xf32>
        %get3A_653 = arith.index_cast %add3A_574 : i32 to index
        %get3A_654 = arith.constant 64 : index
        %get3A_655 = tpu.vector_load %arg13[%get3A_653, %get3A_654] {strides = array<i32>} : memref<128x96xf32, #tpu.memory_space<vmem>>, vector<16xf32>,
        %mul3A_656 = arith.mulf %get3A_655, %gather3A_652 : vector<16xf32>
        %swap3A_657 = arith.index_cast %add3A_574 : i32 to index
        %swap3A_658 = arith.constant 64 : index
        %swap3A_659 = tpu.vector_load %arg14[%swap3A_657, %swap3A_658] {strides = array<i32>} : memref<128x96xf32, #tpu.memory_space<vmem>>, vector<16xf32>,
        tpu.vector_store %arg14[%swap3A_657, %swap3A_658], %mul3A_656 {strides = array<i32>} : memref<128x96xf32, #tpu.memory_space<vmem>>, vector<16xf32>,
        %lt3A_660 = arith.constant 0 : i32
        %lt3A_661 = vector.broadcast %lt3A_660 : i32 to vector<16xi32>
        %lt3A_662 = arith.cmpi slt, %add3A_117, %lt3A_661 : vector<16xi32>
        %add3A_663 = arith.constant 16 : i32
        %add3A_664 = vector.broadcast %add3A_663 : i32 to vector<16xi32>
        %add3A_665 = arith.addi %add3A_117, %add3A_664 : vector<16xi32>
        %select_n3A_666 = arith.select %lt3A_662, %add3A_665, %add3A_117 : vector<16xi1>, vector<16xi32>
        %broadcast_in_dim3A_667 = vector.shape_cast %select_n3A_666 : vector<16xi32> to vector<16x1xi32>
        %gather3A_668 = vector.shape_cast %broadcast_in_dim3A_667 : vector<16x1xi32> to vector<16xi32>
        %gather3A_669 = tpu.dynamic_gather %exp3A_572[%gather3A_668] in [0] : vector<16xf32>, vector<16xi32> -> vector<16xf32>
        %get3A_670 = arith.index_cast %add3A_574 : i32 to index
        %get3A_671 = arith.constant 80 : index
        %get3A_672 = tpu.vector_load %arg13[%get3A_670, %get3A_671] {strides = array<i32>} : memref<128x96xf32, #tpu.memory_space<vmem>>, vector<16xf32>,
        %mul3A_673 = arith.mulf %get3A_672, %gather3A_669 : vector<16xf32>
        %swap3A_674 = arith.index_cast %add3A_574 : i32 to index
        %swap3A_675 = arith.constant 80 : index
        %swap3A_676 = tpu.vector_load %arg14[%swap3A_674, %swap3A_675] {strides = array<i32>} : memref<128x96xf32, #tpu.memory_space<vmem>>, vector<16xf32>,
        tpu.vector_store %arg14[%swap3A_674, %swap3A_675], %mul3A_673 {strides = array<i32>} : memref<128x96xf32, #tpu.memory_space<vmem>>, vector<16xf32>,
        %add3A_677 = arith.constant 1 : i32
        %add3A_678 = arith.addi %mul3A_549, %add3A_677 : i32
        %lt3A_679 = arith.constant 0 : i32
        %lt3A_680 = vector.broadcast %lt3A_679 : i32 to vector<16xi32>
        %lt3A_681 = arith.cmpi slt, %add3A_126, %lt3A_680 : vector<16xi32>
        %add3A_682 = arith.constant 16 : i32
        %add3A_683 = vector.broadcast %add3A_682 : i32 to vector<16xi32>
        %add3A_684 = arith.addi %add3A_126, %add3A_683 : vector<16xi32>
        %select_n3A_685 = arith.select %lt3A_681, %add3A_684, %add3A_126 : vector<16xi1>, vector<16xi32>
        %broadcast_in_dim3A_686 = vector.shape_cast %select_n3A_685 : vector<16xi32> to vector<16x1xi32>
        %gather3A_687 = vector.shape_cast %broadcast_in_dim3A_686 : vector<16x1xi32> to vector<16xi32>
        %gather3A_688 = tpu.dynamic_gather %exp3A_572[%gather3A_687] in [0] : vector<16xf32>, vector<16xi32> -> vector<16xf32>
        %get3A_689 = arith.index_cast %add3A_678 : i32 to index
        %get3A_690 = arith.constant 0 : index
        %get3A_691 = tpu.vector_load %arg13[%get3A_689, %get3A_690] {strides = array<i32>} : memref<128x96xf32, #tpu.memory_space<vmem>>, vector<16xf32>,
        %mul3A_692 = arith.mulf %get3A_691, %gather3A_688 : vector<16xf32>
        %swap3A_693 = arith.index_cast %add3A_678 : i32 to index
        %swap3A_694 = arith.constant 0 : index
        %swap3A_695 = tpu.vector_load %arg14[%swap3A_693, %swap3A_694] {strides = array<i32>} : memref<128x96xf32, #tpu.memory_space<vmem>>, vector<16xf32>,
        tpu.vector_store %arg14[%swap3A_693, %swap3A_694], %mul3A_692 {strides = array<i32>} : memref<128x96xf32, #tpu.memory_space<vmem>>, vector<16xf32>,
        %lt3A_696 = arith.constant 0 : i32
        %lt3A_697 = vector.broadcast %lt3A_696 : i32 to vector<16xi32>
        %lt3A_698 = arith.cmpi slt, %add3A_135, %lt3A_697 : vector<16xi32>
        %add3A_699 = arith.constant 16 : i32
        %add3A_700 = vector.broadcast %add3A_699 : i32 to vector<16xi32>
        %add3A_701 = arith.addi %add3A_135, %add3A_700 : vector<16xi32>
        %select_n3A_702 = arith.select %lt3A_698, %add3A_701, %add3A_135 : vector<16xi1>, vector<16xi32>
        %broadcast_in_dim3A_703 = vector.shape_cast %select_n3A_702 : vector<16xi32> to vector<16x1xi32>
        %gather3A_704 = vector.shape_cast %broadcast_in_dim3A_703 : vector<16x1xi32> to vector<16xi32>
        %gather3A_705 = tpu.dynamic_gather %exp3A_572[%gather3A_704] in [0] : vector<16xf32>, vector<16xi32> -> vector<16xf32>
        %get3A_706 = arith.index_cast %add3A_678 : i32 to index
        %get3A_707 = arith.constant 16 : index
        %get3A_708 = tpu.vector_load %arg13[%get3A_706, %get3A_707] {strides = array<i32>} : memref<128x96xf32, #tpu.memory_space<vmem>>, vector<16xf32>,
        %mul3A_709 = arith.mulf %get3A_708, %gather3A_705 : vector<16xf32>
        %swap3A_710 = arith.index_cast %add3A_678 : i32 to index
        %swap3A_711 = arith.constant 16 : index
        %swap3A_712 = tpu.vector_load %arg14[%swap3A_710, %swap3A_711] {strides = array<i32>} : memref<128x96xf32, #tpu.memory_space<vmem>>, vector<16xf32>,
        tpu.vector_store %arg14[%swap3A_710, %swap3A_711], %mul3A_709 {strides = array<i32>} : memref<128x96xf32, #tpu.memory_space<vmem>>, vector<16xf32>,
        %lt3A_713 = arith.constant 0 : i32
        %lt3A_714 = vector.broadcast %lt3A_713 : i32 to vector<16xi32>
        %lt3A_715 = arith.cmpi slt, %add3A_144, %lt3A_714 : vector<16xi32>
        %add3A_716 = arith.constant 16 : i32
        %add3A_717 = vector.broadcast %add3A_716 : i32 to vector<16xi32>
        %add3A_718 = arith.addi %add3A_144, %add3A_717 : vector<16xi32>
        %select_n3A_719 = arith.select %lt3A_715, %add3A_718, %add3A_144 : vector<16xi1>, vector<16xi32>
        %broadcast_in_dim3A_720 = vector.shape_cast %select_n3A_719 : vector<16xi32> to vector<16x1xi32>
        %gather3A_721 = vector.shape_cast %broadcast_in_dim3A_720 : vector<16x1xi32> to vector<16xi32>
        %gather3A_722 = tpu.dynamic_gather %exp3A_572[%gather3A_721] in [0] : vector<16xf32>, vector<16xi32> -> vector<16xf32>
        %get3A_723 = arith.index_cast %add3A_678 : i32 to index
        %get3A_724 = arith.constant 32 : index
        %get3A_725 = tpu.vector_load %arg13[%get3A_723, %get3A_724] {strides = array<i32>} : memref<128x96xf32, #tpu.memory_space<vmem>>, vector<16xf32>,
        %mul3A_726 = arith.mulf %get3A_725, %gather3A_722 : vector<16xf32>
        %swap3A_727 = arith.index_cast %add3A_678 : i32 to index
        %swap3A_728 = arith.constant 32 : index
        %swap3A_729 = tpu.vector_load %arg14[%swap3A_727, %swap3A_728] {strides = array<i32>} : memref<128x96xf32, #tpu.memory_space<vmem>>, vector<16xf32>,
        tpu.vector_store %arg14[%swap3A_727, %swap3A_728], %mul3A_726 {strides = array<i32>} : memref<128x96xf32, #tpu.memory_space<vmem>>, vector<16xf32>,
        %lt3A_730 = arith.constant 0 : i32
        %lt3A_731 = vector.broadcast %lt3A_730 : i32 to vector<16xi32>
        %lt3A_732 = arith.cmpi slt, %add3A_153, %lt3A_731 : vector<16xi32>
        %add3A_733 = arith.constant 16 : i32
        %add3A_734 = vector.broadcast %add3A_733 : i32 to vector<16xi32>
        %add3A_735 = arith.addi %add3A_153, %add3A_734 : vector<16xi32>
        %select_n3A_736 = arith.select %lt3A_732, %add3A_735, %add3A_153 : vector<16xi1>, vector<16xi32>
        %broadcast_in_dim3A_737 = vector.shape_cast %select_n3A_736 : vector<16xi32> to vector<16x1xi32>
        %gather3A_738 = vector.shape_cast %broadcast_in_dim3A_737 : vector<16x1xi32> to vector<16xi32>
        %gather3A_739 = tpu.dynamic_gather %exp3A_572[%gather3A_738] in [0] : vector<16xf32>, vector<16xi32> -> vector<16xf32>
        %get3A_740 = arith.index_cast %add3A_678 : i32 to index
        %get3A_741 = arith.constant 48 : index
        %get3A_742 = tpu.vector_load %arg13[%get3A_740, %get3A_741] {strides = array<i32>} : memref<128x96xf32, #tpu.memory_space<vmem>>, vector<16xf32>,
        %mul3A_743 = arith.mulf %get3A_742, %gather3A_739 : vector<16xf32>
        %swap3A_744 = arith.index_cast %add3A_678 : i32 to index
        %swap3A_745 = arith.constant 48 : index
        %swap3A_746 = tpu.vector_load %arg14[%swap3A_744, %swap3A_745] {strides = array<i32>} : memref<128x96xf32, #tpu.memory_space<vmem>>, vector<16xf32>,
        tpu.vector_store %arg14[%swap3A_744, %swap3A_745], %mul3A_743 {strides = array<i32>} : memref<128x96xf32, #tpu.memory_space<vmem>>, vector<16xf32>,
        %lt3A_747 = arith.constant 0 : i32
        %lt3A_748 = vector.broadcast %lt3A_747 : i32 to vector<16xi32>
        %lt3A_749 = arith.cmpi slt, %add3A_162, %lt3A_748 : vector<16xi32>
        %add3A_750 = arith.constant 16 : i32
        %add3A_751 = vector.broadcast %add3A_750 : i32 to vector<16xi32>
        %add3A_752 = arith.addi %add3A_162, %add3A_751 : vector<16xi32>
        %select_n3A_753 = arith.select %lt3A_749, %add3A_752, %add3A_162 : vector<16xi1>, vector<16xi32>
        %broadcast_in_dim3A_754 = vector.shape_cast %select_n3A_753 : vector<16xi32> to vector<16x1xi32>
        %gather3A_755 = vector.shape_cast %broadcast_in_dim3A_754 : vector<16x1xi32> to vector<16xi32>
        %gather3A_756 = tpu.dynamic_gather %exp3A_572[%gather3A_755] in [0] : vector<16xf32>, vector<16xi32> -> vector<16xf32>
        %get3A_757 = arith.index_cast %add3A_678 : i32 to index
        %get3A_758 = arith.constant 64 : index
        %get3A_759 = tpu.vector_load %arg13[%get3A_757, %get3A_758] {strides = array<i32>} : memref<128x96xf32, #tpu.memory_space<vmem>>, vector<16xf32>,
        %mul3A_760 = arith.mulf %get3A_759, %gather3A_756 : vector<16xf32>
        %swap3A_761 = arith.index_cast %add3A_678 : i32 to index
        %swap3A_762 = arith.constant 64 : index
        %swap3A_763 = tpu.vector_load %arg14[%swap3A_761, %swap3A_762] {strides = array<i32>} : memref<128x96xf32, #tpu.memory_space<vmem>>, vector<16xf32>,
        tpu.vector_store %arg14[%swap3A_761, %swap3A_762], %mul3A_760 {strides = array<i32>} : memref<128x96xf32, #tpu.memory_space<vmem>>, vector<16xf32>,
        %lt3A_764 = arith.constant 0 : i32
        %lt3A_765 = vector.broadcast %lt3A_764 : i32 to vector<16xi32>
        %lt3A_766 = arith.cmpi slt, %add3A_171, %lt3A_765 : vector<16xi32>
        %add3A_767 = arith.constant 16 : i32
        %add3A_768 = vector.broadcast %add3A_767 : i32 to vector<16xi32>
        %add3A_769 = arith.addi %add3A_171, %add3A_768 : vector<16xi32>
        %select_n3A_770 = arith.select %lt3A_766, %add3A_769, %add3A_171 : vector<16xi1>, vector<16xi32>
        %broadcast_in_dim3A_771 = vector.shape_cast %select_n3A_770 : vector<16xi32> to vector<16x1xi32>
        %gather3A_772 = vector.shape_cast %broadcast_in_dim3A_771 : vector<16x1xi32> to vector<16xi32>
        %gather3A_773 = tpu.dynamic_gather %exp3A_572[%gather3A_772] in [0] : vector<16xf32>, vector<16xi32> -> vector<16xf32>
        %get3A_774 = arith.index_cast %add3A_678 : i32 to index
        %get3A_775 = arith.constant 80 : index
        %get3A_776 = tpu.vector_load %arg13[%get3A_774, %get3A_775] {strides = array<i32>} : memref<128x96xf32, #tpu.memory_space<vmem>>, vector<16xf32>,
        %mul3A_777 = arith.mulf %get3A_776, %gather3A_773 : vector<16xf32>
        %swap3A_778 = arith.index_cast %add3A_678 : i32 to index
        %swap3A_779 = arith.constant 80 : index
        %swap3A_780 = tpu.vector_load %arg14[%swap3A_778, %swap3A_779] {strides = array<i32>} : memref<128x96xf32, #tpu.memory_space<vmem>>, vector<16xf32>,
        tpu.vector_store %arg14[%swap3A_778, %swap3A_779], %mul3A_777 {strides = array<i32>} : memref<128x96xf32, #tpu.memory_space<vmem>>, vector<16xf32>,
        %scan3A_781 = arith.constant 2 : i32
        %scan3A_782 = arith.addi %scan3A_311, %scan3A_781 : i32
        %mul3A_783 = arith.constant 1 : i32
        %mul3A_784 = arith.muli %scan3A_782, %mul3A_783 : i32
        %add3A_785 = arith.constant 0 : i32
        %add3A_786 = arith.addi %add3A_785, %mul3A_784 : i32
        %mul3A_787 = arith.constant 2 : i32
        %mul3A_788 = arith.muli %mul3A_787, %add3A_786 : i32
        %mul3A_789 = arith.constant 0 : i32
        %mul3A_790 = vector.broadcast %mul3A_789 : i32 to vector<16xi32>
        %mul3A_791 = arith.muli %iota3A, %mul3A_790 : vector<16xi32>
        %add3A_792 = vector.broadcast %mul3A_788 : i32 to vector<16xi32>
        %add3A_793 = arith.addi %mul3A_791, %add3A_792 : vector<16xi32>
        %add3A_794 = arith.addi %add3A_793, %convert_element_type3A : vector<16xi32>
        %gather3A_795 = tpu.vector_load_idx %arg12[%add3A_794] : memref<128xi32, #tpu.memory_space<vmem>>[vector<16xi32>], vector<16xi32>,
        %min3A_796 = arith.constant 1023 : i32
        %min3A_797 = vector.broadcast %min3A_796 : i32 to vector<16xi32>
        %min3A_798 = arith.minsi %gather3A_795, %min3A_797 : vector<16xi32>
        %mul3A_799 = arith.constant 8 : i32
        %mul3A_800 = vector.broadcast %mul3A_799 : i32 to vector<16xi32>
        %mul3A_801 = arith.muli %min3A_798, %mul3A_800 : vector<16xi32>
        %add3A_802 = arith.addi %mul3A_801, %rem3A_2 : vector<16xi32>
        %gather3A_803 = tpu.vector_load_idx %arg9[%add3A_802] : memref<8192xf32, #tpu.memory_space<vmem>>[vector<16xi32>], vector<16xf32>,
        %gather3A_804 = tpu.vector_load_idx %arg13[%add3A_794, %add3A_10] : memref<128x96xf32, #tpu.memory_space<vmem>>[vector<16xi32>, vector<16xi32>], vector<16xf32>,
        %add3A_805 = arith.addf %gather3A_804, %gather3A_803 : vector<16xf32>
        %mul3A_806 = arith.constant 2.000000e-01 : f32
        %mul3A_807 = vector.broadcast %mul3A_806 : f32 to vector<16xf32>
        %mul3A_808 = arith.mulf %mul3A_807, %add3A_805 : vector<16xf32>
        %max3A_809 = arith.maximumf %add3A_805, %mul3A_808 : vector<16xf32>
        %sub3A_810 = arith.subf %max3A_809, %get3A_15 : vector<16xf32>
        %exp3A_811 = math.exp %sub3A_810 : vector<16xf32>
        %add3A_812 = arith.constant 0 : i32
        %add3A_813 = arith.addi %mul3A_788, %add3A_812 : i32
        %lt3A_814 = arith.constant 0 : i32
        %lt3A_815 = vector.broadcast %lt3A_814 : i32 to vector<16xi32>
        %lt3A_816 = arith.cmpi slt, %add3A_72, %lt3A_815 : vector<16xi32>
        %add3A_817 = arith.constant 16 : i32
        %add3A_818 = vector.broadcast %add3A_817 : i32 to vector<16xi32>
        %add3A_819 = arith.addi %add3A_72, %add3A_818 : vector<16xi32>
        %select_n3A_820 = arith.select %lt3A_816, %add3A_819, %add3A_72 : vector<16xi1>, vector<16xi32>
        %broadcast_in_dim3A_821 = vector.shape_cast %select_n3A_820 : vector<16xi32> to vector<16x1xi32>
        %gather3A_822 = vector.shape_cast %broadcast_in_dim3A_821 : vector<16x1xi32> to vector<16xi32>
        %gather3A_823 = tpu.dynamic_gather %exp3A_811[%gather3A_822] in [0] : vector<16xf32>, vector<16xi32> -> vector<16xf32>
        %get3A_824 = arith.index_cast %add3A_813 : i32 to index
        %get3A_825 = arith.constant 0 : index
        %get3A_826 = tpu.vector_load %arg13[%get3A_824, %get3A_825] {strides = array<i32>} : memref<128x96xf32, #tpu.memory_space<vmem>>, vector<16xf32>,
        %mul3A_827 = arith.mulf %get3A_826, %gather3A_823 : vector<16xf32>
        %swap3A_828 = arith.index_cast %add3A_813 : i32 to index
        %swap3A_829 = arith.constant 0 : index
        %swap3A_830 = tpu.vector_load %arg14[%swap3A_828, %swap3A_829] {strides = array<i32>} : memref<128x96xf32, #tpu.memory_space<vmem>>, vector<16xf32>,
        tpu.vector_store %arg14[%swap3A_828, %swap3A_829], %mul3A_827 {strides = array<i32>} : memref<128x96xf32, #tpu.memory_space<vmem>>, vector<16xf32>,
        %lt3A_831 = arith.constant 0 : i32
        %lt3A_832 = vector.broadcast %lt3A_831 : i32 to vector<16xi32>
        %lt3A_833 = arith.cmpi slt, %add3A_81, %lt3A_832 : vector<16xi32>
        %add3A_834 = arith.constant 16 : i32
        %add3A_835 = vector.broadcast %add3A_834 : i32 to vector<16xi32>
        %add3A_836 = arith.addi %add3A_81, %add3A_835 : vector<16xi32>
        %select_n3A_837 = arith.select %lt3A_833, %add3A_836, %add3A_81 : vector<16xi1>, vector<16xi32>
        %broadcast_in_dim3A_838 = vector.shape_cast %select_n3A_837 : vector<16xi32> to vector<16x1xi32>
        %gather3A_839 = vector.shape_cast %broadcast_in_dim3A_838 : vector<16x1xi32> to vector<16xi32>
        %gather3A_840 = tpu.dynamic_gather %exp3A_811[%gather3A_839] in [0] : vector<16xf32>, vector<16xi32> -> vector<16xf32>
        %get3A_841 = arith.index_cast %add3A_813 : i32 to index
        %get3A_842 = arith.constant 16 : index
        %get3A_843 = tpu.vector_load %arg13[%get3A_841, %get3A_842] {strides = array<i32>} : memref<128x96xf32, #tpu.memory_space<vmem>>, vector<16xf32>,
        %mul3A_844 = arith.mulf %get3A_843, %gather3A_840 : vector<16xf32>
        %swap3A_845 = arith.index_cast %add3A_813 : i32 to index
        %swap3A_846 = arith.constant 16 : index
        %swap3A_847 = tpu.vector_load %arg14[%swap3A_845, %swap3A_846] {strides = array<i32>} : memref<128x96xf32, #tpu.memory_space<vmem>>, vector<16xf32>,
        tpu.vector_store %arg14[%swap3A_845, %swap3A_846], %mul3A_844 {strides = array<i32>} : memref<128x96xf32, #tpu.memory_space<vmem>>, vector<16xf32>,
        %lt3A_848 = arith.constant 0 : i32
        %lt3A_849 = vector.broadcast %lt3A_848 : i32 to vector<16xi32>
        %lt3A_850 = arith.cmpi slt, %add3A_90, %lt3A_849 : vector<16xi32>
        %add3A_851 = arith.constant 16 : i32
        %add3A_852 = vector.broadcast %add3A_851 : i32 to vector<16xi32>
        %add3A_853 = arith.addi %add3A_90, %add3A_852 : vector<16xi32>
        %select_n3A_854 = arith.select %lt3A_850, %add3A_853, %add3A_90 : vector<16xi1>, vector<16xi32>
        %broadcast_in_dim3A_855 = vector.shape_cast %select_n3A_854 : vector<16xi32> to vector<16x1xi32>
        %gather3A_856 = vector.shape_cast %broadcast_in_dim3A_855 : vector<16x1xi32> to vector<16xi32>
        %gather3A_857 = tpu.dynamic_gather %exp3A_811[%gather3A_856] in [0] : vector<16xf32>, vector<16xi32> -> vector<16xf32>
        %get3A_858 = arith.index_cast %add3A_813 : i32 to index
        %get3A_859 = arith.constant 32 : index
        %get3A_860 = tpu.vector_load %arg13[%get3A_858, %get3A_859] {strides = array<i32>} : memref<128x96xf32, #tpu.memory_space<vmem>>, vector<16xf32>,
        %mul3A_861 = arith.mulf %get3A_860, %gather3A_857 : vector<16xf32>
        %swap3A_862 = arith.index_cast %add3A_813 : i32 to index
        %swap3A_863 = arith.constant 32 : index
        %swap3A_864 = tpu.vector_load %arg14[%swap3A_862, %swap3A_863] {strides = array<i32>} : memref<128x96xf32, #tpu.memory_space<vmem>>, vector<16xf32>,
        tpu.vector_store %arg14[%swap3A_862, %swap3A_863], %mul3A_861 {strides = array<i32>} : memref<128x96xf32, #tpu.memory_space<vmem>>, vector<16xf32>,
        %lt3A_865 = arith.constant 0 : i32
        %lt3A_866 = vector.broadcast %lt3A_865 : i32 to vector<16xi32>
        %lt3A_867 = arith.cmpi slt, %add3A_99, %lt3A_866 : vector<16xi32>
        %add3A_868 = arith.constant 16 : i32
        %add3A_869 = vector.broadcast %add3A_868 : i32 to vector<16xi32>
        %add3A_870 = arith.addi %add3A_99, %add3A_869 : vector<16xi32>
        %select_n3A_871 = arith.select %lt3A_867, %add3A_870, %add3A_99 : vector<16xi1>, vector<16xi32>
        %broadcast_in_dim3A_872 = vector.shape_cast %select_n3A_871 : vector<16xi32> to vector<16x1xi32>
        %gather3A_873 = vector.shape_cast %broadcast_in_dim3A_872 : vector<16x1xi32> to vector<16xi32>
        %gather3A_874 = tpu.dynamic_gather %exp3A_811[%gather3A_873] in [0] : vector<16xf32>, vector<16xi32> -> vector<16xf32>
        %get3A_875 = arith.index_cast %add3A_813 : i32 to index
        %get3A_876 = arith.constant 48 : index
        %get3A_877 = tpu.vector_load %arg13[%get3A_875, %get3A_876] {strides = array<i32>} : memref<128x96xf32, #tpu.memory_space<vmem>>, vector<16xf32>,
        %mul3A_878 = arith.mulf %get3A_877, %gather3A_874 : vector<16xf32>
        %swap3A_879 = arith.index_cast %add3A_813 : i32 to index
        %swap3A_880 = arith.constant 48 : index
        %swap3A_881 = tpu.vector_load %arg14[%swap3A_879, %swap3A_880] {strides = array<i32>} : memref<128x96xf32, #tpu.memory_space<vmem>>, vector<16xf32>,
        tpu.vector_store %arg14[%swap3A_879, %swap3A_880], %mul3A_878 {strides = array<i32>} : memref<128x96xf32, #tpu.memory_space<vmem>>, vector<16xf32>,
        %lt3A_882 = arith.constant 0 : i32
        %lt3A_883 = vector.broadcast %lt3A_882 : i32 to vector<16xi32>
        %lt3A_884 = arith.cmpi slt, %add3A_108, %lt3A_883 : vector<16xi32>
        %add3A_885 = arith.constant 16 : i32
        %add3A_886 = vector.broadcast %add3A_885 : i32 to vector<16xi32>
        %add3A_887 = arith.addi %add3A_108, %add3A_886 : vector<16xi32>
        %select_n3A_888 = arith.select %lt3A_884, %add3A_887, %add3A_108 : vector<16xi1>, vector<16xi32>
        %broadcast_in_dim3A_889 = vector.shape_cast %select_n3A_888 : vector<16xi32> to vector<16x1xi32>
        %gather3A_890 = vector.shape_cast %broadcast_in_dim3A_889 : vector<16x1xi32> to vector<16xi32>
        %gather3A_891 = tpu.dynamic_gather %exp3A_811[%gather3A_890] in [0] : vector<16xf32>, vector<16xi32> -> vector<16xf32>
        %get3A_892 = arith.index_cast %add3A_813 : i32 to index
        %get3A_893 = arith.constant 64 : index
        %get3A_894 = tpu.vector_load %arg13[%get3A_892, %get3A_893] {strides = array<i32>} : memref<128x96xf32, #tpu.memory_space<vmem>>, vector<16xf32>,
        %mul3A_895 = arith.mulf %get3A_894, %gather3A_891 : vector<16xf32>
        %swap3A_896 = arith.index_cast %add3A_813 : i32 to index
        %swap3A_897 = arith.constant 64 : index
        %swap3A_898 = tpu.vector_load %arg14[%swap3A_896, %swap3A_897] {strides = array<i32>} : memref<128x96xf32, #tpu.memory_space<vmem>>, vector<16xf32>,
        tpu.vector_store %arg14[%swap3A_896, %swap3A_897], %mul3A_895 {strides = array<i32>} : memref<128x96xf32, #tpu.memory_space<vmem>>, vector<16xf32>,
        %lt3A_899 = arith.constant 0 : i32
        %lt3A_900 = vector.broadcast %lt3A_899 : i32 to vector<16xi32>
        %lt3A_901 = arith.cmpi slt, %add3A_117, %lt3A_900 : vector<16xi32>
        %add3A_902 = arith.constant 16 : i32
        %add3A_903 = vector.broadcast %add3A_902 : i32 to vector<16xi32>
        %add3A_904 = arith.addi %add3A_117, %add3A_903 : vector<16xi32>
        %select_n3A_905 = arith.select %lt3A_901, %add3A_904, %add3A_117 : vector<16xi1>, vector<16xi32>
        %broadcast_in_dim3A_906 = vector.shape_cast %select_n3A_905 : vector<16xi32> to vector<16x1xi32>
        %gather3A_907 = vector.shape_cast %broadcast_in_dim3A_906 : vector<16x1xi32> to vector<16xi32>
        %gather3A_908 = tpu.dynamic_gather %exp3A_811[%gather3A_907] in [0] : vector<16xf32>, vector<16xi32> -> vector<16xf32>
        %get3A_909 = arith.index_cast %add3A_813 : i32 to index
        %get3A_910 = arith.constant 80 : index
        %get3A_911 = tpu.vector_load %arg13[%get3A_909, %get3A_910] {strides = array<i32>} : memref<128x96xf32, #tpu.memory_space<vmem>>, vector<16xf32>,
        %mul3A_912 = arith.mulf %get3A_911, %gather3A_908 : vector<16xf32>
        %swap3A_913 = arith.index_cast %add3A_813 : i32 to index
        %swap3A_914 = arith.constant 80 : index
        %swap3A_915 = tpu.vector_load %arg14[%swap3A_913, %swap3A_914] {strides = array<i32>} : memref<128x96xf32, #tpu.memory_space<vmem>>, vector<16xf32>,
        tpu.vector_store %arg14[%swap3A_913, %swap3A_914], %mul3A_912 {strides = array<i32>} : memref<128x96xf32, #tpu.memory_space<vmem>>, vector<16xf32>,
        %add3A_916 = arith.constant 1 : i32
        %add3A_917 = arith.addi %mul3A_788, %add3A_916 : i32
        %lt3A_918 = arith.constant 0 : i32
        %lt3A_919 = vector.broadcast %lt3A_918 : i32 to vector<16xi32>
        %lt3A_920 = arith.cmpi slt, %add3A_126, %lt3A_919 : vector<16xi32>
        %add3A_921 = arith.constant 16 : i32
        %add3A_922 = vector.broadcast %add3A_921 : i32 to vector<16xi32>
        %add3A_923 = arith.addi %add3A_126, %add3A_922 : vector<16xi32>
        %select_n3A_924 = arith.select %lt3A_920, %add3A_923, %add3A_126 : vector<16xi1>, vector<16xi32>
        %broadcast_in_dim3A_925 = vector.shape_cast %select_n3A_924 : vector<16xi32> to vector<16x1xi32>
        %gather3A_926 = vector.shape_cast %broadcast_in_dim3A_925 : vector<16x1xi32> to vector<16xi32>
        %gather3A_927 = tpu.dynamic_gather %exp3A_811[%gather3A_926] in [0] : vector<16xf32>, vector<16xi32> -> vector<16xf32>
        %get3A_928 = arith.index_cast %add3A_917 : i32 to index
        %get3A_929 = arith.constant 0 : index
        %get3A_930 = tpu.vector_load %arg13[%get3A_928, %get3A_929] {strides = array<i32>} : memref<128x96xf32, #tpu.memory_space<vmem>>, vector<16xf32>,
        %mul3A_931 = arith.mulf %get3A_930, %gather3A_927 : vector<16xf32>
        %swap3A_932 = arith.index_cast %add3A_917 : i32 to index
        %swap3A_933 = arith.constant 0 : index
        %swap3A_934 = tpu.vector_load %arg14[%swap3A_932, %swap3A_933] {strides = array<i32>} : memref<128x96xf32, #tpu.memory_space<vmem>>, vector<16xf32>,
        tpu.vector_store %arg14[%swap3A_932, %swap3A_933], %mul3A_931 {strides = array<i32>} : memref<128x96xf32, #tpu.memory_space<vmem>>, vector<16xf32>,
        %lt3A_935 = arith.constant 0 : i32
        %lt3A_936 = vector.broadcast %lt3A_935 : i32 to vector<16xi32>
        %lt3A_937 = arith.cmpi slt, %add3A_135, %lt3A_936 : vector<16xi32>
        %add3A_938 = arith.constant 16 : i32
        %add3A_939 = vector.broadcast %add3A_938 : i32 to vector<16xi32>
        %add3A_940 = arith.addi %add3A_135, %add3A_939 : vector<16xi32>
        %select_n3A_941 = arith.select %lt3A_937, %add3A_940, %add3A_135 : vector<16xi1>, vector<16xi32>
        %broadcast_in_dim3A_942 = vector.shape_cast %select_n3A_941 : vector<16xi32> to vector<16x1xi32>
        %gather3A_943 = vector.shape_cast %broadcast_in_dim3A_942 : vector<16x1xi32> to vector<16xi32>
        %gather3A_944 = tpu.dynamic_gather %exp3A_811[%gather3A_943] in [0] : vector<16xf32>, vector<16xi32> -> vector<16xf32>
        %get3A_945 = arith.index_cast %add3A_917 : i32 to index
        %get3A_946 = arith.constant 16 : index
        %get3A_947 = tpu.vector_load %arg13[%get3A_945, %get3A_946] {strides = array<i32>} : memref<128x96xf32, #tpu.memory_space<vmem>>, vector<16xf32>,
        %mul3A_948 = arith.mulf %get3A_947, %gather3A_944 : vector<16xf32>
        %swap3A_949 = arith.index_cast %add3A_917 : i32 to index
        %swap3A_950 = arith.constant 16 : index
        %swap3A_951 = tpu.vector_load %arg14[%swap3A_949, %swap3A_950] {strides = array<i32>} : memref<128x96xf32, #tpu.memory_space<vmem>>, vector<16xf32>,
        tpu.vector_store %arg14[%swap3A_949, %swap3A_950], %mul3A_948 {strides = array<i32>} : memref<128x96xf32, #tpu.memory_space<vmem>>, vector<16xf32>,
        %lt3A_952 = arith.constant 0 : i32
        %lt3A_953 = vector.broadcast %lt3A_952 : i32 to vector<16xi32>
        %lt3A_954 = arith.cmpi slt, %add3A_144, %lt3A_953 : vector<16xi32>
        %add3A_955 = arith.constant 16 : i32
        %add3A_956 = vector.broadcast %add3A_955 : i32 to vector<16xi32>
        %add3A_957 = arith.addi %add3A_144, %add3A_956 : vector<16xi32>
        %select_n3A_958 = arith.select %lt3A_954, %add3A_957, %add3A_144 : vector<16xi1>, vector<16xi32>
        %broadcast_in_dim3A_959 = vector.shape_cast %select_n3A_958 : vector<16xi32> to vector<16x1xi32>
        %gather3A_960 = vector.shape_cast %broadcast_in_dim3A_959 : vector<16x1xi32> to vector<16xi32>
        %gather3A_961 = tpu.dynamic_gather %exp3A_811[%gather3A_960] in [0] : vector<16xf32>, vector<16xi32> -> vector<16xf32>
        %get3A_962 = arith.index_cast %add3A_917 : i32 to index
        %get3A_963 = arith.constant 32 : index
        %get3A_964 = tpu.vector_load %arg13[%get3A_962, %get3A_963] {strides = array<i32>} : memref<128x96xf32, #tpu.memory_space<vmem>>, vector<16xf32>,
        %mul3A_965 = arith.mulf %get3A_964, %gather3A_961 : vector<16xf32>
        %swap3A_966 = arith.index_cast %add3A_917 : i32 to index
        %swap3A_967 = arith.constant 32 : index
        %swap3A_968 = tpu.vector_load %arg14[%swap3A_966, %swap3A_967] {strides = array<i32>} : memref<128x96xf32, #tpu.memory_space<vmem>>, vector<16xf32>,
        tpu.vector_store %arg14[%swap3A_966, %swap3A_967], %mul3A_965 {strides = array<i32>} : memref<128x96xf32, #tpu.memory_space<vmem>>, vector<16xf32>,
        %lt3A_969 = arith.constant 0 : i32
        %lt3A_970 = vector.broadcast %lt3A_969 : i32 to vector<16xi32>
        %lt3A_971 = arith.cmpi slt, %add3A_153, %lt3A_970 : vector<16xi32>
        %add3A_972 = arith.constant 16 : i32
        %add3A_973 = vector.broadcast %add3A_972 : i32 to vector<16xi32>
        %add3A_974 = arith.addi %add3A_153, %add3A_973 : vector<16xi32>
        %select_n3A_975 = arith.select %lt3A_971, %add3A_974, %add3A_153 : vector<16xi1>, vector<16xi32>
        %broadcast_in_dim3A_976 = vector.shape_cast %select_n3A_975 : vector<16xi32> to vector<16x1xi32>
        %gather3A_977 = vector.shape_cast %broadcast_in_dim3A_976 : vector<16x1xi32> to vector<16xi32>
        %gather3A_978 = tpu.dynamic_gather %exp3A_811[%gather3A_977] in [0] : vector<16xf32>, vector<16xi32> -> vector<16xf32>
        %get3A_979 = arith.index_cast %add3A_917 : i32 to index
        %get3A_980 = arith.constant 48 : index
        %get3A_981 = tpu.vector_load %arg13[%get3A_979, %get3A_980] {strides = array<i32>} : memref<128x96xf32, #tpu.memory_space<vmem>>, vector<16xf32>,
        %mul3A_982 = arith.mulf %get3A_981, %gather3A_978 : vector<16xf32>
        %swap3A_983 = arith.index_cast %add3A_917 : i32 to index
        %swap3A_984 = arith.constant 48 : index
        %swap3A_985 = tpu.vector_load %arg14[%swap3A_983, %swap3A_984] {strides = array<i32>} : memref<128x96xf32, #tpu.memory_space<vmem>>, vector<16xf32>,
        tpu.vector_store %arg14[%swap3A_983, %swap3A_984], %mul3A_982 {strides = array<i32>} : memref<128x96xf32, #tpu.memory_space<vmem>>, vector<16xf32>,
        %lt3A_986 = arith.constant 0 : i32
        %lt3A_987 = vector.broadcast %lt3A_986 : i32 to vector<16xi32>
        %lt3A_988 = arith.cmpi slt, %add3A_162, %lt3A_987 : vector<16xi32>
        %add3A_989 = arith.constant 16 : i32
        %add3A_990 = vector.broadcast %add3A_989 : i32 to vector<16xi32>
        %add3A_991 = arith.addi %add3A_162, %add3A_990 : vector<16xi32>
        %select_n3A_992 = arith.select %lt3A_988, %add3A_991, %add3A_162 : vector<16xi1>, vector<16xi32>
        %broadcast_in_dim3A_993 = vector.shape_cast %select_n3A_992 : vector<16xi32> to vector<16x1xi32>
        %gather3A_994 = vector.shape_cast %broadcast_in_dim3A_993 : vector<16x1xi32> to vector<16xi32>
        %gather3A_995 = tpu.dynamic_gather %exp3A_811[%gather3A_994] in [0] : vector<16xf32>, vector<16xi32> -> vector<16xf32>
        %get3A_996 = arith.index_cast %add3A_917 : i32 to index
        %get3A_997 = arith.constant 64 : index
        %get3A_998 = tpu.vector_load %arg13[%get3A_996, %get3A_997] {strides = array<i32>} : memref<128x96xf32, #tpu.memory_space<vmem>>, vector<16xf32>,
        %mul3A_999 = arith.mulf %get3A_998, %gather3A_995 : vector<16xf32>
        %swap3A_1000 = arith.index_cast %add3A_917 : i32 to index
        %swap3A_1001 = arith.constant 64 : index
        %swap3A_1002 = tpu.vector_load %arg14[%swap3A_1000, %swap3A_1001] {strides = array<i32>} : memref<128x96xf32, #tpu.memory_space<vmem>>, vector<16xf32>,
        tpu.vector_store %arg14[%swap3A_1000, %swap3A_1001], %mul3A_999 {strides = array<i32>} : memref<128x96xf32, #tpu.memory_space<vmem>>, vector<16xf32>,
        %lt3A_1003 = arith.constant 0 : i32
        %lt3A_1004 = vector.broadcast %lt3A_1003 : i32 to vector<16xi32>
        %lt3A_1005 = arith.cmpi slt, %add3A_171, %lt3A_1004 : vector<16xi32>
        %add3A_1006 = arith.constant 16 : i32
        %add3A_1007 = vector.broadcast %add3A_1006 : i32 to vector<16xi32>
        %add3A_1008 = arith.addi %add3A_171, %add3A_1007 : vector<16xi32>
        %select_n3A_1009 = arith.select %lt3A_1005, %add3A_1008, %add3A_171 : vector<16xi1>, vector<16xi32>
        %broadcast_in_dim3A_1010 = vector.shape_cast %select_n3A_1009 : vector<16xi32> to vector<16x1xi32>
        %gather3A_1011 = vector.shape_cast %broadcast_in_dim3A_1010 : vector<16x1xi32> to vector<16xi32>
        %gather3A_1012 = tpu.dynamic_gather %exp3A_811[%gather3A_1011] in [0] : vector<16xf32>, vector<16xi32> -> vector<16xf32>
        %get3A_1013 = arith.index_cast %add3A_917 : i32 to index
        %get3A_1014 = arith.constant 80 : index
        %get3A_1015 = tpu.vector_load %arg13[%get3A_1013, %get3A_1014] {strides = array<i32>} : memref<128x96xf32, #tpu.memory_space<vmem>>, vector<16xf32>,
        %mul3A_1016 = arith.mulf %get3A_1015, %gather3A_1012 : vector<16xf32>
        %swap3A_1017 = arith.index_cast %add3A_917 : i32 to index
        %swap3A_1018 = arith.constant 80 : index
        %swap3A_1019 = tpu.vector_load %arg14[%swap3A_1017, %swap3A_1018] {strides = array<i32>} : memref<128x96xf32, #tpu.memory_space<vmem>>, vector<16xf32>,
        tpu.vector_store %arg14[%swap3A_1017, %swap3A_1018], %mul3A_1016 {strides = array<i32>} : memref<128x96xf32, #tpu.memory_space<vmem>>, vector<16xf32>,
        %scan3A_1020 = arith.constant 3 : i32
        %scan3A_1021 = arith.addi %scan3A_311, %scan3A_1020 : i32
        %mul3A_1022 = arith.constant 1 : i32
        %mul3A_1023 = arith.muli %scan3A_1021, %mul3A_1022 : i32
        %add3A_1024 = arith.constant 0 : i32
        %add3A_1025 = arith.addi %add3A_1024, %mul3A_1023 : i32
        %mul3A_1026 = arith.constant 2 : i32
        %mul3A_1027 = arith.muli %mul3A_1026, %add3A_1025 : i32
        %mul3A_1028 = arith.constant 0 : i32
        %mul3A_1029 = vector.broadcast %mul3A_1028 : i32 to vector<16xi32>
        %mul3A_1030 = arith.muli %iota3A, %mul3A_1029 : vector<16xi32>
        %add3A_1031 = vector.broadcast %mul3A_1027 : i32 to vector<16xi32>
        %add3A_1032 = arith.addi %mul3A_1030, %add3A_1031 : vector<16xi32>
        %add3A_1033 = arith.addi %add3A_1032, %convert_element_type3A : vector<16xi32>
        %gather3A_1034 = tpu.vector_load_idx %arg12[%add3A_1033] : memref<128xi32, #tpu.memory_space<vmem>>[vector<16xi32>], vector<16xi32>,
        %min3A_1035 = arith.constant 1023 : i32
        %min3A_1036 = vector.broadcast %min3A_1035 : i32 to vector<16xi32>
        %min3A_1037 = arith.minsi %gather3A_1034, %min3A_1036 : vector<16xi32>
        %mul3A_1038 = arith.constant 8 : i32
        %mul3A_1039 = vector.broadcast %mul3A_1038 : i32 to vector<16xi32>
        %mul3A_1040 = arith.muli %min3A_1037, %mul3A_1039 : vector<16xi32>
        %add3A_1041 = arith.addi %mul3A_1040, %rem3A_2 : vector<16xi32>
        %gather3A_1042 = tpu.vector_load_idx %arg9[%add3A_1041] : memref<8192xf32, #tpu.memory_space<vmem>>[vector<16xi32>], vector<16xf32>,
        %gather3A_1043 = tpu.vector_load_idx %arg13[%add3A_1033, %add3A_10] : memref<128x96xf32, #tpu.memory_space<vmem>>[vector<16xi32>, vector<16xi32>], vector<16xf32>,
        %add3A_1044 = arith.addf %gather3A_1043, %gather3A_1042 : vector<16xf32>
        %mul3A_1045 = arith.constant 2.000000e-01 : f32
        %mul3A_1046 = vector.broadcast %mul3A_1045 : f32 to vector<16xf32>
        %mul3A_1047 = arith.mulf %mul3A_1046, %add3A_1044 : vector<16xf32>
        %max3A_1048 = arith.maximumf %add3A_1044, %mul3A_1047 : vector<16xf32>
        %sub3A_1049 = arith.subf %max3A_1048, %get3A_15 : vector<16xf32>
        %exp3A_1050 = math.exp %sub3A_1049 : vector<16xf32>
        %add3A_1051 = arith.constant 0 : i32
        %add3A_1052 = arith.addi %mul3A_1027, %add3A_1051 : i32
        %lt3A_1053 = arith.constant 0 : i32
        %lt3A_1054 = vector.broadcast %lt3A_1053 : i32 to vector<16xi32>
        %lt3A_1055 = arith.cmpi slt, %add3A_72, %lt3A_1054 : vector<16xi32>
        %add3A_1056 = arith.constant 16 : i32
        %add3A_1057 = vector.broadcast %add3A_1056 : i32 to vector<16xi32>
        %add3A_1058 = arith.addi %add3A_72, %add3A_1057 : vector<16xi32>
        %select_n3A_1059 = arith.select %lt3A_1055, %add3A_1058, %add3A_72 : vector<16xi1>, vector<16xi32>
        %broadcast_in_dim3A_1060 = vector.shape_cast %select_n3A_1059 : vector<16xi32> to vector<16x1xi32>
        %gather3A_1061 = vector.shape_cast %broadcast_in_dim3A_1060 : vector<16x1xi32> to vector<16xi32>
        %gather3A_1062 = tpu.dynamic_gather %exp3A_1050[%gather3A_1061] in [0] : vector<16xf32>, vector<16xi32> -> vector<16xf32>
        %get3A_1063 = arith.index_cast %add3A_1052 : i32 to index
        %get3A_1064 = arith.constant 0 : index
        %get3A_1065 = tpu.vector_load %arg13[%get3A_1063, %get3A_1064] {strides = array<i32>} : memref<128x96xf32, #tpu.memory_space<vmem>>, vector<16xf32>,
        %mul3A_1066 = arith.mulf %get3A_1065, %gather3A_1062 : vector<16xf32>
        %swap3A_1067 = arith.index_cast %add3A_1052 : i32 to index
        %swap3A_1068 = arith.constant 0 : index
        %swap3A_1069 = tpu.vector_load %arg14[%swap3A_1067, %swap3A_1068] {strides = array<i32>} : memref<128x96xf32, #tpu.memory_space<vmem>>, vector<16xf32>,
        tpu.vector_store %arg14[%swap3A_1067, %swap3A_1068], %mul3A_1066 {strides = array<i32>} : memref<128x96xf32, #tpu.memory_space<vmem>>, vector<16xf32>,
        %lt3A_1070 = arith.constant 0 : i32
        %lt3A_1071 = vector.broadcast %lt3A_1070 : i32 to vector<16xi32>
        %lt3A_1072 = arith.cmpi slt, %add3A_81, %lt3A_1071 : vector<16xi32>
        %add3A_1073 = arith.constant 16 : i32
        %add3A_1074 = vector.broadcast %add3A_1073 : i32 to vector<16xi32>
        %add3A_1075 = arith.addi %add3A_81, %add3A_1074 : vector<16xi32>
        %select_n3A_1076 = arith.select %lt3A_1072, %add3A_1075, %add3A_81 : vector<16xi1>, vector<16xi32>
        %broadcast_in_dim3A_1077 = vector.shape_cast %select_n3A_1076 : vector<16xi32> to vector<16x1xi32>
        %gather3A_1078 = vector.shape_cast %broadcast_in_dim3A_1077 : vector<16x1xi32> to vector<16xi32>
        %gather3A_1079 = tpu.dynamic_gather %exp3A_1050[%gather3A_1078] in [0] : vector<16xf32>, vector<16xi32> -> vector<16xf32>
        %get3A_1080 = arith.index_cast %add3A_1052 : i32 to index
        %get3A_1081 = arith.constant 16 : index
        %get3A_1082 = tpu.vector_load %arg13[%get3A_1080, %get3A_1081] {strides = array<i32>} : memref<128x96xf32, #tpu.memory_space<vmem>>, vector<16xf32>,
        %mul3A_1083 = arith.mulf %get3A_1082, %gather3A_1079 : vector<16xf32>
        %swap3A_1084 = arith.index_cast %add3A_1052 : i32 to index
        %swap3A_1085 = arith.constant 16 : index
        %swap3A_1086 = tpu.vector_load %arg14[%swap3A_1084, %swap3A_1085] {strides = array<i32>} : memref<128x96xf32, #tpu.memory_space<vmem>>, vector<16xf32>,
        tpu.vector_store %arg14[%swap3A_1084, %swap3A_1085], %mul3A_1083 {strides = array<i32>} : memref<128x96xf32, #tpu.memory_space<vmem>>, vector<16xf32>,
        %lt3A_1087 = arith.constant 0 : i32
        %lt3A_1088 = vector.broadcast %lt3A_1087 : i32 to vector<16xi32>
        %lt3A_1089 = arith.cmpi slt, %add3A_90, %lt3A_1088 : vector<16xi32>
        %add3A_1090 = arith.constant 16 : i32
        %add3A_1091 = vector.broadcast %add3A_1090 : i32 to vector<16xi32>
        %add3A_1092 = arith.addi %add3A_90, %add3A_1091 : vector<16xi32>
        %select_n3A_1093 = arith.select %lt3A_1089, %add3A_1092, %add3A_90 : vector<16xi1>, vector<16xi32>
        %broadcast_in_dim3A_1094 = vector.shape_cast %select_n3A_1093 : vector<16xi32> to vector<16x1xi32>
        %gather3A_1095 = vector.shape_cast %broadcast_in_dim3A_1094 : vector<16x1xi32> to vector<16xi32>
        %gather3A_1096 = tpu.dynamic_gather %exp3A_1050[%gather3A_1095] in [0] : vector<16xf32>, vector<16xi32> -> vector<16xf32>
        %get3A_1097 = arith.index_cast %add3A_1052 : i32 to index
        %get3A_1098 = arith.constant 32 : index
        %get3A_1099 = tpu.vector_load %arg13[%get3A_1097, %get3A_1098] {strides = array<i32>} : memref<128x96xf32, #tpu.memory_space<vmem>>, vector<16xf32>,
        %mul3A_1100 = arith.mulf %get3A_1099, %gather3A_1096 : vector<16xf32>
        %swap3A_1101 = arith.index_cast %add3A_1052 : i32 to index
        %swap3A_1102 = arith.constant 32 : index
        %swap3A_1103 = tpu.vector_load %arg14[%swap3A_1101, %swap3A_1102] {strides = array<i32>} : memref<128x96xf32, #tpu.memory_space<vmem>>, vector<16xf32>,
        tpu.vector_store %arg14[%swap3A_1101, %swap3A_1102], %mul3A_1100 {strides = array<i32>} : memref<128x96xf32, #tpu.memory_space<vmem>>, vector<16xf32>,
        %lt3A_1104 = arith.constant 0 : i32
        %lt3A_1105 = vector.broadcast %lt3A_1104 : i32 to vector<16xi32>
        %lt3A_1106 = arith.cmpi slt, %add3A_99, %lt3A_1105 : vector<16xi32>
        %add3A_1107 = arith.constant 16 : i32
        %add3A_1108 = vector.broadcast %add3A_1107 : i32 to vector<16xi32>
        %add3A_1109 = arith.addi %add3A_99, %add3A_1108 : vector<16xi32>
        %select_n3A_1110 = arith.select %lt3A_1106, %add3A_1109, %add3A_99 : vector<16xi1>, vector<16xi32>
        %broadcast_in_dim3A_1111 = vector.shape_cast %select_n3A_1110 : vector<16xi32> to vector<16x1xi32>
        %gather3A_1112 = vector.shape_cast %broadcast_in_dim3A_1111 : vector<16x1xi32> to vector<16xi32>
        %gather3A_1113 = tpu.dynamic_gather %exp3A_1050[%gather3A_1112] in [0] : vector<16xf32>, vector<16xi32> -> vector<16xf32>
        %get3A_1114 = arith.index_cast %add3A_1052 : i32 to index
        %get3A_1115 = arith.constant 48 : index
        %get3A_1116 = tpu.vector_load %arg13[%get3A_1114, %get3A_1115] {strides = array<i32>} : memref<128x96xf32, #tpu.memory_space<vmem>>, vector<16xf32>,
        %mul3A_1117 = arith.mulf %get3A_1116, %gather3A_1113 : vector<16xf32>
        %swap3A_1118 = arith.index_cast %add3A_1052 : i32 to index
        %swap3A_1119 = arith.constant 48 : index
        %swap3A_1120 = tpu.vector_load %arg14[%swap3A_1118, %swap3A_1119] {strides = array<i32>} : memref<128x96xf32, #tpu.memory_space<vmem>>, vector<16xf32>,
        tpu.vector_store %arg14[%swap3A_1118, %swap3A_1119], %mul3A_1117 {strides = array<i32>} : memref<128x96xf32, #tpu.memory_space<vmem>>, vector<16xf32>,
        %lt3A_1121 = arith.constant 0 : i32
        %lt3A_1122 = vector.broadcast %lt3A_1121 : i32 to vector<16xi32>
        %lt3A_1123 = arith.cmpi slt, %add3A_108, %lt3A_1122 : vector<16xi32>
        %add3A_1124 = arith.constant 16 : i32
        %add3A_1125 = vector.broadcast %add3A_1124 : i32 to vector<16xi32>
        %add3A_1126 = arith.addi %add3A_108, %add3A_1125 : vector<16xi32>
        %select_n3A_1127 = arith.select %lt3A_1123, %add3A_1126, %add3A_108 : vector<16xi1>, vector<16xi32>
        %broadcast_in_dim3A_1128 = vector.shape_cast %select_n3A_1127 : vector<16xi32> to vector<16x1xi32>
        %gather3A_1129 = vector.shape_cast %broadcast_in_dim3A_1128 : vector<16x1xi32> to vector<16xi32>
        %gather3A_1130 = tpu.dynamic_gather %exp3A_1050[%gather3A_1129] in [0] : vector<16xf32>, vector<16xi32> -> vector<16xf32>
        %get3A_1131 = arith.index_cast %add3A_1052 : i32 to index
        %get3A_1132 = arith.constant 64 : index
        %get3A_1133 = tpu.vector_load %arg13[%get3A_1131, %get3A_1132] {strides = array<i32>} : memref<128x96xf32, #tpu.memory_space<vmem>>, vector<16xf32>,
        %mul3A_1134 = arith.mulf %get3A_1133, %gather3A_1130 : vector<16xf32>
        %swap3A_1135 = arith.index_cast %add3A_1052 : i32 to index
        %swap3A_1136 = arith.constant 64 : index
        %swap3A_1137 = tpu.vector_load %arg14[%swap3A_1135, %swap3A_1136] {strides = array<i32>} : memref<128x96xf32, #tpu.memory_space<vmem>>, vector<16xf32>,
        tpu.vector_store %arg14[%swap3A_1135, %swap3A_1136], %mul3A_1134 {strides = array<i32>} : memref<128x96xf32, #tpu.memory_space<vmem>>, vector<16xf32>,
        %lt3A_1138 = arith.constant 0 : i32
        %lt3A_1139 = vector.broadcast %lt3A_1138 : i32 to vector<16xi32>
        %lt3A_1140 = arith.cmpi slt, %add3A_117, %lt3A_1139 : vector<16xi32>
        %add3A_1141 = arith.constant 16 : i32
        %add3A_1142 = vector.broadcast %add3A_1141 : i32 to vector<16xi32>
        %add3A_1143 = arith.addi %add3A_117, %add3A_1142 : vector<16xi32>
        %select_n3A_1144 = arith.select %lt3A_1140, %add3A_1143, %add3A_117 : vector<16xi1>, vector<16xi32>
        %broadcast_in_dim3A_1145 = vector.shape_cast %select_n3A_1144 : vector<16xi32> to vector<16x1xi32>
        %gather3A_1146 = vector.shape_cast %broadcast_in_dim3A_1145 : vector<16x1xi32> to vector<16xi32>
        %gather3A_1147 = tpu.dynamic_gather %exp3A_1050[%gather3A_1146] in [0] : vector<16xf32>, vector<16xi32> -> vector<16xf32>
        %get3A_1148 = arith.index_cast %add3A_1052 : i32 to index
        %get3A_1149 = arith.constant 80 : index
        %get3A_1150 = tpu.vector_load %arg13[%get3A_1148, %get3A_1149] {strides = array<i32>} : memref<128x96xf32, #tpu.memory_space<vmem>>, vector<16xf32>,
        %mul3A_1151 = arith.mulf %get3A_1150, %gather3A_1147 : vector<16xf32>
        %swap3A_1152 = arith.index_cast %add3A_1052 : i32 to index
        %swap3A_1153 = arith.constant 80 : index
        %swap3A_1154 = tpu.vector_load %arg14[%swap3A_1152, %swap3A_1153] {strides = array<i32>} : memref<128x96xf32, #tpu.memory_space<vmem>>, vector<16xf32>,
        tpu.vector_store %arg14[%swap3A_1152, %swap3A_1153], %mul3A_1151 {strides = array<i32>} : memref<128x96xf32, #tpu.memory_space<vmem>>, vector<16xf32>,
        %add3A_1155 = arith.constant 1 : i32
        %add3A_1156 = arith.addi %mul3A_1027, %add3A_1155 : i32
        %lt3A_1157 = arith.constant 0 : i32
        %lt3A_1158 = vector.broadcast %lt3A_1157 : i32 to vector<16xi32>
        %lt3A_1159 = arith.cmpi slt, %add3A_126, %lt3A_1158 : vector<16xi32>
        %add3A_1160 = arith.constant 16 : i32
        %add3A_1161 = vector.broadcast %add3A_1160 : i32 to vector<16xi32>
        %add3A_1162 = arith.addi %add3A_126, %add3A_1161 : vector<16xi32>
        %select_n3A_1163 = arith.select %lt3A_1159, %add3A_1162, %add3A_126 : vector<16xi1>, vector<16xi32>
        %broadcast_in_dim3A_1164 = vector.shape_cast %select_n3A_1163 : vector<16xi32> to vector<16x1xi32>
        %gather3A_1165 = vector.shape_cast %broadcast_in_dim3A_1164 : vector<16x1xi32> to vector<16xi32>
        %gather3A_1166 = tpu.dynamic_gather %exp3A_1050[%gather3A_1165] in [0] : vector<16xf32>, vector<16xi32> -> vector<16xf32>
        %get3A_1167 = arith.index_cast %add3A_1156 : i32 to index
        %get3A_1168 = arith.constant 0 : index
        %get3A_1169 = tpu.vector_load %arg13[%get3A_1167, %get3A_1168] {strides = array<i32>} : memref<128x96xf32, #tpu.memory_space<vmem>>, vector<16xf32>,
        %mul3A_1170 = arith.mulf %get3A_1169, %gather3A_1166 : vector<16xf32>
        %swap3A_1171 = arith.index_cast %add3A_1156 : i32 to index
        %swap3A_1172 = arith.constant 0 : index
        %swap3A_1173 = tpu.vector_load %arg14[%swap3A_1171, %swap3A_1172] {strides = array<i32>} : memref<128x96xf32, #tpu.memory_space<vmem>>, vector<16xf32>,
        tpu.vector_store %arg14[%swap3A_1171, %swap3A_1172], %mul3A_1170 {strides = array<i32>} : memref<128x96xf32, #tpu.memory_space<vmem>>, vector<16xf32>,
        %lt3A_1174 = arith.constant 0 : i32
        %lt3A_1175 = vector.broadcast %lt3A_1174 : i32 to vector<16xi32>
        %lt3A_1176 = arith.cmpi slt, %add3A_135, %lt3A_1175 : vector<16xi32>
        %add3A_1177 = arith.constant 16 : i32
        %add3A_1178 = vector.broadcast %add3A_1177 : i32 to vector<16xi32>
        %add3A_1179 = arith.addi %add3A_135, %add3A_1178 : vector<16xi32>
        %select_n3A_1180 = arith.select %lt3A_1176, %add3A_1179, %add3A_135 : vector<16xi1>, vector<16xi32>
        %broadcast_in_dim3A_1181 = vector.shape_cast %select_n3A_1180 : vector<16xi32> to vector<16x1xi32>
        %gather3A_1182 = vector.shape_cast %broadcast_in_dim3A_1181 : vector<16x1xi32> to vector<16xi32>
        %gather3A_1183 = tpu.dynamic_gather %exp3A_1050[%gather3A_1182] in [0] : vector<16xf32>, vector<16xi32> -> vector<16xf32>
        %get3A_1184 = arith.index_cast %add3A_1156 : i32 to index
        %get3A_1185 = arith.constant 16 : index
        %get3A_1186 = tpu.vector_load %arg13[%get3A_1184, %get3A_1185] {strides = array<i32>} : memref<128x96xf32, #tpu.memory_space<vmem>>, vector<16xf32>,
        %mul3A_1187 = arith.mulf %get3A_1186, %gather3A_1183 : vector<16xf32>
        %swap3A_1188 = arith.index_cast %add3A_1156 : i32 to index
        %swap3A_1189 = arith.constant 16 : index
        %swap3A_1190 = tpu.vector_load %arg14[%swap3A_1188, %swap3A_1189] {strides = array<i32>} : memref<128x96xf32, #tpu.memory_space<vmem>>, vector<16xf32>,
        tpu.vector_store %arg14[%swap3A_1188, %swap3A_1189], %mul3A_1187 {strides = array<i32>} : memref<128x96xf32, #tpu.memory_space<vmem>>, vector<16xf32>,
        %lt3A_1191 = arith.constant 0 : i32
        %lt3A_1192 = vector.broadcast %lt3A_1191 : i32 to vector<16xi32>
        %lt3A_1193 = arith.cmpi slt, %add3A_144, %lt3A_1192 : vector<16xi32>
        %add3A_1194 = arith.constant 16 : i32
        %add3A_1195 = vector.broadcast %add3A_1194 : i32 to vector<16xi32>
        %add3A_1196 = arith.addi %add3A_144, %add3A_1195 : vector<16xi32>
        %select_n3A_1197 = arith.select %lt3A_1193, %add3A_1196, %add3A_144 : vector<16xi1>, vector<16xi32>
        %broadcast_in_dim3A_1198 = vector.shape_cast %select_n3A_1197 : vector<16xi32> to vector<16x1xi32>
        %gather3A_1199 = vector.shape_cast %broadcast_in_dim3A_1198 : vector<16x1xi32> to vector<16xi32>
        %gather3A_1200 = tpu.dynamic_gather %exp3A_1050[%gather3A_1199] in [0] : vector<16xf32>, vector<16xi32> -> vector<16xf32>
        %get3A_1201 = arith.index_cast %add3A_1156 : i32 to index
        %get3A_1202 = arith.constant 32 : index
        %get3A_1203 = tpu.vector_load %arg13[%get3A_1201, %get3A_1202] {strides = array<i32>} : memref<128x96xf32, #tpu.memory_space<vmem>>, vector<16xf32>,
        %mul3A_1204 = arith.mulf %get3A_1203, %gather3A_1200 : vector<16xf32>
        %swap3A_1205 = arith.index_cast %add3A_1156 : i32 to index
        %swap3A_1206 = arith.constant 32 : index
        %swap3A_1207 = tpu.vector_load %arg14[%swap3A_1205, %swap3A_1206] {strides = array<i32>} : memref<128x96xf32, #tpu.memory_space<vmem>>, vector<16xf32>,
        tpu.vector_store %arg14[%swap3A_1205, %swap3A_1206], %mul3A_1204 {strides = array<i32>} : memref<128x96xf32, #tpu.memory_space<vmem>>, vector<16xf32>,
        %lt3A_1208 = arith.constant 0 : i32
        %lt3A_1209 = vector.broadcast %lt3A_1208 : i32 to vector<16xi32>
        %lt3A_1210 = arith.cmpi slt, %add3A_153, %lt3A_1209 : vector<16xi32>
        %add3A_1211 = arith.constant 16 : i32
        %add3A_1212 = vector.broadcast %add3A_1211 : i32 to vector<16xi32>
        %add3A_1213 = arith.addi %add3A_153, %add3A_1212 : vector<16xi32>
        %select_n3A_1214 = arith.select %lt3A_1210, %add3A_1213, %add3A_153 : vector<16xi1>, vector<16xi32>
        %broadcast_in_dim3A_1215 = vector.shape_cast %select_n3A_1214 : vector<16xi32> to vector<16x1xi32>
        %gather3A_1216 = vector.shape_cast %broadcast_in_dim3A_1215 : vector<16x1xi32> to vector<16xi32>
        %gather3A_1217 = tpu.dynamic_gather %exp3A_1050[%gather3A_1216] in [0] : vector<16xf32>, vector<16xi32> -> vector<16xf32>
        %get3A_1218 = arith.index_cast %add3A_1156 : i32 to index
        %get3A_1219 = arith.constant 48 : index
        %get3A_1220 = tpu.vector_load %arg13[%get3A_1218, %get3A_1219] {strides = array<i32>} : memref<128x96xf32, #tpu.memory_space<vmem>>, vector<16xf32>,
        %mul3A_1221 = arith.mulf %get3A_1220, %gather3A_1217 : vector<16xf32>
        %swap3A_1222 = arith.index_cast %add3A_1156 : i32 to index
        %swap3A_1223 = arith.constant 48 : index
        %swap3A_1224 = tpu.vector_load %arg14[%swap3A_1222, %swap3A_1223] {strides = array<i32>} : memref<128x96xf32, #tpu.memory_space<vmem>>, vector<16xf32>,
        tpu.vector_store %arg14[%swap3A_1222, %swap3A_1223], %mul3A_1221 {strides = array<i32>} : memref<128x96xf32, #tpu.memory_space<vmem>>, vector<16xf32>,
        %lt3A_1225 = arith.constant 0 : i32
        %lt3A_1226 = vector.broadcast %lt3A_1225 : i32 to vector<16xi32>
        %lt3A_1227 = arith.cmpi slt, %add3A_162, %lt3A_1226 : vector<16xi32>
        %add3A_1228 = arith.constant 16 : i32
        %add3A_1229 = vector.broadcast %add3A_1228 : i32 to vector<16xi32>
        %add3A_1230 = arith.addi %add3A_162, %add3A_1229 : vector<16xi32>
        %select_n3A_1231 = arith.select %lt3A_1227, %add3A_1230, %add3A_162 : vector<16xi1>, vector<16xi32>
        %broadcast_in_dim3A_1232 = vector.shape_cast %select_n3A_1231 : vector<16xi32> to vector<16x1xi32>
        %gather3A_1233 = vector.shape_cast %broadcast_in_dim3A_1232 : vector<16x1xi32> to vector<16xi32>
        %gather3A_1234 = tpu.dynamic_gather %exp3A_1050[%gather3A_1233] in [0] : vector<16xf32>, vector<16xi32> -> vector<16xf32>
        %get3A_1235 = arith.index_cast %add3A_1156 : i32 to index
        %get3A_1236 = arith.constant 64 : index
        %get3A_1237 = tpu.vector_load %arg13[%get3A_1235, %get3A_1236] {strides = array<i32>} : memref<128x96xf32, #tpu.memory_space<vmem>>, vector<16xf32>,
        %mul3A_1238 = arith.mulf %get3A_1237, %gather3A_1234 : vector<16xf32>
        %swap3A_1239 = arith.index_cast %add3A_1156 : i32 to index
        %swap3A_1240 = arith.constant 64 : index
        %swap3A_1241 = tpu.vector_load %arg14[%swap3A_1239, %swap3A_1240] {strides = array<i32>} : memref<128x96xf32, #tpu.memory_space<vmem>>, vector<16xf32>,
        tpu.vector_store %arg14[%swap3A_1239, %swap3A_1240], %mul3A_1238 {strides = array<i32>} : memref<128x96xf32, #tpu.memory_space<vmem>>, vector<16xf32>,
        %lt3A_1242 = arith.constant 0 : i32
        %lt3A_1243 = vector.broadcast %lt3A_1242 : i32 to vector<16xi32>
        %lt3A_1244 = arith.cmpi slt, %add3A_171, %lt3A_1243 : vector<16xi32>
        %add3A_1245 = arith.constant 16 : i32
        %add3A_1246 = vector.broadcast %add3A_1245 : i32 to vector<16xi32>
        %add3A_1247 = arith.addi %add3A_171, %add3A_1246 : vector<16xi32>
        %select_n3A_1248 = arith.select %lt3A_1244, %add3A_1247, %add3A_171 : vector<16xi1>, vector<16xi32>
        %broadcast_in_dim3A_1249 = vector.shape_cast %select_n3A_1248 : vector<16xi32> to vector<16x1xi32>
        %gather3A_1250 = vector.shape_cast %broadcast_in_dim3A_1249 : vector<16x1xi32> to vector<16xi32>
        %gather3A_1251 = tpu.dynamic_gather %exp3A_1050[%gather3A_1250] in [0] : vector<16xf32>, vector<16xi32> -> vector<16xf32>
        %get3A_1252 = arith.index_cast %add3A_1156 : i32 to index
        %get3A_1253 = arith.constant 80 : index
        %get3A_1254 = tpu.vector_load %arg13[%get3A_1252, %get3A_1253] {strides = array<i32>} : memref<128x96xf32, #tpu.memory_space<vmem>>, vector<16xf32>,
        %mul3A_1255 = arith.mulf %get3A_1254, %gather3A_1251 : vector<16xf32>
        %swap3A_1256 = arith.index_cast %add3A_1156 : i32 to index
        %swap3A_1257 = arith.constant 80 : index
        %swap3A_1258 = tpu.vector_load %arg14[%swap3A_1256, %swap3A_1257] {strides = array<i32>} : memref<128x96xf32, #tpu.memory_space<vmem>>, vector<16xf32>,
        tpu.vector_store %arg14[%swap3A_1256, %swap3A_1257], %mul3A_1255 {strides = array<i32>} : memref<128x96xf32, #tpu.memory_space<vmem>>, vector<16xf32>,
      }
      %scan3A_310 = arith.constant 64 : i32
      "tpu.region"() ({
        %run_scoped3A = tpu.sem_alloc : memref<!tpu.dma_semaphore, #tpu.memory_space<semaphore_mem>>
        %dma_start3A_311 = arith.constant 0 : i32
        %dma_start3A_312 = arith.constant 0 : i32
        %dma_start3A_313 = tpu.memref_slice %arg8[%dma_start3A_311, %dma_start3A_312] : memref<5120x96xf32, #tpu.memory_space<vmem_shared>> -> memref<5120x96xf32, #tpu.memory_space<vmem_shared>>
        tpu.enqueue_indirect_dma source(%arg14 : memref<128x96xf32, #tpu.memory_space<vmem>>) target(%dma_start3A_313 : memref<5120x96xf32, #tpu.memory_space<vmem_shared>>) offsets(%arg12 : memref<128xi32, #tpu.memory_space<vmem>>) semaphore(%run_scoped3A : memref<!tpu.dma_semaphore, #tpu.memory_space<semaphore_mem>>) {add = true}
        %dma_wait3A_314 = arith.constant 0 : i32
        %dma_wait3A_315 = arith.constant 0 : i32
        %dma_wait3A_316 = tpu.memref_slice %arg8[%dma_wait3A_314, %dma_wait3A_315] : memref<5120x96xf32, #tpu.memory_space<vmem_shared>> -> memref<5120x96xf32, #tpu.memory_space<vmem_shared>>
        tpu.wait_indirect_dma semaphore(%run_scoped3A : memref<!tpu.dma_semaphore, #tpu.memory_space<semaphore_mem>>) src(%arg14 : memref<128x96xf32, #tpu.memory_space<vmem>>) dst(%dma_wait3A_316 : memref<5120x96xf32, #tpu.memory_space<vmem_shared>>)
        tpu.yield
      }) : () -> ()
    }
    %while3A_192 = arith.constant 1 : i32
    scf.for %while3A_202 = %while3A_190 to %while3A_186 step %while3A_192  : i32 {
      %mul3A_203 = arith.muli %while3A_202, %while3A_182 : i32
      %add3A_204 = arith.addi %while3A_183, %mul3A_203 : i32
      %mul3A_205 = arith.constant 128 : i32
      %mul3A_206 = arith.muli %add3A_204, %mul3A_205 : i32
      %add3A_207 = arith.constant 0 : i32
      %add3A_208 = arith.addi %mul3A_206, %add3A_207 : i32
      %get3A_209 = arith.index_cast %add3A_208 : i32 to index
      %get3A_210 = tpu.vector_load %arg15[%get3A_209] {strides = array<i32>} : memref<10240xi32, #tpu.memory_space<vmem>>, vector<16xi32>,
      %swap3A = arith.constant 0 : index
      %swap3A_211 = tpu.vector_load %arg11[%swap3A] {strides = array<i32>} : memref<128xi32, #tpu.memory_space<vmem>>, vector<16xi32>,
      tpu.vector_store %arg11[%swap3A], %get3A_210 {strides = array<i32>} : memref<128xi32, #tpu.memory_space<vmem>>, vector<16xi32>,
      %add3A_212 = arith.constant 0 : i32
      %add3A_213 = arith.addi %mul3A_206, %add3A_212 : i32
      %get3A_214 = arith.index_cast %add3A_213 : i32 to index
      %get3A_215 = tpu.vector_load %arg16[%get3A_214] {strides = array<i32>} : memref<10240xi32, #tpu.memory_space<vmem>>, vector<16xi32>,
      %swap3A_216 = arith.constant 0 : index
      %swap3A_217 = tpu.vector_load %arg12[%swap3A_216] {strides = array<i32>} : memref<128xi32, #tpu.memory_space<vmem>>, vector<16xi32>,
      tpu.vector_store %arg12[%swap3A_216], %get3A_215 {strides = array<i32>} : memref<128xi32, #tpu.memory_space<vmem>>, vector<16xi32>,
      %add3A_218 = arith.constant 16 : i32
      %add3A_219 = arith.addi %mul3A_206, %add3A_218 : i32
      %get3A_220 = arith.index_cast %add3A_219 : i32 to index
      %get3A_221 = tpu.vector_load %arg15[%get3A_220] {strides = array<i32>} : memref<10240xi32, #tpu.memory_space<vmem>>, vector<16xi32>,
      %swap3A_222 = arith.constant 16 : index
      %swap3A_223 = tpu.vector_load %arg11[%swap3A_222] {strides = array<i32>} : memref<128xi32, #tpu.memory_space<vmem>>, vector<16xi32>,
      tpu.vector_store %arg11[%swap3A_222], %get3A_221 {strides = array<i32>} : memref<128xi32, #tpu.memory_space<vmem>>, vector<16xi32>,
      %add3A_224 = arith.constant 16 : i32
      %add3A_225 = arith.addi %mul3A_206, %add3A_224 : i32
      %get3A_226 = arith.index_cast %add3A_225 : i32 to index
      %get3A_227 = tpu.vector_load %arg16[%get3A_226] {strides = array<i32>} : memref<10240xi32, #tpu.memory_space<vmem>>, vector<16xi32>,
      %swap3A_228 = arith.constant 16 : index
      %swap3A_229 = tpu.vector_load %arg12[%swap3A_228] {strides = array<i32>} : memref<128xi32, #tpu.memory_space<vmem>>, vector<16xi32>,
      tpu.vector_store %arg12[%swap3A_228], %get3A_227 {strides = array<i32>} : memref<128xi32, #tpu.memory_space<vmem>>, vector<16xi32>,
      %add3A_230 = arith.constant 32 : i32
      %add3A_231 = arith.addi %mul3A_206, %add3A_230 : i32
      %get3A_232 = arith.index_cast %add3A_231 : i32 to index
      %get3A_233 = tpu.vector_load %arg15[%get3A_232] {strides = array<i32>} : memref<10240xi32, #tpu.memory_space<vmem>>, vector<16xi32>,
      %swap3A_234 = arith.constant 32 : index
      %swap3A_235 = tpu.vector_load %arg11[%swap3A_234] {strides = array<i32>} : memref<128xi32, #tpu.memory_space<vmem>>, vector<16xi32>,
      tpu.vector_store %arg11[%swap3A_234], %get3A_233 {strides = array<i32>} : memref<128xi32, #tpu.memory_space<vmem>>, vector<16xi32>,
      %add3A_236 = arith.constant 32 : i32
      %add3A_237 = arith.addi %mul3A_206, %add3A_236 : i32
      %get3A_238 = arith.index_cast %add3A_237 : i32 to index
      %get3A_239 = tpu.vector_load %arg16[%get3A_238] {strides = array<i32>} : memref<10240xi32, #tpu.memory_space<vmem>>, vector<16xi32>,
      %swap3A_240 = arith.constant 32 : index
      %swap3A_241 = tpu.vector_load %arg12[%swap3A_240] {strides = array<i32>} : memref<128xi32, #tpu.memory_space<vmem>>, vector<16xi32>,
      tpu.vector_store %arg12[%swap3A_240], %get3A_239 {strides = array<i32>} : memref<128xi32, #tpu.memory_space<vmem>>, vector<16xi32>,
      %add3A_242 = arith.constant 48 : i32
      %add3A_243 = arith.addi %mul3A_206, %add3A_242 : i32
      %get3A_244 = arith.index_cast %add3A_243 : i32 to index
      %get3A_245 = tpu.vector_load %arg15[%get3A_244] {strides = array<i32>} : memref<10240xi32, #tpu.memory_space<vmem>>, vector<16xi32>,
      %swap3A_246 = arith.constant 48 : index
      %swap3A_247 = tpu.vector_load %arg11[%swap3A_246] {strides = array<i32>} : memref<128xi32, #tpu.memory_space<vmem>>, vector<16xi32>,
      tpu.vector_store %arg11[%swap3A_246], %get3A_245 {strides = array<i32>} : memref<128xi32, #tpu.memory_space<vmem>>, vector<16xi32>,
      %add3A_248 = arith.constant 48 : i32
      %add3A_249 = arith.addi %mul3A_206, %add3A_248 : i32
      %get3A_250 = arith.index_cast %add3A_249 : i32 to index
      %get3A_251 = tpu.vector_load %arg16[%get3A_250] {strides = array<i32>} : memref<10240xi32, #tpu.memory_space<vmem>>, vector<16xi32>,
      %swap3A_252 = arith.constant 48 : index
      %swap3A_253 = tpu.vector_load %arg12[%swap3A_252] {strides = array<i32>} : memref<128xi32, #tpu.memory_space<vmem>>, vector<16xi32>,
      tpu.vector_store %arg12[%swap3A_252], %get3A_251 {strides = array<i32>} : memref<128xi32, #tpu.memory_space<vmem>>, vector<16xi32>,
      %add3A_254 = arith.constant 64 : i32
      %add3A_255 = arith.addi %mul3A_206, %add3A_254 : i32
      %get3A_256 = arith.index_cast %add3A_255 : i32 to index
      %get3A_257 = tpu.vector_load %arg15[%get3A_256] {strides = array<i32>} : memref<10240xi32, #tpu.memory_space<vmem>>, vector<16xi32>,
      %swap3A_258 = arith.constant 64 : index
      %swap3A_259 = tpu.vector_load %arg11[%swap3A_258] {strides = array<i32>} : memref<128xi32, #tpu.memory_space<vmem>>, vector<16xi32>,
      tpu.vector_store %arg11[%swap3A_258], %get3A_257 {strides = array<i32>} : memref<128xi32, #tpu.memory_space<vmem>>, vector<16xi32>,
      %add3A_260 = arith.constant 64 : i32
      %add3A_261 = arith.addi %mul3A_206, %add3A_260 : i32
      %get3A_262 = arith.index_cast %add3A_261 : i32 to index
      %get3A_263 = tpu.vector_load %arg16[%get3A_262] {strides = array<i32>} : memref<10240xi32, #tpu.memory_space<vmem>>, vector<16xi32>,
      %swap3A_264 = arith.constant 64 : index
      %swap3A_265 = tpu.vector_load %arg12[%swap3A_264] {strides = array<i32>} : memref<128xi32, #tpu.memory_space<vmem>>, vector<16xi32>,
      tpu.vector_store %arg12[%swap3A_264], %get3A_263 {strides = array<i32>} : memref<128xi32, #tpu.memory_space<vmem>>, vector<16xi32>,
      %add3A_266 = arith.constant 80 : i32
      %add3A_267 = arith.addi %mul3A_206, %add3A_266 : i32
      %get3A_268 = arith.index_cast %add3A_267 : i32 to index
      %get3A_269 = tpu.vector_load %arg15[%get3A_268] {strides = array<i32>} : memref<10240xi32, #tpu.memory_space<vmem>>, vector<16xi32>,
      %swap3A_270 = arith.constant 80 : index
      %swap3A_271 = tpu.vector_load %arg11[%swap3A_270] {strides = array<i32>} : memref<128xi32, #tpu.memory_space<vmem>>, vector<16xi32>,
      tpu.vector_store %arg11[%swap3A_270], %get3A_269 {strides = array<i32>} : memref<128xi32, #tpu.memory_space<vmem>>, vector<16xi32>,
      %add3A_272 = arith.constant 80 : i32
      %add3A_273 = arith.addi %mul3A_206, %add3A_272 : i32
      %get3A_274 = arith.index_cast %add3A_273 : i32 to index
      %get3A_275 = tpu.vector_load %arg16[%get3A_274] {strides = array<i32>} : memref<10240xi32, #tpu.memory_space<vmem>>, vector<16xi32>,
      %swap3A_276 = arith.constant 80 : index
      %swap3A_277 = tpu.vector_load %arg12[%swap3A_276] {strides = array<i32>} : memref<128xi32, #tpu.memory_space<vmem>>, vector<16xi32>,
      tpu.vector_store %arg12[%swap3A_276], %get3A_275 {strides = array<i32>} : memref<128xi32, #tpu.memory_space<vmem>>, vector<16xi32>,
      %add3A_278 = arith.constant 96 : i32
      %add3A_279 = arith.addi %mul3A_206, %add3A_278 : i32
      %get3A_280 = arith.index_cast %add3A_279 : i32 to index
      %get3A_281 = tpu.vector_load %arg15[%get3A_280] {strides = array<i32>} : memref<10240xi32, #tpu.memory_space<vmem>>, vector<16xi32>,
      %swap3A_282 = arith.constant 96 : index
      %swap3A_283 = tpu.vector_load %arg11[%swap3A_282] {strides = array<i32>} : memref<128xi32, #tpu.memory_space<vmem>>, vector<16xi32>,
      tpu.vector_store %arg11[%swap3A_282], %get3A_281 {strides = array<i32>} : memref<128xi32, #tpu.memory_space<vmem>>, vector<16xi32>,
      %add3A_284 = arith.constant 96 : i32
      %add3A_285 = arith.addi %mul3A_206, %add3A_284 : i32
      %get3A_286 = arith.index_cast %add3A_285 : i32 to index
      %get3A_287 = tpu.vector_load %arg16[%get3A_286] {strides = array<i32>} : memref<10240xi32, #tpu.memory_space<vmem>>, vector<16xi32>,
      %swap3A_288 = arith.constant 96 : index
      %swap3A_289 = tpu.vector_load %arg12[%swap3A_288] {strides = array<i32>} : memref<128xi32, #tpu.memory_space<vmem>>, vector<16xi32>,
      tpu.vector_store %arg12[%swap3A_288], %get3A_287 {strides = array<i32>} : memref<128xi32, #tpu.memory_space<vmem>>, vector<16xi32>,
      %add3A_290 = arith.constant 112 : i32
      %add3A_291 = arith.addi %mul3A_206, %add3A_290 : i32
      %get3A_292 = arith.index_cast %add3A_291 : i32 to index
      %get3A_293 = tpu.vector_load %arg15[%get3A_292] {strides = array<i32>} : memref<10240xi32, #tpu.memory_space<vmem>>, vector<16xi32>,
      %swap3A_294 = arith.constant 112 : index
      %swap3A_295 = tpu.vector_load %arg11[%swap3A_294] {strides = array<i32>} : memref<128xi32, #tpu.memory_space<vmem>>, vector<16xi32>,
      tpu.vector_store %arg11[%swap3A_294], %get3A_293 {strides = array<i32>} : memref<128xi32, #tpu.memory_space<vmem>>, vector<16xi32>,
      %add3A_296 = arith.constant 112 : i32
      %add3A_297 = arith.addi %mul3A_206, %add3A_296 : i32
      %get3A_298 = arith.index_cast %add3A_297 : i32 to index
      %get3A_299 = tpu.vector_load %arg16[%get3A_298] {strides = array<i32>} : memref<10240xi32, #tpu.memory_space<vmem>>, vector<16xi32>,
      %swap3A_300 = arith.constant 112 : index
      %swap3A_301 = tpu.vector_load %arg12[%swap3A_300] {strides = array<i32>} : memref<128xi32, #tpu.memory_space<vmem>>, vector<16xi32>,
      tpu.vector_store %arg12[%swap3A_300], %get3A_299 {strides = array<i32>} : memref<128xi32, #tpu.memory_space<vmem>>, vector<16xi32>,
      %dma_start3A = arith.constant 0 : i32
      %dma_start3A_302 = arith.constant 0 : i32
      %dma_start3A_303 = tpu.memref_slice %arg2[%dma_start3A, %dma_start3A_302] : memref<5120x96xf32, #tpu.memory_space<hbm>> -> memref<5120x96xf32, #tpu.memory_space<hbm>>
      tpu.enqueue_indirect_dma source(%dma_start3A_303 : memref<5120x96xf32, #tpu.memory_space<hbm>>) target(%arg13 : memref<128x96xf32, #tpu.memory_space<vmem>>) offsets(%arg11 : memref<128xi32, #tpu.memory_space<vmem>>) semaphore(%arg17 : memref<!tpu.dma_semaphore, #tpu.memory_space<semaphore_mem>>)
      %dma_wait3A = arith.constant 0 : i32
      %dma_wait3A_304 = arith.constant 0 : i32
      %dma_wait3A_305 = tpu.memref_slice %arg2[%dma_wait3A, %dma_wait3A_304] : memref<5120x96xf32, #tpu.memory_space<hbm>> -> memref<5120x96xf32, #tpu.memory_space<hbm>>
      tpu.wait_indirect_dma semaphore(%arg17 : memref<!tpu.dma_semaphore, #tpu.memory_space<semaphore_mem>>) src(%dma_wait3A_305 : memref<5120x96xf32, #tpu.memory_space<hbm>>) dst(%arg13 : memref<128x96xf32, #tpu.memory_space<vmem>>)
      %scan3A_306 = arith.constant 0 : i32
      %scan3A_307 = arith.constant 64 : i32
      %scan3A_308 = arith.addi %scan3A_306, %scan3A_307 : i32
      %scan3A_309 = arith.constant 4 : i32
      scf.for %scan3A_311 = %scan3A_306 to %scan3A_308 step %scan3A_309  : i32 {
        %mul3A_312 = arith.constant 1 : i32
        %mul3A_313 = arith.muli %scan3A_311, %mul3A_312 : i32
        %add3A_314 = arith.constant 0 : i32
        %add3A_315 = arith.addi %add3A_314, %mul3A_313 : i32
        %mul3A_316 = arith.constant 2 : i32
        %mul3A_317 = arith.muli %mul3A_316, %add3A_315 : i32
        %mul3A_318 = arith.constant 0 : i32
        %mul3A_319 = vector.broadcast %mul3A_318 : i32 to vector<16xi32>
        %mul3A_320 = arith.muli %iota3A, %mul3A_319 : vector<16xi32>
        %add3A_321 = vector.broadcast %mul3A_317 : i32 to vector<16xi32>
        %add3A_322 = arith.addi %mul3A_320, %add3A_321 : vector<16xi32>
        %add3A_323 = arith.addi %add3A_322, %convert_element_type3A : vector<16xi32>
        %gather3A = tpu.vector_load_idx %arg12[%add3A_323] : memref<128xi32, #tpu.memory_space<vmem>>[vector<16xi32>], vector<16xi32>,
        %min3A = arith.constant 1023 : i32
        %min3A_324 = vector.broadcast %min3A : i32 to vector<16xi32>
        %min3A_325 = arith.minsi %gather3A, %min3A_324 : vector<16xi32>
        %mul3A_326 = arith.constant 8 : i32
        %mul3A_327 = vector.broadcast %mul3A_326 : i32 to vector<16xi32>
        %mul3A_328 = arith.muli %min3A_325, %mul3A_327 : vector<16xi32>
        %add3A_329 = arith.addi %mul3A_328, %rem3A_2 : vector<16xi32>
        %gather3A_330 = tpu.vector_load_idx %arg9[%add3A_329] : memref<8192xf32, #tpu.memory_space<vmem>>[vector<16xi32>], vector<16xf32>,
        %gather3A_331 = tpu.vector_load_idx %arg13[%add3A_323, %add3A_10] : memref<128x96xf32, #tpu.memory_space<vmem>>[vector<16xi32>, vector<16xi32>], vector<16xf32>,
        %add3A_332 = arith.addf %gather3A_331, %gather3A_330 : vector<16xf32>
        %mul3A_333 = arith.constant 2.000000e-01 : f32
        %mul3A_334 = vector.broadcast %mul3A_333 : f32 to vector<16xf32>
        %mul3A_335 = arith.mulf %mul3A_334, %add3A_332 : vector<16xf32>
        %max3A = arith.maximumf %add3A_332, %mul3A_335 : vector<16xf32>
        %sub3A_336 = arith.subf %max3A, %get3A_15 : vector<16xf32>
        %exp3A = math.exp %sub3A_336 : vector<16xf32>
        %add3A_337 = arith.constant 0 : i32
        %add3A_338 = arith.addi %mul3A_317, %add3A_337 : i32
        %lt3A = arith.constant 0 : i32
        %lt3A_339 = vector.broadcast %lt3A : i32 to vector<16xi32>
        %lt3A_340 = arith.cmpi slt, %add3A_72, %lt3A_339 : vector<16xi32>
        %add3A_341 = arith.constant 16 : i32
        %add3A_342 = vector.broadcast %add3A_341 : i32 to vector<16xi32>
        %add3A_343 = arith.addi %add3A_72, %add3A_342 : vector<16xi32>
        %select_n3A = arith.select %lt3A_340, %add3A_343, %add3A_72 : vector<16xi1>, vector<16xi32>
        %broadcast_in_dim3A = vector.shape_cast %select_n3A : vector<16xi32> to vector<16x1xi32>
        %gather3A_344 = vector.shape_cast %broadcast_in_dim3A : vector<16x1xi32> to vector<16xi32>
        %gather3A_345 = tpu.dynamic_gather %exp3A[%gather3A_344] in [0] : vector<16xf32>, vector<16xi32> -> vector<16xf32>
        %get3A_346 = arith.index_cast %add3A_338 : i32 to index
        %get3A_347 = arith.constant 0 : index
        %get3A_348 = tpu.vector_load %arg13[%get3A_346, %get3A_347] {strides = array<i32>} : memref<128x96xf32, #tpu.memory_space<vmem>>, vector<16xf32>,
        %mul3A_349 = arith.mulf %get3A_348, %gather3A_345 : vector<16xf32>
        %swap3A_350 = arith.index_cast %add3A_338 : i32 to index
        %swap3A_351 = arith.constant 0 : index
        %swap3A_352 = tpu.vector_load %arg14[%swap3A_350, %swap3A_351] {strides = array<i32>} : memref<128x96xf32, #tpu.memory_space<vmem>>, vector<16xf32>,
        tpu.vector_store %arg14[%swap3A_350, %swap3A_351], %mul3A_349 {strides = array<i32>} : memref<128x96xf32, #tpu.memory_space<vmem>>, vector<16xf32>,
        %lt3A_353 = arith.constant 0 : i32
        %lt3A_354 = vector.broadcast %lt3A_353 : i32 to vector<16xi32>
        %lt3A_355 = arith.cmpi slt, %add3A_81, %lt3A_354 : vector<16xi32>
        %add3A_356 = arith.constant 16 : i32
        %add3A_357 = vector.broadcast %add3A_356 : i32 to vector<16xi32>
        %add3A_358 = arith.addi %add3A_81, %add3A_357 : vector<16xi32>
        %select_n3A_359 = arith.select %lt3A_355, %add3A_358, %add3A_81 : vector<16xi1>, vector<16xi32>
        %broadcast_in_dim3A_360 = vector.shape_cast %select_n3A_359 : vector<16xi32> to vector<16x1xi32>
        %gather3A_361 = vector.shape_cast %broadcast_in_dim3A_360 : vector<16x1xi32> to vector<16xi32>
        %gather3A_362 = tpu.dynamic_gather %exp3A[%gather3A_361] in [0] : vector<16xf32>, vector<16xi32> -> vector<16xf32>
        %get3A_363 = arith.index_cast %add3A_338 : i32 to index
        %get3A_364 = arith.constant 16 : index
        %get3A_365 = tpu.vector_load %arg13[%get3A_363, %get3A_364] {strides = array<i32>} : memref<128x96xf32, #tpu.memory_space<vmem>>, vector<16xf32>,
        %mul3A_366 = arith.mulf %get3A_365, %gather3A_362 : vector<16xf32>
        %swap3A_367 = arith.index_cast %add3A_338 : i32 to index
        %swap3A_368 = arith.constant 16 : index
        %swap3A_369 = tpu.vector_load %arg14[%swap3A_367, %swap3A_368] {strides = array<i32>} : memref<128x96xf32, #tpu.memory_space<vmem>>, vector<16xf32>,
        tpu.vector_store %arg14[%swap3A_367, %swap3A_368], %mul3A_366 {strides = array<i32>} : memref<128x96xf32, #tpu.memory_space<vmem>>, vector<16xf32>,
        %lt3A_370 = arith.constant 0 : i32
        %lt3A_371 = vector.broadcast %lt3A_370 : i32 to vector<16xi32>
        %lt3A_372 = arith.cmpi slt, %add3A_90, %lt3A_371 : vector<16xi32>
        %add3A_373 = arith.constant 16 : i32
        %add3A_374 = vector.broadcast %add3A_373 : i32 to vector<16xi32>
        %add3A_375 = arith.addi %add3A_90, %add3A_374 : vector<16xi32>
        %select_n3A_376 = arith.select %lt3A_372, %add3A_375, %add3A_90 : vector<16xi1>, vector<16xi32>
        %broadcast_in_dim3A_377 = vector.shape_cast %select_n3A_376 : vector<16xi32> to vector<16x1xi32>
        %gather3A_378 = vector.shape_cast %broadcast_in_dim3A_377 : vector<16x1xi32> to vector<16xi32>
        %gather3A_379 = tpu.dynamic_gather %exp3A[%gather3A_378] in [0] : vector<16xf32>, vector<16xi32> -> vector<16xf32>
        %get3A_380 = arith.index_cast %add3A_338 : i32 to index
        %get3A_381 = arith.constant 32 : index
        %get3A_382 = tpu.vector_load %arg13[%get3A_380, %get3A_381] {strides = array<i32>} : memref<128x96xf32, #tpu.memory_space<vmem>>, vector<16xf32>,
        %mul3A_383 = arith.mulf %get3A_382, %gather3A_379 : vector<16xf32>
        %swap3A_384 = arith.index_cast %add3A_338 : i32 to index
        %swap3A_385 = arith.constant 32 : index
        %swap3A_386 = tpu.vector_load %arg14[%swap3A_384, %swap3A_385] {strides = array<i32>} : memref<128x96xf32, #tpu.memory_space<vmem>>, vector<16xf32>,
        tpu.vector_store %arg14[%swap3A_384, %swap3A_385], %mul3A_383 {strides = array<i32>} : memref<128x96xf32, #tpu.memory_space<vmem>>, vector<16xf32>,
        %lt3A_387 = arith.constant 0 : i32
        %lt3A_388 = vector.broadcast %lt3A_387 : i32 to vector<16xi32>
        %lt3A_389 = arith.cmpi slt, %add3A_99, %lt3A_388 : vector<16xi32>
        %add3A_390 = arith.constant 16 : i32
        %add3A_391 = vector.broadcast %add3A_390 : i32 to vector<16xi32>
        %add3A_392 = arith.addi %add3A_99, %add3A_391 : vector<16xi32>
        %select_n3A_393 = arith.select %lt3A_389, %add3A_392, %add3A_99 : vector<16xi1>, vector<16xi32>
        %broadcast_in_dim3A_394 = vector.shape_cast %select_n3A_393 : vector<16xi32> to vector<16x1xi32>
        %gather3A_395 = vector.shape_cast %broadcast_in_dim3A_394 : vector<16x1xi32> to vector<16xi32>
        %gather3A_396 = tpu.dynamic_gather %exp3A[%gather3A_395] in [0] : vector<16xf32>, vector<16xi32> -> vector<16xf32>
        %get3A_397 = arith.index_cast %add3A_338 : i32 to index
        %get3A_398 = arith.constant 48 : index
        %get3A_399 = tpu.vector_load %arg13[%get3A_397, %get3A_398] {strides = array<i32>} : memref<128x96xf32, #tpu.memory_space<vmem>>, vector<16xf32>,
        %mul3A_400 = arith.mulf %get3A_399, %gather3A_396 : vector<16xf32>
        %swap3A_401 = arith.index_cast %add3A_338 : i32 to index
        %swap3A_402 = arith.constant 48 : index
        %swap3A_403 = tpu.vector_load %arg14[%swap3A_401, %swap3A_402] {strides = array<i32>} : memref<128x96xf32, #tpu.memory_space<vmem>>, vector<16xf32>,
        tpu.vector_store %arg14[%swap3A_401, %swap3A_402], %mul3A_400 {strides = array<i32>} : memref<128x96xf32, #tpu.memory_space<vmem>>, vector<16xf32>,
        %lt3A_404 = arith.constant 0 : i32
        %lt3A_405 = vector.broadcast %lt3A_404 : i32 to vector<16xi32>
        %lt3A_406 = arith.cmpi slt, %add3A_108, %lt3A_405 : vector<16xi32>
        %add3A_407 = arith.constant 16 : i32
        %add3A_408 = vector.broadcast %add3A_407 : i32 to vector<16xi32>
        %add3A_409 = arith.addi %add3A_108, %add3A_408 : vector<16xi32>
        %select_n3A_410 = arith.select %lt3A_406, %add3A_409, %add3A_108 : vector<16xi1>, vector<16xi32>
        %broadcast_in_dim3A_411 = vector.shape_cast %select_n3A_410 : vector<16xi32> to vector<16x1xi32>
        %gather3A_412 = vector.shape_cast %broadcast_in_dim3A_411 : vector<16x1xi32> to vector<16xi32>
        %gather3A_413 = tpu.dynamic_gather %exp3A[%gather3A_412] in [0] : vector<16xf32>, vector<16xi32> -> vector<16xf32>
        %get3A_414 = arith.index_cast %add3A_338 : i32 to index
        %get3A_415 = arith.constant 64 : index
        %get3A_416 = tpu.vector_load %arg13[%get3A_414, %get3A_415] {strides = array<i32>} : memref<128x96xf32, #tpu.memory_space<vmem>>, vector<16xf32>,
        %mul3A_417 = arith.mulf %get3A_416, %gather3A_413 : vector<16xf32>
        %swap3A_418 = arith.index_cast %add3A_338 : i32 to index
        %swap3A_419 = arith.constant 64 : index
        %swap3A_420 = tpu.vector_load %arg14[%swap3A_418, %swap3A_419] {strides = array<i32>} : memref<128x96xf32, #tpu.memory_space<vmem>>, vector<16xf32>,
        tpu.vector_store %arg14[%swap3A_418, %swap3A_419], %mul3A_417 {strides = array<i32>} : memref<128x96xf32, #tpu.memory_space<vmem>>, vector<16xf32>,
        %lt3A_421 = arith.constant 0 : i32
        %lt3A_422 = vector.broadcast %lt3A_421 : i32 to vector<16xi32>
        %lt3A_423 = arith.cmpi slt, %add3A_117, %lt3A_422 : vector<16xi32>
        %add3A_424 = arith.constant 16 : i32
        %add3A_425 = vector.broadcast %add3A_424 : i32 to vector<16xi32>
        %add3A_426 = arith.addi %add3A_117, %add3A_425 : vector<16xi32>
        %select_n3A_427 = arith.select %lt3A_423, %add3A_426, %add3A_117 : vector<16xi1>, vector<16xi32>
        %broadcast_in_dim3A_428 = vector.shape_cast %select_n3A_427 : vector<16xi32> to vector<16x1xi32>
        %gather3A_429 = vector.shape_cast %broadcast_in_dim3A_428 : vector<16x1xi32> to vector<16xi32>
        %gather3A_430 = tpu.dynamic_gather %exp3A[%gather3A_429] in [0] : vector<16xf32>, vector<16xi32> -> vector<16xf32>
        %get3A_431 = arith.index_cast %add3A_338 : i32 to index
        %get3A_432 = arith.constant 80 : index
        %get3A_433 = tpu.vector_load %arg13[%get3A_431, %get3A_432] {strides = array<i32>} : memref<128x96xf32, #tpu.memory_space<vmem>>, vector<16xf32>,
        %mul3A_434 = arith.mulf %get3A_433, %gather3A_430 : vector<16xf32>
        %swap3A_435 = arith.index_cast %add3A_338 : i32 to index
        %swap3A_436 = arith.constant 80 : index
        %swap3A_437 = tpu.vector_load %arg14[%swap3A_435, %swap3A_436] {strides = array<i32>} : memref<128x96xf32, #tpu.memory_space<vmem>>, vector<16xf32>,
        tpu.vector_store %arg14[%swap3A_435, %swap3A_436], %mul3A_434 {strides = array<i32>} : memref<128x96xf32, #tpu.memory_space<vmem>>, vector<16xf32>,
        %add3A_438 = arith.constant 1 : i32
        %add3A_439 = arith.addi %mul3A_317, %add3A_438 : i32
        %lt3A_440 = arith.constant 0 : i32
        %lt3A_441 = vector.broadcast %lt3A_440 : i32 to vector<16xi32>
        %lt3A_442 = arith.cmpi slt, %add3A_126, %lt3A_441 : vector<16xi32>
        %add3A_443 = arith.constant 16 : i32
        %add3A_444 = vector.broadcast %add3A_443 : i32 to vector<16xi32>
        %add3A_445 = arith.addi %add3A_126, %add3A_444 : vector<16xi32>
        %select_n3A_446 = arith.select %lt3A_442, %add3A_445, %add3A_126 : vector<16xi1>, vector<16xi32>
        %broadcast_in_dim3A_447 = vector.shape_cast %select_n3A_446 : vector<16xi32> to vector<16x1xi32>
        %gather3A_448 = vector.shape_cast %broadcast_in_dim3A_447 : vector<16x1xi32> to vector<16xi32>
        %gather3A_449 = tpu.dynamic_gather %exp3A[%gather3A_448] in [0] : vector<16xf32>, vector<16xi32> -> vector<16xf32>
        %get3A_450 = arith.index_cast %add3A_439 : i32 to index
        %get3A_451 = arith.constant 0 : index
        %get3A_452 = tpu.vector_load %arg13[%get3A_450, %get3A_451] {strides = array<i32>} : memref<128x96xf32, #tpu.memory_space<vmem>>, vector<16xf32>,
        %mul3A_453 = arith.mulf %get3A_452, %gather3A_449 : vector<16xf32>
        %swap3A_454 = arith.index_cast %add3A_439 : i32 to index
        %swap3A_455 = arith.constant 0 : index
        %swap3A_456 = tpu.vector_load %arg14[%swap3A_454, %swap3A_455] {strides = array<i32>} : memref<128x96xf32, #tpu.memory_space<vmem>>, vector<16xf32>,
        tpu.vector_store %arg14[%swap3A_454, %swap3A_455], %mul3A_453 {strides = array<i32>} : memref<128x96xf32, #tpu.memory_space<vmem>>, vector<16xf32>,
        %lt3A_457 = arith.constant 0 : i32
        %lt3A_458 = vector.broadcast %lt3A_457 : i32 to vector<16xi32>
        %lt3A_459 = arith.cmpi slt, %add3A_135, %lt3A_458 : vector<16xi32>
        %add3A_460 = arith.constant 16 : i32
        %add3A_461 = vector.broadcast %add3A_460 : i32 to vector<16xi32>
        %add3A_462 = arith.addi %add3A_135, %add3A_461 : vector<16xi32>
        %select_n3A_463 = arith.select %lt3A_459, %add3A_462, %add3A_135 : vector<16xi1>, vector<16xi32>
        %broadcast_in_dim3A_464 = vector.shape_cast %select_n3A_463 : vector<16xi32> to vector<16x1xi32>
        %gather3A_465 = vector.shape_cast %broadcast_in_dim3A_464 : vector<16x1xi32> to vector<16xi32>
        %gather3A_466 = tpu.dynamic_gather %exp3A[%gather3A_465] in [0] : vector<16xf32>, vector<16xi32> -> vector<16xf32>
        %get3A_467 = arith.index_cast %add3A_439 : i32 to index
        %get3A_468 = arith.constant 16 : index
        %get3A_469 = tpu.vector_load %arg13[%get3A_467, %get3A_468] {strides = array<i32>} : memref<128x96xf32, #tpu.memory_space<vmem>>, vector<16xf32>,
        %mul3A_470 = arith.mulf %get3A_469, %gather3A_466 : vector<16xf32>
        %swap3A_471 = arith.index_cast %add3A_439 : i32 to index
        %swap3A_472 = arith.constant 16 : index
        %swap3A_473 = tpu.vector_load %arg14[%swap3A_471, %swap3A_472] {strides = array<i32>} : memref<128x96xf32, #tpu.memory_space<vmem>>, vector<16xf32>,
        tpu.vector_store %arg14[%swap3A_471, %swap3A_472], %mul3A_470 {strides = array<i32>} : memref<128x96xf32, #tpu.memory_space<vmem>>, vector<16xf32>,
        %lt3A_474 = arith.constant 0 : i32
        %lt3A_475 = vector.broadcast %lt3A_474 : i32 to vector<16xi32>
        %lt3A_476 = arith.cmpi slt, %add3A_144, %lt3A_475 : vector<16xi32>
        %add3A_477 = arith.constant 16 : i32
        %add3A_478 = vector.broadcast %add3A_477 : i32 to vector<16xi32>
        %add3A_479 = arith.addi %add3A_144, %add3A_478 : vector<16xi32>
        %select_n3A_480 = arith.select %lt3A_476, %add3A_479, %add3A_144 : vector<16xi1>, vector<16xi32>
        %broadcast_in_dim3A_481 = vector.shape_cast %select_n3A_480 : vector<16xi32> to vector<16x1xi32>
        %gather3A_482 = vector.shape_cast %broadcast_in_dim3A_481 : vector<16x1xi32> to vector<16xi32>
        %gather3A_483 = tpu.dynamic_gather %exp3A[%gather3A_482] in [0] : vector<16xf32>, vector<16xi32> -> vector<16xf32>
        %get3A_484 = arith.index_cast %add3A_439 : i32 to index
        %get3A_485 = arith.constant 32 : index
        %get3A_486 = tpu.vector_load %arg13[%get3A_484, %get3A_485] {strides = array<i32>} : memref<128x96xf32, #tpu.memory_space<vmem>>, vector<16xf32>,
        %mul3A_487 = arith.mulf %get3A_486, %gather3A_483 : vector<16xf32>
        %swap3A_488 = arith.index_cast %add3A_439 : i32 to index
        %swap3A_489 = arith.constant 32 : index
        %swap3A_490 = tpu.vector_load %arg14[%swap3A_488, %swap3A_489] {strides = array<i32>} : memref<128x96xf32, #tpu.memory_space<vmem>>, vector<16xf32>,
        tpu.vector_store %arg14[%swap3A_488, %swap3A_489], %mul3A_487 {strides = array<i32>} : memref<128x96xf32, #tpu.memory_space<vmem>>, vector<16xf32>,
        %lt3A_491 = arith.constant 0 : i32
        %lt3A_492 = vector.broadcast %lt3A_491 : i32 to vector<16xi32>
        %lt3A_493 = arith.cmpi slt, %add3A_153, %lt3A_492 : vector<16xi32>
        %add3A_494 = arith.constant 16 : i32
        %add3A_495 = vector.broadcast %add3A_494 : i32 to vector<16xi32>
        %add3A_496 = arith.addi %add3A_153, %add3A_495 : vector<16xi32>
        %select_n3A_497 = arith.select %lt3A_493, %add3A_496, %add3A_153 : vector<16xi1>, vector<16xi32>
        %broadcast_in_dim3A_498 = vector.shape_cast %select_n3A_497 : vector<16xi32> to vector<16x1xi32>
        %gather3A_499 = vector.shape_cast %broadcast_in_dim3A_498 : vector<16x1xi32> to vector<16xi32>
        %gather3A_500 = tpu.dynamic_gather %exp3A[%gather3A_499] in [0] : vector<16xf32>, vector<16xi32> -> vector<16xf32>
        %get3A_501 = arith.index_cast %add3A_439 : i32 to index
        %get3A_502 = arith.constant 48 : index
        %get3A_503 = tpu.vector_load %arg13[%get3A_501, %get3A_502] {strides = array<i32>} : memref<128x96xf32, #tpu.memory_space<vmem>>, vector<16xf32>,
        %mul3A_504 = arith.mulf %get3A_503, %gather3A_500 : vector<16xf32>
        %swap3A_505 = arith.index_cast %add3A_439 : i32 to index
        %swap3A_506 = arith.constant 48 : index
        %swap3A_507 = tpu.vector_load %arg14[%swap3A_505, %swap3A_506] {strides = array<i32>} : memref<128x96xf32, #tpu.memory_space<vmem>>, vector<16xf32>,
        tpu.vector_store %arg14[%swap3A_505, %swap3A_506], %mul3A_504 {strides = array<i32>} : memref<128x96xf32, #tpu.memory_space<vmem>>, vector<16xf32>,
        %lt3A_508 = arith.constant 0 : i32
        %lt3A_509 = vector.broadcast %lt3A_508 : i32 to vector<16xi32>
        %lt3A_510 = arith.cmpi slt, %add3A_162, %lt3A_509 : vector<16xi32>
        %add3A_511 = arith.constant 16 : i32
        %add3A_512 = vector.broadcast %add3A_511 : i32 to vector<16xi32>
        %add3A_513 = arith.addi %add3A_162, %add3A_512 : vector<16xi32>
        %select_n3A_514 = arith.select %lt3A_510, %add3A_513, %add3A_162 : vector<16xi1>, vector<16xi32>
        %broadcast_in_dim3A_515 = vector.shape_cast %select_n3A_514 : vector<16xi32> to vector<16x1xi32>
        %gather3A_516 = vector.shape_cast %broadcast_in_dim3A_515 : vector<16x1xi32> to vector<16xi32>
        %gather3A_517 = tpu.dynamic_gather %exp3A[%gather3A_516] in [0] : vector<16xf32>, vector<16xi32> -> vector<16xf32>
        %get3A_518 = arith.index_cast %add3A_439 : i32 to index
        %get3A_519 = arith.constant 64 : index
        %get3A_520 = tpu.vector_load %arg13[%get3A_518, %get3A_519] {strides = array<i32>} : memref<128x96xf32, #tpu.memory_space<vmem>>, vector<16xf32>,
        %mul3A_521 = arith.mulf %get3A_520, %gather3A_517 : vector<16xf32>
        %swap3A_522 = arith.index_cast %add3A_439 : i32 to index
        %swap3A_523 = arith.constant 64 : index
        %swap3A_524 = tpu.vector_load %arg14[%swap3A_522, %swap3A_523] {strides = array<i32>} : memref<128x96xf32, #tpu.memory_space<vmem>>, vector<16xf32>,
        tpu.vector_store %arg14[%swap3A_522, %swap3A_523], %mul3A_521 {strides = array<i32>} : memref<128x96xf32, #tpu.memory_space<vmem>>, vector<16xf32>,
        %lt3A_525 = arith.constant 0 : i32
        %lt3A_526 = vector.broadcast %lt3A_525 : i32 to vector<16xi32>
        %lt3A_527 = arith.cmpi slt, %add3A_171, %lt3A_526 : vector<16xi32>
        %add3A_528 = arith.constant 16 : i32
        %add3A_529 = vector.broadcast %add3A_528 : i32 to vector<16xi32>
        %add3A_530 = arith.addi %add3A_171, %add3A_529 : vector<16xi32>
        %select_n3A_531 = arith.select %lt3A_527, %add3A_530, %add3A_171 : vector<16xi1>, vector<16xi32>
        %broadcast_in_dim3A_532 = vector.shape_cast %select_n3A_531 : vector<16xi32> to vector<16x1xi32>
        %gather3A_533 = vector.shape_cast %broadcast_in_dim3A_532 : vector<16x1xi32> to vector<16xi32>
        %gather3A_534 = tpu.dynamic_gather %exp3A[%gather3A_533] in [0] : vector<16xf32>, vector<16xi32> -> vector<16xf32>
        %get3A_535 = arith.index_cast %add3A_439 : i32 to index
        %get3A_536 = arith.constant 80 : index
        %get3A_537 = tpu.vector_load %arg13[%get3A_535, %get3A_536] {strides = array<i32>} : memref<128x96xf32, #tpu.memory_space<vmem>>, vector<16xf32>,
        %mul3A_538 = arith.mulf %get3A_537, %gather3A_534 : vector<16xf32>
        %swap3A_539 = arith.index_cast %add3A_439 : i32 to index
        %swap3A_540 = arith.constant 80 : index
        %swap3A_541 = tpu.vector_load %arg14[%swap3A_539, %swap3A_540] {strides = array<i32>} : memref<128x96xf32, #tpu.memory_space<vmem>>, vector<16xf32>,
        tpu.vector_store %arg14[%swap3A_539, %swap3A_540], %mul3A_538 {strides = array<i32>} : memref<128x96xf32, #tpu.memory_space<vmem>>, vector<16xf32>,
        %scan3A_542 = arith.constant 1 : i32
        %scan3A_543 = arith.addi %scan3A_311, %scan3A_542 : i32
        %mul3A_544 = arith.constant 1 : i32
        %mul3A_545 = arith.muli %scan3A_543, %mul3A_544 : i32
        %add3A_546 = arith.constant 0 : i32
        %add3A_547 = arith.addi %add3A_546, %mul3A_545 : i32
        %mul3A_548 = arith.constant 2 : i32
        %mul3A_549 = arith.muli %mul3A_548, %add3A_547 : i32
        %mul3A_550 = arith.constant 0 : i32
        %mul3A_551 = vector.broadcast %mul3A_550 : i32 to vector<16xi32>
        %mul3A_552 = arith.muli %iota3A, %mul3A_551 : vector<16xi32>
        %add3A_553 = vector.broadcast %mul3A_549 : i32 to vector<16xi32>
        %add3A_554 = arith.addi %mul3A_552, %add3A_553 : vector<16xi32>
        %add3A_555 = arith.addi %add3A_554, %convert_element_type3A : vector<16xi32>
        %gather3A_556 = tpu.vector_load_idx %arg12[%add3A_555] : memref<128xi32, #tpu.memory_space<vmem>>[vector<16xi32>], vector<16xi32>,
        %min3A_557 = arith.constant 1023 : i32
        %min3A_558 = vector.broadcast %min3A_557 : i32 to vector<16xi32>
        %min3A_559 = arith.minsi %gather3A_556, %min3A_558 : vector<16xi32>
        %mul3A_560 = arith.constant 8 : i32
        %mul3A_561 = vector.broadcast %mul3A_560 : i32 to vector<16xi32>
        %mul3A_562 = arith.muli %min3A_559, %mul3A_561 : vector<16xi32>
        %add3A_563 = arith.addi %mul3A_562, %rem3A_2 : vector<16xi32>
        %gather3A_564 = tpu.vector_load_idx %arg9[%add3A_563] : memref<8192xf32, #tpu.memory_space<vmem>>[vector<16xi32>], vector<16xf32>,
        %gather3A_565 = tpu.vector_load_idx %arg13[%add3A_555, %add3A_10] : memref<128x96xf32, #tpu.memory_space<vmem>>[vector<16xi32>, vector<16xi32>], vector<16xf32>,
        %add3A_566 = arith.addf %gather3A_565, %gather3A_564 : vector<16xf32>
        %mul3A_567 = arith.constant 2.000000e-01 : f32
        %mul3A_568 = vector.broadcast %mul3A_567 : f32 to vector<16xf32>
        %mul3A_569 = arith.mulf %mul3A_568, %add3A_566 : vector<16xf32>
        %max3A_570 = arith.maximumf %add3A_566, %mul3A_569 : vector<16xf32>
        %sub3A_571 = arith.subf %max3A_570, %get3A_15 : vector<16xf32>
        %exp3A_572 = math.exp %sub3A_571 : vector<16xf32>
        %add3A_573 = arith.constant 0 : i32
        %add3A_574 = arith.addi %mul3A_549, %add3A_573 : i32
        %lt3A_575 = arith.constant 0 : i32
        %lt3A_576 = vector.broadcast %lt3A_575 : i32 to vector<16xi32>
        %lt3A_577 = arith.cmpi slt, %add3A_72, %lt3A_576 : vector<16xi32>
        %add3A_578 = arith.constant 16 : i32
        %add3A_579 = vector.broadcast %add3A_578 : i32 to vector<16xi32>
        %add3A_580 = arith.addi %add3A_72, %add3A_579 : vector<16xi32>
        %select_n3A_581 = arith.select %lt3A_577, %add3A_580, %add3A_72 : vector<16xi1>, vector<16xi32>
        %broadcast_in_dim3A_582 = vector.shape_cast %select_n3A_581 : vector<16xi32> to vector<16x1xi32>
        %gather3A_583 = vector.shape_cast %broadcast_in_dim3A_582 : vector<16x1xi32> to vector<16xi32>
        %gather3A_584 = tpu.dynamic_gather %exp3A_572[%gather3A_583] in [0] : vector<16xf32>, vector<16xi32> -> vector<16xf32>
        %get3A_585 = arith.index_cast %add3A_574 : i32 to index
        %get3A_586 = arith.constant 0 : index
        %get3A_587 = tpu.vector_load %arg13[%get3A_585, %get3A_586] {strides = array<i32>} : memref<128x96xf32, #tpu.memory_space<vmem>>, vector<16xf32>,
        %mul3A_588 = arith.mulf %get3A_587, %gather3A_584 : vector<16xf32>
        %swap3A_589 = arith.index_cast %add3A_574 : i32 to index
        %swap3A_590 = arith.constant 0 : index
        %swap3A_591 = tpu.vector_load %arg14[%swap3A_589, %swap3A_590] {strides = array<i32>} : memref<128x96xf32, #tpu.memory_space<vmem>>, vector<16xf32>,
        tpu.vector_store %arg14[%swap3A_589, %swap3A_590], %mul3A_588 {strides = array<i32>} : memref<128x96xf32, #tpu.memory_space<vmem>>, vector<16xf32>,
        %lt3A_592 = arith.constant 0 : i32
        %lt3A_593 = vector.broadcast %lt3A_592 : i32 to vector<16xi32>
        %lt3A_594 = arith.cmpi slt, %add3A_81, %lt3A_593 : vector<16xi32>
        %add3A_595 = arith.constant 16 : i32
        %add3A_596 = vector.broadcast %add3A_595 : i32 to vector<16xi32>
        %add3A_597 = arith.addi %add3A_81, %add3A_596 : vector<16xi32>
        %select_n3A_598 = arith.select %lt3A_594, %add3A_597, %add3A_81 : vector<16xi1>, vector<16xi32>
        %broadcast_in_dim3A_599 = vector.shape_cast %select_n3A_598 : vector<16xi32> to vector<16x1xi32>
        %gather3A_600 = vector.shape_cast %broadcast_in_dim3A_599 : vector<16x1xi32> to vector<16xi32>
        %gather3A_601 = tpu.dynamic_gather %exp3A_572[%gather3A_600] in [0] : vector<16xf32>, vector<16xi32> -> vector<16xf32>
        %get3A_602 = arith.index_cast %add3A_574 : i32 to index
        %get3A_603 = arith.constant 16 : index
        %get3A_604 = tpu.vector_load %arg13[%get3A_602, %get3A_603] {strides = array<i32>} : memref<128x96xf32, #tpu.memory_space<vmem>>, vector<16xf32>,
        %mul3A_605 = arith.mulf %get3A_604, %gather3A_601 : vector<16xf32>
        %swap3A_606 = arith.index_cast %add3A_574 : i32 to index
        %swap3A_607 = arith.constant 16 : index
        %swap3A_608 = tpu.vector_load %arg14[%swap3A_606, %swap3A_607] {strides = array<i32>} : memref<128x96xf32, #tpu.memory_space<vmem>>, vector<16xf32>,
        tpu.vector_store %arg14[%swap3A_606, %swap3A_607], %mul3A_605 {strides = array<i32>} : memref<128x96xf32, #tpu.memory_space<vmem>>, vector<16xf32>,
        %lt3A_609 = arith.constant 0 : i32
        %lt3A_610 = vector.broadcast %lt3A_609 : i32 to vector<16xi32>
        %lt3A_611 = arith.cmpi slt, %add3A_90, %lt3A_610 : vector<16xi32>
        %add3A_612 = arith.constant 16 : i32
        %add3A_613 = vector.broadcast %add3A_612 : i32 to vector<16xi32>
        %add3A_614 = arith.addi %add3A_90, %add3A_613 : vector<16xi32>
        %select_n3A_615 = arith.select %lt3A_611, %add3A_614, %add3A_90 : vector<16xi1>, vector<16xi32>
        %broadcast_in_dim3A_616 = vector.shape_cast %select_n3A_615 : vector<16xi32> to vector<16x1xi32>
        %gather3A_617 = vector.shape_cast %broadcast_in_dim3A_616 : vector<16x1xi32> to vector<16xi32>
        %gather3A_618 = tpu.dynamic_gather %exp3A_572[%gather3A_617] in [0] : vector<16xf32>, vector<16xi32> -> vector<16xf32>
        %get3A_619 = arith.index_cast %add3A_574 : i32 to index
        %get3A_620 = arith.constant 32 : index
        %get3A_621 = tpu.vector_load %arg13[%get3A_619, %get3A_620] {strides = array<i32>} : memref<128x96xf32, #tpu.memory_space<vmem>>, vector<16xf32>,
        %mul3A_622 = arith.mulf %get3A_621, %gather3A_618 : vector<16xf32>
        %swap3A_623 = arith.index_cast %add3A_574 : i32 to index
        %swap3A_624 = arith.constant 32 : index
        %swap3A_625 = tpu.vector_load %arg14[%swap3A_623, %swap3A_624] {strides = array<i32>} : memref<128x96xf32, #tpu.memory_space<vmem>>, vector<16xf32>,
        tpu.vector_store %arg14[%swap3A_623, %swap3A_624], %mul3A_622 {strides = array<i32>} : memref<128x96xf32, #tpu.memory_space<vmem>>, vector<16xf32>,
        %lt3A_626 = arith.constant 0 : i32
        %lt3A_627 = vector.broadcast %lt3A_626 : i32 to vector<16xi32>
        %lt3A_628 = arith.cmpi slt, %add3A_99, %lt3A_627 : vector<16xi32>
        %add3A_629 = arith.constant 16 : i32
        %add3A_630 = vector.broadcast %add3A_629 : i32 to vector<16xi32>
        %add3A_631 = arith.addi %add3A_99, %add3A_630 : vector<16xi32>
        %select_n3A_632 = arith.select %lt3A_628, %add3A_631, %add3A_99 : vector<16xi1>, vector<16xi32>
        %broadcast_in_dim3A_633 = vector.shape_cast %select_n3A_632 : vector<16xi32> to vector<16x1xi32>
        %gather3A_634 = vector.shape_cast %broadcast_in_dim3A_633 : vector<16x1xi32> to vector<16xi32>
        %gather3A_635 = tpu.dynamic_gather %exp3A_572[%gather3A_634] in [0] : vector<16xf32>, vector<16xi32> -> vector<16xf32>
        %get3A_636 = arith.index_cast %add3A_574 : i32 to index
        %get3A_637 = arith.constant 48 : index
        %get3A_638 = tpu.vector_load %arg13[%get3A_636, %get3A_637] {strides = array<i32>} : memref<128x96xf32, #tpu.memory_space<vmem>>, vector<16xf32>,
        %mul3A_639 = arith.mulf %get3A_638, %gather3A_635 : vector<16xf32>
        %swap3A_640 = arith.index_cast %add3A_574 : i32 to index
        %swap3A_641 = arith.constant 48 : index
        %swap3A_642 = tpu.vector_load %arg14[%swap3A_640, %swap3A_641] {strides = array<i32>} : memref<128x96xf32, #tpu.memory_space<vmem>>, vector<16xf32>,
        tpu.vector_store %arg14[%swap3A_640, %swap3A_641], %mul3A_639 {strides = array<i32>} : memref<128x96xf32, #tpu.memory_space<vmem>>, vector<16xf32>,
        %lt3A_643 = arith.constant 0 : i32
        %lt3A_644 = vector.broadcast %lt3A_643 : i32 to vector<16xi32>
        %lt3A_645 = arith.cmpi slt, %add3A_108, %lt3A_644 : vector<16xi32>
        %add3A_646 = arith.constant 16 : i32
        %add3A_647 = vector.broadcast %add3A_646 : i32 to vector<16xi32>
        %add3A_648 = arith.addi %add3A_108, %add3A_647 : vector<16xi32>
        %select_n3A_649 = arith.select %lt3A_645, %add3A_648, %add3A_108 : vector<16xi1>, vector<16xi32>
        %broadcast_in_dim3A_650 = vector.shape_cast %select_n3A_649 : vector<16xi32> to vector<16x1xi32>
        %gather3A_651 = vector.shape_cast %broadcast_in_dim3A_650 : vector<16x1xi32> to vector<16xi32>
        %gather3A_652 = tpu.dynamic_gather %exp3A_572[%gather3A_651] in [0] : vector<16xf32>, vector<16xi32> -> vector<16xf32>
        %get3A_653 = arith.index_cast %add3A_574 : i32 to index
        %get3A_654 = arith.constant 64 : index
        %get3A_655 = tpu.vector_load %arg13[%get3A_653, %get3A_654] {strides = array<i32>} : memref<128x96xf32, #tpu.memory_space<vmem>>, vector<16xf32>,
        %mul3A_656 = arith.mulf %get3A_655, %gather3A_652 : vector<16xf32>
        %swap3A_657 = arith.index_cast %add3A_574 : i32 to index
        %swap3A_658 = arith.constant 64 : index
        %swap3A_659 = tpu.vector_load %arg14[%swap3A_657, %swap3A_658] {strides = array<i32>} : memref<128x96xf32, #tpu.memory_space<vmem>>, vector<16xf32>,
        tpu.vector_store %arg14[%swap3A_657, %swap3A_658], %mul3A_656 {strides = array<i32>} : memref<128x96xf32, #tpu.memory_space<vmem>>, vector<16xf32>,
        %lt3A_660 = arith.constant 0 : i32
        %lt3A_661 = vector.broadcast %lt3A_660 : i32 to vector<16xi32>
        %lt3A_662 = arith.cmpi slt, %add3A_117, %lt3A_661 : vector<16xi32>
        %add3A_663 = arith.constant 16 : i32
        %add3A_664 = vector.broadcast %add3A_663 : i32 to vector<16xi32>
        %add3A_665 = arith.addi %add3A_117, %add3A_664 : vector<16xi32>
        %select_n3A_666 = arith.select %lt3A_662, %add3A_665, %add3A_117 : vector<16xi1>, vector<16xi32>
        %broadcast_in_dim3A_667 = vector.shape_cast %select_n3A_666 : vector<16xi32> to vector<16x1xi32>
        %gather3A_668 = vector.shape_cast %broadcast_in_dim3A_667 : vector<16x1xi32> to vector<16xi32>
        %gather3A_669 = tpu.dynamic_gather %exp3A_572[%gather3A_668] in [0] : vector<16xf32>, vector<16xi32> -> vector<16xf32>
        %get3A_670 = arith.index_cast %add3A_574 : i32 to index
        %get3A_671 = arith.constant 80 : index
        %get3A_672 = tpu.vector_load %arg13[%get3A_670, %get3A_671] {strides = array<i32>} : memref<128x96xf32, #tpu.memory_space<vmem>>, vector<16xf32>,
        %mul3A_673 = arith.mulf %get3A_672, %gather3A_669 : vector<16xf32>
        %swap3A_674 = arith.index_cast %add3A_574 : i32 to index
        %swap3A_675 = arith.constant 80 : index
        %swap3A_676 = tpu.vector_load %arg14[%swap3A_674, %swap3A_675] {strides = array<i32>} : memref<128x96xf32, #tpu.memory_space<vmem>>, vector<16xf32>,
        tpu.vector_store %arg14[%swap3A_674, %swap3A_675], %mul3A_673 {strides = array<i32>} : memref<128x96xf32, #tpu.memory_space<vmem>>, vector<16xf32>,
        %add3A_677 = arith.constant 1 : i32
        %add3A_678 = arith.addi %mul3A_549, %add3A_677 : i32
        %lt3A_679 = arith.constant 0 : i32
        %lt3A_680 = vector.broadcast %lt3A_679 : i32 to vector<16xi32>
        %lt3A_681 = arith.cmpi slt, %add3A_126, %lt3A_680 : vector<16xi32>
        %add3A_682 = arith.constant 16 : i32
        %add3A_683 = vector.broadcast %add3A_682 : i32 to vector<16xi32>
        %add3A_684 = arith.addi %add3A_126, %add3A_683 : vector<16xi32>
        %select_n3A_685 = arith.select %lt3A_681, %add3A_684, %add3A_126 : vector<16xi1>, vector<16xi32>
        %broadcast_in_dim3A_686 = vector.shape_cast %select_n3A_685 : vector<16xi32> to vector<16x1xi32>
        %gather3A_687 = vector.shape_cast %broadcast_in_dim3A_686 : vector<16x1xi32> to vector<16xi32>
        %gather3A_688 = tpu.dynamic_gather %exp3A_572[%gather3A_687] in [0] : vector<16xf32>, vector<16xi32> -> vector<16xf32>
        %get3A_689 = arith.index_cast %add3A_678 : i32 to index
        %get3A_690 = arith.constant 0 : index
        %get3A_691 = tpu.vector_load %arg13[%get3A_689, %get3A_690] {strides = array<i32>} : memref<128x96xf32, #tpu.memory_space<vmem>>, vector<16xf32>,
        %mul3A_692 = arith.mulf %get3A_691, %gather3A_688 : vector<16xf32>
        %swap3A_693 = arith.index_cast %add3A_678 : i32 to index
        %swap3A_694 = arith.constant 0 : index
        %swap3A_695 = tpu.vector_load %arg14[%swap3A_693, %swap3A_694] {strides = array<i32>} : memref<128x96xf32, #tpu.memory_space<vmem>>, vector<16xf32>,
        tpu.vector_store %arg14[%swap3A_693, %swap3A_694], %mul3A_692 {strides = array<i32>} : memref<128x96xf32, #tpu.memory_space<vmem>>, vector<16xf32>,
        %lt3A_696 = arith.constant 0 : i32
        %lt3A_697 = vector.broadcast %lt3A_696 : i32 to vector<16xi32>
        %lt3A_698 = arith.cmpi slt, %add3A_135, %lt3A_697 : vector<16xi32>
        %add3A_699 = arith.constant 16 : i32
        %add3A_700 = vector.broadcast %add3A_699 : i32 to vector<16xi32>
        %add3A_701 = arith.addi %add3A_135, %add3A_700 : vector<16xi32>
        %select_n3A_702 = arith.select %lt3A_698, %add3A_701, %add3A_135 : vector<16xi1>, vector<16xi32>
        %broadcast_in_dim3A_703 = vector.shape_cast %select_n3A_702 : vector<16xi32> to vector<16x1xi32>
        %gather3A_704 = vector.shape_cast %broadcast_in_dim3A_703 : vector<16x1xi32> to vector<16xi32>
        %gather3A_705 = tpu.dynamic_gather %exp3A_572[%gather3A_704] in [0] : vector<16xf32>, vector<16xi32> -> vector<16xf32>
        %get3A_706 = arith.index_cast %add3A_678 : i32 to index
        %get3A_707 = arith.constant 16 : index
        %get3A_708 = tpu.vector_load %arg13[%get3A_706, %get3A_707] {strides = array<i32>} : memref<128x96xf32, #tpu.memory_space<vmem>>, vector<16xf32>,
        %mul3A_709 = arith.mulf %get3A_708, %gather3A_705 : vector<16xf32>
        %swap3A_710 = arith.index_cast %add3A_678 : i32 to index
        %swap3A_711 = arith.constant 16 : index
        %swap3A_712 = tpu.vector_load %arg14[%swap3A_710, %swap3A_711] {strides = array<i32>} : memref<128x96xf32, #tpu.memory_space<vmem>>, vector<16xf32>,
        tpu.vector_store %arg14[%swap3A_710, %swap3A_711], %mul3A_709 {strides = array<i32>} : memref<128x96xf32, #tpu.memory_space<vmem>>, vector<16xf32>,
        %lt3A_713 = arith.constant 0 : i32
        %lt3A_714 = vector.broadcast %lt3A_713 : i32 to vector<16xi32>
        %lt3A_715 = arith.cmpi slt, %add3A_144, %lt3A_714 : vector<16xi32>
        %add3A_716 = arith.constant 16 : i32
        %add3A_717 = vector.broadcast %add3A_716 : i32 to vector<16xi32>
        %add3A_718 = arith.addi %add3A_144, %add3A_717 : vector<16xi32>
        %select_n3A_719 = arith.select %lt3A_715, %add3A_718, %add3A_144 : vector<16xi1>, vector<16xi32>
        %broadcast_in_dim3A_720 = vector.shape_cast %select_n3A_719 : vector<16xi32> to vector<16x1xi32>
        %gather3A_721 = vector.shape_cast %broadcast_in_dim3A_720 : vector<16x1xi32> to vector<16xi32>
        %gather3A_722 = tpu.dynamic_gather %exp3A_572[%gather3A_721] in [0] : vector<16xf32>, vector<16xi32> -> vector<16xf32>
        %get3A_723 = arith.index_cast %add3A_678 : i32 to index
        %get3A_724 = arith.constant 32 : index
        %get3A_725 = tpu.vector_load %arg13[%get3A_723, %get3A_724] {strides = array<i32>} : memref<128x96xf32, #tpu.memory_space<vmem>>, vector<16xf32>,
        %mul3A_726 = arith.mulf %get3A_725, %gather3A_722 : vector<16xf32>
        %swap3A_727 = arith.index_cast %add3A_678 : i32 to index
        %swap3A_728 = arith.constant 32 : index
        %swap3A_729 = tpu.vector_load %arg14[%swap3A_727, %swap3A_728] {strides = array<i32>} : memref<128x96xf32, #tpu.memory_space<vmem>>, vector<16xf32>,
        tpu.vector_store %arg14[%swap3A_727, %swap3A_728], %mul3A_726 {strides = array<i32>} : memref<128x96xf32, #tpu.memory_space<vmem>>, vector<16xf32>,
        %lt3A_730 = arith.constant 0 : i32
        %lt3A_731 = vector.broadcast %lt3A_730 : i32 to vector<16xi32>
        %lt3A_732 = arith.cmpi slt, %add3A_153, %lt3A_731 : vector<16xi32>
        %add3A_733 = arith.constant 16 : i32
        %add3A_734 = vector.broadcast %add3A_733 : i32 to vector<16xi32>
        %add3A_735 = arith.addi %add3A_153, %add3A_734 : vector<16xi32>
        %select_n3A_736 = arith.select %lt3A_732, %add3A_735, %add3A_153 : vector<16xi1>, vector<16xi32>
        %broadcast_in_dim3A_737 = vector.shape_cast %select_n3A_736 : vector<16xi32> to vector<16x1xi32>
        %gather3A_738 = vector.shape_cast %broadcast_in_dim3A_737 : vector<16x1xi32> to vector<16xi32>
        %gather3A_739 = tpu.dynamic_gather %exp3A_572[%gather3A_738] in [0] : vector<16xf32>, vector<16xi32> -> vector<16xf32>
        %get3A_740 = arith.index_cast %add3A_678 : i32 to index
        %get3A_741 = arith.constant 48 : index
        %get3A_742 = tpu.vector_load %arg13[%get3A_740, %get3A_741] {strides = array<i32>} : memref<128x96xf32, #tpu.memory_space<vmem>>, vector<16xf32>,
        %mul3A_743 = arith.mulf %get3A_742, %gather3A_739 : vector<16xf32>
        %swap3A_744 = arith.index_cast %add3A_678 : i32 to index
        %swap3A_745 = arith.constant 48 : index
        %swap3A_746 = tpu.vector_load %arg14[%swap3A_744, %swap3A_745] {strides = array<i32>} : memref<128x96xf32, #tpu.memory_space<vmem>>, vector<16xf32>,
        tpu.vector_store %arg14[%swap3A_744, %swap3A_745], %mul3A_743 {strides = array<i32>} : memref<128x96xf32, #tpu.memory_space<vmem>>, vector<16xf32>,
        %lt3A_747 = arith.constant 0 : i32
        %lt3A_748 = vector.broadcast %lt3A_747 : i32 to vector<16xi32>
        %lt3A_749 = arith.cmpi slt, %add3A_162, %lt3A_748 : vector<16xi32>
        %add3A_750 = arith.constant 16 : i32
        %add3A_751 = vector.broadcast %add3A_750 : i32 to vector<16xi32>
        %add3A_752 = arith.addi %add3A_162, %add3A_751 : vector<16xi32>
        %select_n3A_753 = arith.select %lt3A_749, %add3A_752, %add3A_162 : vector<16xi1>, vector<16xi32>
        %broadcast_in_dim3A_754 = vector.shape_cast %select_n3A_753 : vector<16xi32> to vector<16x1xi32>
        %gather3A_755 = vector.shape_cast %broadcast_in_dim3A_754 : vector<16x1xi32> to vector<16xi32>
        %gather3A_756 = tpu.dynamic_gather %exp3A_572[%gather3A_755] in [0] : vector<16xf32>, vector<16xi32> -> vector<16xf32>
        %get3A_757 = arith.index_cast %add3A_678 : i32 to index
        %get3A_758 = arith.constant 64 : index
        %get3A_759 = tpu.vector_load %arg13[%get3A_757, %get3A_758] {strides = array<i32>} : memref<128x96xf32, #tpu.memory_space<vmem>>, vector<16xf32>,
        %mul3A_760 = arith.mulf %get3A_759, %gather3A_756 : vector<16xf32>
        %swap3A_761 = arith.index_cast %add3A_678 : i32 to index
        %swap3A_762 = arith.constant 64 : index
        %swap3A_763 = tpu.vector_load %arg14[%swap3A_761, %swap3A_762] {strides = array<i32>} : memref<128x96xf32, #tpu.memory_space<vmem>>, vector<16xf32>,
        tpu.vector_store %arg14[%swap3A_761, %swap3A_762], %mul3A_760 {strides = array<i32>} : memref<128x96xf32, #tpu.memory_space<vmem>>, vector<16xf32>,
        %lt3A_764 = arith.constant 0 : i32
        %lt3A_765 = vector.broadcast %lt3A_764 : i32 to vector<16xi32>
        %lt3A_766 = arith.cmpi slt, %add3A_171, %lt3A_765 : vector<16xi32>
        %add3A_767 = arith.constant 16 : i32
        %add3A_768 = vector.broadcast %add3A_767 : i32 to vector<16xi32>
        %add3A_769 = arith.addi %add3A_171, %add3A_768 : vector<16xi32>
        %select_n3A_770 = arith.select %lt3A_766, %add3A_769, %add3A_171 : vector<16xi1>, vector<16xi32>
        %broadcast_in_dim3A_771 = vector.shape_cast %select_n3A_770 : vector<16xi32> to vector<16x1xi32>
        %gather3A_772 = vector.shape_cast %broadcast_in_dim3A_771 : vector<16x1xi32> to vector<16xi32>
        %gather3A_773 = tpu.dynamic_gather %exp3A_572[%gather3A_772] in [0] : vector<16xf32>, vector<16xi32> -> vector<16xf32>
        %get3A_774 = arith.index_cast %add3A_678 : i32 to index
        %get3A_775 = arith.constant 80 : index
        %get3A_776 = tpu.vector_load %arg13[%get3A_774, %get3A_775] {strides = array<i32>} : memref<128x96xf32, #tpu.memory_space<vmem>>, vector<16xf32>,
        %mul3A_777 = arith.mulf %get3A_776, %gather3A_773 : vector<16xf32>
        %swap3A_778 = arith.index_cast %add3A_678 : i32 to index
        %swap3A_779 = arith.constant 80 : index
        %swap3A_780 = tpu.vector_load %arg14[%swap3A_778, %swap3A_779] {strides = array<i32>} : memref<128x96xf32, #tpu.memory_space<vmem>>, vector<16xf32>,
        tpu.vector_store %arg14[%swap3A_778, %swap3A_779], %mul3A_777 {strides = array<i32>} : memref<128x96xf32, #tpu.memory_space<vmem>>, vector<16xf32>,
        %scan3A_781 = arith.constant 2 : i32
        %scan3A_782 = arith.addi %scan3A_311, %scan3A_781 : i32
        %mul3A_783 = arith.constant 1 : i32
        %mul3A_784 = arith.muli %scan3A_782, %mul3A_783 : i32
        %add3A_785 = arith.constant 0 : i32
        %add3A_786 = arith.addi %add3A_785, %mul3A_784 : i32
        %mul3A_787 = arith.constant 2 : i32
        %mul3A_788 = arith.muli %mul3A_787, %add3A_786 : i32
        %mul3A_789 = arith.constant 0 : i32
        %mul3A_790 = vector.broadcast %mul3A_789 : i32 to vector<16xi32>
        %mul3A_791 = arith.muli %iota3A, %mul3A_790 : vector<16xi32>
        %add3A_792 = vector.broadcast %mul3A_788 : i32 to vector<16xi32>
        %add3A_793 = arith.addi %mul3A_791, %add3A_792 : vector<16xi32>
        %add3A_794 = arith.addi %add3A_793, %convert_element_type3A : vector<16xi32>
        %gather3A_795 = tpu.vector_load_idx %arg12[%add3A_794] : memref<128xi32, #tpu.memory_space<vmem>>[vector<16xi32>], vector<16xi32>,
        %min3A_796 = arith.constant 1023 : i32
        %min3A_797 = vector.broadcast %min3A_796 : i32 to vector<16xi32>
        %min3A_798 = arith.minsi %gather3A_795, %min3A_797 : vector<16xi32>
        %mul3A_799 = arith.constant 8 : i32
        %mul3A_800 = vector.broadcast %mul3A_799 : i32 to vector<16xi32>
        %mul3A_801 = arith.muli %min3A_798, %mul3A_800 : vector<16xi32>
        %add3A_802 = arith.addi %mul3A_801, %rem3A_2 : vector<16xi32>
        %gather3A_803 = tpu.vector_load_idx %arg9[%add3A_802] : memref<8192xf32, #tpu.memory_space<vmem>>[vector<16xi32>], vector<16xf32>,
        %gather3A_804 = tpu.vector_load_idx %arg13[%add3A_794, %add3A_10] : memref<128x96xf32, #tpu.memory_space<vmem>>[vector<16xi32>, vector<16xi32>], vector<16xf32>,
        %add3A_805 = arith.addf %gather3A_804, %gather3A_803 : vector<16xf32>
        %mul3A_806 = arith.constant 2.000000e-01 : f32
        %mul3A_807 = vector.broadcast %mul3A_806 : f32 to vector<16xf32>
        %mul3A_808 = arith.mulf %mul3A_807, %add3A_805 : vector<16xf32>
        %max3A_809 = arith.maximumf %add3A_805, %mul3A_808 : vector<16xf32>
        %sub3A_810 = arith.subf %max3A_809, %get3A_15 : vector<16xf32>
        %exp3A_811 = math.exp %sub3A_810 : vector<16xf32>
        %add3A_812 = arith.constant 0 : i32
        %add3A_813 = arith.addi %mul3A_788, %add3A_812 : i32
        %lt3A_814 = arith.constant 0 : i32
        %lt3A_815 = vector.broadcast %lt3A_814 : i32 to vector<16xi32>
        %lt3A_816 = arith.cmpi slt, %add3A_72, %lt3A_815 : vector<16xi32>
        %add3A_817 = arith.constant 16 : i32
        %add3A_818 = vector.broadcast %add3A_817 : i32 to vector<16xi32>
        %add3A_819 = arith.addi %add3A_72, %add3A_818 : vector<16xi32>
        %select_n3A_820 = arith.select %lt3A_816, %add3A_819, %add3A_72 : vector<16xi1>, vector<16xi32>
        %broadcast_in_dim3A_821 = vector.shape_cast %select_n3A_820 : vector<16xi32> to vector<16x1xi32>
        %gather3A_822 = vector.shape_cast %broadcast_in_dim3A_821 : vector<16x1xi32> to vector<16xi32>
        %gather3A_823 = tpu.dynamic_gather %exp3A_811[%gather3A_822] in [0] : vector<16xf32>, vector<16xi32> -> vector<16xf32>
        %get3A_824 = arith.index_cast %add3A_813 : i32 to index
        %get3A_825 = arith.constant 0 : index
        %get3A_826 = tpu.vector_load %arg13[%get3A_824, %get3A_825] {strides = array<i32>} : memref<128x96xf32, #tpu.memory_space<vmem>>, vector<16xf32>,
        %mul3A_827 = arith.mulf %get3A_826, %gather3A_823 : vector<16xf32>
        %swap3A_828 = arith.index_cast %add3A_813 : i32 to index
        %swap3A_829 = arith.constant 0 : index
        %swap3A_830 = tpu.vector_load %arg14[%swap3A_828, %swap3A_829] {strides = array<i32>} : memref<128x96xf32, #tpu.memory_space<vmem>>, vector<16xf32>,
        tpu.vector_store %arg14[%swap3A_828, %swap3A_829], %mul3A_827 {strides = array<i32>} : memref<128x96xf32, #tpu.memory_space<vmem>>, vector<16xf32>,
        %lt3A_831 = arith.constant 0 : i32
        %lt3A_832 = vector.broadcast %lt3A_831 : i32 to vector<16xi32>
        %lt3A_833 = arith.cmpi slt, %add3A_81, %lt3A_832 : vector<16xi32>
        %add3A_834 = arith.constant 16 : i32
        %add3A_835 = vector.broadcast %add3A_834 : i32 to vector<16xi32>
        %add3A_836 = arith.addi %add3A_81, %add3A_835 : vector<16xi32>
        %select_n3A_837 = arith.select %lt3A_833, %add3A_836, %add3A_81 : vector<16xi1>, vector<16xi32>
        %broadcast_in_dim3A_838 = vector.shape_cast %select_n3A_837 : vector<16xi32> to vector<16x1xi32>
        %gather3A_839 = vector.shape_cast %broadcast_in_dim3A_838 : vector<16x1xi32> to vector<16xi32>
        %gather3A_840 = tpu.dynamic_gather %exp3A_811[%gather3A_839] in [0] : vector<16xf32>, vector<16xi32> -> vector<16xf32>
        %get3A_841 = arith.index_cast %add3A_813 : i32 to index
        %get3A_842 = arith.constant 16 : index
        %get3A_843 = tpu.vector_load %arg13[%get3A_841, %get3A_842] {strides = array<i32>} : memref<128x96xf32, #tpu.memory_space<vmem>>, vector<16xf32>,
        %mul3A_844 = arith.mulf %get3A_843, %gather3A_840 : vector<16xf32>
        %swap3A_845 = arith.index_cast %add3A_813 : i32 to index
        %swap3A_846 = arith.constant 16 : index
        %swap3A_847 = tpu.vector_load %arg14[%swap3A_845, %swap3A_846] {strides = array<i32>} : memref<128x96xf32, #tpu.memory_space<vmem>>, vector<16xf32>,
        tpu.vector_store %arg14[%swap3A_845, %swap3A_846], %mul3A_844 {strides = array<i32>} : memref<128x96xf32, #tpu.memory_space<vmem>>, vector<16xf32>,
        %lt3A_848 = arith.constant 0 : i32
        %lt3A_849 = vector.broadcast %lt3A_848 : i32 to vector<16xi32>
        %lt3A_850 = arith.cmpi slt, %add3A_90, %lt3A_849 : vector<16xi32>
        %add3A_851 = arith.constant 16 : i32
        %add3A_852 = vector.broadcast %add3A_851 : i32 to vector<16xi32>
        %add3A_853 = arith.addi %add3A_90, %add3A_852 : vector<16xi32>
        %select_n3A_854 = arith.select %lt3A_850, %add3A_853, %add3A_90 : vector<16xi1>, vector<16xi32>
        %broadcast_in_dim3A_855 = vector.shape_cast %select_n3A_854 : vector<16xi32> to vector<16x1xi32>
        %gather3A_856 = vector.shape_cast %broadcast_in_dim3A_855 : vector<16x1xi32> to vector<16xi32>
        %gather3A_857 = tpu.dynamic_gather %exp3A_811[%gather3A_856] in [0] : vector<16xf32>, vector<16xi32> -> vector<16xf32>
        %get3A_858 = arith.index_cast %add3A_813 : i32 to index
        %get3A_859 = arith.constant 32 : index
        %get3A_860 = tpu.vector_load %arg13[%get3A_858, %get3A_859] {strides = array<i32>} : memref<128x96xf32, #tpu.memory_space<vmem>>, vector<16xf32>,
        %mul3A_861 = arith.mulf %get3A_860, %gather3A_857 : vector<16xf32>
        %swap3A_862 = arith.index_cast %add3A_813 : i32 to index
        %swap3A_863 = arith.constant 32 : index
        %swap3A_864 = tpu.vector_load %arg14[%swap3A_862, %swap3A_863] {strides = array<i32>} : memref<128x96xf32, #tpu.memory_space<vmem>>, vector<16xf32>,
        tpu.vector_store %arg14[%swap3A_862, %swap3A_863], %mul3A_861 {strides = array<i32>} : memref<128x96xf32, #tpu.memory_space<vmem>>, vector<16xf32>,
        %lt3A_865 = arith.constant 0 : i32
        %lt3A_866 = vector.broadcast %lt3A_865 : i32 to vector<16xi32>
        %lt3A_867 = arith.cmpi slt, %add3A_99, %lt3A_866 : vector<16xi32>
        %add3A_868 = arith.constant 16 : i32
        %add3A_869 = vector.broadcast %add3A_868 : i32 to vector<16xi32>
        %add3A_870 = arith.addi %add3A_99, %add3A_869 : vector<16xi32>
        %select_n3A_871 = arith.select %lt3A_867, %add3A_870, %add3A_99 : vector<16xi1>, vector<16xi32>
        %broadcast_in_dim3A_872 = vector.shape_cast %select_n3A_871 : vector<16xi32> to vector<16x1xi32>
        %gather3A_873 = vector.shape_cast %broadcast_in_dim3A_872 : vector<16x1xi32> to vector<16xi32>
        %gather3A_874 = tpu.dynamic_gather %exp3A_811[%gather3A_873] in [0] : vector<16xf32>, vector<16xi32> -> vector<16xf32>
        %get3A_875 = arith.index_cast %add3A_813 : i32 to index
        %get3A_876 = arith.constant 48 : index
        %get3A_877 = tpu.vector_load %arg13[%get3A_875, %get3A_876] {strides = array<i32>} : memref<128x96xf32, #tpu.memory_space<vmem>>, vector<16xf32>,
        %mul3A_878 = arith.mulf %get3A_877, %gather3A_874 : vector<16xf32>
        %swap3A_879 = arith.index_cast %add3A_813 : i32 to index
        %swap3A_880 = arith.constant 48 : index
        %swap3A_881 = tpu.vector_load %arg14[%swap3A_879, %swap3A_880] {strides = array<i32>} : memref<128x96xf32, #tpu.memory_space<vmem>>, vector<16xf32>,
        tpu.vector_store %arg14[%swap3A_879, %swap3A_880], %mul3A_878 {strides = array<i32>} : memref<128x96xf32, #tpu.memory_space<vmem>>, vector<16xf32>,
        %lt3A_882 = arith.constant 0 : i32
        %lt3A_883 = vector.broadcast %lt3A_882 : i32 to vector<16xi32>
        %lt3A_884 = arith.cmpi slt, %add3A_108, %lt3A_883 : vector<16xi32>
        %add3A_885 = arith.constant 16 : i32
        %add3A_886 = vector.broadcast %add3A_885 : i32 to vector<16xi32>
        %add3A_887 = arith.addi %add3A_108, %add3A_886 : vector<16xi32>
        %select_n3A_888 = arith.select %lt3A_884, %add3A_887, %add3A_108 : vector<16xi1>, vector<16xi32>
        %broadcast_in_dim3A_889 = vector.shape_cast %select_n3A_888 : vector<16xi32> to vector<16x1xi32>
        %gather3A_890 = vector.shape_cast %broadcast_in_dim3A_889 : vector<16x1xi32> to vector<16xi32>
        %gather3A_891 = tpu.dynamic_gather %exp3A_811[%gather3A_890] in [0] : vector<16xf32>, vector<16xi32> -> vector<16xf32>
        %get3A_892 = arith.index_cast %add3A_813 : i32 to index
        %get3A_893 = arith.constant 64 : index
        %get3A_894 = tpu.vector_load %arg13[%get3A_892, %get3A_893] {strides = array<i32>} : memref<128x96xf32, #tpu.memory_space<vmem>>, vector<16xf32>,
        %mul3A_895 = arith.mulf %get3A_894, %gather3A_891 : vector<16xf32>
        %swap3A_896 = arith.index_cast %add3A_813 : i32 to index
        %swap3A_897 = arith.constant 64 : index
        %swap3A_898 = tpu.vector_load %arg14[%swap3A_896, %swap3A_897] {strides = array<i32>} : memref<128x96xf32, #tpu.memory_space<vmem>>, vector<16xf32>,
        tpu.vector_store %arg14[%swap3A_896, %swap3A_897], %mul3A_895 {strides = array<i32>} : memref<128x96xf32, #tpu.memory_space<vmem>>, vector<16xf32>,
        %lt3A_899 = arith.constant 0 : i32
        %lt3A_900 = vector.broadcast %lt3A_899 : i32 to vector<16xi32>
        %lt3A_901 = arith.cmpi slt, %add3A_117, %lt3A_900 : vector<16xi32>
        %add3A_902 = arith.constant 16 : i32
        %add3A_903 = vector.broadcast %add3A_902 : i32 to vector<16xi32>
        %add3A_904 = arith.addi %add3A_117, %add3A_903 : vector<16xi32>
        %select_n3A_905 = arith.select %lt3A_901, %add3A_904, %add3A_117 : vector<16xi1>, vector<16xi32>
        %broadcast_in_dim3A_906 = vector.shape_cast %select_n3A_905 : vector<16xi32> to vector<16x1xi32>
        %gather3A_907 = vector.shape_cast %broadcast_in_dim3A_906 : vector<16x1xi32> to vector<16xi32>
        %gather3A_908 = tpu.dynamic_gather %exp3A_811[%gather3A_907] in [0] : vector<16xf32>, vector<16xi32> -> vector<16xf32>
        %get3A_909 = arith.index_cast %add3A_813 : i32 to index
        %get3A_910 = arith.constant 80 : index
        %get3A_911 = tpu.vector_load %arg13[%get3A_909, %get3A_910] {strides = array<i32>} : memref<128x96xf32, #tpu.memory_space<vmem>>, vector<16xf32>,
        %mul3A_912 = arith.mulf %get3A_911, %gather3A_908 : vector<16xf32>
        %swap3A_913 = arith.index_cast %add3A_813 : i32 to index
        %swap3A_914 = arith.constant 80 : index
        %swap3A_915 = tpu.vector_load %arg14[%swap3A_913, %swap3A_914] {strides = array<i32>} : memref<128x96xf32, #tpu.memory_space<vmem>>, vector<16xf32>,
        tpu.vector_store %arg14[%swap3A_913, %swap3A_914], %mul3A_912 {strides = array<i32>} : memref<128x96xf32, #tpu.memory_space<vmem>>, vector<16xf32>,
        %add3A_916 = arith.constant 1 : i32
        %add3A_917 = arith.addi %mul3A_788, %add3A_916 : i32
        %lt3A_918 = arith.constant 0 : i32
        %lt3A_919 = vector.broadcast %lt3A_918 : i32 to vector<16xi32>
        %lt3A_920 = arith.cmpi slt, %add3A_126, %lt3A_919 : vector<16xi32>
        %add3A_921 = arith.constant 16 : i32
        %add3A_922 = vector.broadcast %add3A_921 : i32 to vector<16xi32>
        %add3A_923 = arith.addi %add3A_126, %add3A_922 : vector<16xi32>
        %select_n3A_924 = arith.select %lt3A_920, %add3A_923, %add3A_126 : vector<16xi1>, vector<16xi32>
        %broadcast_in_dim3A_925 = vector.shape_cast %select_n3A_924 : vector<16xi32> to vector<16x1xi32>
        %gather3A_926 = vector.shape_cast %broadcast_in_dim3A_925 : vector<16x1xi32> to vector<16xi32>
        %gather3A_927 = tpu.dynamic_gather %exp3A_811[%gather3A_926] in [0] : vector<16xf32>, vector<16xi32> -> vector<16xf32>
        %get3A_928 = arith.index_cast %add3A_917 : i32 to index
        %get3A_929 = arith.constant 0 : index
        %get3A_930 = tpu.vector_load %arg13[%get3A_928, %get3A_929] {strides = array<i32>} : memref<128x96xf32, #tpu.memory_space<vmem>>, vector<16xf32>,
        %mul3A_931 = arith.mulf %get3A_930, %gather3A_927 : vector<16xf32>
        %swap3A_932 = arith.index_cast %add3A_917 : i32 to index
        %swap3A_933 = arith.constant 0 : index
        %swap3A_934 = tpu.vector_load %arg14[%swap3A_932, %swap3A_933] {strides = array<i32>} : memref<128x96xf32, #tpu.memory_space<vmem>>, vector<16xf32>,
        tpu.vector_store %arg14[%swap3A_932, %swap3A_933], %mul3A_931 {strides = array<i32>} : memref<128x96xf32, #tpu.memory_space<vmem>>, vector<16xf32>,
        %lt3A_935 = arith.constant 0 : i32
        %lt3A_936 = vector.broadcast %lt3A_935 : i32 to vector<16xi32>
        %lt3A_937 = arith.cmpi slt, %add3A_135, %lt3A_936 : vector<16xi32>
        %add3A_938 = arith.constant 16 : i32
        %add3A_939 = vector.broadcast %add3A_938 : i32 to vector<16xi32>
        %add3A_940 = arith.addi %add3A_135, %add3A_939 : vector<16xi32>
        %select_n3A_941 = arith.select %lt3A_937, %add3A_940, %add3A_135 : vector<16xi1>, vector<16xi32>
        %broadcast_in_dim3A_942 = vector.shape_cast %select_n3A_941 : vector<16xi32> to vector<16x1xi32>
        %gather3A_943 = vector.shape_cast %broadcast_in_dim3A_942 : vector<16x1xi32> to vector<16xi32>
        %gather3A_944 = tpu.dynamic_gather %exp3A_811[%gather3A_943] in [0] : vector<16xf32>, vector<16xi32> -> vector<16xf32>
        %get3A_945 = arith.index_cast %add3A_917 : i32 to index
        %get3A_946 = arith.constant 16 : index
        %get3A_947 = tpu.vector_load %arg13[%get3A_945, %get3A_946] {strides = array<i32>} : memref<128x96xf32, #tpu.memory_space<vmem>>, vector<16xf32>,
        %mul3A_948 = arith.mulf %get3A_947, %gather3A_944 : vector<16xf32>
        %swap3A_949 = arith.index_cast %add3A_917 : i32 to index
        %swap3A_950 = arith.constant 16 : index
        %swap3A_951 = tpu.vector_load %arg14[%swap3A_949, %swap3A_950] {strides = array<i32>} : memref<128x96xf32, #tpu.memory_space<vmem>>, vector<16xf32>,
        tpu.vector_store %arg14[%swap3A_949, %swap3A_950], %mul3A_948 {strides = array<i32>} : memref<128x96xf32, #tpu.memory_space<vmem>>, vector<16xf32>,
        %lt3A_952 = arith.constant 0 : i32
        %lt3A_953 = vector.broadcast %lt3A_952 : i32 to vector<16xi32>
        %lt3A_954 = arith.cmpi slt, %add3A_144, %lt3A_953 : vector<16xi32>
        %add3A_955 = arith.constant 16 : i32
        %add3A_956 = vector.broadcast %add3A_955 : i32 to vector<16xi32>
        %add3A_957 = arith.addi %add3A_144, %add3A_956 : vector<16xi32>
        %select_n3A_958 = arith.select %lt3A_954, %add3A_957, %add3A_144 : vector<16xi1>, vector<16xi32>
        %broadcast_in_dim3A_959 = vector.shape_cast %select_n3A_958 : vector<16xi32> to vector<16x1xi32>
        %gather3A_960 = vector.shape_cast %broadcast_in_dim3A_959 : vector<16x1xi32> to vector<16xi32>
        %gather3A_961 = tpu.dynamic_gather %exp3A_811[%gather3A_960] in [0] : vector<16xf32>, vector<16xi32> -> vector<16xf32>
        %get3A_962 = arith.index_cast %add3A_917 : i32 to index
        %get3A_963 = arith.constant 32 : index
        %get3A_964 = tpu.vector_load %arg13[%get3A_962, %get3A_963] {strides = array<i32>} : memref<128x96xf32, #tpu.memory_space<vmem>>, vector<16xf32>,
        %mul3A_965 = arith.mulf %get3A_964, %gather3A_961 : vector<16xf32>
        %swap3A_966 = arith.index_cast %add3A_917 : i32 to index
        %swap3A_967 = arith.constant 32 : index
        %swap3A_968 = tpu.vector_load %arg14[%swap3A_966, %swap3A_967] {strides = array<i32>} : memref<128x96xf32, #tpu.memory_space<vmem>>, vector<16xf32>,
        tpu.vector_store %arg14[%swap3A_966, %swap3A_967], %mul3A_965 {strides = array<i32>} : memref<128x96xf32, #tpu.memory_space<vmem>>, vector<16xf32>,
        %lt3A_969 = arith.constant 0 : i32
        %lt3A_970 = vector.broadcast %lt3A_969 : i32 to vector<16xi32>
        %lt3A_971 = arith.cmpi slt, %add3A_153, %lt3A_970 : vector<16xi32>
        %add3A_972 = arith.constant 16 : i32
        %add3A_973 = vector.broadcast %add3A_972 : i32 to vector<16xi32>
        %add3A_974 = arith.addi %add3A_153, %add3A_973 : vector<16xi32>
        %select_n3A_975 = arith.select %lt3A_971, %add3A_974, %add3A_153 : vector<16xi1>, vector<16xi32>
        %broadcast_in_dim3A_976 = vector.shape_cast %select_n3A_975 : vector<16xi32> to vector<16x1xi32>
        %gather3A_977 = vector.shape_cast %broadcast_in_dim3A_976 : vector<16x1xi32> to vector<16xi32>
        %gather3A_978 = tpu.dynamic_gather %exp3A_811[%gather3A_977] in [0] : vector<16xf32>, vector<16xi32> -> vector<16xf32>
        %get3A_979 = arith.index_cast %add3A_917 : i32 to index
        %get3A_980 = arith.constant 48 : index
        %get3A_981 = tpu.vector_load %arg13[%get3A_979, %get3A_980] {strides = array<i32>} : memref<128x96xf32, #tpu.memory_space<vmem>>, vector<16xf32>,
        %mul3A_982 = arith.mulf %get3A_981, %gather3A_978 : vector<16xf32>
        %swap3A_983 = arith.index_cast %add3A_917 : i32 to index
        %swap3A_984 = arith.constant 48 : index
        %swap3A_985 = tpu.vector_load %arg14[%swap3A_983, %swap3A_984] {strides = array<i32>} : memref<128x96xf32, #tpu.memory_space<vmem>>, vector<16xf32>,
        tpu.vector_store %arg14[%swap3A_983, %swap3A_984], %mul3A_982 {strides = array<i32>} : memref<128x96xf32, #tpu.memory_space<vmem>>, vector<16xf32>,
        %lt3A_986 = arith.constant 0 : i32
        %lt3A_987 = vector.broadcast %lt3A_986 : i32 to vector<16xi32>
        %lt3A_988 = arith.cmpi slt, %add3A_162, %lt3A_987 : vector<16xi32>
        %add3A_989 = arith.constant 16 : i32
        %add3A_990 = vector.broadcast %add3A_989 : i32 to vector<16xi32>
        %add3A_991 = arith.addi %add3A_162, %add3A_990 : vector<16xi32>
        %select_n3A_992 = arith.select %lt3A_988, %add3A_991, %add3A_162 : vector<16xi1>, vector<16xi32>
        %broadcast_in_dim3A_993 = vector.shape_cast %select_n3A_992 : vector<16xi32> to vector<16x1xi32>
        %gather3A_994 = vector.shape_cast %broadcast_in_dim3A_993 : vector<16x1xi32> to vector<16xi32>
        %gather3A_995 = tpu.dynamic_gather %exp3A_811[%gather3A_994] in [0] : vector<16xf32>, vector<16xi32> -> vector<16xf32>
        %get3A_996 = arith.index_cast %add3A_917 : i32 to index
        %get3A_997 = arith.constant 64 : index
        %get3A_998 = tpu.vector_load %arg13[%get3A_996, %get3A_997] {strides = array<i32>} : memref<128x96xf32, #tpu.memory_space<vmem>>, vector<16xf32>,
        %mul3A_999 = arith.mulf %get3A_998, %gather3A_995 : vector<16xf32>
        %swap3A_1000 = arith.index_cast %add3A_917 : i32 to index
        %swap3A_1001 = arith.constant 64 : index
        %swap3A_1002 = tpu.vector_load %arg14[%swap3A_1000, %swap3A_1001] {strides = array<i32>} : memref<128x96xf32, #tpu.memory_space<vmem>>, vector<16xf32>,
        tpu.vector_store %arg14[%swap3A_1000, %swap3A_1001], %mul3A_999 {strides = array<i32>} : memref<128x96xf32, #tpu.memory_space<vmem>>, vector<16xf32>,
        %lt3A_1003 = arith.constant 0 : i32
        %lt3A_1004 = vector.broadcast %lt3A_1003 : i32 to vector<16xi32>
        %lt3A_1005 = arith.cmpi slt, %add3A_171, %lt3A_1004 : vector<16xi32>
        %add3A_1006 = arith.constant 16 : i32
        %add3A_1007 = vector.broadcast %add3A_1006 : i32 to vector<16xi32>
        %add3A_1008 = arith.addi %add3A_171, %add3A_1007 : vector<16xi32>
        %select_n3A_1009 = arith.select %lt3A_1005, %add3A_1008, %add3A_171 : vector<16xi1>, vector<16xi32>
        %broadcast_in_dim3A_1010 = vector.shape_cast %select_n3A_1009 : vector<16xi32> to vector<16x1xi32>
        %gather3A_1011 = vector.shape_cast %broadcast_in_dim3A_1010 : vector<16x1xi32> to vector<16xi32>
        %gather3A_1012 = tpu.dynamic_gather %exp3A_811[%gather3A_1011] in [0] : vector<16xf32>, vector<16xi32> -> vector<16xf32>
        %get3A_1013 = arith.index_cast %add3A_917 : i32 to index
        %get3A_1014 = arith.constant 80 : index
        %get3A_1015 = tpu.vector_load %arg13[%get3A_1013, %get3A_1014] {strides = array<i32>} : memref<128x96xf32, #tpu.memory_space<vmem>>, vector<16xf32>,
        %mul3A_1016 = arith.mulf %get3A_1015, %gather3A_1012 : vector<16xf32>
        %swap3A_1017 = arith.index_cast %add3A_917 : i32 to index
        %swap3A_1018 = arith.constant 80 : index
        %swap3A_1019 = tpu.vector_load %arg14[%swap3A_1017, %swap3A_1018] {strides = array<i32>} : memref<128x96xf32, #tpu.memory_space<vmem>>, vector<16xf32>,
        tpu.vector_store %arg14[%swap3A_1017, %swap3A_1018], %mul3A_1016 {strides = array<i32>} : memref<128x96xf32, #tpu.memory_space<vmem>>, vector<16xf32>,
        %scan3A_1020 = arith.constant 3 : i32
        %scan3A_1021 = arith.addi %scan3A_311, %scan3A_1020 : i32
        %mul3A_1022 = arith.constant 1 : i32
        %mul3A_1023 = arith.muli %scan3A_1021, %mul3A_1022 : i32
        %add3A_1024 = arith.constant 0 : i32
        %add3A_1025 = arith.addi %add3A_1024, %mul3A_1023 : i32
        %mul3A_1026 = arith.constant 2 : i32
        %mul3A_1027 = arith.muli %mul3A_1026, %add3A_1025 : i32
        %mul3A_1028 = arith.constant 0 : i32
        %mul3A_1029 = vector.broadcast %mul3A_1028 : i32 to vector<16xi32>
        %mul3A_1030 = arith.muli %iota3A, %mul3A_1029 : vector<16xi32>
        %add3A_1031 = vector.broadcast %mul3A_1027 : i32 to vector<16xi32>
        %add3A_1032 = arith.addi %mul3A_1030, %add3A_1031 : vector<16xi32>
        %add3A_1033 = arith.addi %add3A_1032, %convert_element_type3A : vector<16xi32>
        %gather3A_1034 = tpu.vector_load_idx %arg12[%add3A_1033] : memref<128xi32, #tpu.memory_space<vmem>>[vector<16xi32>], vector<16xi32>,
        %min3A_1035 = arith.constant 1023 : i32
        %min3A_1036 = vector.broadcast %min3A_1035 : i32 to vector<16xi32>
        %min3A_1037 = arith.minsi %gather3A_1034, %min3A_1036 : vector<16xi32>
        %mul3A_1038 = arith.constant 8 : i32
        %mul3A_1039 = vector.broadcast %mul3A_1038 : i32 to vector<16xi32>
        %mul3A_1040 = arith.muli %min3A_1037, %mul3A_1039 : vector<16xi32>
        %add3A_1041 = arith.addi %mul3A_1040, %rem3A_2 : vector<16xi32>
        %gather3A_1042 = tpu.vector_load_idx %arg9[%add3A_1041] : memref<8192xf32, #tpu.memory_space<vmem>>[vector<16xi32>], vector<16xf32>,
        %gather3A_1043 = tpu.vector_load_idx %arg13[%add3A_1033, %add3A_10] : memref<128x96xf32, #tpu.memory_space<vmem>>[vector<16xi32>, vector<16xi32>], vector<16xf32>,
        %add3A_1044 = arith.addf %gather3A_1043, %gather3A_1042 : vector<16xf32>
        %mul3A_1045 = arith.constant 2.000000e-01 : f32
        %mul3A_1046 = vector.broadcast %mul3A_1045 : f32 to vector<16xf32>
        %mul3A_1047 = arith.mulf %mul3A_1046, %add3A_1044 : vector<16xf32>
        %max3A_1048 = arith.maximumf %add3A_1044, %mul3A_1047 : vector<16xf32>
        %sub3A_1049 = arith.subf %max3A_1048, %get3A_15 : vector<16xf32>
        %exp3A_1050 = math.exp %sub3A_1049 : vector<16xf32>
        %add3A_1051 = arith.constant 0 : i32
        %add3A_1052 = arith.addi %mul3A_1027, %add3A_1051 : i32
        %lt3A_1053 = arith.constant 0 : i32
        %lt3A_1054 = vector.broadcast %lt3A_1053 : i32 to vector<16xi32>
        %lt3A_1055 = arith.cmpi slt, %add3A_72, %lt3A_1054 : vector<16xi32>
        %add3A_1056 = arith.constant 16 : i32
        %add3A_1057 = vector.broadcast %add3A_1056 : i32 to vector<16xi32>
        %add3A_1058 = arith.addi %add3A_72, %add3A_1057 : vector<16xi32>
        %select_n3A_1059 = arith.select %lt3A_1055, %add3A_1058, %add3A_72 : vector<16xi1>, vector<16xi32>
        %broadcast_in_dim3A_1060 = vector.shape_cast %select_n3A_1059 : vector<16xi32> to vector<16x1xi32>
        %gather3A_1061 = vector.shape_cast %broadcast_in_dim3A_1060 : vector<16x1xi32> to vector<16xi32>
        %gather3A_1062 = tpu.dynamic_gather %exp3A_1050[%gather3A_1061] in [0] : vector<16xf32>, vector<16xi32> -> vector<16xf32>
        %get3A_1063 = arith.index_cast %add3A_1052 : i32 to index
        %get3A_1064 = arith.constant 0 : index
        %get3A_1065 = tpu.vector_load %arg13[%get3A_1063, %get3A_1064] {strides = array<i32>} : memref<128x96xf32, #tpu.memory_space<vmem>>, vector<16xf32>,
        %mul3A_1066 = arith.mulf %get3A_1065, %gather3A_1062 : vector<16xf32>
        %swap3A_1067 = arith.index_cast %add3A_1052 : i32 to index
        %swap3A_1068 = arith.constant 0 : index
        %swap3A_1069 = tpu.vector_load %arg14[%swap3A_1067, %swap3A_1068] {strides = array<i32>} : memref<128x96xf32, #tpu.memory_space<vmem>>, vector<16xf32>,
        tpu.vector_store %arg14[%swap3A_1067, %swap3A_1068], %mul3A_1066 {strides = array<i32>} : memref<128x96xf32, #tpu.memory_space<vmem>>, vector<16xf32>,
        %lt3A_1070 = arith.constant 0 : i32
        %lt3A_1071 = vector.broadcast %lt3A_1070 : i32 to vector<16xi32>
        %lt3A_1072 = arith.cmpi slt, %add3A_81, %lt3A_1071 : vector<16xi32>
        %add3A_1073 = arith.constant 16 : i32
        %add3A_1074 = vector.broadcast %add3A_1073 : i32 to vector<16xi32>
        %add3A_1075 = arith.addi %add3A_81, %add3A_1074 : vector<16xi32>
        %select_n3A_1076 = arith.select %lt3A_1072, %add3A_1075, %add3A_81 : vector<16xi1>, vector<16xi32>
        %broadcast_in_dim3A_1077 = vector.shape_cast %select_n3A_1076 : vector<16xi32> to vector<16x1xi32>
        %gather3A_1078 = vector.shape_cast %broadcast_in_dim3A_1077 : vector<16x1xi32> to vector<16xi32>
        %gather3A_1079 = tpu.dynamic_gather %exp3A_1050[%gather3A_1078] in [0] : vector<16xf32>, vector<16xi32> -> vector<16xf32>
        %get3A_1080 = arith.index_cast %add3A_1052 : i32 to index
        %get3A_1081 = arith.constant 16 : index
        %get3A_1082 = tpu.vector_load %arg13[%get3A_1080, %get3A_1081] {strides = array<i32>} : memref<128x96xf32, #tpu.memory_space<vmem>>, vector<16xf32>,
        %mul3A_1083 = arith.mulf %get3A_1082, %gather3A_1079 : vector<16xf32>
        %swap3A_1084 = arith.index_cast %add3A_1052 : i32 to index
        %swap3A_1085 = arith.constant 16 : index
        %swap3A_1086 = tpu.vector_load %arg14[%swap3A_1084, %swap3A_1085] {strides = array<i32>} : memref<128x96xf32, #tpu.memory_space<vmem>>, vector<16xf32>,
        tpu.vector_store %arg14[%swap3A_1084, %swap3A_1085], %mul3A_1083 {strides = array<i32>} : memref<128x96xf32, #tpu.memory_space<vmem>>, vector<16xf32>,
        %lt3A_1087 = arith.constant 0 : i32
        %lt3A_1088 = vector.broadcast %lt3A_1087 : i32 to vector<16xi32>
        %lt3A_1089 = arith.cmpi slt, %add3A_90, %lt3A_1088 : vector<16xi32>
        %add3A_1090 = arith.constant 16 : i32
        %add3A_1091 = vector.broadcast %add3A_1090 : i32 to vector<16xi32>
        %add3A_1092 = arith.addi %add3A_90, %add3A_1091 : vector<16xi32>
        %select_n3A_1093 = arith.select %lt3A_1089, %add3A_1092, %add3A_90 : vector<16xi1>, vector<16xi32>
        %broadcast_in_dim3A_1094 = vector.shape_cast %select_n3A_1093 : vector<16xi32> to vector<16x1xi32>
        %gather3A_1095 = vector.shape_cast %broadcast_in_dim3A_1094 : vector<16x1xi32> to vector<16xi32>
        %gather3A_1096 = tpu.dynamic_gather %exp3A_1050[%gather3A_1095] in [0] : vector<16xf32>, vector<16xi32> -> vector<16xf32>
        %get3A_1097 = arith.index_cast %add3A_1052 : i32 to index
        %get3A_1098 = arith.constant 32 : index
        %get3A_1099 = tpu.vector_load %arg13[%get3A_1097, %get3A_1098] {strides = array<i32>} : memref<128x96xf32, #tpu.memory_space<vmem>>, vector<16xf32>,
        %mul3A_1100 = arith.mulf %get3A_1099, %gather3A_1096 : vector<16xf32>
        %swap3A_1101 = arith.index_cast %add3A_1052 : i32 to index
        %swap3A_1102 = arith.constant 32 : index
        %swap3A_1103 = tpu.vector_load %arg14[%swap3A_1101, %swap3A_1102] {strides = array<i32>} : memref<128x96xf32, #tpu.memory_space<vmem>>, vector<16xf32>,
        tpu.vector_store %arg14[%swap3A_1101, %swap3A_1102], %mul3A_1100 {strides = array<i32>} : memref<128x96xf32, #tpu.memory_space<vmem>>, vector<16xf32>,
        %lt3A_1104 = arith.constant 0 : i32
        %lt3A_1105 = vector.broadcast %lt3A_1104 : i32 to vector<16xi32>
        %lt3A_1106 = arith.cmpi slt, %add3A_99, %lt3A_1105 : vector<16xi32>
        %add3A_1107 = arith.constant 16 : i32
        %add3A_1108 = vector.broadcast %add3A_1107 : i32 to vector<16xi32>
        %add3A_1109 = arith.addi %add3A_99, %add3A_1108 : vector<16xi32>
        %select_n3A_1110 = arith.select %lt3A_1106, %add3A_1109, %add3A_99 : vector<16xi1>, vector<16xi32>
        %broadcast_in_dim3A_1111 = vector.shape_cast %select_n3A_1110 : vector<16xi32> to vector<16x1xi32>
        %gather3A_1112 = vector.shape_cast %broadcast_in_dim3A_1111 : vector<16x1xi32> to vector<16xi32>
        %gather3A_1113 = tpu.dynamic_gather %exp3A_1050[%gather3A_1112] in [0] : vector<16xf32>, vector<16xi32> -> vector<16xf32>
        %get3A_1114 = arith.index_cast %add3A_1052 : i32 to index
        %get3A_1115 = arith.constant 48 : index
        %get3A_1116 = tpu.vector_load %arg13[%get3A_1114, %get3A_1115] {strides = array<i32>} : memref<128x96xf32, #tpu.memory_space<vmem>>, vector<16xf32>,
        %mul3A_1117 = arith.mulf %get3A_1116, %gather3A_1113 : vector<16xf32>
        %swap3A_1118 = arith.index_cast %add3A_1052 : i32 to index
        %swap3A_1119 = arith.constant 48 : index
        %swap3A_1120 = tpu.vector_load %arg14[%swap3A_1118, %swap3A_1119] {strides = array<i32>} : memref<128x96xf32, #tpu.memory_space<vmem>>, vector<16xf32>,
        tpu.vector_store %arg14[%swap3A_1118, %swap3A_1119], %mul3A_1117 {strides = array<i32>} : memref<128x96xf32, #tpu.memory_space<vmem>>, vector<16xf32>,
        %lt3A_1121 = arith.constant 0 : i32
        %lt3A_1122 = vector.broadcast %lt3A_1121 : i32 to vector<16xi32>
        %lt3A_1123 = arith.cmpi slt, %add3A_108, %lt3A_1122 : vector<16xi32>
        %add3A_1124 = arith.constant 16 : i32
        %add3A_1125 = vector.broadcast %add3A_1124 : i32 to vector<16xi32>
        %add3A_1126 = arith.addi %add3A_108, %add3A_1125 : vector<16xi32>
        %select_n3A_1127 = arith.select %lt3A_1123, %add3A_1126, %add3A_108 : vector<16xi1>, vector<16xi32>
        %broadcast_in_dim3A_1128 = vector.shape_cast %select_n3A_1127 : vector<16xi32> to vector<16x1xi32>
        %gather3A_1129 = vector.shape_cast %broadcast_in_dim3A_1128 : vector<16x1xi32> to vector<16xi32>
        %gather3A_1130 = tpu.dynamic_gather %exp3A_1050[%gather3A_1129] in [0] : vector<16xf32>, vector<16xi32> -> vector<16xf32>
        %get3A_1131 = arith.index_cast %add3A_1052 : i32 to index
        %get3A_1132 = arith.constant 64 : index
        %get3A_1133 = tpu.vector_load %arg13[%get3A_1131, %get3A_1132] {strides = array<i32>} : memref<128x96xf32, #tpu.memory_space<vmem>>, vector<16xf32>,
        %mul3A_1134 = arith.mulf %get3A_1133, %gather3A_1130 : vector<16xf32>
        %swap3A_1135 = arith.index_cast %add3A_1052 : i32 to index
        %swap3A_1136 = arith.constant 64 : index
        %swap3A_1137 = tpu.vector_load %arg14[%swap3A_1135, %swap3A_1136] {strides = array<i32>} : memref<128x96xf32, #tpu.memory_space<vmem>>, vector<16xf32>,
        tpu.vector_store %arg14[%swap3A_1135, %swap3A_1136], %mul3A_1134 {strides = array<i32>} : memref<128x96xf32, #tpu.memory_space<vmem>>, vector<16xf32>,
        %lt3A_1138 = arith.constant 0 : i32
        %lt3A_1139 = vector.broadcast %lt3A_1138 : i32 to vector<16xi32>
        %lt3A_1140 = arith.cmpi slt, %add3A_117, %lt3A_1139 : vector<16xi32>
        %add3A_1141 = arith.constant 16 : i32
        %add3A_1142 = vector.broadcast %add3A_1141 : i32 to vector<16xi32>
        %add3A_1143 = arith.addi %add3A_117, %add3A_1142 : vector<16xi32>
        %select_n3A_1144 = arith.select %lt3A_1140, %add3A_1143, %add3A_117 : vector<16xi1>, vector<16xi32>
        %broadcast_in_dim3A_1145 = vector.shape_cast %select_n3A_1144 : vector<16xi32> to vector<16x1xi32>
        %gather3A_1146 = vector.shape_cast %broadcast_in_dim3A_1145 : vector<16x1xi32> to vector<16xi32>
        %gather3A_1147 = tpu.dynamic_gather %exp3A_1050[%gather3A_1146] in [0] : vector<16xf32>, vector<16xi32> -> vector<16xf32>
        %get3A_1148 = arith.index_cast %add3A_1052 : i32 to index
        %get3A_1149 = arith.constant 80 : index
        %get3A_1150 = tpu.vector_load %arg13[%get3A_1148, %get3A_1149] {strides = array<i32>} : memref<128x96xf32, #tpu.memory_space<vmem>>, vector<16xf32>,
        %mul3A_1151 = arith.mulf %get3A_1150, %gather3A_1147 : vector<16xf32>
        %swap3A_1152 = arith.index_cast %add3A_1052 : i32 to index
        %swap3A_1153 = arith.constant 80 : index
        %swap3A_1154 = tpu.vector_load %arg14[%swap3A_1152, %swap3A_1153] {strides = array<i32>} : memref<128x96xf32, #tpu.memory_space<vmem>>, vector<16xf32>,
        tpu.vector_store %arg14[%swap3A_1152, %swap3A_1153], %mul3A_1151 {strides = array<i32>} : memref<128x96xf32, #tpu.memory_space<vmem>>, vector<16xf32>,
        %add3A_1155 = arith.constant 1 : i32
        %add3A_1156 = arith.addi %mul3A_1027, %add3A_1155 : i32
        %lt3A_1157 = arith.constant 0 : i32
        %lt3A_1158 = vector.broadcast %lt3A_1157 : i32 to vector<16xi32>
        %lt3A_1159 = arith.cmpi slt, %add3A_126, %lt3A_1158 : vector<16xi32>
        %add3A_1160 = arith.constant 16 : i32
        %add3A_1161 = vector.broadcast %add3A_1160 : i32 to vector<16xi32>
        %add3A_1162 = arith.addi %add3A_126, %add3A_1161 : vector<16xi32>
        %select_n3A_1163 = arith.select %lt3A_1159, %add3A_1162, %add3A_126 : vector<16xi1>, vector<16xi32>
        %broadcast_in_dim3A_1164 = vector.shape_cast %select_n3A_1163 : vector<16xi32> to vector<16x1xi32>
        %gather3A_1165 = vector.shape_cast %broadcast_in_dim3A_1164 : vector<16x1xi32> to vector<16xi32>
        %gather3A_1166 = tpu.dynamic_gather %exp3A_1050[%gather3A_1165] in [0] : vector<16xf32>, vector<16xi32> -> vector<16xf32>
        %get3A_1167 = arith.index_cast %add3A_1156 : i32 to index
        %get3A_1168 = arith.constant 0 : index
        %get3A_1169 = tpu.vector_load %arg13[%get3A_1167, %get3A_1168] {strides = array<i32>} : memref<128x96xf32, #tpu.memory_space<vmem>>, vector<16xf32>,
        %mul3A_1170 = arith.mulf %get3A_1169, %gather3A_1166 : vector<16xf32>
        %swap3A_1171 = arith.index_cast %add3A_1156 : i32 to index
        %swap3A_1172 = arith.constant 0 : index
        %swap3A_1173 = tpu.vector_load %arg14[%swap3A_1171, %swap3A_1172] {strides = array<i32>} : memref<128x96xf32, #tpu.memory_space<vmem>>, vector<16xf32>,
        tpu.vector_store %arg14[%swap3A_1171, %swap3A_1172], %mul3A_1170 {strides = array<i32>} : memref<128x96xf32, #tpu.memory_space<vmem>>, vector<16xf32>,
        %lt3A_1174 = arith.constant 0 : i32
        %lt3A_1175 = vector.broadcast %lt3A_1174 : i32 to vector<16xi32>
        %lt3A_1176 = arith.cmpi slt, %add3A_135, %lt3A_1175 : vector<16xi32>
        %add3A_1177 = arith.constant 16 : i32
        %add3A_1178 = vector.broadcast %add3A_1177 : i32 to vector<16xi32>
        %add3A_1179 = arith.addi %add3A_135, %add3A_1178 : vector<16xi32>
        %select_n3A_1180 = arith.select %lt3A_1176, %add3A_1179, %add3A_135 : vector<16xi1>, vector<16xi32>
        %broadcast_in_dim3A_1181 = vector.shape_cast %select_n3A_1180 : vector<16xi32> to vector<16x1xi32>
        %gather3A_1182 = vector.shape_cast %broadcast_in_dim3A_1181 : vector<16x1xi32> to vector<16xi32>
        %gather3A_1183 = tpu.dynamic_gather %exp3A_1050[%gather3A_1182] in [0] : vector<16xf32>, vector<16xi32> -> vector<16xf32>
        %get3A_1184 = arith.index_cast %add3A_1156 : i32 to index
        %get3A_1185 = arith.constant 16 : index
        %get3A_1186 = tpu.vector_load %arg13[%get3A_1184, %get3A_1185] {strides = array<i32>} : memref<128x96xf32, #tpu.memory_space<vmem>>, vector<16xf32>,
        %mul3A_1187 = arith.mulf %get3A_1186, %gather3A_1183 : vector<16xf32>
        %swap3A_1188 = arith.index_cast %add3A_1156 : i32 to index
        %swap3A_1189 = arith.constant 16 : index
        %swap3A_1190 = tpu.vector_load %arg14[%swap3A_1188, %swap3A_1189] {strides = array<i32>} : memref<128x96xf32, #tpu.memory_space<vmem>>, vector<16xf32>,
        tpu.vector_store %arg14[%swap3A_1188, %swap3A_1189], %mul3A_1187 {strides = array<i32>} : memref<128x96xf32, #tpu.memory_space<vmem>>, vector<16xf32>,
        %lt3A_1191 = arith.constant 0 : i32
        %lt3A_1192 = vector.broadcast %lt3A_1191 : i32 to vector<16xi32>
        %lt3A_1193 = arith.cmpi slt, %add3A_144, %lt3A_1192 : vector<16xi32>
        %add3A_1194 = arith.constant 16 : i32
        %add3A_1195 = vector.broadcast %add3A_1194 : i32 to vector<16xi32>
        %add3A_1196 = arith.addi %add3A_144, %add3A_1195 : vector<16xi32>
        %select_n3A_1197 = arith.select %lt3A_1193, %add3A_1196, %add3A_144 : vector<16xi1>, vector<16xi32>
        %broadcast_in_dim3A_1198 = vector.shape_cast %select_n3A_1197 : vector<16xi32> to vector<16x1xi32>
        %gather3A_1199 = vector.shape_cast %broadcast_in_dim3A_1198 : vector<16x1xi32> to vector<16xi32>
        %gather3A_1200 = tpu.dynamic_gather %exp3A_1050[%gather3A_1199] in [0] : vector<16xf32>, vector<16xi32> -> vector<16xf32>
        %get3A_1201 = arith.index_cast %add3A_1156 : i32 to index
        %get3A_1202 = arith.constant 32 : index
        %get3A_1203 = tpu.vector_load %arg13[%get3A_1201, %get3A_1202] {strides = array<i32>} : memref<128x96xf32, #tpu.memory_space<vmem>>, vector<16xf32>,
        %mul3A_1204 = arith.mulf %get3A_1203, %gather3A_1200 : vector<16xf32>
        %swap3A_1205 = arith.index_cast %add3A_1156 : i32 to index
        %swap3A_1206 = arith.constant 32 : index
        %swap3A_1207 = tpu.vector_load %arg14[%swap3A_1205, %swap3A_1206] {strides = array<i32>} : memref<128x96xf32, #tpu.memory_space<vmem>>, vector<16xf32>,
        tpu.vector_store %arg14[%swap3A_1205, %swap3A_1206], %mul3A_1204 {strides = array<i32>} : memref<128x96xf32, #tpu.memory_space<vmem>>, vector<16xf32>,
        %lt3A_1208 = arith.constant 0 : i32
        %lt3A_1209 = vector.broadcast %lt3A_1208 : i32 to vector<16xi32>
        %lt3A_1210 = arith.cmpi slt, %add3A_153, %lt3A_1209 : vector<16xi32>
        %add3A_1211 = arith.constant 16 : i32
        %add3A_1212 = vector.broadcast %add3A_1211 : i32 to vector<16xi32>
        %add3A_1213 = arith.addi %add3A_153, %add3A_1212 : vector<16xi32>
        %select_n3A_1214 = arith.select %lt3A_1210, %add3A_1213, %add3A_153 : vector<16xi1>, vector<16xi32>
        %broadcast_in_dim3A_1215 = vector.shape_cast %select_n3A_1214 : vector<16xi32> to vector<16x1xi32>
        %gather3A_1216 = vector.shape_cast %broadcast_in_dim3A_1215 : vector<16x1xi32> to vector<16xi32>
        %gather3A_1217 = tpu.dynamic_gather %exp3A_1050[%gather3A_1216] in [0] : vector<16xf32>, vector<16xi32> -> vector<16xf32>
        %get3A_1218 = arith.index_cast %add3A_1156 : i32 to index
        %get3A_1219 = arith.constant 48 : index
        %get3A_1220 = tpu.vector_load %arg13[%get3A_1218, %get3A_1219] {strides = array<i32>} : memref<128x96xf32, #tpu.memory_space<vmem>>, vector<16xf32>,
        %mul3A_1221 = arith.mulf %get3A_1220, %gather3A_1217 : vector<16xf32>
        %swap3A_1222 = arith.index_cast %add3A_1156 : i32 to index
        %swap3A_1223 = arith.constant 48 : index
        %swap3A_1224 = tpu.vector_load %arg14[%swap3A_1222, %swap3A_1223] {strides = array<i32>} : memref<128x96xf32, #tpu.memory_space<vmem>>, vector<16xf32>,
        tpu.vector_store %arg14[%swap3A_1222, %swap3A_1223], %mul3A_1221 {strides = array<i32>} : memref<128x96xf32, #tpu.memory_space<vmem>>, vector<16xf32>,
        %lt3A_1225 = arith.constant 0 : i32
        %lt3A_1226 = vector.broadcast %lt3A_1225 : i32 to vector<16xi32>
        %lt3A_1227 = arith.cmpi slt, %add3A_162, %lt3A_1226 : vector<16xi32>
        %add3A_1228 = arith.constant 16 : i32
        %add3A_1229 = vector.broadcast %add3A_1228 : i32 to vector<16xi32>
        %add3A_1230 = arith.addi %add3A_162, %add3A_1229 : vector<16xi32>
        %select_n3A_1231 = arith.select %lt3A_1227, %add3A_1230, %add3A_162 : vector<16xi1>, vector<16xi32>
        %broadcast_in_dim3A_1232 = vector.shape_cast %select_n3A_1231 : vector<16xi32> to vector<16x1xi32>
        %gather3A_1233 = vector.shape_cast %broadcast_in_dim3A_1232 : vector<16x1xi32> to vector<16xi32>
        %gather3A_1234 = tpu.dynamic_gather %exp3A_1050[%gather3A_1233] in [0] : vector<16xf32>, vector<16xi32> -> vector<16xf32>
        %get3A_1235 = arith.index_cast %add3A_1156 : i32 to index
        %get3A_1236 = arith.constant 64 : index
        %get3A_1237 = tpu.vector_load %arg13[%get3A_1235, %get3A_1236] {strides = array<i32>} : memref<128x96xf32, #tpu.memory_space<vmem>>, vector<16xf32>,
        %mul3A_1238 = arith.mulf %get3A_1237, %gather3A_1234 : vector<16xf32>
        %swap3A_1239 = arith.index_cast %add3A_1156 : i32 to index
        %swap3A_1240 = arith.constant 64 : index
        %swap3A_1241 = tpu.vector_load %arg14[%swap3A_1239, %swap3A_1240] {strides = array<i32>} : memref<128x96xf32, #tpu.memory_space<vmem>>, vector<16xf32>,
        tpu.vector_store %arg14[%swap3A_1239, %swap3A_1240], %mul3A_1238 {strides = array<i32>} : memref<128x96xf32, #tpu.memory_space<vmem>>, vector<16xf32>,
        %lt3A_1242 = arith.constant 0 : i32
        %lt3A_1243 = vector.broadcast %lt3A_1242 : i32 to vector<16xi32>
        %lt3A_1244 = arith.cmpi slt, %add3A_171, %lt3A_1243 : vector<16xi32>
        %add3A_1245 = arith.constant 16 : i32
        %add3A_1246 = vector.broadcast %add3A_1245 : i32 to vector<16xi32>
        %add3A_1247 = arith.addi %add3A_171, %add3A_1246 : vector<16xi32>
        %select_n3A_1248 = arith.select %lt3A_1244, %add3A_1247, %add3A_171 : vector<16xi1>, vector<16xi32>
        %broadcast_in_dim3A_1249 = vector.shape_cast %select_n3A_1248 : vector<16xi32> to vector<16x1xi32>
        %gather3A_1250 = vector.shape_cast %broadcast_in_dim3A_1249 : vector<16x1xi32> to vector<16xi32>
        %gather3A_1251 = tpu.dynamic_gather %exp3A_1050[%gather3A_1250] in [0] : vector<16xf32>, vector<16xi32> -> vector<16xf32>
        %get3A_1252 = arith.index_cast %add3A_1156 : i32 to index
        %get3A_1253 = arith.constant 80 : index
        %get3A_1254 = tpu.vector_load %arg13[%get3A_1252, %get3A_1253] {strides = array<i32>} : memref<128x96xf32, #tpu.memory_space<vmem>>, vector<16xf32>,
        %mul3A_1255 = arith.mulf %get3A_1254, %gather3A_1251 : vector<16xf32>
        %swap3A_1256 = arith.index_cast %add3A_1156 : i32 to index
        %swap3A_1257 = arith.constant 80 : index
        %swap3A_1258 = tpu.vector_load %arg14[%swap3A_1256, %swap3A_1257] {strides = array<i32>} : memref<128x96xf32, #tpu.memory_space<vmem>>, vector<16xf32>,
        tpu.vector_store %arg14[%swap3A_1256, %swap3A_1257], %mul3A_1255 {strides = array<i32>} : memref<128x96xf32, #tpu.memory_space<vmem>>, vector<16xf32>,
      }
      %scan3A_310 = arith.constant 64 : i32
      "tpu.region"() ({
        %run_scoped3A = tpu.sem_alloc : memref<!tpu.dma_semaphore, #tpu.memory_space<semaphore_mem>>
        %dma_start3A_311 = arith.constant 0 : i32
        %dma_start3A_312 = arith.constant 0 : i32
        %dma_start3A_313 = tpu.memref_slice %arg8[%dma_start3A_311, %dma_start3A_312] : memref<5120x96xf32, #tpu.memory_space<vmem_shared>> -> memref<5120x96xf32, #tpu.memory_space<vmem_shared>>
        tpu.enqueue_indirect_dma source(%arg14 : memref<128x96xf32, #tpu.memory_space<vmem>>) target(%dma_start3A_313 : memref<5120x96xf32, #tpu.memory_space<vmem_shared>>) offsets(%arg12 : memref<128xi32, #tpu.memory_space<vmem>>) semaphore(%run_scoped3A : memref<!tpu.dma_semaphore, #tpu.memory_space<semaphore_mem>>) {add = true}
        %dma_wait3A_314 = arith.constant 0 : i32
        %dma_wait3A_315 = arith.constant 0 : i32
        %dma_wait3A_316 = tpu.memref_slice %arg8[%dma_wait3A_314, %dma_wait3A_315] : memref<5120x96xf32, #tpu.memory_space<vmem_shared>> -> memref<5120x96xf32, #tpu.memory_space<vmem_shared>>
        tpu.wait_indirect_dma semaphore(%run_scoped3A : memref<!tpu.dma_semaphore, #tpu.memory_space<semaphore_mem>>) src(%arg14 : memref<128x96xf32, #tpu.memory_space<vmem>>) dst(%dma_wait3A_316 : memref<5120x96xf32, #tpu.memory_space<vmem_shared>>)
        tpu.yield
      }) : () -> ()
    }
    %barrier3A_193 = arith.constant 0 : index
    tpu.barrier barrier_id(%barrier3A_193)
    "tpu.region"() ({
      %run_scoped3A = tpu.sem_alloc : memref<!tpu.dma_semaphore, #tpu.memory_space<semaphore_mem>>
      %dma_start3A = arith.constant 0 : i32
      %dma_start3A_202 = tpu.memref_slice %arg7[%arg0, %mul3A_21, %dma_start3A] : memref<2x5120x96xf32, #tpu.memory_space<hbm>> -> memref<1x128x96xf32, #tpu.memory_space<hbm>>
      %dma_start3A_203 = tpu.memref_squeeze %dma_start3A_202 : memref<1x128x96xf32, #tpu.memory_space<hbm>> -> memref<128x96xf32, #tpu.memory_space<hbm>>
      %dma_start3A_204 = arith.constant 0 : i32
      %dma_start3A_205 = tpu.memref_slice %arg8[%mul3A_21, %dma_start3A_204] : memref<5120x96xf32, #tpu.memory_space<vmem_shared>> -> memref<128x96xf32, #tpu.memory_space<vmem_shared>>
      tpu.enqueue_dma source(%dma_start3A_205 : memref<128x96xf32, #tpu.memory_space<vmem_shared>>) target(%dma_start3A_203 : memref<128x96xf32, #tpu.memory_space<hbm>>) target_semaphore(%run_scoped3A : memref<!tpu.dma_semaphore, #tpu.memory_space<semaphore_mem>>)
      %dma_wait3A = arith.constant 0 : i32
      %dma_wait3A_206 = tpu.memref_slice %arg7[%arg0, %mul3A_21, %dma_wait3A] : memref<2x5120x96xf32, #tpu.memory_space<hbm>> -> memref<1x128x96xf32, #tpu.memory_space<hbm>>
      %dma_wait3A_207 = tpu.memref_squeeze %dma_wait3A_206 : memref<1x128x96xf32, #tpu.memory_space<hbm>> -> memref<128x96xf32, #tpu.memory_space<hbm>>
      %dma_wait3A_208 = arith.constant 0 : i32
      %dma_wait3A_209 = tpu.memref_slice %arg8[%mul3A_21, %dma_wait3A_208] : memref<5120x96xf32, #tpu.memory_space<vmem_shared>> -> memref<128x96xf32, #tpu.memory_space<vmem_shared>>
      tpu.wait_dma2 semaphore(%run_scoped3A : memref<!tpu.dma_semaphore, #tpu.memory_space<semaphore_mem>>) src(%dma_wait3A_209 : memref<128x96xf32, #tpu.memory_space<vmem_shared>>) dst(%dma_wait3A_207 : memref<128x96xf32, #tpu.memory_space<hbm>>)
      tpu.yield
    }) : () -> ()
    %add3A_194 = arith.constant 128 : i32
    %add3A_195 = arith.addi %mul3A_21, %add3A_194 : i32
    %add3A_196 = arith.constant 128 : i32
    %add3A_197 = arith.addi %mul3A_21, %add3A_196 : i32
    "tpu.region"() ({
      %run_scoped3A = tpu.sem_alloc : memref<!tpu.dma_semaphore, #tpu.memory_space<semaphore_mem>>
      %dma_start3A = arith.constant 0 : i32
      %dma_start3A_202 = tpu.memref_slice %arg7[%arg0, %add3A_197, %dma_start3A] : memref<2x5120x96xf32, #tpu.memory_space<hbm>> -> memref<1x128x96xf32, #tpu.memory_space<hbm>>
      %dma_start3A_203 = tpu.memref_squeeze %dma_start3A_202 : memref<1x128x96xf32, #tpu.memory_space<hbm>> -> memref<128x96xf32, #tpu.memory_space<hbm>>
      %dma_start3A_204 = arith.constant 0 : i32
      %dma_start3A_205 = tpu.memref_slice %arg8[%add3A_195, %dma_start3A_204] : memref<5120x96xf32, #tpu.memory_space<vmem_shared>> -> memref<128x96xf32, #tpu.memory_space<vmem_shared>>
      tpu.enqueue_dma source(%dma_start3A_205 : memref<128x96xf32, #tpu.memory_space<vmem_shared>>) target(%dma_start3A_203 : memref<128x96xf32, #tpu.memory_space<hbm>>) target_semaphore(%run_scoped3A : memref<!tpu.dma_semaphore, #tpu.memory_space<semaphore_mem>>)
      %dma_wait3A = arith.constant 0 : i32
      %dma_wait3A_206 = tpu.memref_slice %arg7[%arg0, %add3A_197, %dma_wait3A] : memref<2x5120x96xf32, #tpu.memory_space<hbm>> -> memref<1x128x96xf32, #tpu.memory_space<hbm>>
      %dma_wait3A_207 = tpu.memref_squeeze %dma_wait3A_206 : memref<1x128x96xf32, #tpu.memory_space<hbm>> -> memref<128x96xf32, #tpu.memory_space<hbm>>
      %dma_wait3A_208 = arith.constant 0 : i32
      %dma_wait3A_209 = tpu.memref_slice %arg8[%add3A_195, %dma_wait3A_208] : memref<5120x96xf32, #tpu.memory_space<vmem_shared>> -> memref<128x96xf32, #tpu.memory_space<vmem_shared>>
      tpu.wait_dma2 semaphore(%run_scoped3A : memref<!tpu.dma_semaphore, #tpu.memory_space<semaphore_mem>>) src(%dma_wait3A_209 : memref<128x96xf32, #tpu.memory_space<vmem_shared>>) dst(%dma_wait3A_207 : memref<128x96xf32, #tpu.memory_space<hbm>>)
      tpu.yield
    }) : () -> ()
    %add3A_198 = arith.constant 256 : i32
    %add3A_199 = arith.addi %mul3A_21, %add3A_198 : i32
    %add3A_200 = arith.constant 256 : i32
    %add3A_201 = arith.addi %mul3A_21, %add3A_200 : i32
    "tpu.region"() ({
      %run_scoped3A = tpu.sem_alloc : memref<!tpu.dma_semaphore, #tpu.memory_space<semaphore_mem>>
      %dma_start3A = arith.constant 0 : i32
      %dma_start3A_202 = tpu.memref_slice %arg7[%arg0, %add3A_201, %dma_start3A] : memref<2x5120x96xf32, #tpu.memory_space<hbm>> -> memref<1x64x96xf32, #tpu.memory_space<hbm>>
      %dma_start3A_203 = tpu.memref_squeeze %dma_start3A_202 : memref<1x64x96xf32, #tpu.memory_space<hbm>> -> memref<64x96xf32, #tpu.memory_space<hbm>>
      %dma_start3A_204 = arith.constant 0 : i32
      %dma_start3A_205 = tpu.memref_slice %arg8[%add3A_199, %dma_start3A_204] : memref<5120x96xf32, #tpu.memory_space<vmem_shared>> -> memref<64x96xf32, #tpu.memory_space<vmem_shared>>
      tpu.enqueue_dma source(%dma_start3A_205 : memref<64x96xf32, #tpu.memory_space<vmem_shared>>) target(%dma_start3A_203 : memref<64x96xf32, #tpu.memory_space<hbm>>) target_semaphore(%run_scoped3A : memref<!tpu.dma_semaphore, #tpu.memory_space<semaphore_mem>>)
      %dma_wait3A = arith.constant 0 : i32
      %dma_wait3A_206 = tpu.memref_slice %arg7[%arg0, %add3A_201, %dma_wait3A] : memref<2x5120x96xf32, #tpu.memory_space<hbm>> -> memref<1x64x96xf32, #tpu.memory_space<hbm>>
      %dma_wait3A_207 = tpu.memref_squeeze %dma_wait3A_206 : memref<1x64x96xf32, #tpu.memory_space<hbm>> -> memref<64x96xf32, #tpu.memory_space<hbm>>
      %dma_wait3A_208 = arith.constant 0 : i32
      %dma_wait3A_209 = tpu.memref_slice %arg8[%add3A_199, %dma_wait3A_208] : memref<5120x96xf32, #tpu.memory_space<vmem_shared>> -> memref<64x96xf32, #tpu.memory_space<vmem_shared>>
      tpu.wait_dma2 semaphore(%run_scoped3A : memref<!tpu.dma_semaphore, #tpu.memory_space<semaphore_mem>>) src(%dma_wait3A_209 : memref<64x96xf32, #tpu.memory_space<vmem_shared>>) dst(%dma_wait3A_207 : memref<64x96xf32, #tpu.memory_space<hbm>>)
      tpu.yield
    }) : () -> ()
    return
  }
}

module attributes {stable_mosaic.version = 14 : i64} {
  func.func @_dense1_body(%arg0: memref<5120x128xf32, #tpu.memory_space<vmem>>, %arg1: memref<128x64xf32, #tpu.memory_space<vmem>>, %arg2: memref<64x8xf32, #tpu.memory_space<vmem>>, %arg3: memref<64x8xf32, #tpu.memory_space<vmem>>, %arg4: memref<1x1xf32, #tpu.memory_space<vmem>>, %arg5: memref<5120x64xf32, #tpu.memory_space<vmem>>, %arg6: memref<5120x8xf32, #tpu.memory_space<vmem>>, %arg7: memref<5120x8xf32, #tpu.memory_space<vmem>>, %arg8: memref<1x16xf32, #tpu.memory_space<vmem>>) attributes {dimension_semantics = [], scalar_prefetch = 0 : i64, scratch_operands = 0 : i64, tpu.core_type = #tpu.core_type<tc>} {
    %get3A = arith.constant 0 : index
    %get3A_0 = arith.constant 0 : index
    %get3A_1 = vector.load %arg0[%get3A, %get3A_0] : memref<5120x128xf32, #tpu.memory_space<vmem>>, vector<5120x128xf32>
    %get3A_2 = arith.constant 0 : index
    %get3A_3 = arith.constant 0 : index
    %get3A_4 = vector.load %arg1[%get3A_2, %get3A_3] : memref<128x64xf32, #tpu.memory_space<vmem>>, vector<128x64xf32>
    %dot_general3A = arith.constant dense<0.000000e+00> : vector<5120x64xf32>
    %dot_general3A_5 = tpu.matmul %get3A_1, %get3A_4, %dot_general3A {dimension_numbers = #tpu.dot_dimension_numbers<[1], [0], [0], [1], [0, 0, 1, 1], [], []>, transpose_lhs_hint = false} : vector<5120x128xf32>, vector<128x64xf32>, vector<5120x64xf32> -> vector<5120x64xf32>
    %get3A_6 = arith.constant 0 : index
    %get3A_7 = arith.constant 0 : index
    %get3A_8 = vector.load %arg2[%get3A_6, %get3A_7] : memref<64x8xf32, #tpu.memory_space<vmem>>, vector<64x8xf32>
    %dot_general3A_9 = arith.constant dense<0.000000e+00> : vector<5120x8xf32>
    %dot_general3A_10 = tpu.matmul %dot_general3A_5, %get3A_8, %dot_general3A_9 {dimension_numbers = #tpu.dot_dimension_numbers<[1], [0], [0], [1], [0, 0, 1, 1], [], []>, transpose_lhs_hint = false} : vector<5120x64xf32>, vector<64x8xf32>, vector<5120x8xf32> -> vector<5120x8xf32>
    %get3A_11 = arith.constant 0 : index
    %get3A_12 = arith.constant 0 : index
    %get3A_13 = vector.load %arg3[%get3A_11, %get3A_12] : memref<64x8xf32, #tpu.memory_space<vmem>>, vector<64x8xf32>
    %dot_general3A_14 = arith.constant dense<0.000000e+00> : vector<5120x8xf32>
    %dot_general3A_15 = tpu.matmul %dot_general3A_5, %get3A_13, %dot_general3A_14 {dimension_numbers = #tpu.dot_dimension_numbers<[1], [0], [0], [1], [0, 0, 1, 1], [], []>, transpose_lhs_hint = false} : vector<5120x64xf32>, vector<64x8xf32>, vector<5120x8xf32> -> vector<5120x8xf32>
    %get3A_16 = arith.constant 0 : index
    %get3A_17 = arith.constant 0 : index
    %get3A_18 = vector.load %arg1[%get3A_16, %get3A_17] : memref<128x64xf32, #tpu.memory_space<vmem>>, vector<128x64xf32>
    %reduce_sum3A = arith.constant dense<0.000000e+00> : vector<64xf32>
    %reduce_sum3A_19 = vector.multi_reduction <add>, %get3A_18, %reduce_sum3A [0] : vector<128x64xf32> to vector<64xf32>
    %broadcast_in_dim3A = vector.shape_cast %reduce_sum3A_19 : vector<64xf32> to vector<1x64xf32>
    %get3A_20 = arith.constant 0 : index
    %get3A_21 = arith.constant 0 : index
    %get3A_22 = vector.load %arg3[%get3A_20, %get3A_21] : memref<64x8xf32, #tpu.memory_space<vmem>>, vector<64x8xf32>
    %dot_general3A_23 = arith.constant dense<0.000000e+00> : vector<1x8xf32>
    %dot_general3A_24 = tpu.matmul %broadcast_in_dim3A, %get3A_22, %dot_general3A_23 {dimension_numbers = #tpu.dot_dimension_numbers<[1], [0], [0], [1], [0, 0, 1, 1], [], []>, transpose_lhs_hint = false} : vector<1x64xf32>, vector<64x8xf32>, vector<1x8xf32> -> vector<1x8xf32>
    %get3A_25 = arith.constant 0 : index
    %get3A_26 = arith.constant 0 : index
    %get3A_27 = vector.load %arg4[%get3A_25, %get3A_26] : memref<1x1xf32, #tpu.memory_space<vmem>>, vector<1x1xf32>
    %mul3A = vector.broadcast %get3A_27 : vector<1x1xf32> to vector<1x8xf32>
    %mul3A_28 = arith.mulf %mul3A, %dot_general3A_24 : vector<1x8xf32>
    %add3A = vector.broadcast %mul3A_28 : vector<1x8xf32> to vector<5120x8xf32>
    %add3A_29 = arith.addf %dot_general3A_15, %add3A : vector<5120x8xf32>
    %reduce_max3A = arith.constant dense<0xFF800000> : vector<8xf32>
    %reduce_max3A_30 = vector.multi_reduction <maximumf>, %dot_general3A_10, %reduce_max3A [0] : vector<5120x8xf32> to vector<8xf32>
    %broadcast_in_dim3A_31 = vector.shape_cast %reduce_max3A_30 : vector<8xf32> to vector<1x8xf32>
    %reduce_max3A_32 = arith.constant dense<0xFF800000> : vector<8xf32>
    %reduce_max3A_33 = vector.multi_reduction <maximumf>, %add3A_29, %reduce_max3A_32 [0] : vector<5120x8xf32> to vector<8xf32>
    %broadcast_in_dim3A_34 = vector.shape_cast %reduce_max3A_33 : vector<8xf32> to vector<1x8xf32>
    %add3A_35 = arith.addf %broadcast_in_dim3A_31, %broadcast_in_dim3A_34 : vector<1x8xf32>
    %max3A = arith.constant 0.000000e+00 : f32
    %max3A_36 = vector.broadcast %max3A : f32 to vector<1x8xf32>
    %max3A_37 = arith.maximumf %add3A_35, %max3A_36 : vector<1x8xf32>
    %swap3A = arith.constant 0 : index
    %swap3A_38 = arith.constant 0 : index
    %swap3A_39 = vector.load %arg5[%swap3A, %swap3A_38] : memref<5120x64xf32, #tpu.memory_space<vmem>>, vector<5120x64xf32>
    tpu.vector_store %arg5[%swap3A, %swap3A_38], %dot_general3A_5 {strides = array<i32>} : memref<5120x64xf32, #tpu.memory_space<vmem>>, vector<5120x64xf32>,
    %swap3A_40 = arith.constant 0 : index
    %swap3A_41 = arith.constant 0 : index
    %swap3A_42 = vector.load %arg6[%swap3A_40, %swap3A_41] : memref<5120x8xf32, #tpu.memory_space<vmem>>, vector<5120x8xf32>
    tpu.vector_store %arg6[%swap3A_40, %swap3A_41], %dot_general3A_10 {strides = array<i32>} : memref<5120x8xf32, #tpu.memory_space<vmem>>, vector<5120x8xf32>,
    %swap3A_43 = arith.constant 0 : index
    %swap3A_44 = arith.constant 0 : index
    %swap3A_45 = vector.load %arg7[%swap3A_43, %swap3A_44] : memref<5120x8xf32, #tpu.memory_space<vmem>>, vector<5120x8xf32>
    tpu.vector_store %arg7[%swap3A_43, %swap3A_44], %add3A_29 {strides = array<i32>} : memref<5120x8xf32, #tpu.memory_space<vmem>>, vector<5120x8xf32>,
    %concatenate3A = tpu.concatenate %max3A_37, %max3A_37 in 1 : vector<1x8xf32>, vector<1x8xf32> -> vector<1x16xf32>
    %swap3A_46 = arith.constant 0 : index
    %swap3A_47 = arith.constant 0 : index
    %swap3A_48 = vector.load %arg8[%swap3A_46, %swap3A_47] : memref<1x16xf32, #tpu.memory_space<vmem>>, vector<1x16xf32>
    tpu.vector_store %arg8[%swap3A_46, %swap3A_47], %concatenate3A {strides = array<i32>} : memref<1x16xf32, #tpu.memory_space<vmem>>, vector<1x16xf32>,
    return
  }
}

module attributes {stable_mosaic.version = 14 : i64} {
  func.func @_dense2_body(%arg0: memref<2x1024x64xf32, #tpu.memory_space<vmem>>, %arg1: memref<2x1024x64xf32, #tpu.memory_space<vmem>>, %arg2: memref<1x64xf32, #tpu.memory_space<vmem>>, %arg3: memref<64x48xf32, #tpu.memory_space<vmem>>, %arg4: memref<48x8xf32, #tpu.memory_space<vmem>>, %arg5: memref<48x8xf32, #tpu.memory_space<vmem>>, %arg6: memref<1x1xf32, #tpu.memory_space<vmem>>, %arg7: memref<1x48xf32, #tpu.memory_space<vmem>>, %arg8: memref<1x48xf32, #tpu.memory_space<vmem>>, %arg9: memref<1024x48xf32, #tpu.memory_space<vmem>>, %arg10: memref<1024x8xf32, #tpu.memory_space<vmem>>, %arg11: memref<1x16xf32, #tpu.memory_space<vmem>>) attributes {dimension_semantics = [], scalar_prefetch = 0 : i64, scratch_operands = 0 : i64, tpu.core_type = #tpu.core_type<tc>} {
    %get3A = arith.constant 0 : index
    %get3A_0 = arith.constant 0 : index
    %get3A_1 = arith.constant 0 : index
    %get3A_2 = vector.load %arg0[%get3A, %get3A_0, %get3A_1] : memref<2x1024x64xf32, #tpu.memory_space<vmem>>, vector<1x1024x64xf32>
    %get3A_3 = vector.shape_cast %get3A_2 : vector<1x1024x64xf32> to vector<1024x64xf32>
    %get3A_4 = arith.constant 1 : index
    %get3A_5 = arith.constant 0 : index
    %get3A_6 = arith.constant 0 : index
    %get3A_7 = vector.load %arg0[%get3A_4, %get3A_5, %get3A_6] : memref<2x1024x64xf32, #tpu.memory_space<vmem>>, vector<1x1024x64xf32>
    %get3A_8 = vector.shape_cast %get3A_7 : vector<1x1024x64xf32> to vector<1024x64xf32>
    %add3A = arith.addf %get3A_3, %get3A_8 : vector<1024x64xf32>
    %get3A_9 = arith.constant 0 : index
    %get3A_10 = arith.constant 0 : index
    %get3A_11 = arith.constant 0 : index
    %get3A_12 = vector.load %arg1[%get3A_9, %get3A_10, %get3A_11] : memref<2x1024x64xf32, #tpu.memory_space<vmem>>, vector<1x1024x64xf32>
    %get3A_13 = vector.shape_cast %get3A_12 : vector<1x1024x64xf32> to vector<1024x64xf32>
    %get3A_14 = arith.constant 1 : index
    %get3A_15 = arith.constant 0 : index
    %get3A_16 = arith.constant 0 : index
    %get3A_17 = vector.load %arg1[%get3A_14, %get3A_15, %get3A_16] : memref<2x1024x64xf32, #tpu.memory_space<vmem>>, vector<1x1024x64xf32>
    %get3A_18 = vector.shape_cast %get3A_17 : vector<1x1024x64xf32> to vector<1024x64xf32>
    %add3A_19 = arith.addf %get3A_13, %get3A_18 : vector<1024x64xf32>
    %add3A_20 = arith.constant 1.000000e-16 : f32
    %add3A_21 = vector.broadcast %add3A_20 : f32 to vector<1024x64xf32>
    %add3A_22 = arith.addf %add3A_19, %add3A_21 : vector<1024x64xf32>
    %div3A = arith.divf %add3A, %add3A_22 : vector<1024x64xf32>
    %get3A_23 = arith.constant 0 : index
    %get3A_24 = arith.constant 0 : index
    %get3A_25 = vector.load %arg2[%get3A_23, %get3A_24] : memref<1x64xf32, #tpu.memory_space<vmem>>, vector<1x64xf32>
    %add3A_26 = vector.broadcast %get3A_25 : vector<1x64xf32> to vector<1024x64xf32>
    %add3A_27 = arith.addf %div3A, %add3A_26 : vector<1024x64xf32>
    %gt3A = arith.constant 0.000000e+00 : f32
    %gt3A_28 = vector.broadcast %gt3A : f32 to vector<1024x64xf32>
    %gt3A_29 = arith.cmpf ogt, %add3A_27, %gt3A_28 : vector<1024x64xf32>
    %exp3A = math.exp %add3A_27 : vector<1024x64xf32>
    %sub3A = arith.constant 1.000000e+00 : f32
    %sub3A_30 = vector.broadcast %sub3A : f32 to vector<1024x64xf32>
    %sub3A_31 = arith.subf %exp3A, %sub3A_30 : vector<1024x64xf32>
    %select_n3A = arith.select %gt3A_29, %add3A_27, %sub3A_31 : vector<1024x64xi1>, vector<1024x64xf32>
    %get3A_32 = arith.constant 0 : index
    %get3A_33 = arith.constant 0 : index
    %get3A_34 = vector.load %arg3[%get3A_32, %get3A_33] : memref<64x48xf32, #tpu.memory_space<vmem>>, vector<64x48xf32>
    %dot_general3A = arith.constant dense<0.000000e+00> : vector<1024x48xf32>
    %dot_general3A_35 = tpu.matmul %select_n3A, %get3A_34, %dot_general3A {dimension_numbers = #tpu.dot_dimension_numbers<[1], [0], [0], [1], [0, 0, 1, 1], [], []>, transpose_lhs_hint = false} : vector<1024x64xf32>, vector<64x48xf32>, vector<1024x48xf32> -> vector<1024x48xf32>
    %get3A_36 = arith.constant 0 : index
    %get3A_37 = arith.constant 0 : index
    %get3A_38 = vector.load %arg4[%get3A_36, %get3A_37] : memref<48x8xf32, #tpu.memory_space<vmem>>, vector<48x8xf32>
    %dot_general3A_39 = arith.constant dense<0.000000e+00> : vector<1024x8xf32>
    %dot_general3A_40 = tpu.matmul %dot_general3A_35, %get3A_38, %dot_general3A_39 {dimension_numbers = #tpu.dot_dimension_numbers<[1], [0], [0], [1], [0, 0, 1, 1], [], []>, transpose_lhs_hint = false} : vector<1024x48xf32>, vector<48x8xf32>, vector<1024x8xf32> -> vector<1024x8xf32>
    %get3A_41 = arith.constant 0 : index
    %get3A_42 = arith.constant 0 : index
    %get3A_43 = vector.load %arg5[%get3A_41, %get3A_42] : memref<48x8xf32, #tpu.memory_space<vmem>>, vector<48x8xf32>
    %dot_general3A_44 = arith.constant dense<0.000000e+00> : vector<1024x8xf32>
    %dot_general3A_45 = tpu.matmul %dot_general3A_35, %get3A_43, %dot_general3A_44 {dimension_numbers = #tpu.dot_dimension_numbers<[1], [0], [0], [1], [0, 0, 1, 1], [], []>, transpose_lhs_hint = false} : vector<1024x48xf32>, vector<48x8xf32>, vector<1024x8xf32> -> vector<1024x8xf32>
    %get3A_46 = arith.constant 0 : index
    %get3A_47 = arith.constant 0 : index
    %get3A_48 = vector.load %arg3[%get3A_46, %get3A_47] : memref<64x48xf32, #tpu.memory_space<vmem>>, vector<64x48xf32>
    %reduce_sum3A = arith.constant dense<0.000000e+00> : vector<48xf32>
    %reduce_sum3A_49 = vector.multi_reduction <add>, %get3A_48, %reduce_sum3A [0] : vector<64x48xf32> to vector<48xf32>
    %broadcast_in_dim3A = vector.shape_cast %reduce_sum3A_49 : vector<48xf32> to vector<1x48xf32>
    %get3A_50 = arith.constant 0 : index
    %get3A_51 = arith.constant 0 : index
    %get3A_52 = vector.load %arg5[%get3A_50, %get3A_51] : memref<48x8xf32, #tpu.memory_space<vmem>>, vector<48x8xf32>
    %dot_general3A_53 = arith.constant dense<0.000000e+00> : vector<1x8xf32>
    %dot_general3A_54 = tpu.matmul %broadcast_in_dim3A, %get3A_52, %dot_general3A_53 {dimension_numbers = #tpu.dot_dimension_numbers<[1], [0], [0], [1], [0, 0, 1, 1], [], []>, transpose_lhs_hint = false} : vector<1x48xf32>, vector<48x8xf32>, vector<1x8xf32> -> vector<1x8xf32>
    %get3A_55 = arith.constant 0 : index
    %get3A_56 = arith.constant 0 : index
    %get3A_57 = vector.load %arg6[%get3A_55, %get3A_56] : memref<1x1xf32, #tpu.memory_space<vmem>>, vector<1x1xf32>
    %mul3A = vector.broadcast %get3A_57 : vector<1x1xf32> to vector<1x8xf32>
    %mul3A_58 = arith.mulf %mul3A, %dot_general3A_54 : vector<1x8xf32>
    %add3A_59 = vector.broadcast %mul3A_58 : vector<1x8xf32> to vector<1024x8xf32>
    %add3A_60 = arith.addf %dot_general3A_45, %add3A_59 : vector<1024x8xf32>
    %slice3A = vector.extract_strided_slice %dot_general3A_40 {offsets = [0, 0], sizes = [1024, 1], strides = [1, 1]} : vector<1024x8xf32> to vector<1024x1xf32>
    %reduce_max3A = vector.shape_cast %slice3A : vector<1024x1xf32> to vector<1x1024x1xf32>
    %reduce_max3A_61 = arith.constant dense<0xFF800000> : vector<1xf32>
    %reduce_max3A_62 = vector.multi_reduction <maximumf>, %reduce_max3A, %reduce_max3A_61 [1, 2] : vector<1x1024x1xf32> to vector<1xf32>
    %reduce_max3A_63 = vector.shape_cast %reduce_max3A_62 : vector<1xf32> to vector<1x1x1xf32>
    %reduce_max3A_64 = vector.extract %reduce_max3A_63[0, 0, 0] : f32 from vector<1x1x1xf32>
    %slice3A_65 = vector.extract_strided_slice %add3A_60 {offsets = [0, 0], sizes = [1024, 1], strides = [1, 1]} : vector<1024x8xf32> to vector<1024x1xf32>
    %reduce_max3A_66 = vector.shape_cast %slice3A_65 : vector<1024x1xf32> to vector<1x1024x1xf32>
    %reduce_max3A_67 = arith.constant dense<0xFF800000> : vector<1xf32>
    %reduce_max3A_68 = vector.multi_reduction <maximumf>, %reduce_max3A_66, %reduce_max3A_67 [1, 2] : vector<1x1024x1xf32> to vector<1xf32>
    %reduce_max3A_69 = vector.shape_cast %reduce_max3A_68 : vector<1xf32> to vector<1x1x1xf32>
    %reduce_max3A_70 = vector.extract %reduce_max3A_69[0, 0, 0] : f32 from vector<1x1x1xf32>
    %add3A_71 = arith.addf %reduce_max3A_64, %reduce_max3A_70 : f32
    %max3A = arith.constant 0.000000e+00 : f32
    %max3A_72 = arith.maximumf %add3A_71, %max3A : f32
    %get3A_73 = arith.constant 0 : index
    %get3A_74 = arith.constant 0 : index
    %get3A_75 = vector.load %arg7[%get3A_73, %get3A_74] : memref<1x48xf32, #tpu.memory_space<vmem>>, vector<1x48xf32>
    %add3A_76 = vector.broadcast %get3A_75 : vector<1x48xf32> to vector<1024x48xf32>
    %add3A_77 = arith.addf %dot_general3A_35, %add3A_76 : vector<1024x48xf32>
    %slice3A_78 = vector.extract_strided_slice %dot_general3A_40 {offsets = [0, 0], sizes = [1024, 1], strides = [1, 1]} : vector<1024x8xf32> to vector<1024x1xf32>
    %get3A_79 = arith.constant 0 : index
    %get3A_80 = arith.constant 0 : index
    %get3A_81 = vector.load %arg8[%get3A_79, %get3A_80] : memref<1x48xf32, #tpu.memory_space<vmem>>, vector<1x48xf32>
    %mul3A_82 = vector.broadcast %slice3A_78 : vector<1024x1xf32> to vector<1024x48xf32>
    %mul3A_83 = vector.broadcast %get3A_81 : vector<1x48xf32> to vector<1024x48xf32>
    %mul3A_84 = arith.mulf %mul3A_82, %mul3A_83 : vector<1024x48xf32>
    %add3A_85 = arith.addf %add3A_77, %mul3A_84 : vector<1024x48xf32>
    %swap3A = arith.constant 0 : index
    %swap3A_86 = arith.constant 0 : index
    %swap3A_87 = vector.load %arg9[%swap3A, %swap3A_86] : memref<1024x48xf32, #tpu.memory_space<vmem>>, vector<1024x48xf32>
    tpu.vector_store %arg9[%swap3A, %swap3A_86], %add3A_85 {strides = array<i32>} : memref<1024x48xf32, #tpu.memory_space<vmem>>, vector<1024x48xf32>,
    %swap3A_88 = arith.constant 0 : index
    %swap3A_89 = arith.constant 0 : index
    %swap3A_90 = vector.load %arg10[%swap3A_88, %swap3A_89] : memref<1024x8xf32, #tpu.memory_space<vmem>>, vector<1024x8xf32>
    tpu.vector_store %arg10[%swap3A_88, %swap3A_89], %add3A_60 {strides = array<i32>} : memref<1024x8xf32, #tpu.memory_space<vmem>>, vector<1024x8xf32>,
    %broadcast_in_dim3A_91 = vector.broadcast %max3A_72 : f32 to vector<1x16xf32>
    %swap3A_92 = arith.constant 0 : index
    %swap3A_93 = arith.constant 0 : index
    %swap3A_94 = vector.load %arg11[%swap3A_92, %swap3A_93] : memref<1x16xf32, #tpu.memory_space<vmem>>, vector<1x16xf32>
    tpu.vector_store %arg11[%swap3A_92, %swap3A_93], %broadcast_in_dim3A_91 {strides = array<i32>} : memref<1x16xf32, #tpu.memory_space<vmem>>, vector<1x16xf32>,
    return
  }
}

module attributes {stable_mosaic.version = 14 : i64} {
  func.func @_final_body(%arg0: memref<2x1000x48xf32, #tpu.memory_space<vmem>>, %arg1: memref<1x48xf32, #tpu.memory_space<vmem>>, %arg2: memref<1000x41xf32, #tpu.memory_space<vmem>>) attributes {dimension_semantics = [], scalar_prefetch = 0 : i64, scratch_operands = 0 : i64, tpu.core_type = #tpu.core_type<tc>} {
    %get3A = arith.constant 0 : index
    %get3A_0 = arith.constant 0 : index
    %get3A_1 = arith.constant 0 : index
    %get3A_2 = vector.load %arg0[%get3A, %get3A_0, %get3A_1] : memref<2x1000x48xf32, #tpu.memory_space<vmem>>, vector<1x1000x48xf32>
    %get3A_3 = vector.shape_cast %get3A_2 : vector<1x1000x48xf32> to vector<1000x48xf32>
    %get3A_4 = arith.constant 1 : index
    %get3A_5 = arith.constant 0 : index
    %get3A_6 = arith.constant 0 : index
    %get3A_7 = vector.load %arg0[%get3A_4, %get3A_5, %get3A_6] : memref<2x1000x48xf32, #tpu.memory_space<vmem>>, vector<1x1000x48xf32>
    %get3A_8 = vector.shape_cast %get3A_7 : vector<1x1000x48xf32> to vector<1000x48xf32>
    %add3A = arith.addf %get3A_3, %get3A_8 : vector<1000x48xf32>
    %slice3A = vector.extract_strided_slice %add3A {offsets = [0, 0], sizes = [1000, 41], strides = [1, 1]} : vector<1000x48xf32> to vector<1000x41xf32>
    %slice3A_9 = vector.extract_strided_slice %add3A {offsets = [0, 41], sizes = [1000, 1], strides = [1, 1]} : vector<1000x48xf32> to vector<1000x1xf32>
    %add3A_10 = arith.constant 1.000000e-16 : f32
    %add3A_11 = vector.broadcast %add3A_10 : f32 to vector<1000x1xf32>
    %add3A_12 = arith.addf %slice3A_9, %add3A_11 : vector<1000x1xf32>
    %div3A = vector.broadcast %add3A_12 : vector<1000x1xf32> to vector<1000x41xf32>
    %div3A_13 = arith.divf %slice3A, %div3A : vector<1000x41xf32>
    %get3A_14 = arith.constant 0 : index
    %get3A_15 = arith.constant 0 : index
    %get3A_16 = vector.load %arg1[%get3A_14, %get3A_15] : memref<1x48xf32, #tpu.memory_space<vmem>>, vector<1x48xf32>
    %slice3A_17 = vector.extract_strided_slice %get3A_16 {offsets = [0, 0], sizes = [1, 41], strides = [1, 1]} : vector<1x48xf32> to vector<1x41xf32>
    %add3A_18 = vector.broadcast %slice3A_17 : vector<1x41xf32> to vector<1000x41xf32>
    %add3A_19 = arith.addf %div3A_13, %add3A_18 : vector<1000x41xf32>
    %reduce_max3A = arith.constant dense<0xFF800000> : vector<1000xf32>
    %reduce_max3A_20 = vector.multi_reduction <maximumf>, %add3A_19, %reduce_max3A [1] : vector<1000x41xf32> to vector<1000xf32>
    %max3A = arith.constant 0xFF800000 : f32
    %max3A_21 = vector.broadcast %max3A : f32 to vector<1000xf32>
    %max3A_22 = arith.maximumf %max3A_21, %reduce_max3A_20 : vector<1000xf32>
    %broadcast_in_dim3A = vector.shape_cast %max3A_22 : vector<1000xf32> to vector<1000x1xf32>
    %is_finite3A = tpu.weird %broadcast_in_dim3A : vector<1000x1xf32> -> vector<1000x1xi1>
    %is_finite3A_23 = arith.constant dense<true> : vector<1000x1xi1>
    %is_finite3A_24 = arith.xori %is_finite3A, %is_finite3A_23 : vector<1000x1xi1>
    %broadcast_in_dim3A_25 = arith.constant 0.000000e+00 : f32
    %broadcast_in_dim3A_26 = vector.broadcast %broadcast_in_dim3A_25 : f32 to vector<1000x1xf32>
    %select_n3A = arith.select %is_finite3A_24, %broadcast_in_dim3A, %broadcast_in_dim3A_26 : vector<1000x1xi1>, vector<1000x1xf32>
    %sub3A = vector.broadcast %select_n3A : vector<1000x1xf32> to vector<1000x41xf32>
    %sub3A_27 = arith.subf %add3A_19, %sub3A : vector<1000x41xf32>
    %exp3A = math.exp %sub3A_27 : vector<1000x41xf32>
    %reduce_sum3A = arith.constant dense<0.000000e+00> : vector<1000xf32>
    %reduce_sum3A_28 = vector.multi_reduction <add>, %exp3A, %reduce_sum3A [1] : vector<1000x41xf32> to vector<1000xf32>
    %broadcast_in_dim3A_29 = vector.shape_cast %reduce_sum3A_28 : vector<1000xf32> to vector<1000x1xf32>
    %abs3A = math.absf %broadcast_in_dim3A_29 : vector<1000x1xf32>
    %log3A = math.log %abs3A : vector<1000x1xf32>
    %add3A_30 = arith.addf %log3A, %select_n3A : vector<1000x1xf32>
    %sub3A_31 = vector.broadcast %add3A_30 : vector<1000x1xf32> to vector<1000x41xf32>
    %sub3A_32 = arith.subf %add3A_19, %sub3A_31 : vector<1000x41xf32>
    %swap3A = arith.constant 0 : index
    %swap3A_33 = arith.constant 0 : index
    %swap3A_34 = vector.load %arg2[%swap3A, %swap3A_33] : memref<1000x41xf32, #tpu.memory_space<vmem>>, vector<1000x41xf32>
    tpu.vector_store %arg2[%swap3A, %swap3A_33], %sub3A_32 {strides = array<i32>} : memref<1000x41xf32, #tpu.memory_space<vmem>>, vector<1000x41xf32>,
    return
  }
}

</mosaic_0001>

<sc_bundles>
// kernel: kernel.10.cloned.1.call-start
scs
__scs_entry_jumppad:
0x0: {  	(pc) =	sbr.rel $0x88, $3  }
0x1: {  	(tag) =	ssettag $0x0;
	lr =	simm.s32 $0x1  }
0x2: {  	[smem:$0x3F94] =	sst lr;
	_ =	strace $0xD0000000  }
0x3: {  	_ = 	snop  }
0x4: {  	_ = 	snop  }
0x5: {  	_ = 	snop  }
0x6: {  	_ = 	snop  }
0x7: {  	_ = 	snop  }
__scs_overlays_trampoline_lowered:
0x8: {  	[smem:$0x3FA3] =	sst s0  }
0x9: {  	[smem:$0x3FA4] =	sst s1  }
0xa: {  	[smem:$0x3FA5] =	sst s2  }
0xb: {  	[smem:$0x3FA6] =	sst s3  }
0xc: {  	[smem:$0x3FA7] =	sst s4  }
0xd: {  	[smem:$0x3FA8] =	sst s5  }
0xe: {  	[smem:$0x3FA9] =	sst s6  }
0xf: {  	[smem:$0x3FAA] =	sst s7  }
0x10: {  	[smem:$0x3FAB] =	sst s8  }
0x11: {  	[smem:$0x3FAC] =	sst s9;
	s0 =	simm.s32 @!p0 $0x0  }
0x12: {  	s1 =	sld [smem:$0x3F92];
	s0 =	simm.s32 @p0 $0x1  }
0x13: {  	[smem:$0x3FAD] =	sst s0;
	s0 =	simm.s32 @!p1 $0x0  }
0x14: {  	s2 =	sld [smem:$0x3F91];
	s0 =	simm.s32 @p1 $0x1  }
0x15: {  	[smem:$0x3FAE] =	sst s0;
	s0 =	simm.s32 @!p2 $0x0  }
0x16: {  	s3 =	sld [smem:$0x3FDB];
	s0 =	simm.s32 @p2 $0x1  }
0x17: {  	s4 =	simm.s32 $0x1BF5;
	[smem:$0x3FB0] =	sst s0  }
0x18: {  	s0 =	sld [smem:$0x3F93];
	_ =	swait.ge [sflag:s4], $0x0  }
0x19: {  	s7 =	sld [smem:$0x3F94]  }
0x1a: {  	s8 =	sadd.s32 $0xFFFFE003, lr  }
0x1b: {  	s9 =	sadd.s32 $0xFFFFFEF7, lr;
	s5 =	simm.s32 $0xFFFFFFFF;
	p2 =	slt.u32 s8, $0xFFFFF086  }
0x1c: {  	p1 =	slt.u32 s9, $0xF7A;
	s5 =	simm.s32 @!p2 $0x0  }
0x1d: {  	s5 =	simm.s32 @p1 $0x1;
	p0 =	seq.s32 s7, s2  }
0x1e: {  	s7 =	smul.u32 @!p0 $0xF7A, s2;
	p2 =	seq.s32 @!p0 s5, $0x0  }
0x1f: {  	s9 =	smul.u32 $0xF7A, s1;
	s8 =	simm.s32 @!p0 $0x1BF5;
	p2 =	por !p2, p0  }
0x20: {  	[sflag:s8] =	ssyncset.s32 @!p0 $0xFFFFF086;
	s6 =	sadd.s32 @!p0 s3, s7;
	s7 =	simm.s32 @!p0 $0x108  }
0x21: {  	s3 =	sadd.s32 s3, s9;
	s6 =	sadd.s32 @!p0 $0x88, s6;
	s7 =	simm.s32 @p2 $0x1082  }
0x22: {  	[simem:s7], [sflag:s8] =	dma.local @!p0 [hbm:s6], $0xF7A  }
0x23: {  	s9 =	sor.u32 $0xD0000000, s2;
	s6 =	simm.s32 $0x108;
	_ =	swait.ge @!p0 [sflag:s8], $0x0  }
0x24: {  	s3 =	sadd.s32 $0x88, s3;
	s6 =	simm.s32 @!p1 $0x1082;
	[sflag:s4] =	ssyncset.s32 $0xFFFFF086  }
0x25: {  	[simem:s6], [sflag:s4] =	dma.local [hbm:s3], $0xF7A  }
0x26: {  	[smem:$0x3F94] =	sst s1;
	(tag) =	ssettag s2;
	_ =	strace s9  }
0x27: {  	s1 =	sld [smem:$0x3FA4]  }
0x28: {  	s2 =	sld [smem:$0x3FA5]  }
0x29: {  	s4 =	sld [smem:$0x3FA7]  }
0x2a: {  	p0 =	seq.s32 s5, $0x0;
	s5 =	sld [smem:$0x3FA8]  }
0x2b: {  	s6 =	sld [smem:$0x3FA9]  }
0x2c: {  	s7 =	sld [smem:$0x3FAA]  }
0x2d: {  	s3 =	simm.s32 $0x108;
	s8 =	sld [smem:$0x3FAB]  }
0x2e: {  	s3 =	simm.s32 @!p0 $0x1082;
	s9 =	sld [smem:$0x3FAC]  }
0x2f: {  	lr =	sadd.s32 s0, s3;
	s0 =	sld [smem:$0x3FA3]  }
0x30: {  	s3 =	sld [smem:$0x3FA6]  }
0x31: {  	[smem:$0x3FAF] =	sst s10  }
0x32: {  	s10 =	sld [smem:$0x3FAD];
	_ =	sdelay $0x3  }
0x33: {  	p0 =	seq.s32 s10, $0x1;
	s10 =	sld [smem:$0x3FAF];
	_ =	sdelay $0x3  }
0x34: {  	[smem:$0x3FAF] =	sst s10  }
0x35: {  	s10 =	sld [smem:$0x3FAE];
	_ =	sdelay $0x3  }
0x36: {  	p1 =	seq.s32 s10, $0x1;
	s10 =	sld [smem:$0x3FAF];
	_ =	sdelay $0x3  }
0x37: {  	[smem:$0x3FAF] =	sst s10  }
0x38: {  	s10 =	sld [smem:$0x3FB0]  }
0x39: {  	_ = 	snop;
	(pc) =	sbr.ind lr, $3  }
0x3a: {  	_ = 	snop  }
0x3b: {  	_ = 	snop  }
0x3c: {  	p2 =	seq.s32 s10, $0x1;
	s10 =	sld [smem:$0x3FAF]  }
0x3d: {  	_ =	shalt  }
0x3e: {  	_ =	shalt  }
0x3f: {  	_ =	shalt  }
0x40: {  	_ =	shalt  }
0x41: {  	_ =	shalt  }
0x42: {  	_ =	shalt  }
0x43: {  	_ =	shalt  }
0x44: {  	_ =	shalt  }
0x45: {  	_ =	shalt  }
0x46: {  	_ =	shalt  }
0x47: {  	_ =	shalt  }
0x48: {  	_ =	shalt  }
0x49: {  	_ =	shalt  }
0x4a: {  	_ =	shalt  }
0x4b: {  	_ =	shalt  }
0x4c: {  	_ =	shalt  }
0x4d: {  	_ =	shalt  }
0x4e: {  	_ =	shalt  }
0x4f: {  	_ =	shalt  }
0x50: {  	_ =	shalt  }
0x51: {  	_ =	shalt  }
0x52: {  	_ =	shalt  }
0x53: {  	_ =	shalt  }
0x54: {  	_ =	shalt  }
0x55: {  	_ =	shalt  }
0x56: {  	_ =	shalt  }
0x57: {  	_ =	shalt  }
0x58: {  	_ =	shalt  }
0x59: {  	_ =	shalt  }
0x5a: {  	_ =	shalt  }
0x5b: {  	_ =	shalt  }
0x5c: {  	_ =	shalt  }
0x5d: {  	_ =	shalt  }
0x5e: {  	_ =	shalt  }
0x5f: {  	_ =	shalt  }
0x60: {  	_ =	shalt  }
0x61: {  	_ =	shalt  }
0x62: {  	_ =	shalt  }
0x63: {  	_ =	shalt  }
0x64: {  	_ =	shalt  }
0x65: {  	_ =	shalt  }
0x66: {  	_ =	shalt  }
0x67: {  	_ =	shalt  }
0x68: {  	_ =	shalt  }
0x69: {  	_ =	shalt  }
0x6a: {  	_ =	shalt  }
0x6b: {  	_ =	shalt  }
0x6c: {  	_ =	shalt  }
0x6d: {  	_ =	shalt  }
0x6e: {  	_ =	shalt  }
0x6f: {  	_ =	shalt  }
0x70: {  	_ =	shalt  }
0x71: {  	_ =	shalt  }
0x72: {  	_ =	shalt  }
0x73: {  	_ =	shalt  }
0x74: {  	_ =	shalt  }
0x75: {  	_ =	shalt  }
0x76: {  	_ =	shalt  }
0x77: {  	_ =	shalt  }
0x78: {  	_ =	shalt  }
0x79: {  	_ =	shalt  }
0x7a: {  	_ =	shalt  }
0x7b: {  	_ =	shalt  }
0x7c: {  	_ =	shalt  }
0x7d: {  	_ =	shalt  }
0x7e: {  	_ =	shalt  }
0x7f: {  	_ =	shalt  }
0x80: {  	_ =	shalt  }
0x81: {  	_ =	shalt  }
0x82: {  	_ =	shalt  }
0x83: {  	_ =	shalt  }
0x84: {  	_ =	shalt  }
0x85: {  	_ =	shalt  }
0x86: {  	_ =	shalt  }
0x87: {  	_ =	shalt  }
.Lfunc_end0:
.L_simem_size_0:
called_computation.1_lowered:
.L_overlay_start_0:
0x88: {  	s2 =	sld [smem:$0x3FD9]  }
0x89: {  	s3 =	sld [smem:$0x3FFE];
	_ =	sdelay $0x1  }
0x8a: {  	s1 =	srdreg.scid  }
0x8b: {  	s0 =	sand.u32 $0x1, s1  }
0x8c: {  	s17 =	sshll.u32 s0, $0xA;
	s2 =	sadd.s32 s3, s2  }
0x8d: {  	s2 =	sadd.s32 s2, s17  }
0x8e: {  	[smem:$0x3FBB] =	sst s2  }
0x8f: {  	_ = 	snop  }
0x90: {  	s2 =	sld [smem:$0x3FD0];
	(tm) =	ssettm $0x1  }
0x91: {  	s18 =	sld [smem:$0x3FFB];
	_ =	sdelay $0x3  }
0x92: {  	_ =	strace s18  }
0x93: {  	s3 =	sld [smem:$0x3FFC];
	_ =	sdelay $0x3  }
0x94: {  	_ =	strace s3  }
0x95: {  	s3 =	sld [smem:$0x3FFD];
	_ =	sdelay $0x3  }
0x96: {  	_ =	strace s3  }
0x97: {  	_ =	strace $0x8FFFFFFF  }
0x98: {  	s19 =	sld [smem:$0x3FDB];
	_ =	sdelay $0x1  }
0x99: {  	s4 =	simm.s32 $_scs_section_size  }
0x9a: {  	s5 =	simm.s32 $_size__tile_overlayer_lowered;
	s6 =	simm.s32 $_tile_overlayer_lowered  }
0x9b: {  	s22 =	simm.s32 $0x1BFF;
	s21 =	sshll.u32 s6, $0x1;
	s3 =	sadd.s32 s4, s19  }
0x9c: {  	s7 =	simm.s32 $0x0;
	s20 =	sshll.u32 s5, $0x1;
	s5 =	sadd.s32 s21, s3  }
0x9d: {  	[timem:s7], [sflag:s22] =	dma.local [hbm:s5], s20  }
0x9e: {  	_ =	swait.ge [sflag:s22], s20  }
0x9f: {  	s4 =	ssub.s32 $0x0, s20;
	[sflag:s22] =	ssyncset.done $0x0  }
0xa0: {  	[sflag:s22] =	ssyncadd.s32 s4;
	_ =	sdelay $0x1  }
0xa1: {  	s23 =	simm.s32 $0x1B8B  }
0xa2: {  	_ =	swait.ge [sflag:s23], $0x1  }
0xa3: {  	[sflag:s23] =	ssyncset.done $0x0  }
0xa4: {  	s25 =	simm.s32 $0x1B8E;
	s24 =	sld [smem:$0x3FFE];
	[sflag:s23] =	ssyncadd.s32 $0xFFFFFFFF  }
0xa5: {  	s26 =	simm.s32 $execute0_lowered;
	[smem:$0x3FD2] =	sst s25  }
0xa6: {  	s5 =	sshll.u32 s26, $0x1;
	_ =	strace $0x80000049;
	[dreg:$0x1] =	wrdreg $0xFFFFFFFF  }
0xa7: {  	s28 =	simm.s32 $_size_execute0_lowered;
	s3 =	sadd.s32 s3, s5;
	[dreg:$0x0] =	wrdreg $0x0  }
0xa8: {  	s5 =	sshll.u32 s28, $0x1;
	[dreg:$0x2] =	wrdreg s3  }
0xa9: {  	[dreg:$0x3] =	wrdreg s5  }
0xaa: {  	[dreg:$0x4] =	wrdreg $0xC0  }
0xab: {  	_ =	task [dreg:s7], $0x5FFFF  }
0xac: {  	[dreg:$0x1] =	wrdreg $0xFFFFFFFF  }
0xad: {  	[dreg:$0x0] =	wrdreg $0x60  }
0xae: {  	[dreg:$0x2] =	wrdreg s2  }
0xaf: {  	[dreg:$0x3] =	wrdreg s24  }
0xb0: {  	[dreg:$0x4] =	wrdreg $0x0  }
0xb1: {  	[dreg:$0x5] =	wrdreg $0x9  }
0xb2: {  	_ =	task.clear_ibuf [dreg:s7], $0x6FFFF;
	_ =	strace $0x90000049  }
0xb3: {  	s29 =	simm.s32 $0x9;
	_ =	strace $0x8000004B  }
0xb4: {  	_ =	swait.ge [sflag:s29], $0x1  }
0xb5: {  	[sflag:s29] =	ssyncadd.s32 $0xFFFFFFFF  }
0xb6: {  	_ =	strace $0x9000004B  }
0xb7: {  	_ =	sfence  }
0xb8: {  	s30 =	sld [smem:$0x0];
	_ =	sdelay $0x2  }
0xb9: {  	s31 =	sshll.u32 s1, $0xD;
	s1 =	sshrl.u32 s1, $0x2  }
0xba: {  	s3 =	sand.u32 $0x4000, s31;
	s1 =	sadd.s32 s1, s30  }
0xbb: {  	s0 =	sor.u32 s3, s0;
	s1 =	sshll.u32 s1, $0x11  }
0xbc: {  	s0 =	sor.u32 s1, s0  }
0xbd: {  	s0 =	sadd.s32 $0x8F2B, s0  }
0xbe: {  	[sflag:s0] =	ssyncadd.remote.s32 $0x1  }
0xbf: {  	_ =	sfence.sel $0xFFFF  }
0xc0: {  	[dreg:$0x0] =	wrdreg $0xFFFFFFFF;
	(pc) =	sbr.abs _section_cstart, $3  }
0xc1: {  	[dreg:$0x1] =	wrdreg $0xFFFFFFFF  }
0xc2: {  	_ =	task.clear_ibuf [dreg:s7], $0x2FFFF;
	_ =	strace $0x9FFFFFFF  }
0xc3: {  	(tm) =	ssettm $0x7FFFFFFF  }
tec
execute0_lowered:
.L_overlay_start_1:
0x0: {  	(tag) =	ssettag $0x1  }
0x1: {  	s1 =	rddreg [dreg:$0x0]  }
0x2: {  	s3 =	rddreg [dreg:$0x1]  }
0x3: {  	s4 =	rddreg [dreg:$0x2]  }
0x4: {  	s0 =	rddreg [dreg:$0x3]  }
0x5: {  	s6 =	srdreg.scid;
	s2 =	stileid.u32;
	s5 =	simm.s32 $0x0  }
0x6: {  	s16 =	simm.s32 $0x1000;
	s17 =	simm.s32 $0x2910;
	s18 =	simm.s32 $0x1010  }
0x7: {  	s19 =	simm.s32 $0x1090;
	s20 =	simm.s32 $0x80;
	s21 =	simm.s32 $0x1110  }
0x8: {  	s22 =	simm.s32 $0x1;
	s23 =	simm.s32 $0x0;
	s9 =	sand.u32 $0x1, s6  }
0x9: {  	s10 =	smul.u32 $0xC00, s2;
	[smem:$0x7FF] =	sst s5;
	s6 =	sadd.s32 $0x200, s3  }
0xa: {  	v0 =	vlaneseq.u32;
	v1 =	vimm.f32 $0.0e+00;
	v5 =	vimm.s32 $0x0;
	s7 =	sadd.s32 $0x42400, s3;
	s8 =	sadd.s32 $0x41400, s3;
	s11 =	smul.u32 $0xC000, s9  }
0xb: {  	v6 =	vimm.s32 $0x1;
	v7 =	vimm.s32 $0x2;
	v8 =	vimm.s32 $0x3;
	_ =	strace $0x8000004A;
	s12 =	ssub.s32 $0x2, s9;
	s9 =	sshll.u32 s9, $0x4  }
0xc: {  	v9 =	vimm.s32 $0x4;
	v10 =	vimm.s32 $0x5;
	v11 =	vimm.s32 $0x6;
	s31 =	sshrl.u32 s12, $0x1;
	s14 =	sor.u32 s2, s9;
	s9 =	simm.s32 $0x8  }
0xd: {  	v12 =	vimm.s32 $0x7;
	v13 =	vimm.s32 $0x8;
	v14 =	vimm.s32 $0x9;
	s11 =	sadd.s32 s10, s11;
	s15 =	ssub.s32 s12, s31;
	p0 =	slt.u32 s14, $0x1A  }
0xe: {  	v15 =	vimm.s32 $0xA;
	v16 =	vimm.s32 $0xB;
	v17 =	vimm.s32 $0xC;
	s10 =	sadd.s32 s10, s4;
	s11 =	sshrl.u32 s11, $0x3;
	s9 =	simm.s32 @!p0 $0x7  }
0xf: {  	v18 =	vimm.s32 $0xD;
	v19 =	vimm.s32 $0xE;
	v20 =	vimm.s32 $0xF;
	s13 =	sadd.s32 s11, s3;
	s11 =	sshll.u32 s14, $0x7;
	s14 =	simm.s32 $0xC00  }
0x10: {  	v2 =	vor.u32 $0x10, v0;
	v3 =	vor.u32 $0x20, v0;
	v4 =	vor.u32 $0xFFFFFFF8, v0;
	s12 =	sadd.s32 $0x400, s13;
	s13 =	smax.u32 s15, $0x1;
	s15 =	simm.s32 $0x2  }
.LBB2_1:
0x11: {  	v21 =	vmov s5  }
0x12: {  	v21 =	vmul.u32 $0x30, v21  }
0x13: {  	[tilespmem:s14], [sflag:$0x2] =	stream.linear.gather [hbm4b:s6+s5], $0x400, $0x38;
	[tilespmem:$0x4110] =	vst v63  }
0x14: {  	_ =	swait.ge [sflag:s15], $0x400;
	v22 =	vbroadcast v21, $0x0  }
0x15: {  	[sflag:s15] =	ssyncset.done $0x0  }
0x16: {  	s24 =	simm.s32 $0x1;
	[sflag:s15] =	ssyncadd.s32 $0xFFFFFC00;
	v23 =	vor.u32 v0, v22  }
0x17: {  	v21 =	vmov s24;
	[tilespmem:s16], [sflag:$0x2] =	stream.linear.gather [hbm4b:s3+s5], $0x10, $0x38;
	v25 =	vadd.s32 v2, v22;
	[tilespmem:$0x4110] =	vst v63  }
0x18: {  	v24 =	vmul.u32 $0x30, v21;
	_ =	swait.ge [sflag:s15], $0x10;
	v22 =	vadd.s32 v3, v22  }
0x19: {  	[sflag:s15] =	ssyncset.done $0x0  }
0x1a: {  	v24 =	vbroadcast v24, $0x0;
	[sflag:s15] =	ssyncadd.s32 $0xFFFFFFF0  }
0x1b: {  	v21 =	vld [tilespmem:$0x1000];
	[tilespmem:v23+s17+$0x0] =	vst.idx.msk $0xffff, v1  }
0x1c: {  	s24 =	simm.s32 $0x2;
	v23 =	vor.u32 v0, v24;
	[tilespmem:v25+s17+$0x0] =	vst.idx.msk $0xffff, v1  }
.LBB2_2:
0x1d: {  	v25 =	vmov s24;
	v26 =	vadd.s32 v2, v24;
	[tilespmem:v22+s17+$0x0] =	vst.idx.msk $0xffff, v1;
	p0 =	sne.s32 s24, $0x7F  }
.Ltmp0:
0x1e: {  	v22 =	vadd.s32 v3, v24;
	v25 =	vmul.u32 $0x30, v25;
	(pc) =	sbr.rel @p0 .LBB2_2-.Ltmp0, $4  }
0x1f: {  	s24 =	sadd.s32 $0x1, s24  }
0x20: {  	v24 =	vbroadcast v25, $0x0  }
0x21: {  	[tilespmem:v23+s17+$0x0] =	vst.idx.msk $0xffff, v1  }
0x22: {  	v23 =	vor.u32 v0, v24;
	[tilespmem:v26+s17+$0x0] =	vst.idx.msk $0xffff, v1  }
0x23: {  	_ = 	snop  }
0x24: {  	v25 =	vadd.s32 v2, v24  }
0x25: {  	v63 =	vadd.s32 v3, v24;
	_ =	sdelay $0x1  }
0x26: {  	[tilespmem:v22+s17+$0x0] =	vst.idx.msk $0xffff, v1  }
0x27: {  	[tilespmem:v23+s17+$0x0] =	vst.idx.msk $0xffff, v1  }
0x28: {  	[tilespmem:v25+s17+$0x0] =	vst.idx.msk $0xffff, v1  }
0x29: {  	[tilespmem:v63+s17+$0x0] =	vst.idx.msk $0xffff, v1  }
0x2a: {  	[spmem:s10] =	stream.linear.scatter [tilespmem:s17], [sflag:$0x2], $0xC00, $0x38;
	[tilespmem:$0x4110] =	vst v63  }
0x2b: {  	_ =	swait.ge [sflag:s15], $0xC00  }
0x2c: {  	[sflag:s15] =	ssyncset.done $0x0  }
0x2d: {  	[sflag:s15] =	ssyncadd.s32 $0xFFFFF400  }
0x2e: {  	s24 =	simm.s32 $0x0;
	s25 =	simm.s32 $0x0;
	[bflag:$0x0] =	sbarrier.arrive $0xFFFF  }
.LBB2_4:
0x2f: {  	s26 =	sshll.u32 s25, $0xC  }
0x30: {  	s26 =	sor.u32 s11, s26  }
0x31: {  	s26 =	sshrl.u32 s26, $0x3  }
0x32: {  	s28 =	sadd.s32 s7, s26  }
0x33: {  	[tilespmem:s18], [sflag:$0x2] =	stream.linear.gather [hbm4b:s28+s24], $0x80, $0x38;
	[tilespmem:$0x4110] =	vst v63  }
0x34: {  	_ =	swait.ge [sflag:s15], $0x80  }
0x35: {  	[sflag:s15] =	ssyncset.done $0x0  }
0x36: {  	s26 =	sadd.s32 s8, s26;
	[sflag:s15] =	ssyncadd.s32 $0xFFFFFF80  }
0x37: {  	[tilespmem:s19], [sflag:$0x2] =	stream.linear.gather [hbm4b:s26+s24], $0x80, $0x38;
	[tilespmem:$0x4110] =	vst v63  }
0x38: {  	_ =	swait.ge [sflag:s15], $0x80  }
0x39: {  	[sflag:s15] =	ssyncset.done $0x0  }
0x3a: {  	[sflag:s15] =	ssyncadd.s32 $0xFFFFFF80  }
0x3b: {  	[tilespmem:s21], [sflag:$0x1] =	stream.indirect.gather [hbm4b:s1+s20], $0x30, s18, s20, $0xb8;
	[tilespmem:$0x4110] =	vst v63  }
0x3c: {  	_ =	swait.ge [sflag:s22], $0x1800  }
0x3d: {  	s29 =	simm.s32 $0x0;
	[sflag:s22] =	ssyncset.done $0x0  }
0x3e: {  	s28 =	simm.s32 $0x2A90;
	s26 =	simm.s32 $0x1290;
	[sflag:s22] =	ssyncadd.s32 $0xFFFFE800  }
.LBB2_5:
0x3f: {  	v22 =	vor.u32 s29, v0  }
0x40: {  	v23 =	vand.u32 v4, v22;
	_ =	sdelay $0x4  }
0x41: {  	v22 =	vmul.u32 $0x30, v22;
	v23 =	vld.idx.msk [tilespmem:v23+s19+$0x0], $0xffff;
	_ =	sdelay $0x1  }
0x42: {  	v22 =	vadd.s32 $0x2A, v22;
	_ =	sdelay $0x4  }
0x43: {  	v22 =	vld.idx.msk [tilespmem:v22+s21+$0x0], $0xffff  }
0x44: {  	v23 =	vld.idx.msk [tilespmem:v23+s14+$0x0], $0xffff;
	_ =	sdelay $0x4  }
0x45: {  	v22 =	vadd.f32 v23, v22;
	_ =	sdelay $0x1  }
0x46: {  	v23 =	vmul.f32 $2.000000030e-01, v22;
	_ =	sdelay $0x1  }
0x47: {  	v22 =	vmax.f32 v22, v23  }
0x48: {  	v22 =	vsub.f32 v22, v21;
	_ =	sdelay $0x1  }
0x49: {  	v22 =	vmul.f32 $1.442695020e+00, v22;
	_ =	sdelay $0x1  }
0x4a: {  	(erf) = vpow2.f32 v22;
	_ =	sdelay $0x6  }
0x4b: {  	v23 =	vld [tilespmem:s26+$0xFFFFFE80];
	_ =	sdelay $0x1  }
0x4c: {  	v22 =	vpop (erf)  }
0x4d: {  	v24 =	vperm.xlane v22, v5;
	_ =	sdelay $0x1  }
0x4e: {  	v23 =	vmul.f32 v23, v24;
	_ =	sdelay $0x1  }
0x4f: {  	[tilespmem:s28+$0xFFFFFE80] =	vst v23  }
0x50: {  	v23 =	vld [tilespmem:s26+$0xFFFFFE90];
	_ =	sdelay $0x4  }
0x51: {  	v23 =	vmul.f32 v23, v24;
	_ =	sdelay $0x1  }
0x52: {  	[tilespmem:s28+$0xFFFFFE90] =	vst v23  }
0x53: {  	v23 =	vld [tilespmem:s26+$0xFFFFFEA0];
	_ =	sdelay $0x4  }
0x54: {  	v23 =	vmul.f32 v23, v24;
	_ =	sdelay $0x1  }
0x55: {  	[tilespmem:s28+$0xFFFFFEA0] =	vst v23  }
0x56: {  	v23 =	vld [tilespmem:s26+$0xFFFFFEB0];
	_ =	sdelay $0x2  }
0x57: {  	v50 =	vperm.xlane v22, v6;
	_ =	sdelay $0x1  }
0x58: {  	v23 =	vmul.f32 v23, v50;
	_ =	sdelay $0x1  }
0x59: {  	[tilespmem:s28+$0xFFFFFEB0] =	vst v23  }
0x5a: {  	v23 =	vld [tilespmem:s26+$0xFFFFFEC0];
	_ =	sdelay $0x4  }
0x5b: {  	v23 =	vmul.f32 v23, v50;
	_ =	sdelay $0x1  }
0x5c: {  	[tilespmem:s28+$0xFFFFFEC0] =	vst v23  }
0x5d: {  	v23 =	vld [tilespmem:s26+$0xFFFFFED0];
	_ =	sdelay $0x4  }
0x5e: {  	v23 =	vmul.f32 v23, v50;
	_ =	sdelay $0x1  }
0x5f: {  	[tilespmem:s28+$0xFFFFFED0] =	vst v23  }
0x60: {  	v23 =	vld [tilespmem:s26+$0xFFFFFEE0];
	_ =	sdelay $0x2  }
0x61: {  	v51 =	vperm.xlane v22, v7;
	_ =	sdelay $0x1  }
0x62: {  	v23 =	vmul.f32 v23, v51;
	_ =	sdelay $0x1  }
0x63: {  	[tilespmem:s28+$0xFFFFFEE0] =	vst v23  }
0x64: {  	v23 =	vld [tilespmem:s26+$0xFFFFFEF0];
	_ =	sdelay $0x4  }
0x65: {  	v23 =	vmul.f32 v23, v51;
	_ =	sdelay $0x1  }
0x66: {  	[tilespmem:s28+$0xFFFFFEF0] =	vst v23  }
0x67: {  	v23 =	vld [tilespmem:s26+$0xFFFFFF00];
	_ =	sdelay $0x4  }
0x68: {  	v23 =	vmul.f32 v23, v51;
	_ =	sdelay $0x1  }
0x69: {  	[tilespmem:s28+$0xFFFFFF00] =	vst v23  }
0x6a: {  	v23 =	vld [tilespmem:s26+$0xFFFFFF10];
	_ =	sdelay $0x2  }
0x6b: {  	v52 =	vperm.xlane v22, v8;
	_ =	sdelay $0x1  }
0x6c: {  	v23 =	vmul.f32 v23, v52;
	_ =	sdelay $0x1  }
0x6d: {  	[tilespmem:s28+$0xFFFFFF10] =	vst v23  }
0x6e: {  	v23 =	vld [tilespmem:s26+$0xFFFFFF20];
	_ =	sdelay $0x4  }
0x6f: {  	v23 =	vmul.f32 v23, v52;
	_ =	sdelay $0x1  }
0x70: {  	[tilespmem:s28+$0xFFFFFF20] =	vst v23  }
0x71: {  	v23 =	vld [tilespmem:s26+$0xFFFFFF30];
	_ =	sdelay $0x4  }
0x72: {  	v23 =	vmul.f32 v23, v52;
	_ =	sdelay $0x1  }
0x73: {  	[tilespmem:s28+$0xFFFFFF30] =	vst v23  }
0x74: {  	v23 =	vld [tilespmem:s26+$0xFFFFFF40];
	_ =	sdelay $0x2  }
0x75: {  	v53 =	vperm.xlane v22, v9;
	_ =	sdelay $0x1  }
0x76: {  	v23 =	vmul.f32 v23, v53;
	_ =	sdelay $0x1  }
0x77: {  	[tilespmem:s28+$0xFFFFFF40] =	vst v23  }
0x78: {  	v23 =	vld [tilespmem:s26+$0xFFFFFF50];
	_ =	sdelay $0x4  }
0x79: {  	v23 =	vmul.f32 v23, v53;
	_ =	sdelay $0x1  }
0x7a: {  	[tilespmem:s28+$0xFFFFFF50] =	vst v23  }
0x7b: {  	v23 =	vld [tilespmem:s26+$0xFFFFFF60];
	_ =	sdelay $0x4  }
0x7c: {  	v23 =	vmul.f32 v23, v53;
	_ =	sdelay $0x1  }
0x7d: {  	[tilespmem:s28+$0xFFFFFF60] =	vst v23  }
0x7e: {  	v23 =	vld [tilespmem:s26+$0xFFFFFF70];
	_ =	sdelay $0x2  }
0x7f: {  	v54 =	vperm.xlane v22, v10;
	_ =	sdelay $0x1  }
0x80: {  	v23 =	vmul.f32 v23, v54;
	_ =	sdelay $0x1  }
0x81: {  	[tilespmem:s28+$0xFFFFFF70] =	vst v23  }
0x82: {  	v23 =	vld [tilespmem:s26+$0xFFFFFF80];
	_ =	sdelay $0x4  }
0x83: {  	v23 =	vmul.f32 v23, v54;
	_ =	sdelay $0x1  }
0x84: {  	[tilespmem:s28+$0xFFFFFF80] =	vst v23  }
0x85: {  	v23 =	vld [tilespmem:s26+$0xFFFFFF90];
	_ =	sdelay $0x4  }
0x86: {  	v23 =	vmul.f32 v23, v54;
	_ =	sdelay $0x1  }
0x87: {  	[tilespmem:s28+$0xFFFFFF90] =	vst v23  }
0x88: {  	v23 =	vld [tilespmem:s26+$0xFFFFFFA0];
	_ =	sdelay $0x2  }
0x89: {  	v55 =	vperm.xlane v22, v11;
	_ =	sdelay $0x1  }
0x8a: {  	v23 =	vmul.f32 v23, v55;
	_ =	sdelay $0x1  }
0x8b: {  	[tilespmem:s28+$0xFFFFFFA0] =	vst v23  }
0x8c: {  	v23 =	vld [tilespmem:s26+$0xFFFFFFB0];
	_ =	sdelay $0x4  }
0x8d: {  	v23 =	vmul.f32 v23, v55;
	_ =	sdelay $0x1  }
0x8e: {  	[tilespmem:s28+$0xFFFFFFB0] =	vst v23  }
0x8f: {  	v23 =	vld [tilespmem:s26+$0xFFFFFFC0];
	_ =	sdelay $0x4  }
0x90: {  	v23 =	vmul.f32 v23, v55;
	_ =	sdelay $0x1  }
0x91: {  	[tilespmem:s28+$0xFFFFFFC0] =	vst v23  }
0x92: {  	v23 =	vld [tilespmem:s26+$0xFFFFFFD0];
	_ =	sdelay $0x2  }
0x93: {  	v56 =	vperm.xlane v22, v12;
	_ =	sdelay $0x1  }
0x94: {  	v23 =	vmul.f32 v23, v56;
	_ =	sdelay $0x1  }
0x95: {  	[tilespmem:s28+$0xFFFFFFD0] =	vst v23  }
0x96: {  	v23 =	vld [tilespmem:s26+$0xFFFFFFE0];
	_ =	sdelay $0x4  }
0x97: {  	v23 =	vmul.f32 v23, v56;
	_ =	sdelay $0x1  }
0x98: {  	[tilespmem:s28+$0xFFFFFFE0] =	vst v23  }
0x99: {  	v23 =	vld [tilespmem:s26+$0xFFFFFFF0];
	_ =	sdelay $0x4  }
0x9a: {  	v23 =	vmul.f32 v23, v56;
	_ =	sdelay $0x1  }
0x9b: {  	[tilespmem:s28+$0xFFFFFFF0] =	vst v23  }
0x9c: {  	v23 =	vld [tilespmem:s26+$0x0];
	_ =	sdelay $0x2  }
0x9d: {  	v57 =	vperm.xlane v22, v13;
	_ =	sdelay $0x1  }
0x9e: {  	v23 =	vmul.f32 v23, v57;
	_ =	sdelay $0x1  }
0x9f: {  	[tilespmem:s28+$0x0] =	vst v23  }
0xa0: {  	v23 =	vld [tilespmem:s26+$0x10];
	_ =	sdelay $0x4  }
0xa1: {  	v23 =	vmul.f32 v23, v57;
	_ =	sdelay $0x1  }
0xa2: {  	[tilespmem:s28+$0x10] =	vst v23  }
0xa3: {  	v23 =	vld [tilespmem:s26+$0x20];
	_ =	sdelay $0x4  }
0xa4: {  	v23 =	vmul.f32 v23, v57;
	_ =	sdelay $0x1  }
0xa5: {  	[tilespmem:s28+$0x20] =	vst v23  }
0xa6: {  	v23 =	vld [tilespmem:s26+$0x30];
	_ =	sdelay $0x2  }
0xa7: {  	v58 =	vperm.xlane v22, v14;
	_ =	sdelay $0x1  }
0xa8: {  	v23 =	vmul.f32 v23, v58;
	_ =	sdelay $0x1  }
0xa9: {  	[tilespmem:s28+$0x30] =	vst v23  }
0xaa: {  	v23 =	vld [tilespmem:s26+$0x40];
	_ =	sdelay $0x4  }
0xab: {  	v23 =	vmul.f32 v23, v58;
	_ =	sdelay $0x1  }
0xac: {  	[tilespmem:s28+$0x40] =	vst v23  }
0xad: {  	v23 =	vld [tilespmem:s26+$0x50];
	_ =	sdelay $0x4  }
0xae: {  	v23 =	vmul.f32 v23, v58;
	_ =	sdelay $0x1  }
0xaf: {  	[tilespmem:s28+$0x50] =	vst v23  }
0xb0: {  	v23 =	vld [tilespmem:s26+$0x60];
	_ =	sdelay $0x2  }
0xb1: {  	v59 =	vperm.xlane v22, v15;
	_ =	sdelay $0x1  }
0xb2: {  	v23 =	vmul.f32 v23, v59;
	_ =	sdelay $0x1  }
0xb3: {  	[tilespmem:s28+$0x60] =	vst v23  }
0xb4: {  	v23 =	vld [tilespmem:s26+$0x70];
	_ =	sdelay $0x4  }
0xb5: {  	v23 =	vmul.f32 v23, v59;
	_ =	sdelay $0x1  }
0xb6: {  	[tilespmem:s28+$0x70] =	vst v23  }
0xb7: {  	v23 =	vld [tilespmem:s26+$0x80];
	_ =	sdelay $0x4  }
0xb8: {  	v23 =	vmul.f32 v23, v59;
	_ =	sdelay $0x1  }
0xb9: {  	[tilespmem:s28+$0x80] =	vst v23  }
0xba: {  	v23 =	vld [tilespmem:s26+$0x90];
	_ =	sdelay $0x2  }
0xbb: {  	v60 =	vperm.xlane v22, v16;
	_ =	sdelay $0x1  }
0xbc: {  	v23 =	vmul.f32 v23, v60;
	_ =	sdelay $0x1  }
0xbd: {  	[tilespmem:s28+$0x90] =	vst v23  }
0xbe: {  	v23 =	vld [tilespmem:s26+$0xA0];
	_ =	sdelay $0x4  }
0xbf: {  	v23 =	vmul.f32 v23, v60;
	_ =	sdelay $0x1  }
0xc0: {  	[tilespmem:s28+$0xA0] =	vst v23  }
0xc1: {  	v23 =	vld [tilespmem:s26+$0xB0];
	_ =	sdelay $0x4  }
0xc2: {  	v23 =	vmul.f32 v23, v60;
	_ =	sdelay $0x1  }
0xc3: {  	[tilespmem:s28+$0xB0] =	vst v23  }
0xc4: {  	v23 =	vld [tilespmem:s26+$0xC0];
	_ =	sdelay $0x2  }
0xc5: {  	v61 =	vperm.xlane v22, v17;
	_ =	sdelay $0x1  }
0xc6: {  	v23 =	vmul.f32 v23, v61;
	_ =	sdelay $0x1  }
0xc7: {  	[tilespmem:s28+$0xC0] =	vst v23  }
0xc8: {  	v23 =	vld [tilespmem:s26+$0xD0];
	_ =	sdelay $0x4  }
0xc9: {  	v23 =	vmul.f32 v23, v61;
	_ =	sdelay $0x1  }
0xca: {  	[tilespmem:s28+$0xD0] =	vst v23  }
0xcb: {  	v23 =	vld [tilespmem:s26+$0xE0];
	_ =	sdelay $0x4  }
0xcc: {  	v23 =	vmul.f32 v23, v61;
	_ =	sdelay $0x1  }
0xcd: {  	[tilespmem:s28+$0xE0] =	vst v23  }
0xce: {  	v23 =	vld [tilespmem:s26+$0xF0];
	_ =	sdelay $0x2  }
0xcf: {  	v62 =	vperm.xlane v22, v18;
	_ =	sdelay $0x1  }
0xd0: {  	v23 =	vmul.f32 v23, v62;
	_ =	sdelay $0x1  }
0xd1: {  	[tilespmem:s28+$0xF0] =	vst v23  }
0xd2: {  	v23 =	vld [tilespmem:s26+$0x100];
	_ =	sdelay $0x4  }
0xd3: {  	v23 =	vmul.f32 v23, v62;
	_ =	sdelay $0x1  }
0xd4: {  	[tilespmem:s28+$0x100] =	vst v23  }
0xd5: {  	v23 =	vld [tilespmem:s26+$0x110];
	_ =	sdelay $0x4  }
0xd6: {  	v23 =	vmul.f32 v23, v62;
	_ =	sdelay $0x1  }
0xd7: {  	[tilespmem:s28+$0x110] =	vst v23  }
0xd8: {  	v23 =	vld [tilespmem:s26+$0x120];
	_ =	sdelay $0x2  }
0xd9: {  	v63 =	vperm.xlane v22, v19;
	_ =	sdelay $0x1  }
0xda: {  	v23 =	vmul.f32 v23, v63;
	_ =	sdelay $0x1  }
0xdb: {  	[tilespmem:s28+$0x120] =	vst v23  }
0xdc: {  	v23 =	vld [tilespmem:s26+$0x130];
	_ =	sdelay $0x4  }
0xdd: {  	v23 =	vmul.f32 v23, v63;
	_ =	sdelay $0x1  }
0xde: {  	[tilespmem:s28+$0x130] =	vst v23  }
0xdf: {  	v23 =	vld [tilespmem:s26+$0x140];
	_ =	sdelay $0x4  }
0xe0: {  	v23 =	vmul.f32 v23, v63;
	_ =	sdelay $0x1  }
0xe1: {  	[tilespmem:s28+$0x140] =	vst v23  }
0xe2: {  	v23 =	vld [tilespmem:s26+$0x150];
	_ =	sdelay $0x2  }
0xe3: {  	v22 =	vperm.xlane v22, v20;
	_ =	sdelay $0x1  }
0xe4: {  	v23 =	vmul.f32 v23, v22;
	_ =	sdelay $0x1  }
0xe5: {  	[tilespmem:s28+$0x150] =	vst v23  }
0xe6: {  	v23 =	vld [tilespmem:s26+$0x160];
	_ =	sdelay $0x4  }
0xe7: {  	v23 =	vmul.f32 v23, v22;
	_ =	sdelay $0x1  }
0xe8: {  	[tilespmem:s28+$0x160] =	vst v23  }
0xe9: {  	v23 =	vld [tilespmem:s26+$0x170];
	_ =	sdelay $0x1  }
0xea: {  	p0 =	sne.s32 s29, $0x70  }
.Ltmp1:
0xeb: {  	_ = 	snop;
	(pc) =	sbr.rel @p0 .LBB2_5-.Ltmp1, $3  }
0xec: {  	_ = 	snop  }
0xed: {  	v22 =	vmul.f32 v23, v22;
	_ =	sdelay $0x1  }
0xee: {  	s29 =	sadd.s32 $0x10, s29;
	s26 =	sadd.s32 $0x300, s26;
	[tilespmem:s28+$0x170] =	vst v22;
	s28 =	sadd.s32 $0x300, s28  }
0xef: {  	s25 =	sadd.s32 $0x1, s25  }
0xf0: {  	p0 =	sne.s32 s25, s9  }
.Ltmp2:
0xf1: {  	_ = 	snop;
	(pc) =	sbr.rel @p0 .LBB2_4-.Ltmp2, $4  }
0xf2: {  	[spmem:s4] =	stream.indirect.scatter.add.f32 [tilespmem:s17], [sflag:$0x2], $0x30, s19, s20, $0xb8;
	[tilespmem:$0x4110] =	vst v63  }
0xf3: {  	_ =	swait.ge [sflag:s15], $0x1800  }
0xf4: {  	[sflag:s15] =	ssyncset.done $0x0  }
0xf5: {  	[sflag:s15] =	ssyncadd.s32 $0xFFFFE800  }
0xf6: {  	s23 =	sadd.s32 $0x1, s23  }
0xf7: {  	s24 =	sshll.u32 s2, $0x6;
	[bflag:$0x0] =	sbarrier.arrive $0xFFFF;
	p0 =	sne.s32 s23, s13  }
.Ltmp3:
0xf8: {  	s25 =	sshrl.u32 s10, $0x3;
	s24 =	sor.u32 $0x1C02, s24;
	(pc) =	sbr.rel @p0 .LBB2_1-.Ltmp3, $4  }
0xf9: {  	[hbm:s12], [sflag:s24] =	dma.local [spmem:s25], $0x180  }
0xfa: {  	_ =	swait.ge [sflag:s15], $0x180  }
0xfb: {  	[sflag:s15] =	ssyncset.done $0x0  }
0xfc: {  	[sflag:s15] =	ssyncadd.s32 $0xFFFFFE80  }
0xfd: {  	_ =	sfence.sel $0x180000  }
0xfe: {  	[bflag:$0x0] =	sbarrier.arrive $0xFFFF  }
0xff: {  	p0 =	sne.s32 s2, $0x0;
	_ =	strace $0x9000004A  }
0x100: {  	s0 =	sadd.s32 @!p0 $0x100000, s0;
	[bflag:$0x2] =	sbarrier.arrive $0xFFFF  }
0x101: {  	[sflag:s0] =	ssyncadd.tile.s32 @!p0 $0x1;
	_ =	shalt  }
.Lfunc_end2:
_tile_overlayer_lowered:
.L_overlay_start_2:
0x102: {  	(tag) =	ssettag $0x2  }
0x103: {  	s0 =	rddreg [dreg:$0x0];
	s2 =	stileid.u32  }
0x104: {  	s1 =	rddreg [dreg:$0x1];
	p0 =	sne.s32 s2, $0x0  }
0x105: {  	s3 =	rddreg [dreg:$0x2];
	[bflag:$0x3] =	sbarrier.arrive $0xFFFF;
	s2 =	simm.s32 @!p0 $0x1C02  }
0x106: {  	[timem:s3], [sflag:s2] =	dma.local @!p0 [hbm:s0], s1  }
0x107: {  	s0 =	simm.s32 @!p0 $0x2  }
0x108: {  	_ =	swait.ge @!p0 [sflag:s0], s1  }
0x109: {  	s1 =	ssub.s32 @!p0 $0x0, s1;
	[sflag:s0] =	ssyncset.done @!p0 $0x0  }
0x10a: {  	[sflag:s0] =	ssyncadd.s32 @!p0 s1  }
0x10b: {  	[bflag:$0x3] =	sbarrier.arrive $0xFFFF  }
0x10c: {  	_ =	shalt  }

// kernel: kernel.7.cloned.1.call-start
scs
__scs_entry_jumppad:
0x0: {  	(pc) =	sbr.rel $0x88, $3  }
0x1: {  	(tag) =	ssettag $0x0;
	lr =	simm.s32 $0x1  }
0x2: {  	[smem:$0x3F94] =	sst lr;
	_ =	strace $0xD0000000  }
0x3: {  	_ = 	snop  }
0x4: {  	_ = 	snop  }
0x5: {  	_ = 	snop  }
0x6: {  	_ = 	snop  }
0x7: {  	_ = 	snop  }
__scs_overlays_trampoline_lowered:
0x8: {  	[smem:$0x3FA3] =	sst s0  }
0x9: {  	[smem:$0x3FA4] =	sst s1  }
0xa: {  	[smem:$0x3FA5] =	sst s2  }
0xb: {  	[smem:$0x3FA6] =	sst s3  }
0xc: {  	[smem:$0x3FA7] =	sst s4  }
0xd: {  	[smem:$0x3FA8] =	sst s5  }
0xe: {  	[smem:$0x3FA9] =	sst s6  }
0xf: {  	[smem:$0x3FAA] =	sst s7  }
0x10: {  	[smem:$0x3FAB] =	sst s8  }
0x11: {  	[smem:$0x3FAC] =	sst s9;
	s0 =	simm.s32 @!p0 $0x0  }
0x12: {  	s1 =	sld [smem:$0x3F92];
	s0 =	simm.s32 @p0 $0x1  }
0x13: {  	[smem:$0x3FAD] =	sst s0;
	s0 =	simm.s32 @!p1 $0x0  }
0x14: {  	s2 =	sld [smem:$0x3F91];
	s0 =	simm.s32 @p1 $0x1  }
0x15: {  	[smem:$0x3FAE] =	sst s0;
	s0 =	simm.s32 @!p2 $0x0  }
0x16: {  	s3 =	sld [smem:$0x3FDB];
	s0 =	simm.s32 @p2 $0x1  }
0x17: {  	s4 =	simm.s32 $0x1BF5;
	[smem:$0x3FB0] =	sst s0  }
0x18: {  	s0 =	sld [smem:$0x3F93];
	_ =	swait.ge [sflag:s4], $0x0  }
0x19: {  	s7 =	sld [smem:$0x3F94]  }
0x1a: {  	s8 =	sadd.s32 $0xFFFFE003, lr  }
0x1b: {  	s9 =	sadd.s32 $0xFFFFFEF7, lr;
	s5 =	simm.s32 $0xFFFFFFFF;
	p2 =	slt.u32 s8, $0xFFFFF086  }
0x1c: {  	p1 =	slt.u32 s9, $0xF7A;
	s5 =	simm.s32 @!p2 $0x0  }
0x1d: {  	s5 =	simm.s32 @p1 $0x1;
	p0 =	seq.s32 s7, s2  }
0x1e: {  	s7 =	smul.u32 @!p0 $0xF7A, s2;
	p2 =	seq.s32 @!p0 s5, $0x0  }
0x1f: {  	s9 =	smul.u32 $0xF7A, s1;
	s8 =	simm.s32 @!p0 $0x1BF5;
	p2 =	por !p2, p0  }
0x20: {  	[sflag:s8] =	ssyncset.s32 @!p0 $0xFFFFF086;
	s6 =	sadd.s32 @!p0 s3, s7;
	s7 =	simm.s32 @!p0 $0x108  }
0x21: {  	s3 =	sadd.s32 s3, s9;
	s6 =	sadd.s32 @!p0 $0x88, s6;
	s7 =	simm.s32 @p2 $0x1082  }
0x22: {  	[simem:s7], [sflag:s8] =	dma.local @!p0 [hbm:s6], $0xF7A  }
0x23: {  	s9 =	sor.u32 $0xD0000000, s2;
	s6 =	simm.s32 $0x108;
	_ =	swait.ge @!p0 [sflag:s8], $0x0  }
0x24: {  	s3 =	sadd.s32 $0x88, s3;
	s6 =	simm.s32 @!p1 $0x1082;
	[sflag:s4] =	ssyncset.s32 $0xFFFFF086  }
0x25: {  	[simem:s6], [sflag:s4] =	dma.local [hbm:s3], $0xF7A  }
0x26: {  	[smem:$0x3F94] =	sst s1;
	(tag) =	ssettag s2;
	_ =	strace s9  }
0x27: {  	s1 =	sld [smem:$0x3FA4]  }
0x28: {  	s2 =	sld [smem:$0x3FA5]  }
0x29: {  	s4 =	sld [smem:$0x3FA7]  }
0x2a: {  	p0 =	seq.s32 s5, $0x0;
	s5 =	sld [smem:$0x3FA8]  }
0x2b: {  	s6 =	sld [smem:$0x3FA9]  }
0x2c: {  	s7 =	sld [smem:$0x3FAA]  }
0x2d: {  	s3 =	simm.s32 $0x108;
	s8 =	sld [smem:$0x3FAB]  }
0x2e: {  	s3 =	simm.s32 @!p0 $0x1082;
	s9 =	sld [smem:$0x3FAC]  }
0x2f: {  	lr =	sadd.s32 s0, s3;
	s0 =	sld [smem:$0x3FA3]  }
0x30: {  	s3 =	sld [smem:$0x3FA6]  }
0x31: {  	[smem:$0x3FAF] =	sst s10  }
0x32: {  	s10 =	sld [smem:$0x3FAD];
	_ =	sdelay $0x3  }
0x33: {  	p0 =	seq.s32 s10, $0x1;
	s10 =	sld [smem:$0x3FAF];
	_ =	sdelay $0x3  }
0x34: {  	[smem:$0x3FAF] =	sst s10  }
0x35: {  	s10 =	sld [smem:$0x3FAE];
	_ =	sdelay $0x3  }
0x36: {  	p1 =	seq.s32 s10, $0x1;
	s10 =	sld [smem:$0x3FAF];
	_ =	sdelay $0x3  }
0x37: {  	[smem:$0x3FAF] =	sst s10  }
0x38: {  	s10 =	sld [smem:$0x3FB0]  }
0x39: {  	_ = 	snop;
	(pc) =	sbr.ind lr, $3  }
0x3a: {  	_ = 	snop  }
0x3b: {  	_ = 	snop  }
0x3c: {  	p2 =	seq.s32 s10, $0x1;
	s10 =	sld [smem:$0x3FAF]  }
0x3d: {  	_ =	shalt  }
0x3e: {  	_ =	shalt  }
0x3f: {  	_ =	shalt  }
0x40: {  	_ =	shalt  }
0x41: {  	_ =	shalt  }
0x42: {  	_ =	shalt  }
0x43: {  	_ =	shalt  }
0x44: {  	_ =	shalt  }
0x45: {  	_ =	shalt  }
0x46: {  	_ =	shalt  }
0x47: {  	_ =	shalt  }
0x48: {  	_ =	shalt  }
0x49: {  	_ =	shalt  }
0x4a: {  	_ =	shalt  }
0x4b: {  	_ =	shalt  }
0x4c: {  	_ =	shalt  }
0x4d: {  	_ =	shalt  }
0x4e: {  	_ =	shalt  }
0x4f: {  	_ =	shalt  }
0x50: {  	_ =	shalt  }
0x51: {  	_ =	shalt  }
0x52: {  	_ =	shalt  }
0x53: {  	_ =	shalt  }
0x54: {  	_ =	shalt  }
0x55: {  	_ =	shalt  }
0x56: {  	_ =	shalt  }
0x57: {  	_ =	shalt  }
0x58: {  	_ =	shalt  }
0x59: {  	_ =	shalt  }
0x5a: {  	_ =	shalt  }
0x5b: {  	_ =	shalt  }
0x5c: {  	_ =	shalt  }
0x5d: {  	_ =	shalt  }
0x5e: {  	_ =	shalt  }
0x5f: {  	_ =	shalt  }
0x60: {  	_ =	shalt  }
0x61: {  	_ =	shalt  }
0x62: {  	_ =	shalt  }
0x63: {  	_ =	shalt  }
0x64: {  	_ =	shalt  }
0x65: {  	_ =	shalt  }
0x66: {  	_ =	shalt  }
0x67: {  	_ =	shalt  }
0x68: {  	_ =	shalt  }
0x69: {  	_ =	shalt  }
0x6a: {  	_ =	shalt  }
0x6b: {  	_ =	shalt  }
0x6c: {  	_ =	shalt  }
0x6d: {  	_ =	shalt  }
0x6e: {  	_ =	shalt  }
0x6f: {  	_ =	shalt  }
0x70: {  	_ =	shalt  }
0x71: {  	_ =	shalt  }
0x72: {  	_ =	shalt  }
0x73: {  	_ =	shalt  }
0x74: {  	_ =	shalt  }
0x75: {  	_ =	shalt  }
0x76: {  	_ =	shalt  }
0x77: {  	_ =	shalt  }
0x78: {  	_ =	shalt  }
0x79: {  	_ =	shalt  }
0x7a: {  	_ =	shalt  }
0x7b: {  	_ =	shalt  }
0x7c: {  	_ =	shalt  }
0x7d: {  	_ =	shalt  }
0x7e: {  	_ =	shalt  }
0x7f: {  	_ =	shalt  }
0x80: {  	_ =	shalt  }
0x81: {  	_ =	shalt  }
0x82: {  	_ =	shalt  }
0x83: {  	_ =	shalt  }
0x84: {  	_ =	shalt  }
0x85: {  	_ =	shalt  }
0x86: {  	_ =	shalt  }
0x87: {  	_ =	shalt  }
.Lfunc_end0:
.L_simem_size_0:
called_computation_lowered:
.L_overlay_start_0:
0x88: {  	s2 =	sld [smem:$0x3FD9]  }
0x89: {  	s3 =	sld [smem:$0x3FFE];
	_ =	sdelay $0x1  }
0x8a: {  	s1 =	srdreg.scid  }
0x8b: {  	s0 =	sand.u32 $0x1, s1  }
0x8c: {  	s17 =	sshll.u32 s0, $0xA;
	s2 =	sadd.s32 s3, s2  }
0x8d: {  	s2 =	sadd.s32 s2, s17  }
0x8e: {  	[smem:$0x3FBB] =	sst s2  }
0x8f: {  	_ = 	snop  }
0x90: {  	s2 =	sld [smem:$0x3FD0];
	(tm) =	ssettm $0x1  }
0x91: {  	s18 =	sld [smem:$0x3FFB];
	_ =	sdelay $0x3  }
0x92: {  	_ =	strace s18  }
0x93: {  	s3 =	sld [smem:$0x3FFC];
	_ =	sdelay $0x3  }
0x94: {  	_ =	strace s3  }
0x95: {  	s3 =	sld [smem:$0x3FFD];
	_ =	sdelay $0x3  }
0x96: {  	_ =	strace s3  }
0x97: {  	_ =	strace $0x8FFFFFFF  }
0x98: {  	s19 =	sld [smem:$0x3FDB];
	_ =	sdelay $0x1  }
0x99: {  	s4 =	simm.s32 $_scs_section_size  }
0x9a: {  	s5 =	simm.s32 $_size__tile_overlayer_lowered;
	s6 =	simm.s32 $_tile_overlayer_lowered  }
0x9b: {  	s22 =	simm.s32 $0x1BFF;
	s21 =	sshll.u32 s6, $0x1;
	s3 =	sadd.s32 s4, s19  }
0x9c: {  	s7 =	simm.s32 $0x0;
	s20 =	sshll.u32 s5, $0x1;
	s5 =	sadd.s32 s21, s3  }
0x9d: {  	[timem:s7], [sflag:s22] =	dma.local [hbm:s5], s20  }
0x9e: {  	_ =	swait.ge [sflag:s22], s20  }
0x9f: {  	s4 =	ssub.s32 $0x0, s20;
	[sflag:s22] =	ssyncset.done $0x0  }
0xa0: {  	[sflag:s22] =	ssyncadd.s32 s4;
	_ =	sdelay $0x1  }
0xa1: {  	s23 =	simm.s32 $0x1B8B  }
0xa2: {  	_ =	swait.ge [sflag:s23], $0x1  }
0xa3: {  	[sflag:s23] =	ssyncset.done $0x0  }
0xa4: {  	s25 =	simm.s32 $0x1B8E;
	s24 =	sld [smem:$0x3FFE];
	[sflag:s23] =	ssyncadd.s32 $0xFFFFFFFF  }
0xa5: {  	s26 =	simm.s32 $execute0_lowered;
	[smem:$0x3FD2] =	sst s25  }
0xa6: {  	s5 =	sshll.u32 s26, $0x1;
	_ =	strace $0x80000046;
	[dreg:$0x1] =	wrdreg $0xFFFFFFFF  }
0xa7: {  	s28 =	simm.s32 $_size_execute0_lowered;
	s3 =	sadd.s32 s3, s5;
	[dreg:$0x0] =	wrdreg $0x0  }
0xa8: {  	s5 =	sshll.u32 s28, $0x1;
	[dreg:$0x2] =	wrdreg s3  }
0xa9: {  	[dreg:$0x3] =	wrdreg s5  }
0xaa: {  	[dreg:$0x4] =	wrdreg $0xC0  }
0xab: {  	_ =	task [dreg:s7], $0x5FFFF  }
0xac: {  	[dreg:$0x1] =	wrdreg $0xFFFFFFFF  }
0xad: {  	[dreg:$0x0] =	wrdreg $0x60  }
0xae: {  	[dreg:$0x2] =	wrdreg s24  }
0xaf: {  	[dreg:$0x3] =	wrdreg s2  }
0xb0: {  	[dreg:$0x4] =	wrdreg $0x0  }
0xb1: {  	[dreg:$0x5] =	wrdreg $0x9  }
0xb2: {  	_ =	task.clear_ibuf [dreg:s7], $0x6FFFF;
	_ =	strace $0x90000046  }
0xb3: {  	s29 =	simm.s32 $0x9;
	_ =	strace $0x80000048  }
0xb4: {  	_ =	swait.ge [sflag:s29], $0x1  }
0xb5: {  	[sflag:s29] =	ssyncadd.s32 $0xFFFFFFFF  }
0xb6: {  	_ =	strace $0x90000048  }
0xb7: {  	_ =	sfence  }
0xb8: {  	s30 =	sld [smem:$0x0];
	_ =	sdelay $0x2  }
0xb9: {  	s31 =	sshll.u32 s1, $0xD;
	s1 =	sshrl.u32 s1, $0x2  }
0xba: {  	s3 =	sand.u32 $0x4000, s31;
	s1 =	sadd.s32 s1, s30  }
0xbb: {  	s0 =	sor.u32 s3, s0;
	s1 =	sshll.u32 s1, $0x11  }
0xbc: {  	s0 =	sor.u32 s1, s0  }
0xbd: {  	s0 =	sadd.s32 $0x8F2B, s0  }
0xbe: {  	[sflag:s0] =	ssyncadd.remote.s32 $0x1  }
0xbf: {  	_ =	sfence.sel $0xFFFF  }
0xc0: {  	[dreg:$0x0] =	wrdreg $0xFFFFFFFF;
	(pc) =	sbr.abs _section_cstart, $3  }
0xc1: {  	[dreg:$0x1] =	wrdreg $0xFFFFFFFF  }
0xc2: {  	_ =	task.clear_ibuf [dreg:s7], $0x2FFFF;
	_ =	strace $0x9FFFFFFF  }
0xc3: {  	(tm) =	ssettm $0x7FFFFFFF  }
tec
execute0_lowered:
.L_overlay_start_1:
0x0: {  	(tag) =	ssettag $0x1  }
0x1: {  	s4 =	rddreg [dreg:$0x0]  }
0x2: {  	s3 =	rddreg [dreg:$0x2];
	s0 =	srdreg.scid;
	s5 =	simm.s32 $0x0  }
0x3: {  	s8 =	stileid.u32;
	s16 =	simm.s32 $0x7800;
	s17 =	simm.s32 $0x2  }
0x4: {  	s18 =	simm.s32 $0x9800;
	s19 =	simm.s32 $0xC910;
	s20 =	simm.s32 $0xF910  }
0x5: {  	s21 =	simm.s32 $0x12110;
	s22 =	simm.s32 $0x80;
	s23 =	simm.s32 $0x9810  }
0x6: {  	v0 =	vlaneseq.u32;
	v1 =	vimm.f32 $0.0e+00;
	s24 =	simm.s32 $0x9910;
	s25 =	simm.s32 $0x1;
	s26 =	simm.s32 $0x9890  }
0x7: {  	v7 =	vimm.s32 $0x13F8;
	v8 =	vimm.s32 $0x0;
	vm0 =	vcmask $0x2F00;
	s28 =	simm.s32 $0x0;
	s0 =	sand.u32 $0x1, s0;
	[smem:$0x7FF] =	sst s5  }
0x8: {  	v12 =	vimm.s32 $0x1;
	vm1 =	vcmask $0xF00;
	v14 =	vimm.s32 $0x3;
	s6 =	sadd.s32 $0x200, s4;
	s12 =	smul.u32 $0x7800, s8;
	s14 =	sadd.s32 $0x22E00, s4  }
0x9: {  	v15 =	vimm.s32 $0x5;
	v17 =	vimm.s32 $0x7;
	v18 =	vimm.s32 $0x9;
	s1 =	sshll.u32 s0, $0x4;
	_ =	strace $0x80000047;
	s2 =	ssub.s32 $0x2, s0  }
0xa: {  	v20 =	vimm.s32 $0xB;
	v21 =	vimm.s32 $0xD;
	v23 =	vimm.s32 $0xF;
	s0 =	smul.u32 $0x78000, s0;
	s1 =	sor.u32 s8, s1;
	s7 =	sshrl.u32 s2, $0x1  }
0xb: {  	v2 =	vor.u32 $0x10, v0;
	v3 =	vor.u32 $0x20, v0;
	v4 =	vor.u32 $0x30, v0;
	s13 =	sadd.s32 $0x3000, s12;
	s15 =	sadd.s32 $0x6000, s12;
	s1 =	smul.u32 $0x4E2, s1  }
0xc: {  	v5 =	vor.u32 $0x40, v0;
	v6 =	vor.u32 $0x50, v0;
	v9 =	vshrl.u32 v0, $0x3;
	s2 =	ssub.s32 s2, s7;
	s7 =	sadd.s32 s12, s3;
	s8 =	sadd.s32 s13, s3  }
.Ltmp0:
0xd: {  	v11 =	vmul.u32 $0xC, v0;
	v10 =	vand.u32 $0x7, v0;
	v12 =	vsel vm0, $0x0, v12;
	s9 =	sadd.s32 s15, s3;
	s13 =	sadd.s32 s0, s13;
	(pc) =	sbr.rel .LBB2_1-.Ltmp0, $4  }
0xe: {  	v14 =	vsel vm1, $0x2, v14;
	v15 =	vsel vm0, $0x4, v15;
	v17 =	vsel vm1, $0x6, v17;
	s30 =	sadd.s32 s12, s0;
	s0 =	sadd.s32 s0, s15;
	s31 =	sshrl.u32 s13, $0x3  }
0xf: {  	v18 =	vsel vm0, $0x8, v18;
	v20 =	vsel vm1, $0xA, v20;
	v21 =	vsel vm0, $0xC, v21;
	s0 =	sshrl.u32 s0, $0x3;
	s15 =	smax.u32 s2, $0x1;
	s1 =	sadd.s32 s1, s4  }
0x10: {  	v23 =	vsel vm1, $0xE, v23;
	v13 =	vadd.s32 $0x1, v9;
	v16 =	vadd.s32 $0x5, v9;
	s10 =	sadd.s32 $0x19000, s1;
	s11 =	sadd.s32 $0xF200, s1;
	s1 =	sshrl.u32 s30, $0x3  }
0x11: {  	v19 =	vadd.s32 $0x9, v9;
	v22 =	vadd.s32 $0xD, v9;
	v11 =	vadd.s32 $0x9, v11;
	s13 =	sadd.s32 s14, s31;
	s12 =	sadd.s32 s14, s1;
	s14 =	sadd.s32 s14, s0  }
.LBB2_14:
0x12: {  	s0 =	stileid.u32  }
0x13: {  	s0 =	sshll.u32 s0, $0x6  }
0x14: {  	[bflag:$0x0] =	sbarrier.arrive $0xFFFF;
	s1 =	sshrl.u32 s7, $0x3;
	s0 =	sor.u32 $0x1C02, s0  }
0x15: {  	[hbm:s12], [sflag:s0] =	dma.local [spmem:s1], $0x600  }
0x16: {  	_ =	swait.ge [sflag:s17], $0x600  }
0x17: {  	[sflag:s17] =	ssyncset.done $0x0  }
0x18: {  	s30 =	sshrl.u32 s8, $0x3;
	[sflag:s17] =	ssyncadd.s32 $0xFFFFFA00  }
0x19: {  	[hbm:s13], [sflag:s0] =	dma.local [spmem:s30], $0x600  }
0x1a: {  	s28 =	sadd.s32 $0x1, s28;
	_ =	swait.ge [sflag:s17], $0x600  }
0x1b: {  	p0 =	sne.s32 s28, s15;
	[sflag:s17] =	ssyncset.done $0x0  }
.Ltmp1:
0x1c: {  	s31 =	sshrl.u32 s9, $0x3;
	[sflag:s17] =	ssyncadd.s32 $0xFFFFFA00;
	(pc) =	sbr.rel @!p0 .LBB2_15-.Ltmp1, $4  }
0x1d: {  	[hbm:s14], [sflag:s0] =	dma.local [spmem:s31], $0x300  }
0x1e: {  	_ =	swait.ge [sflag:s17], $0x300  }
0x1f: {  	[sflag:s17] =	ssyncset.done $0x0  }
0x20: {  	[sflag:s17] =	ssyncadd.s32 $0xFFFFFD00  }
.LBB2_1:
0x21: {  	s0 =	rddreg [dreg:$0x1];
	v24 =	vmov s5  }
0x22: {  	[tilespmem:s16], [sflag:$0x2] =	stream.linear.gather [hbm4b:s0+s5], $0x2000, $0x38;
	v24 =	vmul.u32 $0x60, v24;
	[tilespmem:$0x14910] =	vst v63  }
0x23: {  	_ =	swait.ge [sflag:s17], $0x2000  }
0x24: {  	[sflag:s17] =	ssyncset.done $0x0;
	v26 =	vbroadcast v24, $0x0  }
0x25: {  	[sflag:s17] =	ssyncadd.s32 $0xFFFFE000  }
0x26: {  	s31 =	simm.s32 $0x1;
	s30 =	rddreg [dreg:$0x0];
	v29 =	vor.u32 v0, v26  }
0x27: {  	v24 =	vmov s31;
	v32 =	vor.u32 v2, v26;
	[tilespmem:s18], [sflag:$0x2] =	stream.linear.gather [hbm4b:s30+s5], $0x10, $0x38;
	[tilespmem:$0x14910] =	vst v63  }
0x28: {  	v25 =	vmul.u32 $0x60, v24;
	v30 =	vadd.s32 v3, v26;
	_ =	swait.ge [sflag:s17], $0x10  }
0x29: {  	v27 =	vadd.s32 v4, v26;
	[sflag:s17] =	ssyncset.done $0x0  }
0x2a: {  	v28 =	vadd.s32 v5, v26;
	v25 =	vbroadcast v25, $0x0;
	[sflag:s17] =	ssyncadd.s32 $0xFFFFFFF0  }
0x2b: {  	v24 =	vld [tilespmem:$0x9800];
	[tilespmem:v29+s19+$0x0] =	vst.idx.msk $0xffff, v1;
	v29 =	vadd.s32 v6, v26  }
0x2c: {  	s0 =	simm.s32 $0x2;
	v31 =	vor.u32 v0, v25;
	v26 =	vor.u32 v2, v25;
	[tilespmem:v32+s19+$0x0] =	vst.idx.msk $0xffff, v1  }
.LBB2_2:
0x2d: {  	v32 =	vmov s0;
	p0 =	sne.s32 s0, $0x7F;
	s0 =	sadd.s32 $0x1, s0;
	[tilespmem:v30+s19+$0x0] =	vst.idx.msk $0xffff, v1  }
.Ltmp2:
0x2e: {  	v30 =	vadd.s32 v3, v25;
	v32 =	vmul.u32 $0x60, v32;
	[tilespmem:v27+s19+$0x0] =	vst.idx.msk $0xffff, v1;
	(pc) =	sbr.rel @p0 .LBB2_2-.Ltmp2, $4  }
0x2f: {  	v27 =	vadd.s32 v4, v25;
	[tilespmem:v28+s19+$0x0] =	vst.idx.msk $0xffff, v1  }
0x30: {  	v28 =	vadd.s32 v5, v25;
	v32 =	vbroadcast v32, $0x0;
	[tilespmem:v29+s19+$0x0] =	vst.idx.msk $0xffff, v1  }
0x31: {  	v29 =	vadd.s32 v6, v25;
	[tilespmem:v31+s19+$0x0] =	vst.idx.msk $0xffff, v1  }
0x32: {  	v31 =	vor.u32 v0, v32;
	[tilespmem:v26+s19+$0x0] =	vst.idx.msk $0xffff, v1;
	v26 =	vor.u32 v2, v32;
	v25 =	vmov v32  }
0x33: {  	_ =	sdelay $0x3  }
0x34: {  	[tilespmem:v30+s19+$0x0] =	vst.idx.msk $0xffff, v1  }
0x35: {  	v62 =	vadd.s32 v3, v25;
	[tilespmem:v27+s19+$0x0] =	vst.idx.msk $0xffff, v1  }
0x36: {  	v27 =	vadd.s32 v4, v25;
	[tilespmem:v28+s19+$0x0] =	vst.idx.msk $0xffff, v1  }
0x37: {  	v63 =	vadd.s32 v5, v25;
	[tilespmem:v29+s19+$0x0] =	vst.idx.msk $0xffff, v1  }
0x38: {  	v25 =	vadd.s32 v6, v25;
	[tilespmem:v31+s19+$0x0] =	vst.idx.msk $0xffff, v1  }
0x39: {  	[tilespmem:v26+s19+$0x0] =	vst.idx.msk $0xffff, v1  }
0x3a: {  	[tilespmem:v62+s19+$0x0] =	vst.idx.msk $0xffff, v1  }
0x3b: {  	[tilespmem:v27+s19+$0x0] =	vst.idx.msk $0xffff, v1  }
0x3c: {  	[tilespmem:v63+s19+$0x0] =	vst.idx.msk $0xffff, v1  }
0x3d: {  	[tilespmem:v25+s19+$0x0] =	vst.idx.msk $0xffff, v1  }
0x3e: {  	[spmem:s7] =	stream.linear.scatter [tilespmem:s19], [sflag:$0x2], $0x3000, $0x38;
	[tilespmem:$0x14910] =	vst v63  }
0x3f: {  	_ =	swait.ge [sflag:s17], $0x3000  }
0x40: {  	[sflag:s17] =	ssyncset.done $0x0  }
0x41: {  	[sflag:s17] =	ssyncadd.s32 $0xFFFFD000  }
0x42: {  	[spmem:s8] =	stream.linear.scatter [tilespmem:s19], [sflag:$0x2], $0x3000, $0x38;
	[tilespmem:$0x14910] =	vst v63  }
0x43: {  	_ =	swait.ge [sflag:s17], $0x3000  }
0x44: {  	[sflag:s17] =	ssyncset.done $0x0  }
0x45: {  	[sflag:s17] =	ssyncadd.s32 $0xFFFFD000  }
0x46: {  	[spmem:s9] =	stream.linear.scatter [tilespmem:s19], [sflag:$0x2], $0x1800, $0x38;
	[tilespmem:$0x14910] =	vst v63  }
0x47: {  	_ =	swait.ge [sflag:s17], $0x1800  }
0x48: {  	[sflag:s17] =	ssyncset.done $0x0  }
0x49: {  	s0 =	simm.s32 $0x0;
	[sflag:s17] =	ssyncadd.s32 $0xFFFFE800  }
0x4a: {  	[tilespmem:s20], [sflag:$0x2] =	stream.linear.gather [hbm4b:s10+s0], $0x2710, $0x38;
	[tilespmem:$0x14910] =	vst v63  }
0x4b: {  	_ =	swait.ge [sflag:s17], $0x2710  }
0x4c: {  	[sflag:s17] =	ssyncset.done $0x0  }
0x4d: {  	[sflag:s17] =	ssyncadd.s32 $0xFFFFD8F0  }
0x4e: {  	[tilespmem:s21], [sflag:$0x2] =	stream.linear.gather [hbm4b:s11+s0], $0x2710, $0x38;
	[tilespmem:$0x14910] =	vst v63  }
0x4f: {  	_ =	swait.ge [sflag:s17], $0x2710  }
0x50: {  	[sflag:s17] =	ssyncset.done $0x0  }
0x51: {  	s1 =	simm.s32 $0x0;
	[sflag:s17] =	ssyncadd.s32 $0xFFFFD8F0  }
0x52: {  	v25 =	vld [tilespmem:s1+$0x12110];
	_ =	sdelay $0x4  }
0x53: {  	vm0 =	vlt.s32 v25, $0x400  }
0x54: {  	v26 =	vmpcnt.ones.xlane vm0;
	_ =	sdelay $0x1  }
0x55: {  	v26 =	vxor.u32 $0x80000000, v26  }
0x56: {  	(xrf0) =	vmax.scan.msk.u32 $0xffff, v26;
	_ =	sdelay $0x1  }
0x57: {  	v26 =	vld [tilespmem:s1+$0xF910];
	_ =	sdelay $0x3  }
0x58: {  	v27, _, _ =	vpop (xrf0)  }
0x59: {  	[tilespmem:s0+$0xF910] =	vst.msk vm0, v26;
	(v2sf) =	vpush v27, $0xF  }
0x5a: {  	s2 =	simm.s32 $0x80;
	s1 =	simm.s32 $0x10;
	[tilespmem:s0+$0x12110] =	vst.msk vm0, v25  }
.LBB2_4:
0x5b: {  	p0 =	sne.s32 s2, $0x9C00;
	v25 =	vld [tilespmem:s1+$0x12110];
	_ =	sdelay $0x4  }
0x5c: {  	vm0 =	vlt.s32 v25, $0x400  }
0x5d: {  	v26 =	vmpcnt.ones.xlane vm0;
	_ =	sdelay $0x1  }
0x5e: {  	v26 =	vxor.u32 $0x80000000, v26  }
0x5f: {  	(xrf0) =	vmax.scan.msk.u32 $0xffff, v26;
	_ =	sdelay $0x1  }
0x60: {  	v26 =	vld [tilespmem:s1+$0xF910];
	_ =	sdelay $0x1  }
.Ltmp3:
0x61: {  	s1 =	spop (v2sf);
	(pc) =	sbr.rel @p0 .LBB2_4-.Ltmp3, $4  }
0x62: {  	s0 =	sadd.s32 s1, s0  }
0x63: {  	v27, _, _ =	vpop (xrf0);
	s0 =	sadd.s32 $0x80000000, s0  }
0x64: {  	[tilespmem:s0+$0xF910] =	vst.msk vm0, v26;
	(v2sf) =	vpush v27, $0xF  }
0x65: {  	s1 =	sshra.s32 s2, $0x2;
	s2 =	sadd.s32 $0x40, s2;
	[tilespmem:s0+$0x12110] =	vst.msk vm0, v25  }
0x66: {  	v25 =	vld [tilespmem:s1+$0x12110];
	_ =	sdelay $0x4  }
0x67: {  	vm0 =	vlt.s32 v25, $0x400  }
0x68: {  	v26 =	vmpcnt.ones.xlane vm0;
	_ =	sdelay $0x1  }
0x69: {  	v26 =	vxor.u32 $0x80000000, v26  }
0x6a: {  	(xrf0) =	vmax.scan.msk.u32 $0xffff, v26;
	_ =	sdelay $0x5  }
0x6b: {  	v26, _, _ =	vpop (xrf0)  }
0x6c: {  	(v2sf) =	vpush v26, $0xF;
	_ =	sdelay $0xc  }
0x6d: {  	s2 =	spop (v2sf)  }
0x6e: {  	s0 =	sadd.s32 s2, s0  }
0x6f: {  	s2 =	sadd.s32 $0x80000000, s0;
	s29 =	spop (v2sf)  }
0x70: {  	s0 =	sadd.s32 s29, s2  }
0x71: {  	s30 =	sadd.s32 $0x80000000, s0  }
0x72: {  	s0 =	sadd.s32 $0x7F, s30  }
0x73: {  	s31 =	sshra.s32 s0, $0x1F  }
0x74: {  	s31 =	sshrl.u32 s31, $0x19  }
0x75: {  	v26 =	vld [tilespmem:s1+$0xF910];
	s1 =	sadd.s32 s31, s0  }
0x76: {  	s4 =	sand.u32 $0xFFFFFF80, s1  }
0x77: {  	s30 =	ssub.s32 s4, s30  }
0x78: {  	s30 =	sadd.s32 $0xF, s30  }
0x79: {  	p0 =	slt.s32 s30, $0x10  }
.Ltmp4:
0x7a: {  	_ = 	snop;
	(pc) =	sbr.rel @p0 .LBB2_9-.Ltmp4, $3  }
0x7b: {  	_ =	sdelay $0x1  }
0x7c: {  	[tilespmem:s2+$0xF910] =	vst.msk vm0, v26  }
0x7d: {  	[tilespmem:s2+$0x12110] =	vst.msk vm0, v25  }
0x7e: {  	s2 =	sadd.s32 s2, s29;
	s31 =	sshra.s32 s30, $0x1F  }
0x7f: {  	s29 =	sadd.s32 $0x80000000, s2;
	s2 =	sshrl.u32 s31, $0x1C  }
0x80: {  	s2 =	sadd.s32 s2, s30  }
0x81: {  	s2 =	sshra.s32 s2, $0x4  }
0x82: {  	v25 =	vadd.s32 s29, v0;
	p0 =	sne.s32 s2, $0x1  }
.Ltmp5:
0x83: {  	_ = 	snop;
	(pc) =	sbr.rel @!p0 .LBB2_8-.Ltmp5, $2  }
0x84: {  	_ =	sdelay $0x2  }
0x85: {  	s29 =	sadd.s32 $0x10, s29;
	s2 =	sadd.s32 $0xFFFFFFFF, s2;
	[tilespmem:v25+s21+$0x0] =	vst.idx.msk $0xffff, v7  }
.LBB2_7:
0x86: {  	[tilespmem:v25+s20+$0x0] =	vst.idx.msk $0xffff, v8;
	v25 =	vadd.s32 s29, v0;
	p0 =	sne.s32 s2, $0x1  }
.Ltmp6:
0x87: {  	s2 =	sadd.s32 $0xFFFFFFFF, s2;
	(pc) =	sbr.rel @p0 .LBB2_7-.Ltmp6, $2  }
0x88: {  	_ =	sdelay $0x2  }
0x89: {  	s29 =	sadd.s32 $0x10, s29;
	[tilespmem:v25+s21+$0x0] =	vst.idx.msk $0xffff, v7  }
.LBB2_8:
0x8a: {  	_ =	sdelay $0x3  }
0x8b: {  	[tilespmem:v25+s20+$0x0] =	vst.idx.msk $0xffff, v8  }
.LBB2_9:
0x8c: {  	p0 =	slt.s32 s0, $0x80  }
.Ltmp7:
0x8d: {  	_ = 	snop;
	(pc) =	sbr.rel @p0 .LBB2_14-.Ltmp7, $2  }
0x8e: {  	_ =	sdelay $0x1  }
0x8f: {  	[bflag:$0x0] =	sbarrier.arrive $0xFFFF;
	_ =	sdelay $0x1  }
0x90: {  	s29 =	sshra.s32 s1, $0x7;
	s30 =	simm.s32 $0x0  }
.LBB2_11:
0x91: {  	s0 =	sshll.u32 s30, $0x7  }
0x92: {  	v25 =	vld [tilespmem:s0+$0xF910];
	_ =	sdelay $0x4  }
0x93: {  	[tilespmem:$0x9810] =	vst v25  }
0x94: {  	v25 =	vld [tilespmem:s0+$0x12110];
	_ =	sdelay $0x4  }
0x95: {  	[tilespmem:$0x9890] =	vst v25  }
0x96: {  	v25 =	vld [tilespmem:s0+$0xF920];
	_ =	sdelay $0x4  }
0x97: {  	[tilespmem:$0x9820] =	vst v25  }
0x98: {  	v25 =	vld [tilespmem:s0+$0x12120];
	_ =	sdelay $0x4  }
0x99: {  	[tilespmem:$0x98A0] =	vst v25  }
0x9a: {  	v25 =	vld [tilespmem:s0+$0xF930];
	_ =	sdelay $0x4  }
0x9b: {  	[tilespmem:$0x9830] =	vst v25  }
0x9c: {  	v25 =	vld [tilespmem:s0+$0x12130];
	_ =	sdelay $0x4  }
0x9d: {  	[tilespmem:$0x98B0] =	vst v25  }
0x9e: {  	v25 =	vld [tilespmem:s0+$0xF940];
	_ =	sdelay $0x4  }
0x9f: {  	[tilespmem:$0x9840] =	vst v25  }
0xa0: {  	v25 =	vld [tilespmem:s0+$0x12140];
	_ =	sdelay $0x4  }
0xa1: {  	[tilespmem:$0x98C0] =	vst v25  }
0xa2: {  	v25 =	vld [tilespmem:s0+$0xF950];
	_ =	sdelay $0x4  }
0xa3: {  	[tilespmem:$0x9850] =	vst v25  }
0xa4: {  	v25 =	vld [tilespmem:s0+$0x12150];
	_ =	sdelay $0x4  }
0xa5: {  	[tilespmem:$0x98D0] =	vst v25  }
0xa6: {  	v25 =	vld [tilespmem:s0+$0xF960];
	_ =	sdelay $0x4  }
0xa7: {  	[tilespmem:$0x9860] =	vst v25  }
0xa8: {  	v25 =	vld [tilespmem:s0+$0x12160];
	_ =	sdelay $0x4  }
0xa9: {  	[tilespmem:$0x98E0] =	vst v25  }
0xaa: {  	v25 =	vld [tilespmem:s0+$0xF970];
	_ =	sdelay $0x4  }
0xab: {  	[tilespmem:$0x9870] =	vst v25  }
0xac: {  	v25 =	vld [tilespmem:s0+$0x12170];
	_ =	sdelay $0x4  }
0xad: {  	[tilespmem:$0x98F0] =	vst v25  }
0xae: {  	v25 =	vld [tilespmem:s0+$0xF980];
	_ =	sdelay $0x4  }
0xaf: {  	[tilespmem:$0x9880] =	vst v25  }
0xb0: {  	v25 =	vld [tilespmem:s0+$0x12180];
	_ =	sdelay $0x4  }
0xb1: {  	[tilespmem:$0x9900] =	vst v25  }
0xb2: {  	[tilespmem:s24], [sflag:$0x1] =	stream.indirect.gather [hbm4b:s6+s22], $0x60, s23, s22, $0xb8;
	[tilespmem:$0x14910] =	vst v63  }
0xb3: {  	_ =	swait.ge [sflag:s25], $0x3000  }
0xb4: {  	s31 =	simm.s32 $0xFFFFFFFC;
	s2 =	simm.s32 $0xCA90;
	[sflag:s25] =	ssyncset.done $0x0  }
0xb5: {  	s1 =	simm.s32 $0x0;
	s0 =	simm.s32 $0x9A90;
	[sflag:s25] =	ssyncadd.s32 $0xFFFFD000  }
.LBB2_12:
0xb6: {  	v25 =	vor.u32 s1, v9;
	_ =	sdelay $0x4  }
0xb7: {  	v25 =	vld.idx.msk [tilespmem:v25+s26+$0x0], $0xffff;
	_ =	sdelay $0x3  }
0xb8: {  	v26 =	vmov s1  }
0xb9: {  	v26 =	vmul.u32 $0x60, v26;
	vm0 =	vlt.s32 v25, $0x3FF  }
0xba: {  	v25 =	vnsel vm0, $0x3FF, v25  }
0xbb: {  	v26 =	vor.u32 v11, v26;
	v25 =	vshll.u32 v25, $0x3  }
0xbc: {  	v25 =	vor.u32 v10, v25;
	_ =	sdelay $0x3  }
0xbd: {  	v26 =	vld.idx.msk [tilespmem:v26+s24+$0x0], $0xffff  }
0xbe: {  	v25 =	vld.idx.msk [tilespmem:v25+s16+$0x0], $0xffff;
	_ =	sdelay $0x4  }
0xbf: {  	v25 =	vadd.f32 v26, v25;
	_ =	sdelay $0x1  }
0xc0: {  	v26 =	vmul.f32 $2.000000030e-01, v25;
	_ =	sdelay $0x1  }
0xc1: {  	v25 =	vmax.f32 v25, v26  }
0xc2: {  	v25 =	vsub.f32 v25, v24;
	_ =	sdelay $0x1  }
0xc3: {  	v25 =	vmul.f32 $1.442695020e+00, v25;
	_ =	sdelay $0x1  }
0xc4: {  	(erf) = vpow2.f32 v25;
	_ =	sdelay $0x6  }
0xc5: {  	v25 =	vld [tilespmem:s0+$0xFFFFFE80];
	_ =	sdelay $0x1  }
0xc6: {  	v26 =	vpop (erf)  }
0xc7: {  	v27 =	vperm.xlane v26, v12;
	_ =	sdelay $0x1  }
0xc8: {  	v25 =	vmul.f32 v25, v27;
	_ =	sdelay $0x1  }
0xc9: {  	[tilespmem:s2+$0xFFFFFE80] =	vst v25  }
0xca: {  	v25 =	vld [tilespmem:s0+$0xFFFFFE90];
	_ =	sdelay $0x2  }
0xcb: {  	v27 =	vperm.xlane v26, v13;
	_ =	sdelay $0x1  }
0xcc: {  	v25 =	vmul.f32 v25, v27;
	_ =	sdelay $0x1  }
0xcd: {  	[tilespmem:s2+$0xFFFFFE90] =	vst v25  }
0xce: {  	v25 =	vld [tilespmem:s0+$0xFFFFFEA0];
	_ =	sdelay $0x2  }
0xcf: {  	v27 =	vperm.xlane v26, v14;
	_ =	sdelay $0x1  }
0xd0: {  	v25 =	vmul.f32 v25, v27;
	_ =	sdelay $0x1  }
0xd1: {  	[tilespmem:s2+$0xFFFFFEA0] =	vst v25  }
0xd2: {  	v25 =	vld [tilespmem:s0+$0xFFFFFEB0];
	_ =	sdelay $0x2  }
0xd3: {  	v27 =	vperm.xlane v26, v15;
	_ =	sdelay $0x1  }
0xd4: {  	v25 =	vmul.f32 v25, v27;
	_ =	sdelay $0x1  }
0xd5: {  	[tilespmem:s2+$0xFFFFFEB0] =	vst v25  }
0xd6: {  	v25 =	vld [tilespmem:s0+$0xFFFFFEC0];
	_ =	sdelay $0x2  }
0xd7: {  	v27 =	vperm.xlane v26, v16;
	_ =	sdelay $0x1  }
0xd8: {  	v25 =	vmul.f32 v25, v27;
	_ =	sdelay $0x1  }
0xd9: {  	[tilespmem:s2+$0xFFFFFEC0] =	vst v25  }
0xda: {  	v25 =	vld [tilespmem:s0+$0xFFFFFED0];
	_ =	sdelay $0x2  }
0xdb: {  	v27 =	vperm.xlane v26, v17;
	_ =	sdelay $0x1  }
0xdc: {  	v25 =	vmul.f32 v25, v27;
	_ =	sdelay $0x1  }
0xdd: {  	[tilespmem:s2+$0xFFFFFED0] =	vst v25  }
0xde: {  	v25 =	vld [tilespmem:s0+$0xFFFFFEE0];
	_ =	sdelay $0x2  }
0xdf: {  	v27 =	vperm.xlane v26, v18;
	_ =	sdelay $0x1  }
0xe0: {  	v25 =	vmul.f32 v25, v27;
	_ =	sdelay $0x1  }
0xe1: {  	[tilespmem:s2+$0xFFFFFEE0] =	vst v25  }
0xe2: {  	v25 =	vld [tilespmem:s0+$0xFFFFFEF0];
	_ =	sdelay $0x2  }
0xe3: {  	v27 =	vperm.xlane v26, v19;
	_ =	sdelay $0x1  }
0xe4: {  	v25 =	vmul.f32 v25, v27;
	_ =	sdelay $0x1  }
0xe5: {  	[tilespmem:s2+$0xFFFFFEF0] =	vst v25  }
0xe6: {  	v25 =	vld [tilespmem:s0+$0xFFFFFF00];
	_ =	sdelay $0x2  }
0xe7: {  	v27 =	vperm.xlane v26, v20;
	_ =	sdelay $0x1  }
0xe8: {  	v25 =	vmul.f32 v25, v27;
	_ =	sdelay $0x1  }
0xe9: {  	[tilespmem:s2+$0xFFFFFF00] =	vst v25  }
0xea: {  	v25 =	vld [tilespmem:s0+$0xFFFFFF10];
	_ =	sdelay $0x2  }
0xeb: {  	v27 =	vperm.xlane v26, v21;
	_ =	sdelay $0x1  }
0xec: {  	v25 =	vmul.f32 v25, v27;
	_ =	sdelay $0x1  }
0xed: {  	[tilespmem:s2+$0xFFFFFF10] =	vst v25  }
0xee: {  	v25 =	vld [tilespmem:s0+$0xFFFFFF20];
	_ =	sdelay $0x2  }
0xef: {  	v27 =	vperm.xlane v26, v22;
	_ =	sdelay $0x1  }
0xf0: {  	v25 =	vmul.f32 v25, v27;
	_ =	sdelay $0x1  }
0xf1: {  	[tilespmem:s2+$0xFFFFFF20] =	vst v25  }
0xf2: {  	v25 =	vld [tilespmem:s0+$0xFFFFFF30];
	_ =	sdelay $0x1  }
0xf3: {  	s4 =	sadd.s32 $0x2, s1  }
0xf4: {  	v26 =	vperm.xlane v26, v23;
	v27 =	vor.u32 s4, v9;
	_ =	sdelay $0x1  }
0xf5: {  	v25 =	vmul.f32 v25, v26;
	_ =	sdelay $0x1  }
0xf6: {  	[tilespmem:s2+$0xFFFFFF30] =	vst v25  }
0xf7: {  	v25 =	vld.idx.msk [tilespmem:v27+s26+$0x0], $0xffff;
	_ =	sdelay $0x3  }
0xf8: {  	v26 =	vmov s4  }
0xf9: {  	v26 =	vmul.u32 $0x60, v26;
	vm13 =	vlt.s32 v25, $0x3FF  }
0xfa: {  	v25 =	vnsel vm13, $0x3FF, v25  }
0xfb: {  	v26 =	vadd.s32 v11, v26;
	v25 =	vshll.u32 v25, $0x3  }
0xfc: {  	v25 =	vor.u32 v10, v25;
	_ =	sdelay $0x3  }
0xfd: {  	v26 =	vld.idx.msk [tilespmem:v26+s24+$0x0], $0xffff  }
0xfe: {  	v25 =	vld.idx.msk [tilespmem:v25+s16+$0x0], $0xffff;
	_ =	sdelay $0x4  }
0xff: {  	v25 =	vadd.f32 v26, v25;
	_ =	sdelay $0x1  }
0x100: {  	v26 =	vmul.f32 $2.000000030e-01, v25;
	_ =	sdelay $0x1  }
0x101: {  	v25 =	vmax.f32 v25, v26  }
0x102: {  	v25 =	vsub.f32 v25, v24;
	_ =	sdelay $0x1  }
0x103: {  	v25 =	vmul.f32 $1.442695020e+00, v25;
	_ =	sdelay $0x1  }
0x104: {  	(erf) = vpow2.f32 v25;
	_ =	sdelay $0x6  }
0x105: {  	v25 =	vld [tilespmem:s0+$0xFFFFFF40];
	_ =	sdelay $0x1  }
0x106: {  	v26 =	vpop (erf)  }
0x107: {  	v27 =	vperm.xlane v26, v12;
	_ =	sdelay $0x1  }
0x108: {  	v25 =	vmul.f32 v25, v27;
	_ =	sdelay $0x1  }
0x109: {  	[tilespmem:s2+$0xFFFFFF40] =	vst v25  }
0x10a: {  	v25 =	vld [tilespmem:s0+$0xFFFFFF50];
	_ =	sdelay $0x2  }
0x10b: {  	v27 =	vperm.xlane v26, v13;
	_ =	sdelay $0x1  }
0x10c: {  	v25 =	vmul.f32 v25, v27;
	_ =	sdelay $0x1  }
0x10d: {  	[tilespmem:s2+$0xFFFFFF50] =	vst v25  }
0x10e: {  	v25 =	vld [tilespmem:s0+$0xFFFFFF60];
	_ =	sdelay $0x2  }
0x10f: {  	v27 =	vperm.xlane v26, v14;
	_ =	sdelay $0x1  }
0x110: {  	v25 =	vmul.f32 v25, v27;
	_ =	sdelay $0x1  }
0x111: {  	[tilespmem:s2+$0xFFFFFF60] =	vst v25  }
0x112: {  	v25 =	vld [tilespmem:s0+$0xFFFFFF70];
	_ =	sdelay $0x2  }
0x113: {  	v27 =	vperm.xlane v26, v15;
	_ =	sdelay $0x1  }
0x114: {  	v25 =	vmul.f32 v25, v27;
	_ =	sdelay $0x1  }
0x115: {  	[tilespmem:s2+$0xFFFFFF70] =	vst v25  }
0x116: {  	v25 =	vld [tilespmem:s0+$0xFFFFFF80];
	_ =	sdelay $0x2  }
0x117: {  	v27 =	vperm.xlane v26, v16;
	_ =	sdelay $0x1  }
0x118: {  	v25 =	vmul.f32 v25, v27;
	_ =	sdelay $0x1  }
0x119: {  	[tilespmem:s2+$0xFFFFFF80] =	vst v25  }
0x11a: {  	v25 =	vld [tilespmem:s0+$0xFFFFFF90];
	_ =	sdelay $0x2  }
0x11b: {  	v27 =	vperm.xlane v26, v17;
	_ =	sdelay $0x1  }
0x11c: {  	v25 =	vmul.f32 v25, v27;
	_ =	sdelay $0x1  }
0x11d: {  	[tilespmem:s2+$0xFFFFFF90] =	vst v25  }
0x11e: {  	v25 =	vld [tilespmem:s0+$0xFFFFFFA0];
	_ =	sdelay $0x2  }
0x11f: {  	v27 =	vperm.xlane v26, v18;
	_ =	sdelay $0x1  }
0x120: {  	v25 =	vmul.f32 v25, v27;
	_ =	sdelay $0x1  }
0x121: {  	[tilespmem:s2+$0xFFFFFFA0] =	vst v25  }
0x122: {  	v25 =	vld [tilespmem:s0+$0xFFFFFFB0];
	_ =	sdelay $0x2  }
0x123: {  	v27 =	vperm.xlane v26, v19;
	_ =	sdelay $0x1  }
0x124: {  	v25 =	vmul.f32 v25, v27;
	_ =	sdelay $0x1  }
0x125: {  	[tilespmem:s2+$0xFFFFFFB0] =	vst v25  }
0x126: {  	v25 =	vld [tilespmem:s0+$0xFFFFFFC0];
	_ =	sdelay $0x2  }
0x127: {  	v27 =	vperm.xlane v26, v20;
	_ =	sdelay $0x1  }
0x128: {  	v25 =	vmul.f32 v25, v27;
	_ =	sdelay $0x1  }
0x129: {  	[tilespmem:s2+$0xFFFFFFC0] =	vst v25  }
0x12a: {  	v25 =	vld [tilespmem:s0+$0xFFFFFFD0];
	_ =	sdelay $0x2  }
0x12b: {  	v27 =	vperm.xlane v26, v21;
	_ =	sdelay $0x1  }
0x12c: {  	v25 =	vmul.f32 v25, v27;
	_ =	sdelay $0x1  }
0x12d: {  	[tilespmem:s2+$0xFFFFFFD0] =	vst v25  }
0x12e: {  	v25 =	vld [tilespmem:s0+$0xFFFFFFE0];
	_ =	sdelay $0x2  }
0x12f: {  	v27 =	vperm.xlane v26, v22;
	_ =	sdelay $0x1  }
0x130: {  	v25 =	vmul.f32 v25, v27;
	_ =	sdelay $0x1  }
0x131: {  	[tilespmem:s2+$0xFFFFFFE0] =	vst v25  }
0x132: {  	v25 =	vld [tilespmem:s0+$0xFFFFFFF0];
	_ =	sdelay $0x1  }
0x133: {  	s4 =	sadd.s32 $0x4, s1  }
0x134: {  	v26 =	vperm.xlane v26, v23;
	v27 =	vor.u32 s4, v9;
	_ =	sdelay $0x1  }
0x135: {  	v25 =	vmul.f32 v25, v26;
	_ =	sdelay $0x1  }
0x136: {  	[tilespmem:s2+$0xFFFFFFF0] =	vst v25  }
0x137: {  	v25 =	vld.idx.msk [tilespmem:v27+s26+$0x0], $0xffff;
	_ =	sdelay $0x3  }
0x138: {  	v26 =	vmov s4  }
0x139: {  	v26 =	vmul.u32 $0x60, v26;
	vm14 =	vlt.s32 v25, $0x3FF  }
0x13a: {  	v25 =	vnsel vm14, $0x3FF, v25  }
0x13b: {  	v26 =	vadd.s32 v11, v26;
	v25 =	vshll.u32 v25, $0x3  }
0x13c: {  	v25 =	vor.u32 v10, v25;
	_ =	sdelay $0x3  }
0x13d: {  	v26 =	vld.idx.msk [tilespmem:v26+s24+$0x0], $0xffff  }
0x13e: {  	v25 =	vld.idx.msk [tilespmem:v25+s16+$0x0], $0xffff;
	_ =	sdelay $0x4  }
0x13f: {  	v25 =	vadd.f32 v26, v25;
	_ =	sdelay $0x1  }
0x140: {  	v26 =	vmul.f32 $2.000000030e-01, v25;
	_ =	sdelay $0x1  }
0x141: {  	v25 =	vmax.f32 v25, v26  }
0x142: {  	v25 =	vsub.f32 v25, v24;
	_ =	sdelay $0x1  }
0x143: {  	v25 =	vmul.f32 $1.442695020e+00, v25;
	_ =	sdelay $0x1  }
0x144: {  	(erf) = vpow2.f32 v25;
	_ =	sdelay $0x6  }
0x145: {  	v25 =	vld [tilespmem:s0+$0x0];
	_ =	sdelay $0x1  }
0x146: {  	v26 =	vpop (erf)  }
0x147: {  	v27 =	vperm.xlane v26, v12;
	_ =	sdelay $0x1  }
0x148: {  	v25 =	vmul.f32 v25, v27;
	_ =	sdelay $0x1  }
0x149: {  	[tilespmem:s2+$0x0] =	vst v25  }
0x14a: {  	v25 =	vld [tilespmem:s0+$0x10];
	_ =	sdelay $0x2  }
0x14b: {  	v27 =	vperm.xlane v26, v13;
	_ =	sdelay $0x1  }
0x14c: {  	v25 =	vmul.f32 v25, v27;
	_ =	sdelay $0x1  }
0x14d: {  	[tilespmem:s2+$0x10] =	vst v25  }
0x14e: {  	v25 =	vld [tilespmem:s0+$0x20];
	_ =	sdelay $0x2  }
0x14f: {  	v27 =	vperm.xlane v26, v14;
	_ =	sdelay $0x1  }
0x150: {  	v25 =	vmul.f32 v25, v27;
	_ =	sdelay $0x1  }
0x151: {  	[tilespmem:s2+$0x20] =	vst v25  }
0x152: {  	v25 =	vld [tilespmem:s0+$0x30];
	_ =	sdelay $0x2  }
0x153: {  	v27 =	vperm.xlane v26, v15;
	_ =	sdelay $0x1  }
0x154: {  	v25 =	vmul.f32 v25, v27;
	_ =	sdelay $0x1  }
0x155: {  	[tilespmem:s2+$0x30] =	vst v25  }
0x156: {  	v25 =	vld [tilespmem:s0+$0x40];
	_ =	sdelay $0x2  }
0x157: {  	v27 =	vperm.xlane v26, v16;
	_ =	sdelay $0x1  }
0x158: {  	v25 =	vmul.f32 v25, v27;
	_ =	sdelay $0x1  }
0x159: {  	[tilespmem:s2+$0x40] =	vst v25  }
0x15a: {  	v25 =	vld [tilespmem:s0+$0x50];
	_ =	sdelay $0x2  }
0x15b: {  	v27 =	vperm.xlane v26, v17;
	_ =	sdelay $0x1  }
0x15c: {  	v25 =	vmul.f32 v25, v27;
	_ =	sdelay $0x1  }
0x15d: {  	[tilespmem:s2+$0x50] =	vst v25  }
0x15e: {  	v25 =	vld [tilespmem:s0+$0x60];
	_ =	sdelay $0x2  }
0x15f: {  	v27 =	vperm.xlane v26, v18;
	_ =	sdelay $0x1  }
0x160: {  	v25 =	vmul.f32 v25, v27;
	_ =	sdelay $0x1  }
0x161: {  	[tilespmem:s2+$0x60] =	vst v25  }
0x162: {  	v25 =	vld [tilespmem:s0+$0x70];
	_ =	sdelay $0x2  }
0x163: {  	v27 =	vperm.xlane v26, v19;
	_ =	sdelay $0x1  }
0x164: {  	v25 =	vmul.f32 v25, v27;
	_ =	sdelay $0x1  }
0x165: {  	[tilespmem:s2+$0x70] =	vst v25  }
0x166: {  	v25 =	vld [tilespmem:s0+$0x80];
	_ =	sdelay $0x2  }
0x167: {  	v27 =	vperm.xlane v26, v20;
	_ =	sdelay $0x1  }
0x168: {  	v25 =	vmul.f32 v25, v27;
	_ =	sdelay $0x1  }
0x169: {  	[tilespmem:s2+$0x80] =	vst v25  }
0x16a: {  	v25 =	vld [tilespmem:s0+$0x90];
	_ =	sdelay $0x2  }
0x16b: {  	v27 =	vperm.xlane v26, v21;
	_ =	sdelay $0x1  }
0x16c: {  	v25 =	vmul.f32 v25, v27;
	_ =	sdelay $0x1  }
0x16d: {  	[tilespmem:s2+$0x90] =	vst v25  }
0x16e: {  	v25 =	vld [tilespmem:s0+$0xA0];
	_ =	sdelay $0x2  }
0x16f: {  	v27 =	vperm.xlane v26, v22;
	_ =	sdelay $0x1  }
0x170: {  	v25 =	vmul.f32 v25, v27;
	_ =	sdelay $0x1  }
0x171: {  	[tilespmem:s2+$0xA0] =	vst v25  }
0x172: {  	v25 =	vld [tilespmem:s0+$0xB0];
	_ =	sdelay $0x1  }
0x173: {  	s4 =	sadd.s32 $0x6, s1  }
0x174: {  	v26 =	vperm.xlane v26, v23;
	v27 =	vor.u32 s4, v9;
	_ =	sdelay $0x1  }
0x175: {  	v25 =	vmul.f32 v25, v26;
	_ =	sdelay $0x1  }
0x176: {  	[tilespmem:s2+$0xB0] =	vst v25  }
0x177: {  	v25 =	vld.idx.msk [tilespmem:v27+s26+$0x0], $0xffff;
	_ =	sdelay $0x3  }
0x178: {  	v26 =	vmov s4  }
0x179: {  	v26 =	vmul.u32 $0x60, v26;
	vm15 =	vlt.s32 v25, $0x3FF  }
0x17a: {  	v25 =	vnsel vm15, $0x3FF, v25  }
0x17b: {  	v26 =	vadd.s32 v11, v26;
	v25 =	vshll.u32 v25, $0x3  }
0x17c: {  	v25 =	vor.u32 v10, v25;
	_ =	sdelay $0x3  }
0x17d: {  	v26 =	vld.idx.msk [tilespmem:v26+s24+$0x0], $0xffff  }
0x17e: {  	v25 =	vld.idx.msk [tilespmem:v25+s16+$0x0], $0xffff;
	_ =	sdelay $0x4  }
0x17f: {  	v25 =	vadd.f32 v26, v25;
	_ =	sdelay $0x1  }
0x180: {  	v26 =	vmul.f32 $2.000000030e-01, v25;
	_ =	sdelay $0x1  }
0x181: {  	v25 =	vmax.f32 v25, v26  }
0x182: {  	v25 =	vsub.f32 v25, v24;
	_ =	sdelay $0x1  }
0x183: {  	v25 =	vmul.f32 $1.442695020e+00, v25;
	_ =	sdelay $0x1  }
0x184: {  	(erf) = vpow2.f32 v25;
	_ =	sdelay $0x6  }
0x185: {  	v25 =	vld [tilespmem:s0+$0xC0];
	_ =	sdelay $0x1  }
0x186: {  	v26 =	vpop (erf)  }
0x187: {  	v27 =	vperm.xlane v26, v12;
	_ =	sdelay $0x1  }
0x188: {  	v25 =	vmul.f32 v25, v27;
	_ =	sdelay $0x1  }
0x189: {  	[tilespmem:s2+$0xC0] =	vst v25  }
0x18a: {  	v25 =	vld [tilespmem:s0+$0xD0];
	_ =	sdelay $0x2  }
0x18b: {  	v27 =	vperm.xlane v26, v13;
	_ =	sdelay $0x1  }
0x18c: {  	v25 =	vmul.f32 v25, v27;
	_ =	sdelay $0x1  }
0x18d: {  	[tilespmem:s2+$0xD0] =	vst v25  }
0x18e: {  	v25 =	vld [tilespmem:s0+$0xE0];
	_ =	sdelay $0x2  }
0x18f: {  	v27 =	vperm.xlane v26, v14;
	_ =	sdelay $0x1  }
0x190: {  	v25 =	vmul.f32 v25, v27;
	_ =	sdelay $0x1  }
0x191: {  	[tilespmem:s2+$0xE0] =	vst v25  }
0x192: {  	v25 =	vld [tilespmem:s0+$0xF0];
	_ =	sdelay $0x2  }
0x193: {  	v27 =	vperm.xlane v26, v15;
	_ =	sdelay $0x1  }
0x194: {  	v25 =	vmul.f32 v25, v27;
	_ =	sdelay $0x1  }
0x195: {  	[tilespmem:s2+$0xF0] =	vst v25  }
0x196: {  	v25 =	vld [tilespmem:s0+$0x100];
	_ =	sdelay $0x2  }
0x197: {  	v27 =	vperm.xlane v26, v16;
	_ =	sdelay $0x1  }
0x198: {  	v25 =	vmul.f32 v25, v27;
	_ =	sdelay $0x1  }
0x199: {  	[tilespmem:s2+$0x100] =	vst v25  }
0x19a: {  	v25 =	vld [tilespmem:s0+$0x110];
	_ =	sdelay $0x2  }
0x19b: {  	v27 =	vperm.xlane v26, v17;
	_ =	sdelay $0x1  }
0x19c: {  	v25 =	vmul.f32 v25, v27;
	_ =	sdelay $0x1  }
0x19d: {  	[tilespmem:s2+$0x110] =	vst v25  }
0x19e: {  	v25 =	vld [tilespmem:s0+$0x120];
	_ =	sdelay $0x2  }
0x19f: {  	v27 =	vperm.xlane v26, v18;
	_ =	sdelay $0x1  }
0x1a0: {  	v25 =	vmul.f32 v25, v27;
	_ =	sdelay $0x1  }
0x1a1: {  	[tilespmem:s2+$0x120] =	vst v25  }
0x1a2: {  	v25 =	vld [tilespmem:s0+$0x130];
	_ =	sdelay $0x2  }
0x1a3: {  	v27 =	vperm.xlane v26, v19;
	_ =	sdelay $0x1  }
0x1a4: {  	v25 =	vmul.f32 v25, v27;
	_ =	sdelay $0x1  }
0x1a5: {  	[tilespmem:s2+$0x130] =	vst v25  }
0x1a6: {  	v25 =	vld [tilespmem:s0+$0x140];
	_ =	sdelay $0x2  }
0x1a7: {  	v27 =	vperm.xlane v26, v20;
	_ =	sdelay $0x1  }
0x1a8: {  	v25 =	vmul.f32 v25, v27;
	_ =	sdelay $0x1  }
0x1a9: {  	[tilespmem:s2+$0x140] =	vst v25  }
0x1aa: {  	v25 =	vld [tilespmem:s0+$0x150];
	_ =	sdelay $0x2  }
0x1ab: {  	v27 =	vperm.xlane v26, v21;
	_ =	sdelay $0x1  }
0x1ac: {  	v25 =	vmul.f32 v25, v27;
	_ =	sdelay $0x1  }
0x1ad: {  	[tilespmem:s2+$0x150] =	vst v25  }
0x1ae: {  	v25 =	vld [tilespmem:s0+$0x160];
	_ =	sdelay $0x2  }
0x1af: {  	v27 =	vperm.xlane v26, v22;
	_ =	sdelay $0x1  }
0x1b0: {  	v25 =	vmul.f32 v25, v27;
	_ =	sdelay $0x1  }
0x1b1: {  	[tilespmem:s2+$0x160] =	vst v25  }
0x1b2: {  	v25 =	vld [tilespmem:s0+$0x170]  }
0x1b3: {  	s31 =	sadd.s32 $0x4, s31  }
0x1b4: {  	p0 =	slt.u32 s31, $0x3C  }
.Ltmp8:
0x1b5: {  	v26 =	vperm.xlane v26, v23;
	(pc) =	sbr.rel @p0 .LBB2_12-.Ltmp8, $3  }
0x1b6: {  	_ = 	snop  }
0x1b7: {  	v25 =	vmul.f32 v25, v26;
	_ =	sdelay $0x1  }
0x1b8: {  	s1 =	sadd.s32 $0x8, s1;
	s0 =	sadd.s32 $0x300, s0;
	[tilespmem:s2+$0x170] =	vst v25;
	s2 =	sadd.s32 $0x300, s2  }
0x1b9: {  	[spmem:s3] =	stream.indirect.scatter.add.f32 [tilespmem:s19], [sflag:$0x2], $0x60, s26, s22, $0xb8;
	[tilespmem:$0x14910] =	vst v63  }
0x1ba: {  	s30 =	sadd.s32 $0x1, s30  }
0x1bb: {  	p0 =	sne.s32 s30, s29  }
.Ltmp9:
0x1bc: {  	_ = 	snop;
	(pc) =	sbr.rel @p0 .LBB2_11-.Ltmp9, $4  }
.Ltmp10:
0x1bd: {  	_ = 	snop;
	(pc) =	sbr.rel @!p0 .LBB2_14-.Ltmp10, $4  }
0x1be: {  	_ =	swait.ge [sflag:s17], $0x3000  }
0x1bf: {  	[sflag:s17] =	ssyncset.done $0x0  }
0x1c0: {  	[sflag:s17] =	ssyncadd.s32 $0xFFFFD000  }
0x1c1: {  	_ = 	snop  }
.LBB2_15:
0x1c2: {  	_ =	sfence.sel $0x180000  }
0x1c3: {  	[bflag:$0x0] =	sbarrier.arrive $0xFFFF  }
0x1c4: {  	_ =	strace $0x90000047  }
0x1c5: {  	s0 =	stileid.u32;
	[bflag:$0x2] =	sbarrier.arrive $0xFFFF  }
0x1c6: {  	p0 =	sne.s32 s0, $0x0;
	s0 =	rddreg [dreg:$0x3]  }
0x1c7: {  	s0 =	sadd.s32 @!p0 $0x100000, s0  }
0x1c8: {  	[sflag:s0] =	ssyncadd.tile.s32 @!p0 $0x1;
	_ =	shalt  }
.Lfunc_end2:
_tile_overlayer_lowered:
.L_overlay_start_2:
0x1c9: {  	(tag) =	ssettag $0x2  }
0x1ca: {  	s0 =	rddreg [dreg:$0x0];
	s2 =	stileid.u32  }
0x1cb: {  	s1 =	rddreg [dreg:$0x1];
	p0 =	sne.s32 s2, $0x0  }
0x1cc: {  	s3 =	rddreg [dreg:$0x2];
	[bflag:$0x3] =	sbarrier.arrive $0xFFFF;
	s2 =	simm.s32 @!p0 $0x1C02  }
0x1cd: {  	[timem:s3], [sflag:s2] =	dma.local @!p0 [hbm:s0], s1  }
0x1ce: {  	s0 =	simm.s32 @!p0 $0x2  }
0x1cf: {  	_ =	swait.ge @!p0 [sflag:s0], s1  }
0x1d0: {  	s1 =	ssub.s32 @!p0 $0x0, s1;
	[sflag:s0] =	ssyncset.done @!p0 $0x0  }
0x1d1: {  	[sflag:s0] =	ssyncadd.s32 @!p0 s1  }
0x1d2: {  	[bflag:$0x3] =	sbarrier.arrive $0xFFFF  }
0x1d3: {  	_ =	shalt  }

</sc_bundles>
